<compile_context>
chip_gen: v7x
topology: tpu7x:2x2x1
jax: 0.10.2.dev20260603
libtpu: 0.0.44.dev20260713+nightly
codegen_flags: <defaults>
</compile_context>

<pallas_src>
import functools

import jax
import jax.numpy as jnp
from jax import lax
from jax.experimental import pallas as pl
from jax.experimental.pallas import tpu as pltpu
from jax.experimental.pallas import tpu_sc as plsc

HIDDEN = 1024
NUM_EXPERTS = 8
TOPK = 2
FF = 2048
T = 2048
EPS = 1e-6
CAP = (T * TOPK) // NUM_EXPERTS
NSLOT = NUM_EXPERTS * CAP
XE_PAD = T + 16
LANES = 128
NMETA = 8



def _router_body(x_ref, gs_ref, wg_ref, gamma_ref, xe_ref, meta_ref):
    x = x_ref[...]
    ms = jnp.mean(x * x, axis=1, keepdims=True)
    r = lax.rsqrt(ms + EPS)
    xn = x * r
    xe_ref[pl.ds(0, T), :] = xn * gamma_ref[...]
    xe_ref[pl.ds(T, XE_PAD - T), :] = jnp.zeros((XE_PAD - T, HIDDEN), jnp.float32)

    xg = xn * (HIDDEN ** -0.5) * gs_ref[...]
    logits8 = jnp.dot(xg, wg_ref[...], preferred_element_type=jnp.float32)
    lg = jnp.concatenate(
        [logits8, jnp.full((T, LANES - NUM_EXPERTS), -1e30, jnp.float32)], axis=1)
    col = lax.broadcasted_iota(jnp.int32, (T, LANES), 1)
    m = jnp.max(lg, axis=1, keepdims=True)
    e = jnp.exp(lg - m)
    p = e / jnp.sum(e, axis=1, keepdims=True)

    m0 = jnp.max(p, axis=1, keepdims=True)
    i0 = jnp.min(jnp.where(p >= m0, col, LANES), axis=1, keepdims=True)
    p1 = jnp.where(col == i0, -1.0, p)
    m1 = jnp.max(p1, axis=1, keepdims=True)
    i1 = jnp.min(jnp.where(p1 >= m1, col, LANES), axis=1, keepdims=True)
    wsum = jnp.maximum(m0 + m1, 1e-20)
    w0 = m0 / wsum
    w1 = m1 / wsum

    cnt = (col == i0).astype(jnp.float32) + (col == i1).astype(jnp.float32)
    c = cnt
    sh = 1
    while sh < T:
        z = jnp.zeros((sh, LANES), jnp.float32)
        c = c + jnp.concatenate([z, c[: T - sh, :]], axis=0)
        sh *= 2
    excl = c - cnt

    pos0 = jnp.sum(jnp.where(col == i0, excl, 0.0), axis=1, keepdims=True)
    pos1 = jnp.sum(jnp.where(col == i1, excl, 0.0), axis=1, keepdims=True)
    keep0 = pos0 < CAP
    keep1 = pos1 < CAP
    f0 = i0.astype(jnp.float32)
    f1 = i1.astype(jnp.float32)
    s0_scat = jnp.where(keep0, f0 * CAP + pos0, float(NSLOT))
    s1_scat = jnp.where(keep1, f1 * CAP + pos1, float(NSLOT))
    s0_comb = f0 * CAP + jnp.minimum(pos0, CAP - 1)
    s1_comb = f1 * CAP + jnp.minimum(pos1, CAP - 1)
    w0 = jnp.where(keep0, w0, 0.0)
    w1 = jnp.where(keep1, w1, 0.0)

    col8 = lax.broadcasted_iota(jnp.int32, (T, NMETA), 1)
    meta = jnp.where(col8 == 0, s0_scat,
           jnp.where(col8 == 1, s1_scat,
           jnp.where(col8 == 2, s0_comb,
           jnp.where(col8 == 3, s1_comb,
           jnp.where(col8 == 4, w0,
           jnp.where(col8 == 5, w1, 0.0))))))
    meta_ref[...] = meta


def _router(x, gate_scale, wg, gamma):
    return pl.pallas_call(
        _router_body,
        out_shape=(
            jax.ShapeDtypeStruct((XE_PAD, HIDDEN), jnp.float32),
            jax.ShapeDtypeStruct((T, NMETA), jnp.float32),
        ),
    )(x, gate_scale, wg, gamma)



def _sc_mesh():
    return plsc.VectorSubcoreMesh(core_axis_name="c", subcore_axis_name="s")


NW = 32
ROWS_W = NSLOT // NW
DCHUNK = 32
DCH_N = ROWS_W // DCHUNK


@functools.lru_cache(maxsize=None)
def _dispatch_kernel_fn():
    return pl.kernel(
        _dispatch_body,
        out_type=jax.ShapeDtypeStruct((NSLOT, HIDDEN), jnp.float32),
        mesh=_sc_mesh(),
        scratch_types=[
            pltpu.VMEM((T,), jnp.int32),
            pltpu.VMEM((T,), jnp.int32),
            pltpu.VMEM((NSLOT,), jnp.int32),
            pltpu.VMEM((DCHUNK, HIDDEN), jnp.float32),
            pltpu.VMEM((DCHUNK, HIDDEN), jnp.float32),
            pltpu.VMEM((DCHUNK, HIDDEN), jnp.float32),
            pltpu.SemaphoreType.DMA,
            pltpu.SemaphoreType.DMA,
            pltpu.SemaphoreType.DMA,
            pltpu.SemaphoreType.DMA,
            pltpu.SemaphoreType.DMA,
            pltpu.SemaphoreType.DMA,
        ],
        compiler_params=pltpu.CompilerParams(needs_layout_passes=False),
    )


def _dispatch_body(xe_hbm, s0_hbm, s1_hbm, out_hbm,
                   s0_v, s1_v, src_v, r0, r1, r2, g0, g1, g2, w0, w1, w2):
    cid = lax.axis_index("c")
    sid = lax.axis_index("s")
    wid = sid * 2 + cid
    base = wid * ROWS_W
    pltpu.sync_copy(s0_hbm, s0_v)
    pltpu.sync_copy(s1_hbm, s1_v)

    for i in range(ROWS_W // 16):
        src_v[pl.ds(base + i * 16, 16)] = jnp.full((16,), T, jnp.int32)

    def scat(i, _):
        toks = lax.iota(jnp.int32, 16) + i * 16
        s0 = s0_v[pl.ds(i * 16, 16)]
        plsc.store_scatter(src_v, [s0], toks, mask=s0 < NSLOT)
        s1 = s1_v[pl.ds(i * 16, 16)]
        plsc.store_scatter(src_v, [s1], toks, mask=s1 < NSLOT)
        return 0

    lax.fori_loop(0, T // 16, scat, 0)

    bufs = (r0, r1, r2)
    gsems = (g0, g1, g2)
    wsems = (w0, w1, w2)

    def gather(ch):
        return pltpu.async_copy(
            xe_hbm.at[src_v.at[pl.ds(base + ch * DCHUNK, DCHUNK)]],
            bufs[ch % 3], gsems[ch % 3])

    cps = {ch: gather(ch) for ch in range(min(3, DCH_N))}
    wbs = {}
    for ch in range(DCH_N):
        cps[ch].wait()
        wbs[ch] = pltpu.async_copy(
            bufs[ch % 3], out_hbm.at[pl.ds(base + ch * DCHUNK, DCHUNK)],
            wsems[ch % 3])
        nxt = ch + 3
        if nxt < DCH_N:
            wbs[nxt - 3].wait()
            cps[nxt] = gather(nxt)
    for ch in range(max(0, DCH_N - 3), DCH_N):
        wbs[ch].wait()



FBLK = 1024
NFB = FF // FBLK


def _ffn_body(d_ref, wg_ref, wu_ref, wd_ref, out_ref):
    j = pl.program_id(1)
    d = d_ref[0].astype(jnp.bfloat16)
    g = jnp.dot(d, wg_ref[0].astype(jnp.bfloat16), preferred_element_type=jnp.float32)
    u = jnp.dot(d, wu_ref[0].astype(jnp.bfloat16), preferred_element_type=jnp.float32)
    h = (jax.nn.gelu(g) * u).astype(jnp.bfloat16)
    o = jnp.dot(h, wd_ref[0].astype(jnp.bfloat16), preferred_element_type=jnp.float32)

    @pl.when(j == 0)
    def _():
        out_ref[0] = o

    @pl.when(j > 0)
    def _():
        out_ref[0] = out_ref[0] + o


def _ffn(disp, w_gate, w_up, w_down):
    return pl.pallas_call(
        _ffn_body,
        grid=(NUM_EXPERTS, NFB),
        in_specs=[
            pl.BlockSpec((1, CAP, HIDDEN), lambda e, j: (e, 0, 0)),
            pl.BlockSpec((1, HIDDEN, FBLK), lambda e, j: (e, 0, j)),
            pl.BlockSpec((1, HIDDEN, FBLK), lambda e, j: (e, 0, j)),
            pl.BlockSpec((1, FBLK, HIDDEN), lambda e, j: (e, j, 0)),
        ],
        out_specs=pl.BlockSpec((1, CAP, HIDDEN), lambda e, j: (e, 0, 0)),
        out_shape=jax.ShapeDtypeStruct((NUM_EXPERTS, CAP, HIDDEN), jnp.float32),
        compiler_params=pltpu.CompilerParams(
            dimension_semantics=("arbitrary", "arbitrary"),
        ),
    )(disp, w_gate, w_up, w_down)



TOK_W = T // NW
CCHUNK = 16
CCH_N = TOK_W // CCHUNK


@functools.lru_cache(maxsize=None)
def _combine_kernel_fn():
    return pl.kernel(
        _combine_body,
        out_type=jax.ShapeDtypeStruct((T, HIDDEN), jnp.float32),
        mesh=_sc_mesh(),
        scratch_types=[
            pltpu.VMEM((TOK_W,), jnp.int32),
            pltpu.VMEM((TOK_W,), jnp.int32),
            pltpu.VMEM((TOK_W * 16,), jnp.float32),
            pltpu.VMEM((TOK_W * 16,), jnp.float32),
            pltpu.VMEM((CCHUNK, HIDDEN), jnp.float32),
            pltpu.VMEM((CCHUNK, HIDDEN), jnp.float32),
            pltpu.VMEM((CCHUNK, HIDDEN), jnp.float32),
            pltpu.VMEM((CCHUNK, HIDDEN), jnp.float32),
            pltpu.VMEM((CCHUNK, HIDDEN), jnp.float32),
            pltpu.VMEM((CCHUNK, HIDDEN), jnp.float32),
            pltpu.SemaphoreType.DMA,
            pltpu.SemaphoreType.DMA,
            pltpu.SemaphoreType.DMA,
            pltpu.SemaphoreType.DMA,
            pltpu.SemaphoreType.DMA,
            pltpu.SemaphoreType.DMA,
        ],
        compiler_params=pltpu.CompilerParams(needs_layout_passes=False),
    )


def _combine_body(eo_hbm, slot0_hbm, slot1_hbm, w0_hbm, w1_hbm, y_hbm,
                  i0_v, i1_v, w0_v, w1_v, r0a, r0b, r1a, r1b, ya, yb,
                  ga0, ga1, gb0, gb1, wa, wb):
    cid = lax.axis_index("c")
    sid = lax.axis_index("s")
    wid = sid * 2 + cid
    base = wid * TOK_W
    pltpu.sync_copy(slot0_hbm.at[pl.ds(base, TOK_W)], i0_v)
    pltpu.sync_copy(slot1_hbm.at[pl.ds(base, TOK_W)], i1_v)
    pltpu.sync_copy(w0_hbm.at[pl.ds(base * 16, TOK_W * 16)], w0_v)
    pltpu.sync_copy(w1_hbm.at[pl.ds(base * 16, TOK_W * 16)], w1_v)

    r0s = (r0a, r0b)
    r1s = (r1a, r1b)
    ys = (ya, yb)
    g0s = (ga0, gb0)
    g1s = (ga1, gb1)
    wsems = (wa, wb)

    def gather(ch):
        b = ch % 2
        c0 = ch * CCHUNK
        return (
            pltpu.async_copy(eo_hbm.at[i0_v.at[pl.ds(c0, CCHUNK)]], r0s[b], g0s[b]),
            pltpu.async_copy(eo_hbm.at[i1_v.at[pl.ds(c0, CCHUNK)]], r1s[b], g1s[b]),
        )

    cps = {ch: gather(ch) for ch in range(min(2, CCH_N))}
    wbs = {}
    for ch in range(CCH_N):
        b = ch % 2
        c0 = ch * CCHUNK
        cps[ch][0].wait()
        cps[ch][1].wait()
        if ch >= 2:
            wbs[ch - 2].wait()

        def tok(i, _):
            w0 = w0_v[pl.ds((c0 + i) * 16, 16)]
            w1 = w1_v[pl.ds((c0 + i) * 16, 16)]
            for jj in range(HIDDEN // 16):
                a = r0s[b][i, pl.ds(jj * 16, 16)]
                bb = r1s[b][i, pl.ds(jj * 16, 16)]
                ys[b][i, pl.ds(jj * 16, 16)] = w0 * a + w1 * bb
            return 0

        lax.fori_loop(0, CCHUNK, tok, 0)
        if ch + 2 < CCH_N:
            cps[ch + 2] = gather(ch + 2)
        wbs[ch] = pltpu.async_copy(
            ys[b], y_hbm.at[pl.ds(base + c0, CCHUNK)], wsems[b])
    for ch in range(max(0, CCH_N - 2), CCH_N):
        wbs[ch].wait()




def kernel(x, gate_scale, Wg, pre_norm_gamma, W_gate, W_up, W_down):
    xe, meta = _router(x, gate_scale.reshape(1, HIDDEN), Wg,
                       pre_norm_gamma.reshape(1, HIDDEN))
    s0_scat = meta[:, 0].astype(jnp.int32)
    s1_scat = meta[:, 1].astype(jnp.int32)
    s0_comb = meta[:, 2].astype(jnp.int32)
    s1_comb = meta[:, 3].astype(jnp.int32)
    w0 = jnp.broadcast_to(meta[:, 4:5], (T, 16)).reshape(-1)
    w1 = jnp.broadcast_to(meta[:, 5:6], (T, 16)).reshape(-1)

    disp = _dispatch_kernel_fn()(xe, s0_scat, s1_scat)
    eo = _ffn(disp.reshape(NUM_EXPERTS, CAP, HIDDEN), W_gate, W_up, W_down)
    y = _combine_kernel_fn()(eo.reshape(NSLOT, HIDDEN), s0_comb, s1_comb, w0, w1)
    return y

# --- scband reference (transcript-rebuilt; emitter-appended) ---
"""Pipeline reference for scband-gemma4-mo-etext-model-backend-53815940219215 (READ-ONLY COPY).

The authoritative reference and input builder live on the scoring server;
editing this copy changes nothing except your own understanding.
"""

import jax, jax.numpy as jnp
import numpy as np

HIDDEN = 1024
NUM_EXPERTS = 8
TOPK = 2
FF = 2048
T = 2048  # batch(1) * seq_len(2048) tokens, flattened
EPS = 1e-6
CAP = (T * TOPK) // NUM_EXPERTS  # capacity factor 1.0 -> 512


def _rmsnorm_noscale(x, eps=EPS):
    # Gemma4RMSNorm with with_scale=False
    return x * jax.lax.rsqrt(jnp.mean(x * x, axis=-1, keepdims=True) + eps)


def setup_inputs(seed: int = 0) -> dict:
    key = jax.random.key(seed)
    ks = jax.random.split(key, 8)
    x = jax.random.normal(ks[0], (T, HIDDEN), dtype=jnp.float32)
    gate_scale = 1.0 + 0.02 * jax.random.normal(ks[1], (HIDDEN,), dtype=jnp.float32)
    Wg = 0.02 * jax.random.normal(ks[2], (HIDDEN, NUM_EXPERTS), dtype=jnp.float32)
    pre_norm_gamma = 1.0 + 0.02 * jax.random.normal(ks[3], (HIDDEN,), dtype=jnp.float32)
    W_gate = 0.02 * jax.random.normal(ks[4], (NUM_EXPERTS, HIDDEN, FF), dtype=jnp.float32)
    W_up = 0.02 * jax.random.normal(ks[5], (NUM_EXPERTS, HIDDEN, FF), dtype=jnp.float32)
    W_down = 0.02 * jax.random.normal(ks[6], (NUM_EXPERTS, FF, HIDDEN), dtype=jnp.float32)
    return {"x": x, "gate_scale": gate_scale, "Wg": Wg, "pre_norm_gamma": pre_norm_gamma,
            "W_gate": W_gate, "W_up": W_up, "W_down": W_down}


def reference(x, gate_scale, Wg, pre_norm_gamma, W_gate, W_up, W_down):
    # ---- Gemma4Gate: router sees the UNNORMALIZED residual x (gate_input=x) ----
    xn = _rmsnorm_noscale(x)                      # RMSNorm(no scale)
    xn = xn * (HIDDEN ** -0.5)                    # root_size scaling
    xn = xn * gate_scale                          # learnable scale
    logits = xn @ Wg                              # Linear(hidden -> num_experts, no bias)
    probs = jax.nn.softmax(logits, axis=-1)
    weights, indices = jax.lax.top_k(probs, TOPK)  # [T, k]
    weights = weights / jnp.clip(jnp.sum(weights, axis=-1, keepdims=True), 1e-20)
    # ---- experts receive the pre-FFN-normalized input ----
    xe = _rmsnorm_noscale(x) * pre_norm_gamma     # pre_feedforward_layernorm
    # ---- capacity-based dispatch via scatter-add (SparseCore-style) ----
    flat_e = indices.reshape(-1)                  # [T*k] expert id per assignment
    oh = jax.nn.one_hot(flat_e, NUM_EXPERTS, dtype=jnp.int32)
    pos = jnp.sum(jnp.cumsum(oh, axis=0) * oh, axis=-1) - 1   # slot within expert
    keep = (pos < CAP).astype(x.dtype)            # drop overflow beyond capacity
    pos_c = jnp.clip(pos, 0, CAP - 1)
    x_rep = jnp.repeat(xe, TOPK, axis=0)          # [T*k, d] matches row-major indices
    dispatched = jnp.zeros((NUM_EXPERTS, CAP, HIDDEN), dtype=x.dtype).at[flat_e, pos_c].add(x_rep * keep[:, None])
    # ---- grouped gated-GeLU expert FFN ----
    h = jax.nn.gelu(jnp.einsum('ecd,edf->ecf', dispatched, W_gate)) * jnp.einsum('ecd,edf->ecf', dispatched, W_up)
    expert_out = jnp.einsum('ecf,efd->ecd', h, W_down)
    # ---- gather back + top-k weighted combine ----
    gathered = expert_out[flat_e, pos_c] * keep[:, None]       # [T*k, d]
    y = jnp.sum(gathered.reshape(T, TOPK, HIDDEN) * weights[:, :, None], axis=1)
    return y

if __name__ == "__main__":
    import jax
    _d = setup_inputs()
    print(jax.jit(kernel)(*tuple(_d.values())))

</pallas_src>

<mosaic_0001>
#map = affine_map<(d0, d1) -> (0, 0)>
#map1 = affine_map<(d0, d1) -> (0)>
module attributes {stable_mosaic.version = 14 : i64} {
  func.func @_dispatch_body(%arg0: i32, %arg1: i32, %arg2: memref<2064x1024xf32, #tpu.memory_space<hbm>>, %arg3: memref<2048xi32, #tpu.memory_space<hbm>>, %arg4: memref<2048xi32, #tpu.memory_space<hbm>>, %arg5: memref<4096x1024xf32, #tpu.memory_space<hbm>>, %arg6: memref<2048xi32, #tpu.memory_space<vmem>>, %arg7: memref<2048xi32, #tpu.memory_space<vmem>>, %arg8: memref<4096xi32, #tpu.memory_space<vmem>>, %arg9: memref<32x1024xf32, #tpu.memory_space<vmem>>, %arg10: memref<32x1024xf32, #tpu.memory_space<vmem>>, %arg11: memref<32x1024xf32, #tpu.memory_space<vmem>>, %arg12: memref<!tpu.dma_semaphore, #tpu.memory_space<semaphore_mem>>, %arg13: memref<!tpu.dma_semaphore, #tpu.memory_space<semaphore_mem>>, %arg14: memref<!tpu.dma_semaphore, #tpu.memory_space<semaphore_mem>>, %arg15: memref<!tpu.dma_semaphore, #tpu.memory_space<semaphore_mem>>, %arg16: memref<!tpu.dma_semaphore, #tpu.memory_space<semaphore_mem>>, %arg17: memref<!tpu.dma_semaphore, #tpu.memory_space<semaphore_mem>>) attributes {dimension_semantics = [#tpu.dimension_semantics<core_parallel>, #tpu.dimension_semantics<subcore_parallel>], iteration_bounds = array<i64: 2, 16>, scalar_prefetch = 0 : i64, scratch_operands = 12 : i64, tpu.core_type = #tpu.core_type<sc_vector_subcore>, window_params = [{transform_indices = #map}, {transform_indices = #map1}, {transform_indices = #map1}, {transform_indices = #map}]} {
    %mul3A = arith.constant 2 : i32
    %mul3A_0 = arith.muli %arg1, %mul3A : i32
    %add3A = arith.addi %mul3A_0, %arg0 : i32
    %mul3A_1 = arith.constant 128 : i32
    %mul3A_2 = arith.muli %add3A, %mul3A_1 : i32
    "tpu.region"() ({
      %run_scoped3A = tpu.sem_alloc : memref<!tpu.dma_semaphore, #tpu.memory_space<semaphore_mem>>
      tpu.enqueue_dma source(%arg3 : memref<2048xi32, #tpu.memory_space<hbm>>) target(%arg6 : memref<2048xi32, #tpu.memory_space<vmem>>) target_semaphore(%run_scoped3A : memref<!tpu.dma_semaphore, #tpu.memory_space<semaphore_mem>>)
      tpu.wait_dma2 semaphore(%run_scoped3A : memref<!tpu.dma_semaphore, #tpu.memory_space<semaphore_mem>>) src(%arg3 : memref<2048xi32, #tpu.memory_space<hbm>>) dst(%arg6 : memref<2048xi32, #tpu.memory_space<vmem>>)
      tpu.yield
    }) : () -> ()
    "tpu.region"() ({
      %run_scoped3A = tpu.sem_alloc : memref<!tpu.dma_semaphore, #tpu.memory_space<semaphore_mem>>
      tpu.enqueue_dma source(%arg4 : memref<2048xi32, #tpu.memory_space<hbm>>) target(%arg7 : memref<2048xi32, #tpu.memory_space<vmem>>) target_semaphore(%run_scoped3A : memref<!tpu.dma_semaphore, #tpu.memory_space<semaphore_mem>>)
      tpu.wait_dma2 semaphore(%run_scoped3A : memref<!tpu.dma_semaphore, #tpu.memory_space<semaphore_mem>>) src(%arg4 : memref<2048xi32, #tpu.memory_space<hbm>>) dst(%arg7 : memref<2048xi32, #tpu.memory_space<vmem>>)
      tpu.yield
    }) : () -> ()
    %broadcast_in_dim3A = arith.constant 2048 : i32
    %broadcast_in_dim3A_3 = vector.broadcast %broadcast_in_dim3A : i32 to vector<16xi32>
    %add3A_4 = arith.constant 0 : i32
    %add3A_5 = arith.addi %mul3A_2, %add3A_4 : i32
    %swap3A = arith.index_cast %add3A_5 : i32 to index
    %swap3A_6 = tpu.vector_load %arg8[%swap3A] {strides = array<i32>} : memref<4096xi32, #tpu.memory_space<vmem>>, vector<16xi32>,
    tpu.vector_store %arg8[%swap3A], %broadcast_in_dim3A_3 {strides = array<i32>} : memref<4096xi32, #tpu.memory_space<vmem>>, vector<16xi32>,
    %broadcast_in_dim3A_7 = arith.constant 2048 : i32
    %broadcast_in_dim3A_8 = vector.broadcast %broadcast_in_dim3A_7 : i32 to vector<16xi32>
    %add3A_9 = arith.constant 16 : i32
    %add3A_10 = arith.addi %mul3A_2, %add3A_9 : i32
    %swap3A_11 = arith.index_cast %add3A_10 : i32 to index
    %swap3A_12 = tpu.vector_load %arg8[%swap3A_11] {strides = array<i32>} : memref<4096xi32, #tpu.memory_space<vmem>>, vector<16xi32>,
    tpu.vector_store %arg8[%swap3A_11], %broadcast_in_dim3A_8 {strides = array<i32>} : memref<4096xi32, #tpu.memory_space<vmem>>, vector<16xi32>,
    %broadcast_in_dim3A_13 = arith.constant 2048 : i32
    %broadcast_in_dim3A_14 = vector.broadcast %broadcast_in_dim3A_13 : i32 to vector<16xi32>
    %add3A_15 = arith.constant 32 : i32
    %add3A_16 = arith.addi %mul3A_2, %add3A_15 : i32
    %swap3A_17 = arith.index_cast %add3A_16 : i32 to index
    %swap3A_18 = tpu.vector_load %arg8[%swap3A_17] {strides = array<i32>} : memref<4096xi32, #tpu.memory_space<vmem>>, vector<16xi32>,
    tpu.vector_store %arg8[%swap3A_17], %broadcast_in_dim3A_14 {strides = array<i32>} : memref<4096xi32, #tpu.memory_space<vmem>>, vector<16xi32>,
    %broadcast_in_dim3A_19 = arith.constant 2048 : i32
    %broadcast_in_dim3A_20 = vector.broadcast %broadcast_in_dim3A_19 : i32 to vector<16xi32>
    %add3A_21 = arith.constant 48 : i32
    %add3A_22 = arith.addi %mul3A_2, %add3A_21 : i32
    %swap3A_23 = arith.index_cast %add3A_22 : i32 to index
    %swap3A_24 = tpu.vector_load %arg8[%swap3A_23] {strides = array<i32>} : memref<4096xi32, #tpu.memory_space<vmem>>, vector<16xi32>,
    tpu.vector_store %arg8[%swap3A_23], %broadcast_in_dim3A_20 {strides = array<i32>} : memref<4096xi32, #tpu.memory_space<vmem>>, vector<16xi32>,
    %broadcast_in_dim3A_25 = arith.constant 2048 : i32
    %broadcast_in_dim3A_26 = vector.broadcast %broadcast_in_dim3A_25 : i32 to vector<16xi32>
    %add3A_27 = arith.constant 64 : i32
    %add3A_28 = arith.addi %mul3A_2, %add3A_27 : i32
    %swap3A_29 = arith.index_cast %add3A_28 : i32 to index
    %swap3A_30 = tpu.vector_load %arg8[%swap3A_29] {strides = array<i32>} : memref<4096xi32, #tpu.memory_space<vmem>>, vector<16xi32>,
    tpu.vector_store %arg8[%swap3A_29], %broadcast_in_dim3A_26 {strides = array<i32>} : memref<4096xi32, #tpu.memory_space<vmem>>, vector<16xi32>,
    %broadcast_in_dim3A_31 = arith.constant 2048 : i32
    %broadcast_in_dim3A_32 = vector.broadcast %broadcast_in_dim3A_31 : i32 to vector<16xi32>
    %add3A_33 = arith.constant 80 : i32
    %add3A_34 = arith.addi %mul3A_2, %add3A_33 : i32
    %swap3A_35 = arith.index_cast %add3A_34 : i32 to index
    %swap3A_36 = tpu.vector_load %arg8[%swap3A_35] {strides = array<i32>} : memref<4096xi32, #tpu.memory_space<vmem>>, vector<16xi32>,
    tpu.vector_store %arg8[%swap3A_35], %broadcast_in_dim3A_32 {strides = array<i32>} : memref<4096xi32, #tpu.memory_space<vmem>>, vector<16xi32>,
    %broadcast_in_dim3A_37 = arith.constant 2048 : i32
    %broadcast_in_dim3A_38 = vector.broadcast %broadcast_in_dim3A_37 : i32 to vector<16xi32>
    %add3A_39 = arith.constant 96 : i32
    %add3A_40 = arith.addi %mul3A_2, %add3A_39 : i32
    %swap3A_41 = arith.index_cast %add3A_40 : i32 to index
    %swap3A_42 = tpu.vector_load %arg8[%swap3A_41] {strides = array<i32>} : memref<4096xi32, #tpu.memory_space<vmem>>, vector<16xi32>,
    tpu.vector_store %arg8[%swap3A_41], %broadcast_in_dim3A_38 {strides = array<i32>} : memref<4096xi32, #tpu.memory_space<vmem>>, vector<16xi32>,
    %broadcast_in_dim3A_43 = arith.constant 2048 : i32
    %broadcast_in_dim3A_44 = vector.broadcast %broadcast_in_dim3A_43 : i32 to vector<16xi32>
    %add3A_45 = arith.constant 112 : i32
    %add3A_46 = arith.addi %mul3A_2, %add3A_45 : i32
    %swap3A_47 = arith.index_cast %add3A_46 : i32 to index
    %swap3A_48 = tpu.vector_load %arg8[%swap3A_47] {strides = array<i32>} : memref<4096xi32, #tpu.memory_space<vmem>>, vector<16xi32>,
    tpu.vector_store %arg8[%swap3A_47], %broadcast_in_dim3A_44 {strides = array<i32>} : memref<4096xi32, #tpu.memory_space<vmem>>, vector<16xi32>,
    %scan3A = arith.constant 0 : i32
    %scan3A_49 = arith.constant 0 : i32
    %scan3A_50 = arith.constant 128 : i32
    %scan3A_51 = arith.addi %scan3A_49, %scan3A_50 : i32
    %scan3A_52 = arith.constant 1 : i32
    %scan3A_53 = scf.for %scan3A_133 = %scan3A_49 to %scan3A_51 step %scan3A_52 iter_args(%scan3A_134 = %scan3A) -> (i32)  : i32 {
      %iota3A = tpu.iota {dimensions = array<i32: 0>} : vector<16xi32>
      %mul3A_135 = arith.constant 16 : i32
      %mul3A_136 = arith.muli %scan3A_133, %mul3A_135 : i32
      %add3A_137 = vector.broadcast %mul3A_136 : i32 to vector<16xi32>
      %add3A_138 = arith.addi %iota3A, %add3A_137 : vector<16xi32>
      %mul3A_139 = arith.constant 16 : i32
      %mul3A_140 = arith.muli %scan3A_133, %mul3A_139 : i32
      %get3A = arith.index_cast %mul3A_140 : i32 to index
      %get3A_141 = tpu.vector_load %arg6[%get3A] {strides = array<i32>} : memref<2048xi32, #tpu.memory_space<vmem>>, vector<16xi32>,
      %lt3A = arith.constant 4096 : i32
      %lt3A_142 = vector.broadcast %lt3A : i32 to vector<16xi32>
      %lt3A_143 = arith.cmpi slt, %get3A_141, %lt3A_142 : vector<16xi32>
      tpu.vector_store_idx %arg8[%get3A_141], %add3A_138 masked %lt3A_143 : memref<4096xi32, #tpu.memory_space<vmem>>[vector<16xi32>], vector<16xi32>, vector<16xi1>
      %mul3A_144 = arith.constant 16 : i32
      %mul3A_145 = arith.muli %scan3A_133, %mul3A_144 : i32
      %get3A_146 = arith.index_cast %mul3A_145 : i32 to index
      %get3A_147 = tpu.vector_load %arg7[%get3A_146] {strides = array<i32>} : memref<2048xi32, #tpu.memory_space<vmem>>, vector<16xi32>,
      %lt3A_148 = arith.constant 4096 : i32
      %lt3A_149 = vector.broadcast %lt3A_148 : i32 to vector<16xi32>
      %lt3A_150 = arith.cmpi slt, %get3A_147, %lt3A_149 : vector<16xi32>
      tpu.vector_store_idx %arg8[%get3A_147], %add3A_138 masked %lt3A_150 : memref<4096xi32, #tpu.memory_space<vmem>>[vector<16xi32>], vector<16xi32>, vector<16xi1>
      %scan3A_151 = arith.constant 0 : i32
      scf.yield %scan3A_151 : i32
    }
    %scan3A_54 = arith.constant 128 : i32
    %add3A_55 = arith.constant 0 : i32
    %add3A_56 = arith.addi %mul3A_2, %add3A_55 : i32
    %dma_start3A = tpu.memref_slice %arg8[%add3A_56] : memref<4096xi32, #tpu.memory_space<vmem>> -> memref<32xi32, #tpu.memory_space<vmem>>
    %dma_start3A_57 = arith.constant 0 : i32
    %dma_start3A_58 = arith.constant 0 : i32
    %dma_start3A_59 = tpu.memref_slice %arg2[%dma_start3A_57, %dma_start3A_58] : memref<2064x1024xf32, #tpu.memory_space<hbm>> -> memref<2064x1024xf32, #tpu.memory_space<hbm>>
    tpu.enqueue_indirect_dma source(%dma_start3A_59 : memref<2064x1024xf32, #tpu.memory_space<hbm>>) target(%arg9 : memref<32x1024xf32, #tpu.memory_space<vmem>>) offsets(%dma_start3A : memref<32xi32, #tpu.memory_space<vmem>>) semaphore(%arg12 : memref<!tpu.dma_semaphore, #tpu.memory_space<semaphore_mem>>)
    %add3A_60 = arith.constant 32 : i32
    %add3A_61 = arith.addi %mul3A_2, %add3A_60 : i32
    %dma_start3A_62 = tpu.memref_slice %arg8[%add3A_61] : memref<4096xi32, #tpu.memory_space<vmem>> -> memref<32xi32, #tpu.memory_space<vmem>>
    %dma_start3A_63 = arith.constant 0 : i32
    %dma_start3A_64 = arith.constant 0 : i32
    %dma_start3A_65 = tpu.memref_slice %arg2[%dma_start3A_63, %dma_start3A_64] : memref<2064x1024xf32, #tpu.memory_space<hbm>> -> memref<2064x1024xf32, #tpu.memory_space<hbm>>
    tpu.enqueue_indirect_dma source(%dma_start3A_65 : memref<2064x1024xf32, #tpu.memory_space<hbm>>) target(%arg10 : memref<32x1024xf32, #tpu.memory_space<vmem>>) offsets(%dma_start3A_62 : memref<32xi32, #tpu.memory_space<vmem>>) semaphore(%arg13 : memref<!tpu.dma_semaphore, #tpu.memory_space<semaphore_mem>>)
    %add3A_66 = arith.constant 64 : i32
    %add3A_67 = arith.addi %mul3A_2, %add3A_66 : i32
    %dma_start3A_68 = tpu.memref_slice %arg8[%add3A_67] : memref<4096xi32, #tpu.memory_space<vmem>> -> memref<32xi32, #tpu.memory_space<vmem>>
    %dma_start3A_69 = arith.constant 0 : i32
    %dma_start3A_70 = arith.constant 0 : i32
    %dma_start3A_71 = tpu.memref_slice %arg2[%dma_start3A_69, %dma_start3A_70] : memref<2064x1024xf32, #tpu.memory_space<hbm>> -> memref<2064x1024xf32, #tpu.memory_space<hbm>>
    tpu.enqueue_indirect_dma source(%dma_start3A_71 : memref<2064x1024xf32, #tpu.memory_space<hbm>>) target(%arg11 : memref<32x1024xf32, #tpu.memory_space<vmem>>) offsets(%dma_start3A_68 : memref<32xi32, #tpu.memory_space<vmem>>) semaphore(%arg14 : memref<!tpu.dma_semaphore, #tpu.memory_space<semaphore_mem>>)
    %dma_wait3A = tpu.memref_slice %arg8[%add3A_56] : memref<4096xi32, #tpu.memory_space<vmem>> -> memref<32xi32, #tpu.memory_space<vmem>>
    %dma_wait3A_72 = arith.constant 0 : i32
    %dma_wait3A_73 = arith.constant 0 : i32
    %dma_wait3A_74 = tpu.memref_slice %arg2[%dma_wait3A_72, %dma_wait3A_73] : memref<2064x1024xf32, #tpu.memory_space<hbm>> -> memref<2064x1024xf32, #tpu.memory_space<hbm>>
    tpu.wait_indirect_dma semaphore(%arg12 : memref<!tpu.dma_semaphore, #tpu.memory_space<semaphore_mem>>) src(%dma_wait3A_74 : memref<2064x1024xf32, #tpu.memory_space<hbm>>) dst(%arg9 : memref<32x1024xf32, #tpu.memory_space<vmem>>)
    %add3A_75 = arith.constant 0 : i32
    %add3A_76 = arith.addi %mul3A_2, %add3A_75 : i32
    %dma_start3A_77 = arith.constant 0 : i32
    %dma_start3A_78 = tpu.memref_slice %arg5[%add3A_76, %dma_start3A_77] : memref<4096x1024xf32, #tpu.memory_space<hbm>> -> memref<32x1024xf32, #tpu.memory_space<hbm>>
    %dma_start3A_79 = arith.constant 0 : i32
    %dma_start3A_80 = tpu.memref_slice %arg5[%add3A_76, %dma_start3A_79] : memref<4096x1024xf32, #tpu.memory_space<hbm>> -> memref<32x1024xf32, #tpu.memory_space<hbm>>
    tpu.enqueue_dma source(%arg9 : memref<32x1024xf32, #tpu.memory_space<vmem>>) target(%dma_start3A_80 : memref<32x1024xf32, #tpu.memory_space<hbm>>) target_semaphore(%arg15 : memref<!tpu.dma_semaphore, #tpu.memory_space<semaphore_mem>>)
    %dma_wait3A_81 = arith.constant 0 : i32
    %dma_wait3A_82 = tpu.memref_slice %arg5[%add3A_76, %dma_wait3A_81] : memref<4096x1024xf32, #tpu.memory_space<hbm>> -> memref<32x1024xf32, #tpu.memory_space<hbm>>
    %dma_wait3A_83 = arith.constant 0 : i32
    %dma_wait3A_84 = tpu.memref_slice %arg5[%add3A_76, %dma_wait3A_83] : memref<4096x1024xf32, #tpu.memory_space<hbm>> -> memref<32x1024xf32, #tpu.memory_space<hbm>>
    tpu.wait_dma2 semaphore(%arg15 : memref<!tpu.dma_semaphore, #tpu.memory_space<semaphore_mem>>) src(%arg9 : memref<32x1024xf32, #tpu.memory_space<vmem>>) dst(%dma_wait3A_84 : memref<32x1024xf32, #tpu.memory_space<hbm>>)
    %add3A_85 = arith.constant 96 : i32
    %add3A_86 = arith.addi %mul3A_2, %add3A_85 : i32
    %dma_start3A_87 = tpu.memref_slice %arg8[%add3A_86] : memref<4096xi32, #tpu.memory_space<vmem>> -> memref<32xi32, #tpu.memory_space<vmem>>
    %dma_start3A_88 = arith.constant 0 : i32
    %dma_start3A_89 = arith.constant 0 : i32
    %dma_start3A_90 = tpu.memref_slice %arg2[%dma_start3A_88, %dma_start3A_89] : memref<2064x1024xf32, #tpu.memory_space<hbm>> -> memref<2064x1024xf32, #tpu.memory_space<hbm>>
    tpu.enqueue_indirect_dma source(%dma_start3A_90 : memref<2064x1024xf32, #tpu.memory_space<hbm>>) target(%arg9 : memref<32x1024xf32, #tpu.memory_space<vmem>>) offsets(%dma_start3A_87 : memref<32xi32, #tpu.memory_space<vmem>>) semaphore(%arg12 : memref<!tpu.dma_semaphore, #tpu.memory_space<semaphore_mem>>)
    %dma_wait3A_91 = tpu.memref_slice %arg8[%add3A_61] : memref<4096xi32, #tpu.memory_space<vmem>> -> memref<32xi32, #tpu.memory_space<vmem>>
    %dma_wait3A_92 = arith.constant 0 : i32
    %dma_wait3A_93 = arith.constant 0 : i32
    %dma_wait3A_94 = tpu.memref_slice %arg2[%dma_wait3A_92, %dma_wait3A_93] : memref<2064x1024xf32, #tpu.memory_space<hbm>> -> memref<2064x1024xf32, #tpu.memory_space<hbm>>
    tpu.wait_indirect_dma semaphore(%arg13 : memref<!tpu.dma_semaphore, #tpu.memory_space<semaphore_mem>>) src(%dma_wait3A_94 : memref<2064x1024xf32, #tpu.memory_space<hbm>>) dst(%arg10 : memref<32x1024xf32, #tpu.memory_space<vmem>>)
    %add3A_95 = arith.constant 32 : i32
    %add3A_96 = arith.addi %mul3A_2, %add3A_95 : i32
    %dma_start3A_97 = arith.constant 0 : i32
    %dma_start3A_98 = tpu.memref_slice %arg5[%add3A_96, %dma_start3A_97] : memref<4096x1024xf32, #tpu.memory_space<hbm>> -> memref<32x1024xf32, #tpu.memory_space<hbm>>
    %dma_start3A_99 = arith.constant 0 : i32
    %dma_start3A_100 = tpu.memref_slice %arg5[%add3A_96, %dma_start3A_99] : memref<4096x1024xf32, #tpu.memory_space<hbm>> -> memref<32x1024xf32, #tpu.memory_space<hbm>>
    tpu.enqueue_dma source(%arg10 : memref<32x1024xf32, #tpu.memory_space<vmem>>) target(%dma_start3A_100 : memref<32x1024xf32, #tpu.memory_space<hbm>>) target_semaphore(%arg16 : memref<!tpu.dma_semaphore, #tpu.memory_space<semaphore_mem>>)
    %dma_wait3A_101 = tpu.memref_slice %arg8[%add3A_67] : memref<4096xi32, #tpu.memory_space<vmem>> -> memref<32xi32, #tpu.memory_space<vmem>>
    %dma_wait3A_102 = arith.constant 0 : i32
    %dma_wait3A_103 = arith.constant 0 : i32
    %dma_wait3A_104 = tpu.memref_slice %arg2[%dma_wait3A_102, %dma_wait3A_103] : memref<2064x1024xf32, #tpu.memory_space<hbm>> -> memref<2064x1024xf32, #tpu.memory_space<hbm>>
    tpu.wait_indirect_dma semaphore(%arg14 : memref<!tpu.dma_semaphore, #tpu.memory_space<semaphore_mem>>) src(%dma_wait3A_104 : memref<2064x1024xf32, #tpu.memory_space<hbm>>) dst(%arg11 : memref<32x1024xf32, #tpu.memory_space<vmem>>)
    %add3A_105 = arith.constant 64 : i32
    %add3A_106 = arith.addi %mul3A_2, %add3A_105 : i32
    %dma_start3A_107 = arith.constant 0 : i32
    %dma_start3A_108 = tpu.memref_slice %arg5[%add3A_106, %dma_start3A_107] : memref<4096x1024xf32, #tpu.memory_space<hbm>> -> memref<32x1024xf32, #tpu.memory_space<hbm>>
    %dma_start3A_109 = arith.constant 0 : i32
    %dma_start3A_110 = tpu.memref_slice %arg5[%add3A_106, %dma_start3A_109] : memref<4096x1024xf32, #tpu.memory_space<hbm>> -> memref<32x1024xf32, #tpu.memory_space<hbm>>
    tpu.enqueue_dma source(%arg11 : memref<32x1024xf32, #tpu.memory_space<vmem>>) target(%dma_start3A_110 : memref<32x1024xf32, #tpu.memory_space<hbm>>) target_semaphore(%arg17 : memref<!tpu.dma_semaphore, #tpu.memory_space<semaphore_mem>>)
    %dma_wait3A_111 = tpu.memref_slice %arg8[%add3A_86] : memref<4096xi32, #tpu.memory_space<vmem>> -> memref<32xi32, #tpu.memory_space<vmem>>
    %dma_wait3A_112 = arith.constant 0 : i32
    %dma_wait3A_113 = arith.constant 0 : i32
    %dma_wait3A_114 = tpu.memref_slice %arg2[%dma_wait3A_112, %dma_wait3A_113] : memref<2064x1024xf32, #tpu.memory_space<hbm>> -> memref<2064x1024xf32, #tpu.memory_space<hbm>>
    tpu.wait_indirect_dma semaphore(%arg12 : memref<!tpu.dma_semaphore, #tpu.memory_space<semaphore_mem>>) src(%dma_wait3A_114 : memref<2064x1024xf32, #tpu.memory_space<hbm>>) dst(%arg9 : memref<32x1024xf32, #tpu.memory_space<vmem>>)
    %add3A_115 = arith.constant 96 : i32
    %add3A_116 = arith.addi %mul3A_2, %add3A_115 : i32
    %dma_start3A_117 = arith.constant 0 : i32
    %dma_start3A_118 = tpu.memref_slice %arg5[%add3A_116, %dma_start3A_117] : memref<4096x1024xf32, #tpu.memory_space<hbm>> -> memref<32x1024xf32, #tpu.memory_space<hbm>>
    %dma_start3A_119 = arith.constant 0 : i32
    %dma_start3A_120 = tpu.memref_slice %arg5[%add3A_116, %dma_start3A_119] : memref<4096x1024xf32, #tpu.memory_space<hbm>> -> memref<32x1024xf32, #tpu.memory_space<hbm>>
    tpu.enqueue_dma source(%arg9 : memref<32x1024xf32, #tpu.memory_space<vmem>>) target(%dma_start3A_120 : memref<32x1024xf32, #tpu.memory_space<hbm>>) target_semaphore(%arg15 : memref<!tpu.dma_semaphore, #tpu.memory_space<semaphore_mem>>)
    %dma_wait3A_121 = arith.constant 0 : i32
    %dma_wait3A_122 = tpu.memref_slice %arg5[%add3A_96, %dma_wait3A_121] : memref<4096x1024xf32, #tpu.memory_space<hbm>> -> memref<32x1024xf32, #tpu.memory_space<hbm>>
    %dma_wait3A_123 = arith.constant 0 : i32
    %dma_wait3A_124 = tpu.memref_slice %arg5[%add3A_96, %dma_wait3A_123] : memref<4096x1024xf32, #tpu.memory_space<hbm>> -> memref<32x1024xf32, #tpu.memory_space<hbm>>
    tpu.wait_dma2 semaphore(%arg16 : memref<!tpu.dma_semaphore, #tpu.memory_space<semaphore_mem>>) src(%arg10 : memref<32x1024xf32, #tpu.memory_space<vmem>>) dst(%dma_wait3A_124 : memref<32x1024xf32, #tpu.memory_space<hbm>>)
    %dma_wait3A_125 = arith.constant 0 : i32
    %dma_wait3A_126 = tpu.memref_slice %arg5[%add3A_106, %dma_wait3A_125] : memref<4096x1024xf32, #tpu.memory_space<hbm>> -> memref<32x1024xf32, #tpu.memory_space<hbm>>
    %dma_wait3A_127 = arith.constant 0 : i32
    %dma_wait3A_128 = tpu.memref_slice %arg5[%add3A_106, %dma_wait3A_127] : memref<4096x1024xf32, #tpu.memory_space<hbm>> -> memref<32x1024xf32, #tpu.memory_space<hbm>>
    tpu.wait_dma2 semaphore(%arg17 : memref<!tpu.dma_semaphore, #tpu.memory_space<semaphore_mem>>) src(%arg11 : memref<32x1024xf32, #tpu.memory_space<vmem>>) dst(%dma_wait3A_128 : memref<32x1024xf32, #tpu.memory_space<hbm>>)
    %dma_wait3A_129 = arith.constant 0 : i32
    %dma_wait3A_130 = tpu.memref_slice %arg5[%add3A_116, %dma_wait3A_129] : memref<4096x1024xf32, #tpu.memory_space<hbm>> -> memref<32x1024xf32, #tpu.memory_space<hbm>>
    %dma_wait3A_131 = arith.constant 0 : i32
    %dma_wait3A_132 = tpu.memref_slice %arg5[%add3A_116, %dma_wait3A_131] : memref<4096x1024xf32, #tpu.memory_space<hbm>> -> memref<32x1024xf32, #tpu.memory_space<hbm>>
    tpu.wait_dma2 semaphore(%arg15 : memref<!tpu.dma_semaphore, #tpu.memory_space<semaphore_mem>>) src(%arg9 : memref<32x1024xf32, #tpu.memory_space<vmem>>) dst(%dma_wait3A_132 : memref<32x1024xf32, #tpu.memory_space<hbm>>)
    return
  }
}

#map = affine_map<(d0, d1) -> (0, 0)>
#map1 = affine_map<(d0, d1) -> (0)>
module attributes {stable_mosaic.version = 14 : i64} {
  func.func @_combine_body(%arg0: i32, %arg1: i32, %arg2: memref<4096x1024xf32, #tpu.memory_space<hbm>>, %arg3: memref<2048xi32, #tpu.memory_space<hbm>>, %arg4: memref<2048xi32, #tpu.memory_space<hbm>>, %arg5: memref<32768xf32, #tpu.memory_space<hbm>>, %arg6: memref<32768xf32, #tpu.memory_space<hbm>>, %arg7: memref<2048x1024xf32, #tpu.memory_space<hbm>>, %arg8: memref<64xi32, #tpu.memory_space<vmem>>, %arg9: memref<64xi32, #tpu.memory_space<vmem>>, %arg10: memref<1024xf32, #tpu.memory_space<vmem>>, %arg11: memref<1024xf32, #tpu.memory_space<vmem>>, %arg12: memref<16x1024xf32, #tpu.memory_space<vmem>>, %arg13: memref<16x1024xf32, #tpu.memory_space<vmem>>, %arg14: memref<16x1024xf32, #tpu.memory_space<vmem>>, %arg15: memref<16x1024xf32, #tpu.memory_space<vmem>>, %arg16: memref<16x1024xf32, #tpu.memory_space<vmem>>, %arg17: memref<16x1024xf32, #tpu.memory_space<vmem>>, %arg18: memref<!tpu.dma_semaphore, #tpu.memory_space<semaphore_mem>>, %arg19: memref<!tpu.dma_semaphore, #tpu.memory_space<semaphore_mem>>, %arg20: memref<!tpu.dma_semaphore, #tpu.memory_space<semaphore_mem>>, %arg21: memref<!tpu.dma_semaphore, #tpu.memory_space<semaphore_mem>>, %arg22: memref<!tpu.dma_semaphore, #tpu.memory_space<semaphore_mem>>, %arg23: memref<!tpu.dma_semaphore, #tpu.memory_space<semaphore_mem>>) attributes {dimension_semantics = [#tpu.dimension_semantics<core_parallel>, #tpu.dimension_semantics<subcore_parallel>], iteration_bounds = array<i64: 2, 16>, scalar_prefetch = 0 : i64, scratch_operands = 16 : i64, tpu.core_type = #tpu.core_type<sc_vector_subcore>, window_params = [{transform_indices = #map}, {transform_indices = #map1}, {transform_indices = #map1}, {transform_indices = #map1}, {transform_indices = #map1}, {transform_indices = #map}]} {
    %mul3A = arith.constant 2 : i32
    %mul3A_0 = arith.muli %arg1, %mul3A : i32
    %add3A = arith.addi %mul3A_0, %arg0 : i32
    %mul3A_1 = arith.constant 64 : i32
    %mul3A_2 = arith.muli %add3A, %mul3A_1 : i32
    "tpu.region"() ({
      %run_scoped3A = tpu.sem_alloc : memref<!tpu.dma_semaphore, #tpu.memory_space<semaphore_mem>>
      %dma_start3A_152 = tpu.memref_slice %arg3[%mul3A_2] : memref<2048xi32, #tpu.memory_space<hbm>> -> memref<64xi32, #tpu.memory_space<hbm>>
      %dma_start3A_153 = tpu.memref_slice %arg3[%mul3A_2] : memref<2048xi32, #tpu.memory_space<hbm>> -> memref<64xi32, #tpu.memory_space<hbm>>
      tpu.enqueue_dma source(%dma_start3A_153 : memref<64xi32, #tpu.memory_space<hbm>>) target(%arg8 : memref<64xi32, #tpu.memory_space<vmem>>) target_semaphore(%run_scoped3A : memref<!tpu.dma_semaphore, #tpu.memory_space<semaphore_mem>>)
      %dma_wait3A_154 = tpu.memref_slice %arg3[%mul3A_2] : memref<2048xi32, #tpu.memory_space<hbm>> -> memref<64xi32, #tpu.memory_space<hbm>>
      %dma_wait3A_155 = tpu.memref_slice %arg3[%mul3A_2] : memref<2048xi32, #tpu.memory_space<hbm>> -> memref<64xi32, #tpu.memory_space<hbm>>
      tpu.wait_dma2 semaphore(%run_scoped3A : memref<!tpu.dma_semaphore, #tpu.memory_space<semaphore_mem>>) src(%dma_wait3A_155 : memref<64xi32, #tpu.memory_space<hbm>>) dst(%arg8 : memref<64xi32, #tpu.memory_space<vmem>>)
      tpu.yield
    }) : () -> ()
    "tpu.region"() ({
      %run_scoped3A = tpu.sem_alloc : memref<!tpu.dma_semaphore, #tpu.memory_space<semaphore_mem>>
      %dma_start3A_152 = tpu.memref_slice %arg4[%mul3A_2] : memref<2048xi32, #tpu.memory_space<hbm>> -> memref<64xi32, #tpu.memory_space<hbm>>
      %dma_start3A_153 = tpu.memref_slice %arg4[%mul3A_2] : memref<2048xi32, #tpu.memory_space<hbm>> -> memref<64xi32, #tpu.memory_space<hbm>>
      tpu.enqueue_dma source(%dma_start3A_153 : memref<64xi32, #tpu.memory_space<hbm>>) target(%arg9 : memref<64xi32, #tpu.memory_space<vmem>>) target_semaphore(%run_scoped3A : memref<!tpu.dma_semaphore, #tpu.memory_space<semaphore_mem>>)
      %dma_wait3A_154 = tpu.memref_slice %arg4[%mul3A_2] : memref<2048xi32, #tpu.memory_space<hbm>> -> memref<64xi32, #tpu.memory_space<hbm>>
      %dma_wait3A_155 = tpu.memref_slice %arg4[%mul3A_2] : memref<2048xi32, #tpu.memory_space<hbm>> -> memref<64xi32, #tpu.memory_space<hbm>>
      tpu.wait_dma2 semaphore(%run_scoped3A : memref<!tpu.dma_semaphore, #tpu.memory_space<semaphore_mem>>) src(%dma_wait3A_155 : memref<64xi32, #tpu.memory_space<hbm>>) dst(%arg9 : memref<64xi32, #tpu.memory_space<vmem>>)
      tpu.yield
    }) : () -> ()
    %mul3A_3 = arith.constant 16 : i32
    %mul3A_4 = arith.muli %mul3A_2, %mul3A_3 : i32
    "tpu.region"() ({
      %run_scoped3A = tpu.sem_alloc : memref<!tpu.dma_semaphore, #tpu.memory_space<semaphore_mem>>
      %dma_start3A_152 = tpu.memref_slice %arg5[%mul3A_4] : memref<32768xf32, #tpu.memory_space<hbm>> -> memref<1024xf32, #tpu.memory_space<hbm>>
      %dma_start3A_153 = tpu.memref_slice %arg5[%mul3A_4] : memref<32768xf32, #tpu.memory_space<hbm>> -> memref<1024xf32, #tpu.memory_space<hbm>>
      tpu.enqueue_dma source(%dma_start3A_153 : memref<1024xf32, #tpu.memory_space<hbm>>) target(%arg10 : memref<1024xf32, #tpu.memory_space<vmem>>) target_semaphore(%run_scoped3A : memref<!tpu.dma_semaphore, #tpu.memory_space<semaphore_mem>>)
      %dma_wait3A_154 = tpu.memref_slice %arg5[%mul3A_4] : memref<32768xf32, #tpu.memory_space<hbm>> -> memref<1024xf32, #tpu.memory_space<hbm>>
      %dma_wait3A_155 = tpu.memref_slice %arg5[%mul3A_4] : memref<32768xf32, #tpu.memory_space<hbm>> -> memref<1024xf32, #tpu.memory_space<hbm>>
      tpu.wait_dma2 semaphore(%run_scoped3A : memref<!tpu.dma_semaphore, #tpu.memory_space<semaphore_mem>>) src(%dma_wait3A_155 : memref<1024xf32, #tpu.memory_space<hbm>>) dst(%arg10 : memref<1024xf32, #tpu.memory_space<vmem>>)
      tpu.yield
    }) : () -> ()
    %mul3A_5 = arith.constant 16 : i32
    %mul3A_6 = arith.muli %mul3A_2, %mul3A_5 : i32
    "tpu.region"() ({
      %run_scoped3A = tpu.sem_alloc : memref<!tpu.dma_semaphore, #tpu.memory_space<semaphore_mem>>
      %dma_start3A_152 = tpu.memref_slice %arg6[%mul3A_6] : memref<32768xf32, #tpu.memory_space<hbm>> -> memref<1024xf32, #tpu.memory_space<hbm>>
      %dma_start3A_153 = tpu.memref_slice %arg6[%mul3A_6] : memref<32768xf32, #tpu.memory_space<hbm>> -> memref<1024xf32, #tpu.memory_space<hbm>>
      tpu.enqueue_dma source(%dma_start3A_153 : memref<1024xf32, #tpu.memory_space<hbm>>) target(%arg11 : memref<1024xf32, #tpu.memory_space<vmem>>) target_semaphore(%run_scoped3A : memref<!tpu.dma_semaphore, #tpu.memory_space<semaphore_mem>>)
      %dma_wait3A_154 = tpu.memref_slice %arg6[%mul3A_6] : memref<32768xf32, #tpu.memory_space<hbm>> -> memref<1024xf32, #tpu.memory_space<hbm>>
      %dma_wait3A_155 = tpu.memref_slice %arg6[%mul3A_6] : memref<32768xf32, #tpu.memory_space<hbm>> -> memref<1024xf32, #tpu.memory_space<hbm>>
      tpu.wait_dma2 semaphore(%run_scoped3A : memref<!tpu.dma_semaphore, #tpu.memory_space<semaphore_mem>>) src(%dma_wait3A_155 : memref<1024xf32, #tpu.memory_space<hbm>>) dst(%arg11 : memref<1024xf32, #tpu.memory_space<vmem>>)
      tpu.yield
    }) : () -> ()
    %dma_start3A = arith.constant 0 : i32
    %dma_start3A_7 = tpu.memref_slice %arg8[%dma_start3A] : memref<64xi32, #tpu.memory_space<vmem>> -> memref<16xi32, #tpu.memory_space<vmem>>
    %dma_start3A_8 = arith.constant 0 : i32
    %dma_start3A_9 = arith.constant 0 : i32
    %dma_start3A_10 = tpu.memref_slice %arg2[%dma_start3A_8, %dma_start3A_9] : memref<4096x1024xf32, #tpu.memory_space<hbm>> -> memref<4096x1024xf32, #tpu.memory_space<hbm>>
    tpu.enqueue_indirect_dma source(%dma_start3A_10 : memref<4096x1024xf32, #tpu.memory_space<hbm>>) target(%arg12 : memref<16x1024xf32, #tpu.memory_space<vmem>>) offsets(%dma_start3A_7 : memref<16xi32, #tpu.memory_space<vmem>>) semaphore(%arg18 : memref<!tpu.dma_semaphore, #tpu.memory_space<semaphore_mem>>)
    %dma_start3A_11 = arith.constant 0 : i32
    %dma_start3A_12 = tpu.memref_slice %arg9[%dma_start3A_11] : memref<64xi32, #tpu.memory_space<vmem>> -> memref<16xi32, #tpu.memory_space<vmem>>
    %dma_start3A_13 = arith.constant 0 : i32
    %dma_start3A_14 = arith.constant 0 : i32
    %dma_start3A_15 = tpu.memref_slice %arg2[%dma_start3A_13, %dma_start3A_14] : memref<4096x1024xf32, #tpu.memory_space<hbm>> -> memref<4096x1024xf32, #tpu.memory_space<hbm>>
    tpu.enqueue_indirect_dma source(%dma_start3A_15 : memref<4096x1024xf32, #tpu.memory_space<hbm>>) target(%arg14 : memref<16x1024xf32, #tpu.memory_space<vmem>>) offsets(%dma_start3A_12 : memref<16xi32, #tpu.memory_space<vmem>>) semaphore(%arg19 : memref<!tpu.dma_semaphore, #tpu.memory_space<semaphore_mem>>)
    %dma_start3A_16 = arith.constant 16 : i32
    %dma_start3A_17 = tpu.memref_slice %arg8[%dma_start3A_16] : memref<64xi32, #tpu.memory_space<vmem>> -> memref<16xi32, #tpu.memory_space<vmem>>
    %dma_start3A_18 = arith.constant 0 : i32
    %dma_start3A_19 = arith.constant 0 : i32
    %dma_start3A_20 = tpu.memref_slice %arg2[%dma_start3A_18, %dma_start3A_19] : memref<4096x1024xf32, #tpu.memory_space<hbm>> -> memref<4096x1024xf32, #tpu.memory_space<hbm>>
    tpu.enqueue_indirect_dma source(%dma_start3A_20 : memref<4096x1024xf32, #tpu.memory_space<hbm>>) target(%arg13 : memref<16x1024xf32, #tpu.memory_space<vmem>>) offsets(%dma_start3A_17 : memref<16xi32, #tpu.memory_space<vmem>>) semaphore(%arg20 : memref<!tpu.dma_semaphore, #tpu.memory_space<semaphore_mem>>)
    %dma_start3A_21 = arith.constant 16 : i32
    %dma_start3A_22 = tpu.memref_slice %arg9[%dma_start3A_21] : memref<64xi32, #tpu.memory_space<vmem>> -> memref<16xi32, #tpu.memory_space<vmem>>
    %dma_start3A_23 = arith.constant 0 : i32
    %dma_start3A_24 = arith.constant 0 : i32
    %dma_start3A_25 = tpu.memref_slice %arg2[%dma_start3A_23, %dma_start3A_24] : memref<4096x1024xf32, #tpu.memory_space<hbm>> -> memref<4096x1024xf32, #tpu.memory_space<hbm>>
    tpu.enqueue_indirect_dma source(%dma_start3A_25 : memref<4096x1024xf32, #tpu.memory_space<hbm>>) target(%arg15 : memref<16x1024xf32, #tpu.memory_space<vmem>>) offsets(%dma_start3A_22 : memref<16xi32, #tpu.memory_space<vmem>>) semaphore(%arg21 : memref<!tpu.dma_semaphore, #tpu.memory_space<semaphore_mem>>)
    %dma_wait3A = arith.constant 0 : i32
    %dma_wait3A_26 = tpu.memref_slice %arg8[%dma_wait3A] : memref<64xi32, #tpu.memory_space<vmem>> -> memref<16xi32, #tpu.memory_space<vmem>>
    %dma_wait3A_27 = arith.constant 0 : i32
    %dma_wait3A_28 = arith.constant 0 : i32
    %dma_wait3A_29 = tpu.memref_slice %arg2[%dma_wait3A_27, %dma_wait3A_28] : memref<4096x1024xf32, #tpu.memory_space<hbm>> -> memref<4096x1024xf32, #tpu.memory_space<hbm>>
    tpu.wait_indirect_dma semaphore(%arg18 : memref<!tpu.dma_semaphore, #tpu.memory_space<semaphore_mem>>) src(%dma_wait3A_29 : memref<4096x1024xf32, #tpu.memory_space<hbm>>) dst(%arg12 : memref<16x1024xf32, #tpu.memory_space<vmem>>)
    %dma_wait3A_30 = arith.constant 0 : i32
    %dma_wait3A_31 = tpu.memref_slice %arg9[%dma_wait3A_30] : memref<64xi32, #tpu.memory_space<vmem>> -> memref<16xi32, #tpu.memory_space<vmem>>
    %dma_wait3A_32 = arith.constant 0 : i32
    %dma_wait3A_33 = arith.constant 0 : i32
    %dma_wait3A_34 = tpu.memref_slice %arg2[%dma_wait3A_32, %dma_wait3A_33] : memref<4096x1024xf32, #tpu.memory_space<hbm>> -> memref<4096x1024xf32, #tpu.memory_space<hbm>>
    tpu.wait_indirect_dma semaphore(%arg19 : memref<!tpu.dma_semaphore, #tpu.memory_space<semaphore_mem>>) src(%dma_wait3A_34 : memref<4096x1024xf32, #tpu.memory_space<hbm>>) dst(%arg14 : memref<16x1024xf32, #tpu.memory_space<vmem>>)
    %scan3A = arith.constant 0 : i32
    %scan3A_35 = arith.constant 0 : i32
    %scan3A_36 = arith.constant 16 : i32
    %scan3A_37 = arith.addi %scan3A_35, %scan3A_36 : i32
    %scan3A_38 = arith.constant 1 : i32
    %scan3A_39 = scf.for %scan3A_152 = %scan3A_35 to %scan3A_37 step %scan3A_38 iter_args(%scan3A_153 = %scan3A) -> (i32)  : i32 {
      %add3A_154 = arith.constant 0 : i32
      %add3A_155 = arith.addi %add3A_154, %scan3A_152 : i32
      %mul3A_156 = arith.constant 16 : i32
      %mul3A_157 = arith.muli %add3A_155, %mul3A_156 : i32
      %get3A = arith.index_cast %mul3A_157 : i32 to index
      %get3A_158 = tpu.vector_load %arg10[%get3A] {strides = array<i32>} : memref<1024xf32, #tpu.memory_space<vmem>>, vector<16xf32>,
      %add3A_159 = arith.constant 0 : i32
      %add3A_160 = arith.addi %add3A_159, %scan3A_152 : i32
      %mul3A_161 = arith.constant 16 : i32
      %mul3A_162 = arith.muli %add3A_160, %mul3A_161 : i32
      %get3A_163 = arith.index_cast %mul3A_162 : i32 to index
      %get3A_164 = tpu.vector_load %arg11[%get3A_163] {strides = array<i32>} : memref<1024xf32, #tpu.memory_space<vmem>>, vector<16xf32>,
      %get3A_165 = arith.index_cast %scan3A_152 : i32 to index
      %get3A_166 = arith.constant 0 : index
      %get3A_167 = tpu.vector_load %arg12[%get3A_165, %get3A_166] {strides = array<i32>} : memref<16x1024xf32, #tpu.memory_space<vmem>>, vector<16xf32>,
      %get3A_168 = arith.index_cast %scan3A_152 : i32 to index
      %get3A_169 = arith.constant 0 : index
      %get3A_170 = tpu.vector_load %arg14[%get3A_168, %get3A_169] {strides = array<i32>} : memref<16x1024xf32, #tpu.memory_space<vmem>>, vector<16xf32>,
      %mul3A_171 = arith.mulf %get3A_158, %get3A_167 : vector<16xf32>
      %mul3A_172 = arith.mulf %get3A_164, %get3A_170 : vector<16xf32>
      %add3A_173 = arith.addf %mul3A_171, %mul3A_172 : vector<16xf32>
      %swap3A = arith.index_cast %scan3A_152 : i32 to index
      %swap3A_174 = arith.constant 0 : index
      %swap3A_175 = tpu.vector_load %arg16[%swap3A, %swap3A_174] {strides = array<i32>} : memref<16x1024xf32, #tpu.memory_space<vmem>>, vector<16xf32>,
      tpu.vector_store %arg16[%swap3A, %swap3A_174], %add3A_173 {strides = array<i32>} : memref<16x1024xf32, #tpu.memory_space<vmem>>, vector<16xf32>,
      %get3A_176 = arith.index_cast %scan3A_152 : i32 to index
      %get3A_177 = arith.constant 16 : index
      %get3A_178 = tpu.vector_load %arg12[%get3A_176, %get3A_177] {strides = array<i32>} : memref<16x1024xf32, #tpu.memory_space<vmem>>, vector<16xf32>,
      %get3A_179 = arith.index_cast %scan3A_152 : i32 to index
      %get3A_180 = arith.constant 16 : index
      %get3A_181 = tpu.vector_load %arg14[%get3A_179, %get3A_180] {strides = array<i32>} : memref<16x1024xf32, #tpu.memory_space<vmem>>, vector<16xf32>,
      %mul3A_182 = arith.mulf %get3A_158, %get3A_178 : vector<16xf32>
      %mul3A_183 = arith.mulf %get3A_164, %get3A_181 : vector<16xf32>
      %add3A_184 = arith.addf %mul3A_182, %mul3A_183 : vector<16xf32>
      %swap3A_185 = arith.index_cast %scan3A_152 : i32 to index
      %swap3A_186 = arith.constant 16 : index
      %swap3A_187 = tpu.vector_load %arg16[%swap3A_185, %swap3A_186] {strides = array<i32>} : memref<16x1024xf32, #tpu.memory_space<vmem>>, vector<16xf32>,
      tpu.vector_store %arg16[%swap3A_185, %swap3A_186], %add3A_184 {strides = array<i32>} : memref<16x1024xf32, #tpu.memory_space<vmem>>, vector<16xf32>,
      %get3A_188 = arith.index_cast %scan3A_152 : i32 to index
      %get3A_189 = arith.constant 32 : index
      %get3A_190 = tpu.vector_load %arg12[%get3A_188, %get3A_189] {strides = array<i32>} : memref<16x1024xf32, #tpu.memory_space<vmem>>, vector<16xf32>,
      %get3A_191 = arith.index_cast %scan3A_152 : i32 to index
      %get3A_192 = arith.constant 32 : index
      %get3A_193 = tpu.vector_load %arg14[%get3A_191, %get3A_192] {strides = array<i32>} : memref<16x1024xf32, #tpu.memory_space<vmem>>, vector<16xf32>,
      %mul3A_194 = arith.mulf %get3A_158, %get3A_190 : vector<16xf32>
      %mul3A_195 = arith.mulf %get3A_164, %get3A_193 : vector<16xf32>
      %add3A_196 = arith.addf %mul3A_194, %mul3A_195 : vector<16xf32>
      %swap3A_197 = arith.index_cast %scan3A_152 : i32 to index
      %swap3A_198 = arith.constant 32 : index
      %swap3A_199 = tpu.vector_load %arg16[%swap3A_197, %swap3A_198] {strides = array<i32>} : memref<16x1024xf32, #tpu.memory_space<vmem>>, vector<16xf32>,
      tpu.vector_store %arg16[%swap3A_197, %swap3A_198], %add3A_196 {strides = array<i32>} : memref<16x1024xf32, #tpu.memory_space<vmem>>, vector<16xf32>,
      %get3A_200 = arith.index_cast %scan3A_152 : i32 to index
      %get3A_201 = arith.constant 48 : index
      %get3A_202 = tpu.vector_load %arg12[%get3A_200, %get3A_201] {strides = array<i32>} : memref<16x1024xf32, #tpu.memory_space<vmem>>, vector<16xf32>,
      %get3A_203 = arith.index_cast %scan3A_152 : i32 to index
      %get3A_204 = arith.constant 48 : index
      %get3A_205 = tpu.vector_load %arg14[%get3A_203, %get3A_204] {strides = array<i32>} : memref<16x1024xf32, #tpu.memory_space<vmem>>, vector<16xf32>,
      %mul3A_206 = arith.mulf %get3A_158, %get3A_202 : vector<16xf32>
      %mul3A_207 = arith.mulf %get3A_164, %get3A_205 : vector<16xf32>
      %add3A_208 = arith.addf %mul3A_206, %mul3A_207 : vector<16xf32>
      %swap3A_209 = arith.index_cast %scan3A_152 : i32 to index
      %swap3A_210 = arith.constant 48 : index
      %swap3A_211 = tpu.vector_load %arg16[%swap3A_209, %swap3A_210] {strides = array<i32>} : memref<16x1024xf32, #tpu.memory_space<vmem>>, vector<16xf32>,
      tpu.vector_store %arg16[%swap3A_209, %swap3A_210], %add3A_208 {strides = array<i32>} : memref<16x1024xf32, #tpu.memory_space<vmem>>, vector<16xf32>,
      %get3A_212 = arith.index_cast %scan3A_152 : i32 to index
      %get3A_213 = arith.constant 64 : index
      %get3A_214 = tpu.vector_load %arg12[%get3A_212, %get3A_213] {strides = array<i32>} : memref<16x1024xf32, #tpu.memory_space<vmem>>, vector<16xf32>,
      %get3A_215 = arith.index_cast %scan3A_152 : i32 to index
      %get3A_216 = arith.constant 64 : index
      %get3A_217 = tpu.vector_load %arg14[%get3A_215, %get3A_216] {strides = array<i32>} : memref<16x1024xf32, #tpu.memory_space<vmem>>, vector<16xf32>,
      %mul3A_218 = arith.mulf %get3A_158, %get3A_214 : vector<16xf32>
      %mul3A_219 = arith.mulf %get3A_164, %get3A_217 : vector<16xf32>
      %add3A_220 = arith.addf %mul3A_218, %mul3A_219 : vector<16xf32>
      %swap3A_221 = arith.index_cast %scan3A_152 : i32 to index
      %swap3A_222 = arith.constant 64 : index
      %swap3A_223 = tpu.vector_load %arg16[%swap3A_221, %swap3A_222] {strides = array<i32>} : memref<16x1024xf32, #tpu.memory_space<vmem>>, vector<16xf32>,
      tpu.vector_store %arg16[%swap3A_221, %swap3A_222], %add3A_220 {strides = array<i32>} : memref<16x1024xf32, #tpu.memory_space<vmem>>, vector<16xf32>,
      %get3A_224 = arith.index_cast %scan3A_152 : i32 to index
      %get3A_225 = arith.constant 80 : index
      %get3A_226 = tpu.vector_load %arg12[%get3A_224, %get3A_225] {strides = array<i32>} : memref<16x1024xf32, #tpu.memory_space<vmem>>, vector<16xf32>,
      %get3A_227 = arith.index_cast %scan3A_152 : i32 to index
      %get3A_228 = arith.constant 80 : index
      %get3A_229 = tpu.vector_load %arg14[%get3A_227, %get3A_228] {strides = array<i32>} : memref<16x1024xf32, #tpu.memory_space<vmem>>, vector<16xf32>,
      %mul3A_230 = arith.mulf %get3A_158, %get3A_226 : vector<16xf32>
      %mul3A_231 = arith.mulf %get3A_164, %get3A_229 : vector<16xf32>
      %add3A_232 = arith.addf %mul3A_230, %mul3A_231 : vector<16xf32>
      %swap3A_233 = arith.index_cast %scan3A_152 : i32 to index
      %swap3A_234 = arith.constant 80 : index
      %swap3A_235 = tpu.vector_load %arg16[%swap3A_233, %swap3A_234] {strides = array<i32>} : memref<16x1024xf32, #tpu.memory_space<vmem>>, vector<16xf32>,
      tpu.vector_store %arg16[%swap3A_233, %swap3A_234], %add3A_232 {strides = array<i32>} : memref<16x1024xf32, #tpu.memory_space<vmem>>, vector<16xf32>,
      %get3A_236 = arith.index_cast %scan3A_152 : i32 to index
      %get3A_237 = arith.constant 96 : index
      %get3A_238 = tpu.vector_load %arg12[%get3A_236, %get3A_237] {strides = array<i32>} : memref<16x1024xf32, #tpu.memory_space<vmem>>, vector<16xf32>,
      %get3A_239 = arith.index_cast %scan3A_152 : i32 to index
      %get3A_240 = arith.constant 96 : index
      %get3A_241 = tpu.vector_load %arg14[%get3A_239, %get3A_240] {strides = array<i32>} : memref<16x1024xf32, #tpu.memory_space<vmem>>, vector<16xf32>,
      %mul3A_242 = arith.mulf %get3A_158, %get3A_238 : vector<16xf32>
      %mul3A_243 = arith.mulf %get3A_164, %get3A_241 : vector<16xf32>
      %add3A_244 = arith.addf %mul3A_242, %mul3A_243 : vector<16xf32>
      %swap3A_245 = arith.index_cast %scan3A_152 : i32 to index
      %swap3A_246 = arith.constant 96 : index
      %swap3A_247 = tpu.vector_load %arg16[%swap3A_245, %swap3A_246] {strides = array<i32>} : memref<16x1024xf32, #tpu.memory_space<vmem>>, vector<16xf32>,
      tpu.vector_store %arg16[%swap3A_245, %swap3A_246], %add3A_244 {strides = array<i32>} : memref<16x1024xf32, #tpu.memory_space<vmem>>, vector<16xf32>,
      %get3A_248 = arith.index_cast %scan3A_152 : i32 to index
      %get3A_249 = arith.constant 112 : index
      %get3A_250 = tpu.vector_load %arg12[%get3A_248, %get3A_249] {strides = array<i32>} : memref<16x1024xf32, #tpu.memory_space<vmem>>, vector<16xf32>,
      %get3A_251 = arith.index_cast %scan3A_152 : i32 to index
      %get3A_252 = arith.constant 112 : index
      %get3A_253 = tpu.vector_load %arg14[%get3A_251, %get3A_252] {strides = array<i32>} : memref<16x1024xf32, #tpu.memory_space<vmem>>, vector<16xf32>,
      %mul3A_254 = arith.mulf %get3A_158, %get3A_250 : vector<16xf32>
      %mul3A_255 = arith.mulf %get3A_164, %get3A_253 : vector<16xf32>
      %add3A_256 = arith.addf %mul3A_254, %mul3A_255 : vector<16xf32>
      %swap3A_257 = arith.index_cast %scan3A_152 : i32 to index
      %swap3A_258 = arith.constant 112 : index
      %swap3A_259 = tpu.vector_load %arg16[%swap3A_257, %swap3A_258] {strides = array<i32>} : memref<16x1024xf32, #tpu.memory_space<vmem>>, vector<16xf32>,
      tpu.vector_store %arg16[%swap3A_257, %swap3A_258], %add3A_256 {strides = array<i32>} : memref<16x1024xf32, #tpu.memory_space<vmem>>, vector<16xf32>,
      %get3A_260 = arith.index_cast %scan3A_152 : i32 to index
      %get3A_261 = arith.constant 128 : index
      %get3A_262 = tpu.vector_load %arg12[%get3A_260, %get3A_261] {strides = array<i32>} : memref<16x1024xf32, #tpu.memory_space<vmem>>, vector<16xf32>,
      %get3A_263 = arith.index_cast %scan3A_152 : i32 to index
      %get3A_264 = arith.constant 128 : index
      %get3A_265 = tpu.vector_load %arg14[%get3A_263, %get3A_264] {strides = array<i32>} : memref<16x1024xf32, #tpu.memory_space<vmem>>, vector<16xf32>,
      %mul3A_266 = arith.mulf %get3A_158, %get3A_262 : vector<16xf32>
      %mul3A_267 = arith.mulf %get3A_164, %get3A_265 : vector<16xf32>
      %add3A_268 = arith.addf %mul3A_266, %mul3A_267 : vector<16xf32>
      %swap3A_269 = arith.index_cast %scan3A_152 : i32 to index
      %swap3A_270 = arith.constant 128 : index
      %swap3A_271 = tpu.vector_load %arg16[%swap3A_269, %swap3A_270] {strides = array<i32>} : memref<16x1024xf32, #tpu.memory_space<vmem>>, vector<16xf32>,
      tpu.vector_store %arg16[%swap3A_269, %swap3A_270], %add3A_268 {strides = array<i32>} : memref<16x1024xf32, #tpu.memory_space<vmem>>, vector<16xf32>,
      %get3A_272 = arith.index_cast %scan3A_152 : i32 to index
      %get3A_273 = arith.constant 144 : index
      %get3A_274 = tpu.vector_load %arg12[%get3A_272, %get3A_273] {strides = array<i32>} : memref<16x1024xf32, #tpu.memory_space<vmem>>, vector<16xf32>,
      %get3A_275 = arith.index_cast %scan3A_152 : i32 to index
      %get3A_276 = arith.constant 144 : index
      %get3A_277 = tpu.vector_load %arg14[%get3A_275, %get3A_276] {strides = array<i32>} : memref<16x1024xf32, #tpu.memory_space<vmem>>, vector<16xf32>,
      %mul3A_278 = arith.mulf %get3A_158, %get3A_274 : vector<16xf32>
      %mul3A_279 = arith.mulf %get3A_164, %get3A_277 : vector<16xf32>
      %add3A_280 = arith.addf %mul3A_278, %mul3A_279 : vector<16xf32>
      %swap3A_281 = arith.index_cast %scan3A_152 : i32 to index
      %swap3A_282 = arith.constant 144 : index
      %swap3A_283 = tpu.vector_load %arg16[%swap3A_281, %swap3A_282] {strides = array<i32>} : memref<16x1024xf32, #tpu.memory_space<vmem>>, vector<16xf32>,
      tpu.vector_store %arg16[%swap3A_281, %swap3A_282], %add3A_280 {strides = array<i32>} : memref<16x1024xf32, #tpu.memory_space<vmem>>, vector<16xf32>,
      %get3A_284 = arith.index_cast %scan3A_152 : i32 to index
      %get3A_285 = arith.constant 160 : index
      %get3A_286 = tpu.vector_load %arg12[%get3A_284, %get3A_285] {strides = array<i32>} : memref<16x1024xf32, #tpu.memory_space<vmem>>, vector<16xf32>,
      %get3A_287 = arith.index_cast %scan3A_152 : i32 to index
      %get3A_288 = arith.constant 160 : index
      %get3A_289 = tpu.vector_load %arg14[%get3A_287, %get3A_288] {strides = array<i32>} : memref<16x1024xf32, #tpu.memory_space<vmem>>, vector<16xf32>,
      %mul3A_290 = arith.mulf %get3A_158, %get3A_286 : vector<16xf32>
      %mul3A_291 = arith.mulf %get3A_164, %get3A_289 : vector<16xf32>
      %add3A_292 = arith.addf %mul3A_290, %mul3A_291 : vector<16xf32>
      %swap3A_293 = arith.index_cast %scan3A_152 : i32 to index
      %swap3A_294 = arith.constant 160 : index
      %swap3A_295 = tpu.vector_load %arg16[%swap3A_293, %swap3A_294] {strides = array<i32>} : memref<16x1024xf32, #tpu.memory_space<vmem>>, vector<16xf32>,
      tpu.vector_store %arg16[%swap3A_293, %swap3A_294], %add3A_292 {strides = array<i32>} : memref<16x1024xf32, #tpu.memory_space<vmem>>, vector<16xf32>,
      %get3A_296 = arith.index_cast %scan3A_152 : i32 to index
      %get3A_297 = arith.constant 176 : index
      %get3A_298 = tpu.vector_load %arg12[%get3A_296, %get3A_297] {strides = array<i32>} : memref<16x1024xf32, #tpu.memory_space<vmem>>, vector<16xf32>,
      %get3A_299 = arith.index_cast %scan3A_152 : i32 to index
      %get3A_300 = arith.constant 176 : index
      %get3A_301 = tpu.vector_load %arg14[%get3A_299, %get3A_300] {strides = array<i32>} : memref<16x1024xf32, #tpu.memory_space<vmem>>, vector<16xf32>,
      %mul3A_302 = arith.mulf %get3A_158, %get3A_298 : vector<16xf32>
      %mul3A_303 = arith.mulf %get3A_164, %get3A_301 : vector<16xf32>
      %add3A_304 = arith.addf %mul3A_302, %mul3A_303 : vector<16xf32>
      %swap3A_305 = arith.index_cast %scan3A_152 : i32 to index
      %swap3A_306 = arith.constant 176 : index
      %swap3A_307 = tpu.vector_load %arg16[%swap3A_305, %swap3A_306] {strides = array<i32>} : memref<16x1024xf32, #tpu.memory_space<vmem>>, vector<16xf32>,
      tpu.vector_store %arg16[%swap3A_305, %swap3A_306], %add3A_304 {strides = array<i32>} : memref<16x1024xf32, #tpu.memory_space<vmem>>, vector<16xf32>,
      %get3A_308 = arith.index_cast %scan3A_152 : i32 to index
      %get3A_309 = arith.constant 192 : index
      %get3A_310 = tpu.vector_load %arg12[%get3A_308, %get3A_309] {strides = array<i32>} : memref<16x1024xf32, #tpu.memory_space<vmem>>, vector<16xf32>,
      %get3A_311 = arith.index_cast %scan3A_152 : i32 to index
      %get3A_312 = arith.constant 192 : index
      %get3A_313 = tpu.vector_load %arg14[%get3A_311, %get3A_312] {strides = array<i32>} : memref<16x1024xf32, #tpu.memory_space<vmem>>, vector<16xf32>,
      %mul3A_314 = arith.mulf %get3A_158, %get3A_310 : vector<16xf32>
      %mul3A_315 = arith.mulf %get3A_164, %get3A_313 : vector<16xf32>
      %add3A_316 = arith.addf %mul3A_314, %mul3A_315 : vector<16xf32>
      %swap3A_317 = arith.index_cast %scan3A_152 : i32 to index
      %swap3A_318 = arith.constant 192 : index
      %swap3A_319 = tpu.vector_load %arg16[%swap3A_317, %swap3A_318] {strides = array<i32>} : memref<16x1024xf32, #tpu.memory_space<vmem>>, vector<16xf32>,
      tpu.vector_store %arg16[%swap3A_317, %swap3A_318], %add3A_316 {strides = array<i32>} : memref<16x1024xf32, #tpu.memory_space<vmem>>, vector<16xf32>,
      %get3A_320 = arith.index_cast %scan3A_152 : i32 to index
      %get3A_321 = arith.constant 208 : index
      %get3A_322 = tpu.vector_load %arg12[%get3A_320, %get3A_321] {strides = array<i32>} : memref<16x1024xf32, #tpu.memory_space<vmem>>, vector<16xf32>,
      %get3A_323 = arith.index_cast %scan3A_152 : i32 to index
      %get3A_324 = arith.constant 208 : index
      %get3A_325 = tpu.vector_load %arg14[%get3A_323, %get3A_324] {strides = array<i32>} : memref<16x1024xf32, #tpu.memory_space<vmem>>, vector<16xf32>,
      %mul3A_326 = arith.mulf %get3A_158, %get3A_322 : vector<16xf32>
      %mul3A_327 = arith.mulf %get3A_164, %get3A_325 : vector<16xf32>
      %add3A_328 = arith.addf %mul3A_326, %mul3A_327 : vector<16xf32>
      %swap3A_329 = arith.index_cast %scan3A_152 : i32 to index
      %swap3A_330 = arith.constant 208 : index
      %swap3A_331 = tpu.vector_load %arg16[%swap3A_329, %swap3A_330] {strides = array<i32>} : memref<16x1024xf32, #tpu.memory_space<vmem>>, vector<16xf32>,
      tpu.vector_store %arg16[%swap3A_329, %swap3A_330], %add3A_328 {strides = array<i32>} : memref<16x1024xf32, #tpu.memory_space<vmem>>, vector<16xf32>,
      %get3A_332 = arith.index_cast %scan3A_152 : i32 to index
      %get3A_333 = arith.constant 224 : index
      %get3A_334 = tpu.vector_load %arg12[%get3A_332, %get3A_333] {strides = array<i32>} : memref<16x1024xf32, #tpu.memory_space<vmem>>, vector<16xf32>,
      %get3A_335 = arith.index_cast %scan3A_152 : i32 to index
      %get3A_336 = arith.constant 224 : index
      %get3A_337 = tpu.vector_load %arg14[%get3A_335, %get3A_336] {strides = array<i32>} : memref<16x1024xf32, #tpu.memory_space<vmem>>, vector<16xf32>,
      %mul3A_338 = arith.mulf %get3A_158, %get3A_334 : vector<16xf32>
      %mul3A_339 = arith.mulf %get3A_164, %get3A_337 : vector<16xf32>
      %add3A_340 = arith.addf %mul3A_338, %mul3A_339 : vector<16xf32>
      %swap3A_341 = arith.index_cast %scan3A_152 : i32 to index
      %swap3A_342 = arith.constant 224 : index
      %swap3A_343 = tpu.vector_load %arg16[%swap3A_341, %swap3A_342] {strides = array<i32>} : memref<16x1024xf32, #tpu.memory_space<vmem>>, vector<16xf32>,
      tpu.vector_store %arg16[%swap3A_341, %swap3A_342], %add3A_340 {strides = array<i32>} : memref<16x1024xf32, #tpu.memory_space<vmem>>, vector<16xf32>,
      %get3A_344 = arith.index_cast %scan3A_152 : i32 to index
      %get3A_345 = arith.constant 240 : index
      %get3A_346 = tpu.vector_load %arg12[%get3A_344, %get3A_345] {strides = array<i32>} : memref<16x1024xf32, #tpu.memory_space<vmem>>, vector<16xf32>,
      %get3A_347 = arith.index_cast %scan3A_152 : i32 to index
      %get3A_348 = arith.constant 240 : index
      %get3A_349 = tpu.vector_load %arg14[%get3A_347, %get3A_348] {strides = array<i32>} : memref<16x1024xf32, #tpu.memory_space<vmem>>, vector<16xf32>,
      %mul3A_350 = arith.mulf %get3A_158, %get3A_346 : vector<16xf32>
      %mul3A_351 = arith.mulf %get3A_164, %get3A_349 : vector<16xf32>
      %add3A_352 = arith.addf %mul3A_350, %mul3A_351 : vector<16xf32>
      %swap3A_353 = arith.index_cast %scan3A_152 : i32 to index
      %swap3A_354 = arith.constant 240 : index
      %swap3A_355 = tpu.vector_load %arg16[%swap3A_353, %swap3A_354] {strides = array<i32>} : memref<16x1024xf32, #tpu.memory_space<vmem>>, vector<16xf32>,
      tpu.vector_store %arg16[%swap3A_353, %swap3A_354], %add3A_352 {strides = array<i32>} : memref<16x1024xf32, #tpu.memory_space<vmem>>, vector<16xf32>,
      %get3A_356 = arith.index_cast %scan3A_152 : i32 to index
      %get3A_357 = arith.constant 256 : index
      %get3A_358 = tpu.vector_load %arg12[%get3A_356, %get3A_357] {strides = array<i32>} : memref<16x1024xf32, #tpu.memory_space<vmem>>, vector<16xf32>,
      %get3A_359 = arith.index_cast %scan3A_152 : i32 to index
      %get3A_360 = arith.constant 256 : index
      %get3A_361 = tpu.vector_load %arg14[%get3A_359, %get3A_360] {strides = array<i32>} : memref<16x1024xf32, #tpu.memory_space<vmem>>, vector<16xf32>,
      %mul3A_362 = arith.mulf %get3A_158, %get3A_358 : vector<16xf32>
      %mul3A_363 = arith.mulf %get3A_164, %get3A_361 : vector<16xf32>
      %add3A_364 = arith.addf %mul3A_362, %mul3A_363 : vector<16xf32>
      %swap3A_365 = arith.index_cast %scan3A_152 : i32 to index
      %swap3A_366 = arith.constant 256 : index
      %swap3A_367 = tpu.vector_load %arg16[%swap3A_365, %swap3A_366] {strides = array<i32>} : memref<16x1024xf32, #tpu.memory_space<vmem>>, vector<16xf32>,
      tpu.vector_store %arg16[%swap3A_365, %swap3A_366], %add3A_364 {strides = array<i32>} : memref<16x1024xf32, #tpu.memory_space<vmem>>, vector<16xf32>,
      %get3A_368 = arith.index_cast %scan3A_152 : i32 to index
      %get3A_369 = arith.constant 272 : index
      %get3A_370 = tpu.vector_load %arg12[%get3A_368, %get3A_369] {strides = array<i32>} : memref<16x1024xf32, #tpu.memory_space<vmem>>, vector<16xf32>,
      %get3A_371 = arith.index_cast %scan3A_152 : i32 to index
      %get3A_372 = arith.constant 272 : index
      %get3A_373 = tpu.vector_load %arg14[%get3A_371, %get3A_372] {strides = array<i32>} : memref<16x1024xf32, #tpu.memory_space<vmem>>, vector<16xf32>,
      %mul3A_374 = arith.mulf %get3A_158, %get3A_370 : vector<16xf32>
      %mul3A_375 = arith.mulf %get3A_164, %get3A_373 : vector<16xf32>
      %add3A_376 = arith.addf %mul3A_374, %mul3A_375 : vector<16xf32>
      %swap3A_377 = arith.index_cast %scan3A_152 : i32 to index
      %swap3A_378 = arith.constant 272 : index
      %swap3A_379 = tpu.vector_load %arg16[%swap3A_377, %swap3A_378] {strides = array<i32>} : memref<16x1024xf32, #tpu.memory_space<vmem>>, vector<16xf32>,
      tpu.vector_store %arg16[%swap3A_377, %swap3A_378], %add3A_376 {strides = array<i32>} : memref<16x1024xf32, #tpu.memory_space<vmem>>, vector<16xf32>,
      %get3A_380 = arith.index_cast %scan3A_152 : i32 to index
      %get3A_381 = arith.constant 288 : index
      %get3A_382 = tpu.vector_load %arg12[%get3A_380, %get3A_381] {strides = array<i32>} : memref<16x1024xf32, #tpu.memory_space<vmem>>, vector<16xf32>,
      %get3A_383 = arith.index_cast %scan3A_152 : i32 to index
      %get3A_384 = arith.constant 288 : index
      %get3A_385 = tpu.vector_load %arg14[%get3A_383, %get3A_384] {strides = array<i32>} : memref<16x1024xf32, #tpu.memory_space<vmem>>, vector<16xf32>,
      %mul3A_386 = arith.mulf %get3A_158, %get3A_382 : vector<16xf32>
      %mul3A_387 = arith.mulf %get3A_164, %get3A_385 : vector<16xf32>
      %add3A_388 = arith.addf %mul3A_386, %mul3A_387 : vector<16xf32>
      %swap3A_389 = arith.index_cast %scan3A_152 : i32 to index
      %swap3A_390 = arith.constant 288 : index
      %swap3A_391 = tpu.vector_load %arg16[%swap3A_389, %swap3A_390] {strides = array<i32>} : memref<16x1024xf32, #tpu.memory_space<vmem>>, vector<16xf32>,
      tpu.vector_store %arg16[%swap3A_389, %swap3A_390], %add3A_388 {strides = array<i32>} : memref<16x1024xf32, #tpu.memory_space<vmem>>, vector<16xf32>,
      %get3A_392 = arith.index_cast %scan3A_152 : i32 to index
      %get3A_393 = arith.constant 304 : index
      %get3A_394 = tpu.vector_load %arg12[%get3A_392, %get3A_393] {strides = array<i32>} : memref<16x1024xf32, #tpu.memory_space<vmem>>, vector<16xf32>,
      %get3A_395 = arith.index_cast %scan3A_152 : i32 to index
      %get3A_396 = arith.constant 304 : index
      %get3A_397 = tpu.vector_load %arg14[%get3A_395, %get3A_396] {strides = array<i32>} : memref<16x1024xf32, #tpu.memory_space<vmem>>, vector<16xf32>,
      %mul3A_398 = arith.mulf %get3A_158, %get3A_394 : vector<16xf32>
      %mul3A_399 = arith.mulf %get3A_164, %get3A_397 : vector<16xf32>
      %add3A_400 = arith.addf %mul3A_398, %mul3A_399 : vector<16xf32>
      %swap3A_401 = arith.index_cast %scan3A_152 : i32 to index
      %swap3A_402 = arith.constant 304 : index
      %swap3A_403 = tpu.vector_load %arg16[%swap3A_401, %swap3A_402] {strides = array<i32>} : memref<16x1024xf32, #tpu.memory_space<vmem>>, vector<16xf32>,
      tpu.vector_store %arg16[%swap3A_401, %swap3A_402], %add3A_400 {strides = array<i32>} : memref<16x1024xf32, #tpu.memory_space<vmem>>, vector<16xf32>,
      %get3A_404 = arith.index_cast %scan3A_152 : i32 to index
      %get3A_405 = arith.constant 320 : index
      %get3A_406 = tpu.vector_load %arg12[%get3A_404, %get3A_405] {strides = array<i32>} : memref<16x1024xf32, #tpu.memory_space<vmem>>, vector<16xf32>,
      %get3A_407 = arith.index_cast %scan3A_152 : i32 to index
      %get3A_408 = arith.constant 320 : index
      %get3A_409 = tpu.vector_load %arg14[%get3A_407, %get3A_408] {strides = array<i32>} : memref<16x1024xf32, #tpu.memory_space<vmem>>, vector<16xf32>,
      %mul3A_410 = arith.mulf %get3A_158, %get3A_406 : vector<16xf32>
      %mul3A_411 = arith.mulf %get3A_164, %get3A_409 : vector<16xf32>
      %add3A_412 = arith.addf %mul3A_410, %mul3A_411 : vector<16xf32>
      %swap3A_413 = arith.index_cast %scan3A_152 : i32 to index
      %swap3A_414 = arith.constant 320 : index
      %swap3A_415 = tpu.vector_load %arg16[%swap3A_413, %swap3A_414] {strides = array<i32>} : memref<16x1024xf32, #tpu.memory_space<vmem>>, vector<16xf32>,
      tpu.vector_store %arg16[%swap3A_413, %swap3A_414], %add3A_412 {strides = array<i32>} : memref<16x1024xf32, #tpu.memory_space<vmem>>, vector<16xf32>,
      %get3A_416 = arith.index_cast %scan3A_152 : i32 to index
      %get3A_417 = arith.constant 336 : index
      %get3A_418 = tpu.vector_load %arg12[%get3A_416, %get3A_417] {strides = array<i32>} : memref<16x1024xf32, #tpu.memory_space<vmem>>, vector<16xf32>,
      %get3A_419 = arith.index_cast %scan3A_152 : i32 to index
      %get3A_420 = arith.constant 336 : index
      %get3A_421 = tpu.vector_load %arg14[%get3A_419, %get3A_420] {strides = array<i32>} : memref<16x1024xf32, #tpu.memory_space<vmem>>, vector<16xf32>,
      %mul3A_422 = arith.mulf %get3A_158, %get3A_418 : vector<16xf32>
      %mul3A_423 = arith.mulf %get3A_164, %get3A_421 : vector<16xf32>
      %add3A_424 = arith.addf %mul3A_422, %mul3A_423 : vector<16xf32>
      %swap3A_425 = arith.index_cast %scan3A_152 : i32 to index
      %swap3A_426 = arith.constant 336 : index
      %swap3A_427 = tpu.vector_load %arg16[%swap3A_425, %swap3A_426] {strides = array<i32>} : memref<16x1024xf32, #tpu.memory_space<vmem>>, vector<16xf32>,
      tpu.vector_store %arg16[%swap3A_425, %swap3A_426], %add3A_424 {strides = array<i32>} : memref<16x1024xf32, #tpu.memory_space<vmem>>, vector<16xf32>,
      %get3A_428 = arith.index_cast %scan3A_152 : i32 to index
      %get3A_429 = arith.constant 352 : index
      %get3A_430 = tpu.vector_load %arg12[%get3A_428, %get3A_429] {strides = array<i32>} : memref<16x1024xf32, #tpu.memory_space<vmem>>, vector<16xf32>,
      %get3A_431 = arith.index_cast %scan3A_152 : i32 to index
      %get3A_432 = arith.constant 352 : index
      %get3A_433 = tpu.vector_load %arg14[%get3A_431, %get3A_432] {strides = array<i32>} : memref<16x1024xf32, #tpu.memory_space<vmem>>, vector<16xf32>,
      %mul3A_434 = arith.mulf %get3A_158, %get3A_430 : vector<16xf32>
      %mul3A_435 = arith.mulf %get3A_164, %get3A_433 : vector<16xf32>
      %add3A_436 = arith.addf %mul3A_434, %mul3A_435 : vector<16xf32>
      %swap3A_437 = arith.index_cast %scan3A_152 : i32 to index
      %swap3A_438 = arith.constant 352 : index
      %swap3A_439 = tpu.vector_load %arg16[%swap3A_437, %swap3A_438] {strides = array<i32>} : memref<16x1024xf32, #tpu.memory_space<vmem>>, vector<16xf32>,
      tpu.vector_store %arg16[%swap3A_437, %swap3A_438], %add3A_436 {strides = array<i32>} : memref<16x1024xf32, #tpu.memory_space<vmem>>, vector<16xf32>,
      %get3A_440 = arith.index_cast %scan3A_152 : i32 to index
      %get3A_441 = arith.constant 368 : index
      %get3A_442 = tpu.vector_load %arg12[%get3A_440, %get3A_441] {strides = array<i32>} : memref<16x1024xf32, #tpu.memory_space<vmem>>, vector<16xf32>,
      %get3A_443 = arith.index_cast %scan3A_152 : i32 to index
      %get3A_444 = arith.constant 368 : index
      %get3A_445 = tpu.vector_load %arg14[%get3A_443, %get3A_444] {strides = array<i32>} : memref<16x1024xf32, #tpu.memory_space<vmem>>, vector<16xf32>,
      %mul3A_446 = arith.mulf %get3A_158, %get3A_442 : vector<16xf32>
      %mul3A_447 = arith.mulf %get3A_164, %get3A_445 : vector<16xf32>
      %add3A_448 = arith.addf %mul3A_446, %mul3A_447 : vector<16xf32>
      %swap3A_449 = arith.index_cast %scan3A_152 : i32 to index
      %swap3A_450 = arith.constant 368 : index
      %swap3A_451 = tpu.vector_load %arg16[%swap3A_449, %swap3A_450] {strides = array<i32>} : memref<16x1024xf32, #tpu.memory_space<vmem>>, vector<16xf32>,
      tpu.vector_store %arg16[%swap3A_449, %swap3A_450], %add3A_448 {strides = array<i32>} : memref<16x1024xf32, #tpu.memory_space<vmem>>, vector<16xf32>,
      %get3A_452 = arith.index_cast %scan3A_152 : i32 to index
      %get3A_453 = arith.constant 384 : index
      %get3A_454 = tpu.vector_load %arg12[%get3A_452, %get3A_453] {strides = array<i32>} : memref<16x1024xf32, #tpu.memory_space<vmem>>, vector<16xf32>,
      %get3A_455 = arith.index_cast %scan3A_152 : i32 to index
      %get3A_456 = arith.constant 384 : index
      %get3A_457 = tpu.vector_load %arg14[%get3A_455, %get3A_456] {strides = array<i32>} : memref<16x1024xf32, #tpu.memory_space<vmem>>, vector<16xf32>,
      %mul3A_458 = arith.mulf %get3A_158, %get3A_454 : vector<16xf32>
      %mul3A_459 = arith.mulf %get3A_164, %get3A_457 : vector<16xf32>
      %add3A_460 = arith.addf %mul3A_458, %mul3A_459 : vector<16xf32>
      %swap3A_461 = arith.index_cast %scan3A_152 : i32 to index
      %swap3A_462 = arith.constant 384 : index
      %swap3A_463 = tpu.vector_load %arg16[%swap3A_461, %swap3A_462] {strides = array<i32>} : memref<16x1024xf32, #tpu.memory_space<vmem>>, vector<16xf32>,
      tpu.vector_store %arg16[%swap3A_461, %swap3A_462], %add3A_460 {strides = array<i32>} : memref<16x1024xf32, #tpu.memory_space<vmem>>, vector<16xf32>,
      %get3A_464 = arith.index_cast %scan3A_152 : i32 to index
      %get3A_465 = arith.constant 400 : index
      %get3A_466 = tpu.vector_load %arg12[%get3A_464, %get3A_465] {strides = array<i32>} : memref<16x1024xf32, #tpu.memory_space<vmem>>, vector<16xf32>,
      %get3A_467 = arith.index_cast %scan3A_152 : i32 to index
      %get3A_468 = arith.constant 400 : index
      %get3A_469 = tpu.vector_load %arg14[%get3A_467, %get3A_468] {strides = array<i32>} : memref<16x1024xf32, #tpu.memory_space<vmem>>, vector<16xf32>,
      %mul3A_470 = arith.mulf %get3A_158, %get3A_466 : vector<16xf32>
      %mul3A_471 = arith.mulf %get3A_164, %get3A_469 : vector<16xf32>
      %add3A_472 = arith.addf %mul3A_470, %mul3A_471 : vector<16xf32>
      %swap3A_473 = arith.index_cast %scan3A_152 : i32 to index
      %swap3A_474 = arith.constant 400 : index
      %swap3A_475 = tpu.vector_load %arg16[%swap3A_473, %swap3A_474] {strides = array<i32>} : memref<16x1024xf32, #tpu.memory_space<vmem>>, vector<16xf32>,
      tpu.vector_store %arg16[%swap3A_473, %swap3A_474], %add3A_472 {strides = array<i32>} : memref<16x1024xf32, #tpu.memory_space<vmem>>, vector<16xf32>,
      %get3A_476 = arith.index_cast %scan3A_152 : i32 to index
      %get3A_477 = arith.constant 416 : index
      %get3A_478 = tpu.vector_load %arg12[%get3A_476, %get3A_477] {strides = array<i32>} : memref<16x1024xf32, #tpu.memory_space<vmem>>, vector<16xf32>,
      %get3A_479 = arith.index_cast %scan3A_152 : i32 to index
      %get3A_480 = arith.constant 416 : index
      %get3A_481 = tpu.vector_load %arg14[%get3A_479, %get3A_480] {strides = array<i32>} : memref<16x1024xf32, #tpu.memory_space<vmem>>, vector<16xf32>,
      %mul3A_482 = arith.mulf %get3A_158, %get3A_478 : vector<16xf32>
      %mul3A_483 = arith.mulf %get3A_164, %get3A_481 : vector<16xf32>
      %add3A_484 = arith.addf %mul3A_482, %mul3A_483 : vector<16xf32>
      %swap3A_485 = arith.index_cast %scan3A_152 : i32 to index
      %swap3A_486 = arith.constant 416 : index
      %swap3A_487 = tpu.vector_load %arg16[%swap3A_485, %swap3A_486] {strides = array<i32>} : memref<16x1024xf32, #tpu.memory_space<vmem>>, vector<16xf32>,
      tpu.vector_store %arg16[%swap3A_485, %swap3A_486], %add3A_484 {strides = array<i32>} : memref<16x1024xf32, #tpu.memory_space<vmem>>, vector<16xf32>,
      %get3A_488 = arith.index_cast %scan3A_152 : i32 to index
      %get3A_489 = arith.constant 432 : index
      %get3A_490 = tpu.vector_load %arg12[%get3A_488, %get3A_489] {strides = array<i32>} : memref<16x1024xf32, #tpu.memory_space<vmem>>, vector<16xf32>,
      %get3A_491 = arith.index_cast %scan3A_152 : i32 to index
      %get3A_492 = arith.constant 432 : index
      %get3A_493 = tpu.vector_load %arg14[%get3A_491, %get3A_492] {strides = array<i32>} : memref<16x1024xf32, #tpu.memory_space<vmem>>, vector<16xf32>,
      %mul3A_494 = arith.mulf %get3A_158, %get3A_490 : vector<16xf32>
      %mul3A_495 = arith.mulf %get3A_164, %get3A_493 : vector<16xf32>
      %add3A_496 = arith.addf %mul3A_494, %mul3A_495 : vector<16xf32>
      %swap3A_497 = arith.index_cast %scan3A_152 : i32 to index
      %swap3A_498 = arith.constant 432 : index
      %swap3A_499 = tpu.vector_load %arg16[%swap3A_497, %swap3A_498] {strides = array<i32>} : memref<16x1024xf32, #tpu.memory_space<vmem>>, vector<16xf32>,
      tpu.vector_store %arg16[%swap3A_497, %swap3A_498], %add3A_496 {strides = array<i32>} : memref<16x1024xf32, #tpu.memory_space<vmem>>, vector<16xf32>,
      %get3A_500 = arith.index_cast %scan3A_152 : i32 to index
      %get3A_501 = arith.constant 448 : index
      %get3A_502 = tpu.vector_load %arg12[%get3A_500, %get3A_501] {strides = array<i32>} : memref<16x1024xf32, #tpu.memory_space<vmem>>, vector<16xf32>,
      %get3A_503 = arith.index_cast %scan3A_152 : i32 to index
      %get3A_504 = arith.constant 448 : index
      %get3A_505 = tpu.vector_load %arg14[%get3A_503, %get3A_504] {strides = array<i32>} : memref<16x1024xf32, #tpu.memory_space<vmem>>, vector<16xf32>,
      %mul3A_506 = arith.mulf %get3A_158, %get3A_502 : vector<16xf32>
      %mul3A_507 = arith.mulf %get3A_164, %get3A_505 : vector<16xf32>
      %add3A_508 = arith.addf %mul3A_506, %mul3A_507 : vector<16xf32>
      %swap3A_509 = arith.index_cast %scan3A_152 : i32 to index
      %swap3A_510 = arith.constant 448 : index
      %swap3A_511 = tpu.vector_load %arg16[%swap3A_509, %swap3A_510] {strides = array<i32>} : memref<16x1024xf32, #tpu.memory_space<vmem>>, vector<16xf32>,
      tpu.vector_store %arg16[%swap3A_509, %swap3A_510], %add3A_508 {strides = array<i32>} : memref<16x1024xf32, #tpu.memory_space<vmem>>, vector<16xf32>,
      %get3A_512 = arith.index_cast %scan3A_152 : i32 to index
      %get3A_513 = arith.constant 464 : index
      %get3A_514 = tpu.vector_load %arg12[%get3A_512, %get3A_513] {strides = array<i32>} : memref<16x1024xf32, #tpu.memory_space<vmem>>, vector<16xf32>,
      %get3A_515 = arith.index_cast %scan3A_152 : i32 to index
      %get3A_516 = arith.constant 464 : index
      %get3A_517 = tpu.vector_load %arg14[%get3A_515, %get3A_516] {strides = array<i32>} : memref<16x1024xf32, #tpu.memory_space<vmem>>, vector<16xf32>,
      %mul3A_518 = arith.mulf %get3A_158, %get3A_514 : vector<16xf32>
      %mul3A_519 = arith.mulf %get3A_164, %get3A_517 : vector<16xf32>
      %add3A_520 = arith.addf %mul3A_518, %mul3A_519 : vector<16xf32>
      %swap3A_521 = arith.index_cast %scan3A_152 : i32 to index
      %swap3A_522 = arith.constant 464 : index
      %swap3A_523 = tpu.vector_load %arg16[%swap3A_521, %swap3A_522] {strides = array<i32>} : memref<16x1024xf32, #tpu.memory_space<vmem>>, vector<16xf32>,
      tpu.vector_store %arg16[%swap3A_521, %swap3A_522], %add3A_520 {strides = array<i32>} : memref<16x1024xf32, #tpu.memory_space<vmem>>, vector<16xf32>,
      %get3A_524 = arith.index_cast %scan3A_152 : i32 to index
      %get3A_525 = arith.constant 480 : index
      %get3A_526 = tpu.vector_load %arg12[%get3A_524, %get3A_525] {strides = array<i32>} : memref<16x1024xf32, #tpu.memory_space<vmem>>, vector<16xf32>,
      %get3A_527 = arith.index_cast %scan3A_152 : i32 to index
      %get3A_528 = arith.constant 480 : index
      %get3A_529 = tpu.vector_load %arg14[%get3A_527, %get3A_528] {strides = array<i32>} : memref<16x1024xf32, #tpu.memory_space<vmem>>, vector<16xf32>,
      %mul3A_530 = arith.mulf %get3A_158, %get3A_526 : vector<16xf32>
      %mul3A_531 = arith.mulf %get3A_164, %get3A_529 : vector<16xf32>
      %add3A_532 = arith.addf %mul3A_530, %mul3A_531 : vector<16xf32>
      %swap3A_533 = arith.index_cast %scan3A_152 : i32 to index
      %swap3A_534 = arith.constant 480 : index
      %swap3A_535 = tpu.vector_load %arg16[%swap3A_533, %swap3A_534] {strides = array<i32>} : memref<16x1024xf32, #tpu.memory_space<vmem>>, vector<16xf32>,
      tpu.vector_store %arg16[%swap3A_533, %swap3A_534], %add3A_532 {strides = array<i32>} : memref<16x1024xf32, #tpu.memory_space<vmem>>, vector<16xf32>,
      %get3A_536 = arith.index_cast %scan3A_152 : i32 to index
      %get3A_537 = arith.constant 496 : index
      %get3A_538 = tpu.vector_load %arg12[%get3A_536, %get3A_537] {strides = array<i32>} : memref<16x1024xf32, #tpu.memory_space<vmem>>, vector<16xf32>,
      %get3A_539 = arith.index_cast %scan3A_152 : i32 to index
      %get3A_540 = arith.constant 496 : index
      %get3A_541 = tpu.vector_load %arg14[%get3A_539, %get3A_540] {strides = array<i32>} : memref<16x1024xf32, #tpu.memory_space<vmem>>, vector<16xf32>,
      %mul3A_542 = arith.mulf %get3A_158, %get3A_538 : vector<16xf32>
      %mul3A_543 = arith.mulf %get3A_164, %get3A_541 : vector<16xf32>
      %add3A_544 = arith.addf %mul3A_542, %mul3A_543 : vector<16xf32>
      %swap3A_545 = arith.index_cast %scan3A_152 : i32 to index
      %swap3A_546 = arith.constant 496 : index
      %swap3A_547 = tpu.vector_load %arg16[%swap3A_545, %swap3A_546] {strides = array<i32>} : memref<16x1024xf32, #tpu.memory_space<vmem>>, vector<16xf32>,
      tpu.vector_store %arg16[%swap3A_545, %swap3A_546], %add3A_544 {strides = array<i32>} : memref<16x1024xf32, #tpu.memory_space<vmem>>, vector<16xf32>,
      %get3A_548 = arith.index_cast %scan3A_152 : i32 to index
      %get3A_549 = arith.constant 512 : index
      %get3A_550 = tpu.vector_load %arg12[%get3A_548, %get3A_549] {strides = array<i32>} : memref<16x1024xf32, #tpu.memory_space<vmem>>, vector<16xf32>,
      %get3A_551 = arith.index_cast %scan3A_152 : i32 to index
      %get3A_552 = arith.constant 512 : index
      %get3A_553 = tpu.vector_load %arg14[%get3A_551, %get3A_552] {strides = array<i32>} : memref<16x1024xf32, #tpu.memory_space<vmem>>, vector<16xf32>,
      %mul3A_554 = arith.mulf %get3A_158, %get3A_550 : vector<16xf32>
      %mul3A_555 = arith.mulf %get3A_164, %get3A_553 : vector<16xf32>
      %add3A_556 = arith.addf %mul3A_554, %mul3A_555 : vector<16xf32>
      %swap3A_557 = arith.index_cast %scan3A_152 : i32 to index
      %swap3A_558 = arith.constant 512 : index
      %swap3A_559 = tpu.vector_load %arg16[%swap3A_557, %swap3A_558] {strides = array<i32>} : memref<16x1024xf32, #tpu.memory_space<vmem>>, vector<16xf32>,
      tpu.vector_store %arg16[%swap3A_557, %swap3A_558], %add3A_556 {strides = array<i32>} : memref<16x1024xf32, #tpu.memory_space<vmem>>, vector<16xf32>,
      %get3A_560 = arith.index_cast %scan3A_152 : i32 to index
      %get3A_561 = arith.constant 528 : index
      %get3A_562 = tpu.vector_load %arg12[%get3A_560, %get3A_561] {strides = array<i32>} : memref<16x1024xf32, #tpu.memory_space<vmem>>, vector<16xf32>,
      %get3A_563 = arith.index_cast %scan3A_152 : i32 to index
      %get3A_564 = arith.constant 528 : index
      %get3A_565 = tpu.vector_load %arg14[%get3A_563, %get3A_564] {strides = array<i32>} : memref<16x1024xf32, #tpu.memory_space<vmem>>, vector<16xf32>,
      %mul3A_566 = arith.mulf %get3A_158, %get3A_562 : vector<16xf32>
      %mul3A_567 = arith.mulf %get3A_164, %get3A_565 : vector<16xf32>
      %add3A_568 = arith.addf %mul3A_566, %mul3A_567 : vector<16xf32>
      %swap3A_569 = arith.index_cast %scan3A_152 : i32 to index
      %swap3A_570 = arith.constant 528 : index
      %swap3A_571 = tpu.vector_load %arg16[%swap3A_569, %swap3A_570] {strides = array<i32>} : memref<16x1024xf32, #tpu.memory_space<vmem>>, vector<16xf32>,
      tpu.vector_store %arg16[%swap3A_569, %swap3A_570], %add3A_568 {strides = array<i32>} : memref<16x1024xf32, #tpu.memory_space<vmem>>, vector<16xf32>,
      %get3A_572 = arith.index_cast %scan3A_152 : i32 to index
      %get3A_573 = arith.constant 544 : index
      %get3A_574 = tpu.vector_load %arg12[%get3A_572, %get3A_573] {strides = array<i32>} : memref<16x1024xf32, #tpu.memory_space<vmem>>, vector<16xf32>,
      %get3A_575 = arith.index_cast %scan3A_152 : i32 to index
      %get3A_576 = arith.constant 544 : index
      %get3A_577 = tpu.vector_load %arg14[%get3A_575, %get3A_576] {strides = array<i32>} : memref<16x1024xf32, #tpu.memory_space<vmem>>, vector<16xf32>,
      %mul3A_578 = arith.mulf %get3A_158, %get3A_574 : vector<16xf32>
      %mul3A_579 = arith.mulf %get3A_164, %get3A_577 : vector<16xf32>
      %add3A_580 = arith.addf %mul3A_578, %mul3A_579 : vector<16xf32>
      %swap3A_581 = arith.index_cast %scan3A_152 : i32 to index
      %swap3A_582 = arith.constant 544 : index
      %swap3A_583 = tpu.vector_load %arg16[%swap3A_581, %swap3A_582] {strides = array<i32>} : memref<16x1024xf32, #tpu.memory_space<vmem>>, vector<16xf32>,
      tpu.vector_store %arg16[%swap3A_581, %swap3A_582], %add3A_580 {strides = array<i32>} : memref<16x1024xf32, #tpu.memory_space<vmem>>, vector<16xf32>,
      %get3A_584 = arith.index_cast %scan3A_152 : i32 to index
      %get3A_585 = arith.constant 560 : index
      %get3A_586 = tpu.vector_load %arg12[%get3A_584, %get3A_585] {strides = array<i32>} : memref<16x1024xf32, #tpu.memory_space<vmem>>, vector<16xf32>,
      %get3A_587 = arith.index_cast %scan3A_152 : i32 to index
      %get3A_588 = arith.constant 560 : index
      %get3A_589 = tpu.vector_load %arg14[%get3A_587, %get3A_588] {strides = array<i32>} : memref<16x1024xf32, #tpu.memory_space<vmem>>, vector<16xf32>,
      %mul3A_590 = arith.mulf %get3A_158, %get3A_586 : vector<16xf32>
      %mul3A_591 = arith.mulf %get3A_164, %get3A_589 : vector<16xf32>
      %add3A_592 = arith.addf %mul3A_590, %mul3A_591 : vector<16xf32>
      %swap3A_593 = arith.index_cast %scan3A_152 : i32 to index
      %swap3A_594 = arith.constant 560 : index
      %swap3A_595 = tpu.vector_load %arg16[%swap3A_593, %swap3A_594] {strides = array<i32>} : memref<16x1024xf32, #tpu.memory_space<vmem>>, vector<16xf32>,
      tpu.vector_store %arg16[%swap3A_593, %swap3A_594], %add3A_592 {strides = array<i32>} : memref<16x1024xf32, #tpu.memory_space<vmem>>, vector<16xf32>,
      %get3A_596 = arith.index_cast %scan3A_152 : i32 to index
      %get3A_597 = arith.constant 576 : index
      %get3A_598 = tpu.vector_load %arg12[%get3A_596, %get3A_597] {strides = array<i32>} : memref<16x1024xf32, #tpu.memory_space<vmem>>, vector<16xf32>,
      %get3A_599 = arith.index_cast %scan3A_152 : i32 to index
      %get3A_600 = arith.constant 576 : index
      %get3A_601 = tpu.vector_load %arg14[%get3A_599, %get3A_600] {strides = array<i32>} : memref<16x1024xf32, #tpu.memory_space<vmem>>, vector<16xf32>,
      %mul3A_602 = arith.mulf %get3A_158, %get3A_598 : vector<16xf32>
      %mul3A_603 = arith.mulf %get3A_164, %get3A_601 : vector<16xf32>
      %add3A_604 = arith.addf %mul3A_602, %mul3A_603 : vector<16xf32>
      %swap3A_605 = arith.index_cast %scan3A_152 : i32 to index
      %swap3A_606 = arith.constant 576 : index
      %swap3A_607 = tpu.vector_load %arg16[%swap3A_605, %swap3A_606] {strides = array<i32>} : memref<16x1024xf32, #tpu.memory_space<vmem>>, vector<16xf32>,
      tpu.vector_store %arg16[%swap3A_605, %swap3A_606], %add3A_604 {strides = array<i32>} : memref<16x1024xf32, #tpu.memory_space<vmem>>, vector<16xf32>,
      %get3A_608 = arith.index_cast %scan3A_152 : i32 to index
      %get3A_609 = arith.constant 592 : index
      %get3A_610 = tpu.vector_load %arg12[%get3A_608, %get3A_609] {strides = array<i32>} : memref<16x1024xf32, #tpu.memory_space<vmem>>, vector<16xf32>,
      %get3A_611 = arith.index_cast %scan3A_152 : i32 to index
      %get3A_612 = arith.constant 592 : index
      %get3A_613 = tpu.vector_load %arg14[%get3A_611, %get3A_612] {strides = array<i32>} : memref<16x1024xf32, #tpu.memory_space<vmem>>, vector<16xf32>,
      %mul3A_614 = arith.mulf %get3A_158, %get3A_610 : vector<16xf32>
      %mul3A_615 = arith.mulf %get3A_164, %get3A_613 : vector<16xf32>
      %add3A_616 = arith.addf %mul3A_614, %mul3A_615 : vector<16xf32>
      %swap3A_617 = arith.index_cast %scan3A_152 : i32 to index
      %swap3A_618 = arith.constant 592 : index
      %swap3A_619 = tpu.vector_load %arg16[%swap3A_617, %swap3A_618] {strides = array<i32>} : memref<16x1024xf32, #tpu.memory_space<vmem>>, vector<16xf32>,
      tpu.vector_store %arg16[%swap3A_617, %swap3A_618], %add3A_616 {strides = array<i32>} : memref<16x1024xf32, #tpu.memory_space<vmem>>, vector<16xf32>,
      %get3A_620 = arith.index_cast %scan3A_152 : i32 to index
      %get3A_621 = arith.constant 608 : index
      %get3A_622 = tpu.vector_load %arg12[%get3A_620, %get3A_621] {strides = array<i32>} : memref<16x1024xf32, #tpu.memory_space<vmem>>, vector<16xf32>,
      %get3A_623 = arith.index_cast %scan3A_152 : i32 to index
      %get3A_624 = arith.constant 608 : index
      %get3A_625 = tpu.vector_load %arg14[%get3A_623, %get3A_624] {strides = array<i32>} : memref<16x1024xf32, #tpu.memory_space<vmem>>, vector<16xf32>,
      %mul3A_626 = arith.mulf %get3A_158, %get3A_622 : vector<16xf32>
      %mul3A_627 = arith.mulf %get3A_164, %get3A_625 : vector<16xf32>
      %add3A_628 = arith.addf %mul3A_626, %mul3A_627 : vector<16xf32>
      %swap3A_629 = arith.index_cast %scan3A_152 : i32 to index
      %swap3A_630 = arith.constant 608 : index
      %swap3A_631 = tpu.vector_load %arg16[%swap3A_629, %swap3A_630] {strides = array<i32>} : memref<16x1024xf32, #tpu.memory_space<vmem>>, vector<16xf32>,
      tpu.vector_store %arg16[%swap3A_629, %swap3A_630], %add3A_628 {strides = array<i32>} : memref<16x1024xf32, #tpu.memory_space<vmem>>, vector<16xf32>,
      %get3A_632 = arith.index_cast %scan3A_152 : i32 to index
      %get3A_633 = arith.constant 624 : index
      %get3A_634 = tpu.vector_load %arg12[%get3A_632, %get3A_633] {strides = array<i32>} : memref<16x1024xf32, #tpu.memory_space<vmem>>, vector<16xf32>,
      %get3A_635 = arith.index_cast %scan3A_152 : i32 to index
      %get3A_636 = arith.constant 624 : index
      %get3A_637 = tpu.vector_load %arg14[%get3A_635, %get3A_636] {strides = array<i32>} : memref<16x1024xf32, #tpu.memory_space<vmem>>, vector<16xf32>,
      %mul3A_638 = arith.mulf %get3A_158, %get3A_634 : vector<16xf32>
      %mul3A_639 = arith.mulf %get3A_164, %get3A_637 : vector<16xf32>
      %add3A_640 = arith.addf %mul3A_638, %mul3A_639 : vector<16xf32>
      %swap3A_641 = arith.index_cast %scan3A_152 : i32 to index
      %swap3A_642 = arith.constant 624 : index
      %swap3A_643 = tpu.vector_load %arg16[%swap3A_641, %swap3A_642] {strides = array<i32>} : memref<16x1024xf32, #tpu.memory_space<vmem>>, vector<16xf32>,
      tpu.vector_store %arg16[%swap3A_641, %swap3A_642], %add3A_640 {strides = array<i32>} : memref<16x1024xf32, #tpu.memory_space<vmem>>, vector<16xf32>,
      %get3A_644 = arith.index_cast %scan3A_152 : i32 to index
      %get3A_645 = arith.constant 640 : index
      %get3A_646 = tpu.vector_load %arg12[%get3A_644, %get3A_645] {strides = array<i32>} : memref<16x1024xf32, #tpu.memory_space<vmem>>, vector<16xf32>,
      %get3A_647 = arith.index_cast %scan3A_152 : i32 to index
      %get3A_648 = arith.constant 640 : index
      %get3A_649 = tpu.vector_load %arg14[%get3A_647, %get3A_648] {strides = array<i32>} : memref<16x1024xf32, #tpu.memory_space<vmem>>, vector<16xf32>,
      %mul3A_650 = arith.mulf %get3A_158, %get3A_646 : vector<16xf32>
      %mul3A_651 = arith.mulf %get3A_164, %get3A_649 : vector<16xf32>
      %add3A_652 = arith.addf %mul3A_650, %mul3A_651 : vector<16xf32>
      %swap3A_653 = arith.index_cast %scan3A_152 : i32 to index
      %swap3A_654 = arith.constant 640 : index
      %swap3A_655 = tpu.vector_load %arg16[%swap3A_653, %swap3A_654] {strides = array<i32>} : memref<16x1024xf32, #tpu.memory_space<vmem>>, vector<16xf32>,
      tpu.vector_store %arg16[%swap3A_653, %swap3A_654], %add3A_652 {strides = array<i32>} : memref<16x1024xf32, #tpu.memory_space<vmem>>, vector<16xf32>,
      %get3A_656 = arith.index_cast %scan3A_152 : i32 to index
      %get3A_657 = arith.constant 656 : index
      %get3A_658 = tpu.vector_load %arg12[%get3A_656, %get3A_657] {strides = array<i32>} : memref<16x1024xf32, #tpu.memory_space<vmem>>, vector<16xf32>,
      %get3A_659 = arith.index_cast %scan3A_152 : i32 to index
      %get3A_660 = arith.constant 656 : index
      %get3A_661 = tpu.vector_load %arg14[%get3A_659, %get3A_660] {strides = array<i32>} : memref<16x1024xf32, #tpu.memory_space<vmem>>, vector<16xf32>,
      %mul3A_662 = arith.mulf %get3A_158, %get3A_658 : vector<16xf32>
      %mul3A_663 = arith.mulf %get3A_164, %get3A_661 : vector<16xf32>
      %add3A_664 = arith.addf %mul3A_662, %mul3A_663 : vector<16xf32>
      %swap3A_665 = arith.index_cast %scan3A_152 : i32 to index
      %swap3A_666 = arith.constant 656 : index
      %swap3A_667 = tpu.vector_load %arg16[%swap3A_665, %swap3A_666] {strides = array<i32>} : memref<16x1024xf32, #tpu.memory_space<vmem>>, vector<16xf32>,
      tpu.vector_store %arg16[%swap3A_665, %swap3A_666], %add3A_664 {strides = array<i32>} : memref<16x1024xf32, #tpu.memory_space<vmem>>, vector<16xf32>,
      %get3A_668 = arith.index_cast %scan3A_152 : i32 to index
      %get3A_669 = arith.constant 672 : index
      %get3A_670 = tpu.vector_load %arg12[%get3A_668, %get3A_669] {strides = array<i32>} : memref<16x1024xf32, #tpu.memory_space<vmem>>, vector<16xf32>,
      %get3A_671 = arith.index_cast %scan3A_152 : i32 to index
      %get3A_672 = arith.constant 672 : index
      %get3A_673 = tpu.vector_load %arg14[%get3A_671, %get3A_672] {strides = array<i32>} : memref<16x1024xf32, #tpu.memory_space<vmem>>, vector<16xf32>,
      %mul3A_674 = arith.mulf %get3A_158, %get3A_670 : vector<16xf32>
      %mul3A_675 = arith.mulf %get3A_164, %get3A_673 : vector<16xf32>
      %add3A_676 = arith.addf %mul3A_674, %mul3A_675 : vector<16xf32>
      %swap3A_677 = arith.index_cast %scan3A_152 : i32 to index
      %swap3A_678 = arith.constant 672 : index
      %swap3A_679 = tpu.vector_load %arg16[%swap3A_677, %swap3A_678] {strides = array<i32>} : memref<16x1024xf32, #tpu.memory_space<vmem>>, vector<16xf32>,
      tpu.vector_store %arg16[%swap3A_677, %swap3A_678], %add3A_676 {strides = array<i32>} : memref<16x1024xf32, #tpu.memory_space<vmem>>, vector<16xf32>,
      %get3A_680 = arith.index_cast %scan3A_152 : i32 to index
      %get3A_681 = arith.constant 688 : index
      %get3A_682 = tpu.vector_load %arg12[%get3A_680, %get3A_681] {strides = array<i32>} : memref<16x1024xf32, #tpu.memory_space<vmem>>, vector<16xf32>,
      %get3A_683 = arith.index_cast %scan3A_152 : i32 to index
      %get3A_684 = arith.constant 688 : index
      %get3A_685 = tpu.vector_load %arg14[%get3A_683, %get3A_684] {strides = array<i32>} : memref<16x1024xf32, #tpu.memory_space<vmem>>, vector<16xf32>,
      %mul3A_686 = arith.mulf %get3A_158, %get3A_682 : vector<16xf32>
      %mul3A_687 = arith.mulf %get3A_164, %get3A_685 : vector<16xf32>
      %add3A_688 = arith.addf %mul3A_686, %mul3A_687 : vector<16xf32>
      %swap3A_689 = arith.index_cast %scan3A_152 : i32 to index
      %swap3A_690 = arith.constant 688 : index
      %swap3A_691 = tpu.vector_load %arg16[%swap3A_689, %swap3A_690] {strides = array<i32>} : memref<16x1024xf32, #tpu.memory_space<vmem>>, vector<16xf32>,
      tpu.vector_store %arg16[%swap3A_689, %swap3A_690], %add3A_688 {strides = array<i32>} : memref<16x1024xf32, #tpu.memory_space<vmem>>, vector<16xf32>,
      %get3A_692 = arith.index_cast %scan3A_152 : i32 to index
      %get3A_693 = arith.constant 704 : index
      %get3A_694 = tpu.vector_load %arg12[%get3A_692, %get3A_693] {strides = array<i32>} : memref<16x1024xf32, #tpu.memory_space<vmem>>, vector<16xf32>,
      %get3A_695 = arith.index_cast %scan3A_152 : i32 to index
      %get3A_696 = arith.constant 704 : index
      %get3A_697 = tpu.vector_load %arg14[%get3A_695, %get3A_696] {strides = array<i32>} : memref<16x1024xf32, #tpu.memory_space<vmem>>, vector<16xf32>,
      %mul3A_698 = arith.mulf %get3A_158, %get3A_694 : vector<16xf32>
      %mul3A_699 = arith.mulf %get3A_164, %get3A_697 : vector<16xf32>
      %add3A_700 = arith.addf %mul3A_698, %mul3A_699 : vector<16xf32>
      %swap3A_701 = arith.index_cast %scan3A_152 : i32 to index
      %swap3A_702 = arith.constant 704 : index
      %swap3A_703 = tpu.vector_load %arg16[%swap3A_701, %swap3A_702] {strides = array<i32>} : memref<16x1024xf32, #tpu.memory_space<vmem>>, vector<16xf32>,
      tpu.vector_store %arg16[%swap3A_701, %swap3A_702], %add3A_700 {strides = array<i32>} : memref<16x1024xf32, #tpu.memory_space<vmem>>, vector<16xf32>,
      %get3A_704 = arith.index_cast %scan3A_152 : i32 to index
      %get3A_705 = arith.constant 720 : index
      %get3A_706 = tpu.vector_load %arg12[%get3A_704, %get3A_705] {strides = array<i32>} : memref<16x1024xf32, #tpu.memory_space<vmem>>, vector<16xf32>,
      %get3A_707 = arith.index_cast %scan3A_152 : i32 to index
      %get3A_708 = arith.constant 720 : index
      %get3A_709 = tpu.vector_load %arg14[%get3A_707, %get3A_708] {strides = array<i32>} : memref<16x1024xf32, #tpu.memory_space<vmem>>, vector<16xf32>,
      %mul3A_710 = arith.mulf %get3A_158, %get3A_706 : vector<16xf32>
      %mul3A_711 = arith.mulf %get3A_164, %get3A_709 : vector<16xf32>
      %add3A_712 = arith.addf %mul3A_710, %mul3A_711 : vector<16xf32>
      %swap3A_713 = arith.index_cast %scan3A_152 : i32 to index
      %swap3A_714 = arith.constant 720 : index
      %swap3A_715 = tpu.vector_load %arg16[%swap3A_713, %swap3A_714] {strides = array<i32>} : memref<16x1024xf32, #tpu.memory_space<vmem>>, vector<16xf32>,
      tpu.vector_store %arg16[%swap3A_713, %swap3A_714], %add3A_712 {strides = array<i32>} : memref<16x1024xf32, #tpu.memory_space<vmem>>, vector<16xf32>,
      %get3A_716 = arith.index_cast %scan3A_152 : i32 to index
      %get3A_717 = arith.constant 736 : index
      %get3A_718 = tpu.vector_load %arg12[%get3A_716, %get3A_717] {strides = array<i32>} : memref<16x1024xf32, #tpu.memory_space<vmem>>, vector<16xf32>,
      %get3A_719 = arith.index_cast %scan3A_152 : i32 to index
      %get3A_720 = arith.constant 736 : index
      %get3A_721 = tpu.vector_load %arg14[%get3A_719, %get3A_720] {strides = array<i32>} : memref<16x1024xf32, #tpu.memory_space<vmem>>, vector<16xf32>,
      %mul3A_722 = arith.mulf %get3A_158, %get3A_718 : vector<16xf32>
      %mul3A_723 = arith.mulf %get3A_164, %get3A_721 : vector<16xf32>
      %add3A_724 = arith.addf %mul3A_722, %mul3A_723 : vector<16xf32>
      %swap3A_725 = arith.index_cast %scan3A_152 : i32 to index
      %swap3A_726 = arith.constant 736 : index
      %swap3A_727 = tpu.vector_load %arg16[%swap3A_725, %swap3A_726] {strides = array<i32>} : memref<16x1024xf32, #tpu.memory_space<vmem>>, vector<16xf32>,
      tpu.vector_store %arg16[%swap3A_725, %swap3A_726], %add3A_724 {strides = array<i32>} : memref<16x1024xf32, #tpu.memory_space<vmem>>, vector<16xf32>,
      %get3A_728 = arith.index_cast %scan3A_152 : i32 to index
      %get3A_729 = arith.constant 752 : index
      %get3A_730 = tpu.vector_load %arg12[%get3A_728, %get3A_729] {strides = array<i32>} : memref<16x1024xf32, #tpu.memory_space<vmem>>, vector<16xf32>,
      %get3A_731 = arith.index_cast %scan3A_152 : i32 to index
      %get3A_732 = arith.constant 752 : index
      %get3A_733 = tpu.vector_load %arg14[%get3A_731, %get3A_732] {strides = array<i32>} : memref<16x1024xf32, #tpu.memory_space<vmem>>, vector<16xf32>,
      %mul3A_734 = arith.mulf %get3A_158, %get3A_730 : vector<16xf32>
      %mul3A_735 = arith.mulf %get3A_164, %get3A_733 : vector<16xf32>
      %add3A_736 = arith.addf %mul3A_734, %mul3A_735 : vector<16xf32>
      %swap3A_737 = arith.index_cast %scan3A_152 : i32 to index
      %swap3A_738 = arith.constant 752 : index
      %swap3A_739 = tpu.vector_load %arg16[%swap3A_737, %swap3A_738] {strides = array<i32>} : memref<16x1024xf32, #tpu.memory_space<vmem>>, vector<16xf32>,
      tpu.vector_store %arg16[%swap3A_737, %swap3A_738], %add3A_736 {strides = array<i32>} : memref<16x1024xf32, #tpu.memory_space<vmem>>, vector<16xf32>,
      %get3A_740 = arith.index_cast %scan3A_152 : i32 to index
      %get3A_741 = arith.constant 768 : index
      %get3A_742 = tpu.vector_load %arg12[%get3A_740, %get3A_741] {strides = array<i32>} : memref<16x1024xf32, #tpu.memory_space<vmem>>, vector<16xf32>,
      %get3A_743 = arith.index_cast %scan3A_152 : i32 to index
      %get3A_744 = arith.constant 768 : index
      %get3A_745 = tpu.vector_load %arg14[%get3A_743, %get3A_744] {strides = array<i32>} : memref<16x1024xf32, #tpu.memory_space<vmem>>, vector<16xf32>,
      %mul3A_746 = arith.mulf %get3A_158, %get3A_742 : vector<16xf32>
      %mul3A_747 = arith.mulf %get3A_164, %get3A_745 : vector<16xf32>
      %add3A_748 = arith.addf %mul3A_746, %mul3A_747 : vector<16xf32>
      %swap3A_749 = arith.index_cast %scan3A_152 : i32 to index
      %swap3A_750 = arith.constant 768 : index
      %swap3A_751 = tpu.vector_load %arg16[%swap3A_749, %swap3A_750] {strides = array<i32>} : memref<16x1024xf32, #tpu.memory_space<vmem>>, vector<16xf32>,
      tpu.vector_store %arg16[%swap3A_749, %swap3A_750], %add3A_748 {strides = array<i32>} : memref<16x1024xf32, #tpu.memory_space<vmem>>, vector<16xf32>,
      %get3A_752 = arith.index_cast %scan3A_152 : i32 to index
      %get3A_753 = arith.constant 784 : index
      %get3A_754 = tpu.vector_load %arg12[%get3A_752, %get3A_753] {strides = array<i32>} : memref<16x1024xf32, #tpu.memory_space<vmem>>, vector<16xf32>,
      %get3A_755 = arith.index_cast %scan3A_152 : i32 to index
      %get3A_756 = arith.constant 784 : index
      %get3A_757 = tpu.vector_load %arg14[%get3A_755, %get3A_756] {strides = array<i32>} : memref<16x1024xf32, #tpu.memory_space<vmem>>, vector<16xf32>,
      %mul3A_758 = arith.mulf %get3A_158, %get3A_754 : vector<16xf32>
      %mul3A_759 = arith.mulf %get3A_164, %get3A_757 : vector<16xf32>
      %add3A_760 = arith.addf %mul3A_758, %mul3A_759 : vector<16xf32>
      %swap3A_761 = arith.index_cast %scan3A_152 : i32 to index
      %swap3A_762 = arith.constant 784 : index
      %swap3A_763 = tpu.vector_load %arg16[%swap3A_761, %swap3A_762] {strides = array<i32>} : memref<16x1024xf32, #tpu.memory_space<vmem>>, vector<16xf32>,
      tpu.vector_store %arg16[%swap3A_761, %swap3A_762], %add3A_760 {strides = array<i32>} : memref<16x1024xf32, #tpu.memory_space<vmem>>, vector<16xf32>,
      %get3A_764 = arith.index_cast %scan3A_152 : i32 to index
      %get3A_765 = arith.constant 800 : index
      %get3A_766 = tpu.vector_load %arg12[%get3A_764, %get3A_765] {strides = array<i32>} : memref<16x1024xf32, #tpu.memory_space<vmem>>, vector<16xf32>,
      %get3A_767 = arith.index_cast %scan3A_152 : i32 to index
      %get3A_768 = arith.constant 800 : index
      %get3A_769 = tpu.vector_load %arg14[%get3A_767, %get3A_768] {strides = array<i32>} : memref<16x1024xf32, #tpu.memory_space<vmem>>, vector<16xf32>,
      %mul3A_770 = arith.mulf %get3A_158, %get3A_766 : vector<16xf32>
      %mul3A_771 = arith.mulf %get3A_164, %get3A_769 : vector<16xf32>
      %add3A_772 = arith.addf %mul3A_770, %mul3A_771 : vector<16xf32>
      %swap3A_773 = arith.index_cast %scan3A_152 : i32 to index
      %swap3A_774 = arith.constant 800 : index
      %swap3A_775 = tpu.vector_load %arg16[%swap3A_773, %swap3A_774] {strides = array<i32>} : memref<16x1024xf32, #tpu.memory_space<vmem>>, vector<16xf32>,
      tpu.vector_store %arg16[%swap3A_773, %swap3A_774], %add3A_772 {strides = array<i32>} : memref<16x1024xf32, #tpu.memory_space<vmem>>, vector<16xf32>,
      %get3A_776 = arith.index_cast %scan3A_152 : i32 to index
      %get3A_777 = arith.constant 816 : index
      %get3A_778 = tpu.vector_load %arg12[%get3A_776, %get3A_777] {strides = array<i32>} : memref<16x1024xf32, #tpu.memory_space<vmem>>, vector<16xf32>,
      %get3A_779 = arith.index_cast %scan3A_152 : i32 to index
      %get3A_780 = arith.constant 816 : index
      %get3A_781 = tpu.vector_load %arg14[%get3A_779, %get3A_780] {strides = array<i32>} : memref<16x1024xf32, #tpu.memory_space<vmem>>, vector<16xf32>,
      %mul3A_782 = arith.mulf %get3A_158, %get3A_778 : vector<16xf32>
      %mul3A_783 = arith.mulf %get3A_164, %get3A_781 : vector<16xf32>
      %add3A_784 = arith.addf %mul3A_782, %mul3A_783 : vector<16xf32>
      %swap3A_785 = arith.index_cast %scan3A_152 : i32 to index
      %swap3A_786 = arith.constant 816 : index
      %swap3A_787 = tpu.vector_load %arg16[%swap3A_785, %swap3A_786] {strides = array<i32>} : memref<16x1024xf32, #tpu.memory_space<vmem>>, vector<16xf32>,
      tpu.vector_store %arg16[%swap3A_785, %swap3A_786], %add3A_784 {strides = array<i32>} : memref<16x1024xf32, #tpu.memory_space<vmem>>, vector<16xf32>,
      %get3A_788 = arith.index_cast %scan3A_152 : i32 to index
      %get3A_789 = arith.constant 832 : index
      %get3A_790 = tpu.vector_load %arg12[%get3A_788, %get3A_789] {strides = array<i32>} : memref<16x1024xf32, #tpu.memory_space<vmem>>, vector<16xf32>,
      %get3A_791 = arith.index_cast %scan3A_152 : i32 to index
      %get3A_792 = arith.constant 832 : index
      %get3A_793 = tpu.vector_load %arg14[%get3A_791, %get3A_792] {strides = array<i32>} : memref<16x1024xf32, #tpu.memory_space<vmem>>, vector<16xf32>,
      %mul3A_794 = arith.mulf %get3A_158, %get3A_790 : vector<16xf32>
      %mul3A_795 = arith.mulf %get3A_164, %get3A_793 : vector<16xf32>
      %add3A_796 = arith.addf %mul3A_794, %mul3A_795 : vector<16xf32>
      %swap3A_797 = arith.index_cast %scan3A_152 : i32 to index
      %swap3A_798 = arith.constant 832 : index
      %swap3A_799 = tpu.vector_load %arg16[%swap3A_797, %swap3A_798] {strides = array<i32>} : memref<16x1024xf32, #tpu.memory_space<vmem>>, vector<16xf32>,
      tpu.vector_store %arg16[%swap3A_797, %swap3A_798], %add3A_796 {strides = array<i32>} : memref<16x1024xf32, #tpu.memory_space<vmem>>, vector<16xf32>,
      %get3A_800 = arith.index_cast %scan3A_152 : i32 to index
      %get3A_801 = arith.constant 848 : index
      %get3A_802 = tpu.vector_load %arg12[%get3A_800, %get3A_801] {strides = array<i32>} : memref<16x1024xf32, #tpu.memory_space<vmem>>, vector<16xf32>,
      %get3A_803 = arith.index_cast %scan3A_152 : i32 to index
      %get3A_804 = arith.constant 848 : index
      %get3A_805 = tpu.vector_load %arg14[%get3A_803, %get3A_804] {strides = array<i32>} : memref<16x1024xf32, #tpu.memory_space<vmem>>, vector<16xf32>,
      %mul3A_806 = arith.mulf %get3A_158, %get3A_802 : vector<16xf32>
      %mul3A_807 = arith.mulf %get3A_164, %get3A_805 : vector<16xf32>
      %add3A_808 = arith.addf %mul3A_806, %mul3A_807 : vector<16xf32>
      %swap3A_809 = arith.index_cast %scan3A_152 : i32 to index
      %swap3A_810 = arith.constant 848 : index
      %swap3A_811 = tpu.vector_load %arg16[%swap3A_809, %swap3A_810] {strides = array<i32>} : memref<16x1024xf32, #tpu.memory_space<vmem>>, vector<16xf32>,
      tpu.vector_store %arg16[%swap3A_809, %swap3A_810], %add3A_808 {strides = array<i32>} : memref<16x1024xf32, #tpu.memory_space<vmem>>, vector<16xf32>,
      %get3A_812 = arith.index_cast %scan3A_152 : i32 to index
      %get3A_813 = arith.constant 864 : index
      %get3A_814 = tpu.vector_load %arg12[%get3A_812, %get3A_813] {strides = array<i32>} : memref<16x1024xf32, #tpu.memory_space<vmem>>, vector<16xf32>,
      %get3A_815 = arith.index_cast %scan3A_152 : i32 to index
      %get3A_816 = arith.constant 864 : index
      %get3A_817 = tpu.vector_load %arg14[%get3A_815, %get3A_816] {strides = array<i32>} : memref<16x1024xf32, #tpu.memory_space<vmem>>, vector<16xf32>,
      %mul3A_818 = arith.mulf %get3A_158, %get3A_814 : vector<16xf32>
      %mul3A_819 = arith.mulf %get3A_164, %get3A_817 : vector<16xf32>
      %add3A_820 = arith.addf %mul3A_818, %mul3A_819 : vector<16xf32>
      %swap3A_821 = arith.index_cast %scan3A_152 : i32 to index
      %swap3A_822 = arith.constant 864 : index
      %swap3A_823 = tpu.vector_load %arg16[%swap3A_821, %swap3A_822] {strides = array<i32>} : memref<16x1024xf32, #tpu.memory_space<vmem>>, vector<16xf32>,
      tpu.vector_store %arg16[%swap3A_821, %swap3A_822], %add3A_820 {strides = array<i32>} : memref<16x1024xf32, #tpu.memory_space<vmem>>, vector<16xf32>,
      %get3A_824 = arith.index_cast %scan3A_152 : i32 to index
      %get3A_825 = arith.constant 880 : index
      %get3A_826 = tpu.vector_load %arg12[%get3A_824, %get3A_825] {strides = array<i32>} : memref<16x1024xf32, #tpu.memory_space<vmem>>, vector<16xf32>,
      %get3A_827 = arith.index_cast %scan3A_152 : i32 to index
      %get3A_828 = arith.constant 880 : index
      %get3A_829 = tpu.vector_load %arg14[%get3A_827, %get3A_828] {strides = array<i32>} : memref<16x1024xf32, #tpu.memory_space<vmem>>, vector<16xf32>,
      %mul3A_830 = arith.mulf %get3A_158, %get3A_826 : vector<16xf32>
      %mul3A_831 = arith.mulf %get3A_164, %get3A_829 : vector<16xf32>
      %add3A_832 = arith.addf %mul3A_830, %mul3A_831 : vector<16xf32>
      %swap3A_833 = arith.index_cast %scan3A_152 : i32 to index
      %swap3A_834 = arith.constant 880 : index
      %swap3A_835 = tpu.vector_load %arg16[%swap3A_833, %swap3A_834] {strides = array<i32>} : memref<16x1024xf32, #tpu.memory_space<vmem>>, vector<16xf32>,
      tpu.vector_store %arg16[%swap3A_833, %swap3A_834], %add3A_832 {strides = array<i32>} : memref<16x1024xf32, #tpu.memory_space<vmem>>, vector<16xf32>,
      %get3A_836 = arith.index_cast %scan3A_152 : i32 to index
      %get3A_837 = arith.constant 896 : index
      %get3A_838 = tpu.vector_load %arg12[%get3A_836, %get3A_837] {strides = array<i32>} : memref<16x1024xf32, #tpu.memory_space<vmem>>, vector<16xf32>,
      %get3A_839 = arith.index_cast %scan3A_152 : i32 to index
      %get3A_840 = arith.constant 896 : index
      %get3A_841 = tpu.vector_load %arg14[%get3A_839, %get3A_840] {strides = array<i32>} : memref<16x1024xf32, #tpu.memory_space<vmem>>, vector<16xf32>,
      %mul3A_842 = arith.mulf %get3A_158, %get3A_838 : vector<16xf32>
      %mul3A_843 = arith.mulf %get3A_164, %get3A_841 : vector<16xf32>
      %add3A_844 = arith.addf %mul3A_842, %mul3A_843 : vector<16xf32>
      %swap3A_845 = arith.index_cast %scan3A_152 : i32 to index
      %swap3A_846 = arith.constant 896 : index
      %swap3A_847 = tpu.vector_load %arg16[%swap3A_845, %swap3A_846] {strides = array<i32>} : memref<16x1024xf32, #tpu.memory_space<vmem>>, vector<16xf32>,
      tpu.vector_store %arg16[%swap3A_845, %swap3A_846], %add3A_844 {strides = array<i32>} : memref<16x1024xf32, #tpu.memory_space<vmem>>, vector<16xf32>,
      %get3A_848 = arith.index_cast %scan3A_152 : i32 to index
      %get3A_849 = arith.constant 912 : index
      %get3A_850 = tpu.vector_load %arg12[%get3A_848, %get3A_849] {strides = array<i32>} : memref<16x1024xf32, #tpu.memory_space<vmem>>, vector<16xf32>,
      %get3A_851 = arith.index_cast %scan3A_152 : i32 to index
      %get3A_852 = arith.constant 912 : index
      %get3A_853 = tpu.vector_load %arg14[%get3A_851, %get3A_852] {strides = array<i32>} : memref<16x1024xf32, #tpu.memory_space<vmem>>, vector<16xf32>,
      %mul3A_854 = arith.mulf %get3A_158, %get3A_850 : vector<16xf32>
      %mul3A_855 = arith.mulf %get3A_164, %get3A_853 : vector<16xf32>
      %add3A_856 = arith.addf %mul3A_854, %mul3A_855 : vector<16xf32>
      %swap3A_857 = arith.index_cast %scan3A_152 : i32 to index
      %swap3A_858 = arith.constant 912 : index
      %swap3A_859 = tpu.vector_load %arg16[%swap3A_857, %swap3A_858] {strides = array<i32>} : memref<16x1024xf32, #tpu.memory_space<vmem>>, vector<16xf32>,
      tpu.vector_store %arg16[%swap3A_857, %swap3A_858], %add3A_856 {strides = array<i32>} : memref<16x1024xf32, #tpu.memory_space<vmem>>, vector<16xf32>,
      %get3A_860 = arith.index_cast %scan3A_152 : i32 to index
      %get3A_861 = arith.constant 928 : index
      %get3A_862 = tpu.vector_load %arg12[%get3A_860, %get3A_861] {strides = array<i32>} : memref<16x1024xf32, #tpu.memory_space<vmem>>, vector<16xf32>,
      %get3A_863 = arith.index_cast %scan3A_152 : i32 to index
      %get3A_864 = arith.constant 928 : index
      %get3A_865 = tpu.vector_load %arg14[%get3A_863, %get3A_864] {strides = array<i32>} : memref<16x1024xf32, #tpu.memory_space<vmem>>, vector<16xf32>,
      %mul3A_866 = arith.mulf %get3A_158, %get3A_862 : vector<16xf32>
      %mul3A_867 = arith.mulf %get3A_164, %get3A_865 : vector<16xf32>
      %add3A_868 = arith.addf %mul3A_866, %mul3A_867 : vector<16xf32>
      %swap3A_869 = arith.index_cast %scan3A_152 : i32 to index
      %swap3A_870 = arith.constant 928 : index
      %swap3A_871 = tpu.vector_load %arg16[%swap3A_869, %swap3A_870] {strides = array<i32>} : memref<16x1024xf32, #tpu.memory_space<vmem>>, vector<16xf32>,
      tpu.vector_store %arg16[%swap3A_869, %swap3A_870], %add3A_868 {strides = array<i32>} : memref<16x1024xf32, #tpu.memory_space<vmem>>, vector<16xf32>,
      %get3A_872 = arith.index_cast %scan3A_152 : i32 to index
      %get3A_873 = arith.constant 944 : index
      %get3A_874 = tpu.vector_load %arg12[%get3A_872, %get3A_873] {strides = array<i32>} : memref<16x1024xf32, #tpu.memory_space<vmem>>, vector<16xf32>,
      %get3A_875 = arith.index_cast %scan3A_152 : i32 to index
      %get3A_876 = arith.constant 944 : index
      %get3A_877 = tpu.vector_load %arg14[%get3A_875, %get3A_876] {strides = array<i32>} : memref<16x1024xf32, #tpu.memory_space<vmem>>, vector<16xf32>,
      %mul3A_878 = arith.mulf %get3A_158, %get3A_874 : vector<16xf32>
      %mul3A_879 = arith.mulf %get3A_164, %get3A_877 : vector<16xf32>
      %add3A_880 = arith.addf %mul3A_878, %mul3A_879 : vector<16xf32>
      %swap3A_881 = arith.index_cast %scan3A_152 : i32 to index
      %swap3A_882 = arith.constant 944 : index
      %swap3A_883 = tpu.vector_load %arg16[%swap3A_881, %swap3A_882] {strides = array<i32>} : memref<16x1024xf32, #tpu.memory_space<vmem>>, vector<16xf32>,
      tpu.vector_store %arg16[%swap3A_881, %swap3A_882], %add3A_880 {strides = array<i32>} : memref<16x1024xf32, #tpu.memory_space<vmem>>, vector<16xf32>,
      %get3A_884 = arith.index_cast %scan3A_152 : i32 to index
      %get3A_885 = arith.constant 960 : index
      %get3A_886 = tpu.vector_load %arg12[%get3A_884, %get3A_885] {strides = array<i32>} : memref<16x1024xf32, #tpu.memory_space<vmem>>, vector<16xf32>,
      %get3A_887 = arith.index_cast %scan3A_152 : i32 to index
      %get3A_888 = arith.constant 960 : index
      %get3A_889 = tpu.vector_load %arg14[%get3A_887, %get3A_888] {strides = array<i32>} : memref<16x1024xf32, #tpu.memory_space<vmem>>, vector<16xf32>,
      %mul3A_890 = arith.mulf %get3A_158, %get3A_886 : vector<16xf32>
      %mul3A_891 = arith.mulf %get3A_164, %get3A_889 : vector<16xf32>
      %add3A_892 = arith.addf %mul3A_890, %mul3A_891 : vector<16xf32>
      %swap3A_893 = arith.index_cast %scan3A_152 : i32 to index
      %swap3A_894 = arith.constant 960 : index
      %swap3A_895 = tpu.vector_load %arg16[%swap3A_893, %swap3A_894] {strides = array<i32>} : memref<16x1024xf32, #tpu.memory_space<vmem>>, vector<16xf32>,
      tpu.vector_store %arg16[%swap3A_893, %swap3A_894], %add3A_892 {strides = array<i32>} : memref<16x1024xf32, #tpu.memory_space<vmem>>, vector<16xf32>,
      %get3A_896 = arith.index_cast %scan3A_152 : i32 to index
      %get3A_897 = arith.constant 976 : index
      %get3A_898 = tpu.vector_load %arg12[%get3A_896, %get3A_897] {strides = array<i32>} : memref<16x1024xf32, #tpu.memory_space<vmem>>, vector<16xf32>,
      %get3A_899 = arith.index_cast %scan3A_152 : i32 to index
      %get3A_900 = arith.constant 976 : index
      %get3A_901 = tpu.vector_load %arg14[%get3A_899, %get3A_900] {strides = array<i32>} : memref<16x1024xf32, #tpu.memory_space<vmem>>, vector<16xf32>,
      %mul3A_902 = arith.mulf %get3A_158, %get3A_898 : vector<16xf32>
      %mul3A_903 = arith.mulf %get3A_164, %get3A_901 : vector<16xf32>
      %add3A_904 = arith.addf %mul3A_902, %mul3A_903 : vector<16xf32>
      %swap3A_905 = arith.index_cast %scan3A_152 : i32 to index
      %swap3A_906 = arith.constant 976 : index
      %swap3A_907 = tpu.vector_load %arg16[%swap3A_905, %swap3A_906] {strides = array<i32>} : memref<16x1024xf32, #tpu.memory_space<vmem>>, vector<16xf32>,
      tpu.vector_store %arg16[%swap3A_905, %swap3A_906], %add3A_904 {strides = array<i32>} : memref<16x1024xf32, #tpu.memory_space<vmem>>, vector<16xf32>,
      %get3A_908 = arith.index_cast %scan3A_152 : i32 to index
      %get3A_909 = arith.constant 992 : index
      %get3A_910 = tpu.vector_load %arg12[%get3A_908, %get3A_909] {strides = array<i32>} : memref<16x1024xf32, #tpu.memory_space<vmem>>, vector<16xf32>,
      %get3A_911 = arith.index_cast %scan3A_152 : i32 to index
      %get3A_912 = arith.constant 992 : index
      %get3A_913 = tpu.vector_load %arg14[%get3A_911, %get3A_912] {strides = array<i32>} : memref<16x1024xf32, #tpu.memory_space<vmem>>, vector<16xf32>,
      %mul3A_914 = arith.mulf %get3A_158, %get3A_910 : vector<16xf32>
      %mul3A_915 = arith.mulf %get3A_164, %get3A_913 : vector<16xf32>
      %add3A_916 = arith.addf %mul3A_914, %mul3A_915 : vector<16xf32>
      %swap3A_917 = arith.index_cast %scan3A_152 : i32 to index
      %swap3A_918 = arith.constant 992 : index
      %swap3A_919 = tpu.vector_load %arg16[%swap3A_917, %swap3A_918] {strides = array<i32>} : memref<16x1024xf32, #tpu.memory_space<vmem>>, vector<16xf32>,
      tpu.vector_store %arg16[%swap3A_917, %swap3A_918], %add3A_916 {strides = array<i32>} : memref<16x1024xf32, #tpu.memory_space<vmem>>, vector<16xf32>,
      %get3A_920 = arith.index_cast %scan3A_152 : i32 to index
      %get3A_921 = arith.constant 1008 : index
      %get3A_922 = tpu.vector_load %arg12[%get3A_920, %get3A_921] {strides = array<i32>} : memref<16x1024xf32, #tpu.memory_space<vmem>>, vector<16xf32>,
      %get3A_923 = arith.index_cast %scan3A_152 : i32 to index
      %get3A_924 = arith.constant 1008 : index
      %get3A_925 = tpu.vector_load %arg14[%get3A_923, %get3A_924] {strides = array<i32>} : memref<16x1024xf32, #tpu.memory_space<vmem>>, vector<16xf32>,
      %mul3A_926 = arith.mulf %get3A_158, %get3A_922 : vector<16xf32>
      %mul3A_927 = arith.mulf %get3A_164, %get3A_925 : vector<16xf32>
      %add3A_928 = arith.addf %mul3A_926, %mul3A_927 : vector<16xf32>
      %swap3A_929 = arith.index_cast %scan3A_152 : i32 to index
      %swap3A_930 = arith.constant 1008 : index
      %swap3A_931 = tpu.vector_load %arg16[%swap3A_929, %swap3A_930] {strides = array<i32>} : memref<16x1024xf32, #tpu.memory_space<vmem>>, vector<16xf32>,
      tpu.vector_store %arg16[%swap3A_929, %swap3A_930], %add3A_928 {strides = array<i32>} : memref<16x1024xf32, #tpu.memory_space<vmem>>, vector<16xf32>,
      %scan3A_932 = arith.constant 0 : i32
      scf.yield %scan3A_932 : i32
    }
    %scan3A_40 = arith.constant 16 : i32
    %dma_start3A_41 = arith.constant 32 : i32
    %dma_start3A_42 = tpu.memref_slice %arg8[%dma_start3A_41] : memref<64xi32, #tpu.memory_space<vmem>> -> memref<16xi32, #tpu.memory_space<vmem>>
    %dma_start3A_43 = arith.constant 0 : i32
    %dma_start3A_44 = arith.constant 0 : i32
    %dma_start3A_45 = tpu.memref_slice %arg2[%dma_start3A_43, %dma_start3A_44] : memref<4096x1024xf32, #tpu.memory_space<hbm>> -> memref<4096x1024xf32, #tpu.memory_space<hbm>>
    tpu.enqueue_indirect_dma source(%dma_start3A_45 : memref<4096x1024xf32, #tpu.memory_space<hbm>>) target(%arg12 : memref<16x1024xf32, #tpu.memory_space<vmem>>) offsets(%dma_start3A_42 : memref<16xi32, #tpu.memory_space<vmem>>) semaphore(%arg18 : memref<!tpu.dma_semaphore, #tpu.memory_space<semaphore_mem>>)
    %dma_start3A_46 = arith.constant 32 : i32
    %dma_start3A_47 = tpu.memref_slice %arg9[%dma_start3A_46] : memref<64xi32, #tpu.memory_space<vmem>> -> memref<16xi32, #tpu.memory_space<vmem>>
    %dma_start3A_48 = arith.constant 0 : i32
    %dma_start3A_49 = arith.constant 0 : i32
    %dma_start3A_50 = tpu.memref_slice %arg2[%dma_start3A_48, %dma_start3A_49] : memref<4096x1024xf32, #tpu.memory_space<hbm>> -> memref<4096x1024xf32, #tpu.memory_space<hbm>>
    tpu.enqueue_indirect_dma source(%dma_start3A_50 : memref<4096x1024xf32, #tpu.memory_space<hbm>>) target(%arg14 : memref<16x1024xf32, #tpu.memory_space<vmem>>) offsets(%dma_start3A_47 : memref<16xi32, #tpu.memory_space<vmem>>) semaphore(%arg19 : memref<!tpu.dma_semaphore, #tpu.memory_space<semaphore_mem>>)
    %add3A_51 = arith.constant 0 : i32
    %add3A_52 = arith.addi %mul3A_2, %add3A_51 : i32
    %dma_start3A_53 = arith.constant 0 : i32
    %dma_start3A_54 = tpu.memref_slice %arg7[%add3A_52, %dma_start3A_53] : memref<2048x1024xf32, #tpu.memory_space<hbm>> -> memref<16x1024xf32, #tpu.memory_space<hbm>>
    %dma_start3A_55 = arith.constant 0 : i32
    %dma_start3A_56 = tpu.memref_slice %arg7[%add3A_52, %dma_start3A_55] : memref<2048x1024xf32, #tpu.memory_space<hbm>> -> memref<16x1024xf32, #tpu.memory_space<hbm>>
    tpu.enqueue_dma source(%arg16 : memref<16x1024xf32, #tpu.memory_space<vmem>>) target(%dma_start3A_56 : memref<16x1024xf32, #tpu.memory_space<hbm>>) target_semaphore(%arg22 : memref<!tpu.dma_semaphore, #tpu.memory_space<semaphore_mem>>)
    %dma_wait3A_57 = arith.constant 16 : i32
    %dma_wait3A_58 = tpu.memref_slice %arg8[%dma_wait3A_57] : memref<64xi32, #tpu.memory_space<vmem>> -> memref<16xi32, #tpu.memory_space<vmem>>
    %dma_wait3A_59 = arith.constant 0 : i32
    %dma_wait3A_60 = arith.constant 0 : i32
    %dma_wait3A_61 = tpu.memref_slice %arg2[%dma_wait3A_59, %dma_wait3A_60] : memref<4096x1024xf32, #tpu.memory_space<hbm>> -> memref<4096x1024xf32, #tpu.memory_space<hbm>>
    tpu.wait_indirect_dma semaphore(%arg20 : memref<!tpu.dma_semaphore, #tpu.memory_space<semaphore_mem>>) src(%dma_wait3A_61 : memref<4096x1024xf32, #tpu.memory_space<hbm>>) dst(%arg13 : memref<16x1024xf32, #tpu.memory_space<vmem>>)
    %dma_wait3A_62 = arith.constant 16 : i32
    %dma_wait3A_63 = tpu.memref_slice %arg9[%dma_wait3A_62] : memref<64xi32, #tpu.memory_space<vmem>> -> memref<16xi32, #tpu.memory_space<vmem>>
    %dma_wait3A_64 = arith.constant 0 : i32
    %dma_wait3A_65 = arith.constant 0 : i32
    %dma_wait3A_66 = tpu.memref_slice %arg2[%dma_wait3A_64, %dma_wait3A_65] : memref<4096x1024xf32, #tpu.memory_space<hbm>> -> memref<4096x1024xf32, #tpu.memory_space<hbm>>
    tpu.wait_indirect_dma semaphore(%arg21 : memref<!tpu.dma_semaphore, #tpu.memory_space<semaphore_mem>>) src(%dma_wait3A_66 : memref<4096x1024xf32, #tpu.memory_space<hbm>>) dst(%arg15 : memref<16x1024xf32, #tpu.memory_space<vmem>>)
    %scan3A_67 = arith.constant 0 : i32
    %scan3A_68 = arith.constant 0 : i32
    %scan3A_69 = arith.constant 16 : i32
    %scan3A_70 = arith.addi %scan3A_68, %scan3A_69 : i32
    %scan3A_71 = arith.constant 1 : i32
    %scan3A_72 = scf.for %scan3A_152 = %scan3A_68 to %scan3A_70 step %scan3A_71 iter_args(%scan3A_153 = %scan3A_67) -> (i32)  : i32 {
      %add3A_154 = arith.constant 16 : i32
      %add3A_155 = arith.addi %add3A_154, %scan3A_152 : i32
      %mul3A_156 = arith.constant 16 : i32
      %mul3A_157 = arith.muli %add3A_155, %mul3A_156 : i32
      %get3A = arith.index_cast %mul3A_157 : i32 to index
      %get3A_158 = tpu.vector_load %arg10[%get3A] {strides = array<i32>} : memref<1024xf32, #tpu.memory_space<vmem>>, vector<16xf32>,
      %add3A_159 = arith.constant 16 : i32
      %add3A_160 = arith.addi %add3A_159, %scan3A_152 : i32
      %mul3A_161 = arith.constant 16 : i32
      %mul3A_162 = arith.muli %add3A_160, %mul3A_161 : i32
      %get3A_163 = arith.index_cast %mul3A_162 : i32 to index
      %get3A_164 = tpu.vector_load %arg11[%get3A_163] {strides = array<i32>} : memref<1024xf32, #tpu.memory_space<vmem>>, vector<16xf32>,
      %get3A_165 = arith.index_cast %scan3A_152 : i32 to index
      %get3A_166 = arith.constant 0 : index
      %get3A_167 = tpu.vector_load %arg13[%get3A_165, %get3A_166] {strides = array<i32>} : memref<16x1024xf32, #tpu.memory_space<vmem>>, vector<16xf32>,
      %get3A_168 = arith.index_cast %scan3A_152 : i32 to index
      %get3A_169 = arith.constant 0 : index
      %get3A_170 = tpu.vector_load %arg15[%get3A_168, %get3A_169] {strides = array<i32>} : memref<16x1024xf32, #tpu.memory_space<vmem>>, vector<16xf32>,
      %mul3A_171 = arith.mulf %get3A_158, %get3A_167 : vector<16xf32>
      %mul3A_172 = arith.mulf %get3A_164, %get3A_170 : vector<16xf32>
      %add3A_173 = arith.addf %mul3A_171, %mul3A_172 : vector<16xf32>
      %swap3A = arith.index_cast %scan3A_152 : i32 to index
      %swap3A_174 = arith.constant 0 : index
      %swap3A_175 = tpu.vector_load %arg17[%swap3A, %swap3A_174] {strides = array<i32>} : memref<16x1024xf32, #tpu.memory_space<vmem>>, vector<16xf32>,
      tpu.vector_store %arg17[%swap3A, %swap3A_174], %add3A_173 {strides = array<i32>} : memref<16x1024xf32, #tpu.memory_space<vmem>>, vector<16xf32>,
      %get3A_176 = arith.index_cast %scan3A_152 : i32 to index
      %get3A_177 = arith.constant 16 : index
      %get3A_178 = tpu.vector_load %arg13[%get3A_176, %get3A_177] {strides = array<i32>} : memref<16x1024xf32, #tpu.memory_space<vmem>>, vector<16xf32>,
      %get3A_179 = arith.index_cast %scan3A_152 : i32 to index
      %get3A_180 = arith.constant 16 : index
      %get3A_181 = tpu.vector_load %arg15[%get3A_179, %get3A_180] {strides = array<i32>} : memref<16x1024xf32, #tpu.memory_space<vmem>>, vector<16xf32>,
      %mul3A_182 = arith.mulf %get3A_158, %get3A_178 : vector<16xf32>
      %mul3A_183 = arith.mulf %get3A_164, %get3A_181 : vector<16xf32>
      %add3A_184 = arith.addf %mul3A_182, %mul3A_183 : vector<16xf32>
      %swap3A_185 = arith.index_cast %scan3A_152 : i32 to index
      %swap3A_186 = arith.constant 16 : index
      %swap3A_187 = tpu.vector_load %arg17[%swap3A_185, %swap3A_186] {strides = array<i32>} : memref<16x1024xf32, #tpu.memory_space<vmem>>, vector<16xf32>,
      tpu.vector_store %arg17[%swap3A_185, %swap3A_186], %add3A_184 {strides = array<i32>} : memref<16x1024xf32, #tpu.memory_space<vmem>>, vector<16xf32>,
      %get3A_188 = arith.index_cast %scan3A_152 : i32 to index
      %get3A_189 = arith.constant 32 : index
      %get3A_190 = tpu.vector_load %arg13[%get3A_188, %get3A_189] {strides = array<i32>} : memref<16x1024xf32, #tpu.memory_space<vmem>>, vector<16xf32>,
      %get3A_191 = arith.index_cast %scan3A_152 : i32 to index
      %get3A_192 = arith.constant 32 : index
      %get3A_193 = tpu.vector_load %arg15[%get3A_191, %get3A_192] {strides = array<i32>} : memref<16x1024xf32, #tpu.memory_space<vmem>>, vector<16xf32>,
      %mul3A_194 = arith.mulf %get3A_158, %get3A_190 : vector<16xf32>
      %mul3A_195 = arith.mulf %get3A_164, %get3A_193 : vector<16xf32>
      %add3A_196 = arith.addf %mul3A_194, %mul3A_195 : vector<16xf32>
      %swap3A_197 = arith.index_cast %scan3A_152 : i32 to index
      %swap3A_198 = arith.constant 32 : index
      %swap3A_199 = tpu.vector_load %arg17[%swap3A_197, %swap3A_198] {strides = array<i32>} : memref<16x1024xf32, #tpu.memory_space<vmem>>, vector<16xf32>,
      tpu.vector_store %arg17[%swap3A_197, %swap3A_198], %add3A_196 {strides = array<i32>} : memref<16x1024xf32, #tpu.memory_space<vmem>>, vector<16xf32>,
      %get3A_200 = arith.index_cast %scan3A_152 : i32 to index
      %get3A_201 = arith.constant 48 : index
      %get3A_202 = tpu.vector_load %arg13[%get3A_200, %get3A_201] {strides = array<i32>} : memref<16x1024xf32, #tpu.memory_space<vmem>>, vector<16xf32>,
      %get3A_203 = arith.index_cast %scan3A_152 : i32 to index
      %get3A_204 = arith.constant 48 : index
      %get3A_205 = tpu.vector_load %arg15[%get3A_203, %get3A_204] {strides = array<i32>} : memref<16x1024xf32, #tpu.memory_space<vmem>>, vector<16xf32>,
      %mul3A_206 = arith.mulf %get3A_158, %get3A_202 : vector<16xf32>
      %mul3A_207 = arith.mulf %get3A_164, %get3A_205 : vector<16xf32>
      %add3A_208 = arith.addf %mul3A_206, %mul3A_207 : vector<16xf32>
      %swap3A_209 = arith.index_cast %scan3A_152 : i32 to index
      %swap3A_210 = arith.constant 48 : index
      %swap3A_211 = tpu.vector_load %arg17[%swap3A_209, %swap3A_210] {strides = array<i32>} : memref<16x1024xf32, #tpu.memory_space<vmem>>, vector<16xf32>,
      tpu.vector_store %arg17[%swap3A_209, %swap3A_210], %add3A_208 {strides = array<i32>} : memref<16x1024xf32, #tpu.memory_space<vmem>>, vector<16xf32>,
      %get3A_212 = arith.index_cast %scan3A_152 : i32 to index
      %get3A_213 = arith.constant 64 : index
      %get3A_214 = tpu.vector_load %arg13[%get3A_212, %get3A_213] {strides = array<i32>} : memref<16x1024xf32, #tpu.memory_space<vmem>>, vector<16xf32>,
      %get3A_215 = arith.index_cast %scan3A_152 : i32 to index
      %get3A_216 = arith.constant 64 : index
      %get3A_217 = tpu.vector_load %arg15[%get3A_215, %get3A_216] {strides = array<i32>} : memref<16x1024xf32, #tpu.memory_space<vmem>>, vector<16xf32>,
      %mul3A_218 = arith.mulf %get3A_158, %get3A_214 : vector<16xf32>
      %mul3A_219 = arith.mulf %get3A_164, %get3A_217 : vector<16xf32>
      %add3A_220 = arith.addf %mul3A_218, %mul3A_219 : vector<16xf32>
      %swap3A_221 = arith.index_cast %scan3A_152 : i32 to index
      %swap3A_222 = arith.constant 64 : index
      %swap3A_223 = tpu.vector_load %arg17[%swap3A_221, %swap3A_222] {strides = array<i32>} : memref<16x1024xf32, #tpu.memory_space<vmem>>, vector<16xf32>,
      tpu.vector_store %arg17[%swap3A_221, %swap3A_222], %add3A_220 {strides = array<i32>} : memref<16x1024xf32, #tpu.memory_space<vmem>>, vector<16xf32>,
      %get3A_224 = arith.index_cast %scan3A_152 : i32 to index
      %get3A_225 = arith.constant 80 : index
      %get3A_226 = tpu.vector_load %arg13[%get3A_224, %get3A_225] {strides = array<i32>} : memref<16x1024xf32, #tpu.memory_space<vmem>>, vector<16xf32>,
      %get3A_227 = arith.index_cast %scan3A_152 : i32 to index
      %get3A_228 = arith.constant 80 : index
      %get3A_229 = tpu.vector_load %arg15[%get3A_227, %get3A_228] {strides = array<i32>} : memref<16x1024xf32, #tpu.memory_space<vmem>>, vector<16xf32>,
      %mul3A_230 = arith.mulf %get3A_158, %get3A_226 : vector<16xf32>
      %mul3A_231 = arith.mulf %get3A_164, %get3A_229 : vector<16xf32>
      %add3A_232 = arith.addf %mul3A_230, %mul3A_231 : vector<16xf32>
      %swap3A_233 = arith.index_cast %scan3A_152 : i32 to index
      %swap3A_234 = arith.constant 80 : index
      %swap3A_235 = tpu.vector_load %arg17[%swap3A_233, %swap3A_234] {strides = array<i32>} : memref<16x1024xf32, #tpu.memory_space<vmem>>, vector<16xf32>,
      tpu.vector_store %arg17[%swap3A_233, %swap3A_234], %add3A_232 {strides = array<i32>} : memref<16x1024xf32, #tpu.memory_space<vmem>>, vector<16xf32>,
      %get3A_236 = arith.index_cast %scan3A_152 : i32 to index
      %get3A_237 = arith.constant 96 : index
      %get3A_238 = tpu.vector_load %arg13[%get3A_236, %get3A_237] {strides = array<i32>} : memref<16x1024xf32, #tpu.memory_space<vmem>>, vector<16xf32>,
      %get3A_239 = arith.index_cast %scan3A_152 : i32 to index
      %get3A_240 = arith.constant 96 : index
      %get3A_241 = tpu.vector_load %arg15[%get3A_239, %get3A_240] {strides = array<i32>} : memref<16x1024xf32, #tpu.memory_space<vmem>>, vector<16xf32>,
      %mul3A_242 = arith.mulf %get3A_158, %get3A_238 : vector<16xf32>
      %mul3A_243 = arith.mulf %get3A_164, %get3A_241 : vector<16xf32>
      %add3A_244 = arith.addf %mul3A_242, %mul3A_243 : vector<16xf32>
      %swap3A_245 = arith.index_cast %scan3A_152 : i32 to index
      %swap3A_246 = arith.constant 96 : index
      %swap3A_247 = tpu.vector_load %arg17[%swap3A_245, %swap3A_246] {strides = array<i32>} : memref<16x1024xf32, #tpu.memory_space<vmem>>, vector<16xf32>,
      tpu.vector_store %arg17[%swap3A_245, %swap3A_246], %add3A_244 {strides = array<i32>} : memref<16x1024xf32, #tpu.memory_space<vmem>>, vector<16xf32>,
      %get3A_248 = arith.index_cast %scan3A_152 : i32 to index
      %get3A_249 = arith.constant 112 : index
      %get3A_250 = tpu.vector_load %arg13[%get3A_248, %get3A_249] {strides = array<i32>} : memref<16x1024xf32, #tpu.memory_space<vmem>>, vector<16xf32>,
      %get3A_251 = arith.index_cast %scan3A_152 : i32 to index
      %get3A_252 = arith.constant 112 : index
      %get3A_253 = tpu.vector_load %arg15[%get3A_251, %get3A_252] {strides = array<i32>} : memref<16x1024xf32, #tpu.memory_space<vmem>>, vector<16xf32>,
      %mul3A_254 = arith.mulf %get3A_158, %get3A_250 : vector<16xf32>
      %mul3A_255 = arith.mulf %get3A_164, %get3A_253 : vector<16xf32>
      %add3A_256 = arith.addf %mul3A_254, %mul3A_255 : vector<16xf32>
      %swap3A_257 = arith.index_cast %scan3A_152 : i32 to index
      %swap3A_258 = arith.constant 112 : index
      %swap3A_259 = tpu.vector_load %arg17[%swap3A_257, %swap3A_258] {strides = array<i32>} : memref<16x1024xf32, #tpu.memory_space<vmem>>, vector<16xf32>,
      tpu.vector_store %arg17[%swap3A_257, %swap3A_258], %add3A_256 {strides = array<i32>} : memref<16x1024xf32, #tpu.memory_space<vmem>>, vector<16xf32>,
      %get3A_260 = arith.index_cast %scan3A_152 : i32 to index
      %get3A_261 = arith.constant 128 : index
      %get3A_262 = tpu.vector_load %arg13[%get3A_260, %get3A_261] {strides = array<i32>} : memref<16x1024xf32, #tpu.memory_space<vmem>>, vector<16xf32>,
      %get3A_263 = arith.index_cast %scan3A_152 : i32 to index
      %get3A_264 = arith.constant 128 : index
      %get3A_265 = tpu.vector_load %arg15[%get3A_263, %get3A_264] {strides = array<i32>} : memref<16x1024xf32, #tpu.memory_space<vmem>>, vector<16xf32>,
      %mul3A_266 = arith.mulf %get3A_158, %get3A_262 : vector<16xf32>
      %mul3A_267 = arith.mulf %get3A_164, %get3A_265 : vector<16xf32>
      %add3A_268 = arith.addf %mul3A_266, %mul3A_267 : vector<16xf32>
      %swap3A_269 = arith.index_cast %scan3A_152 : i32 to index
      %swap3A_270 = arith.constant 128 : index
      %swap3A_271 = tpu.vector_load %arg17[%swap3A_269, %swap3A_270] {strides = array<i32>} : memref<16x1024xf32, #tpu.memory_space<vmem>>, vector<16xf32>,
      tpu.vector_store %arg17[%swap3A_269, %swap3A_270], %add3A_268 {strides = array<i32>} : memref<16x1024xf32, #tpu.memory_space<vmem>>, vector<16xf32>,
      %get3A_272 = arith.index_cast %scan3A_152 : i32 to index
      %get3A_273 = arith.constant 144 : index
      %get3A_274 = tpu.vector_load %arg13[%get3A_272, %get3A_273] {strides = array<i32>} : memref<16x1024xf32, #tpu.memory_space<vmem>>, vector<16xf32>,
      %get3A_275 = arith.index_cast %scan3A_152 : i32 to index
      %get3A_276 = arith.constant 144 : index
      %get3A_277 = tpu.vector_load %arg15[%get3A_275, %get3A_276] {strides = array<i32>} : memref<16x1024xf32, #tpu.memory_space<vmem>>, vector<16xf32>,
      %mul3A_278 = arith.mulf %get3A_158, %get3A_274 : vector<16xf32>
      %mul3A_279 = arith.mulf %get3A_164, %get3A_277 : vector<16xf32>
      %add3A_280 = arith.addf %mul3A_278, %mul3A_279 : vector<16xf32>
      %swap3A_281 = arith.index_cast %scan3A_152 : i32 to index
      %swap3A_282 = arith.constant 144 : index
      %swap3A_283 = tpu.vector_load %arg17[%swap3A_281, %swap3A_282] {strides = array<i32>} : memref<16x1024xf32, #tpu.memory_space<vmem>>, vector<16xf32>,
      tpu.vector_store %arg17[%swap3A_281, %swap3A_282], %add3A_280 {strides = array<i32>} : memref<16x1024xf32, #tpu.memory_space<vmem>>, vector<16xf32>,
      %get3A_284 = arith.index_cast %scan3A_152 : i32 to index
      %get3A_285 = arith.constant 160 : index
      %get3A_286 = tpu.vector_load %arg13[%get3A_284, %get3A_285] {strides = array<i32>} : memref<16x1024xf32, #tpu.memory_space<vmem>>, vector<16xf32>,
      %get3A_287 = arith.index_cast %scan3A_152 : i32 to index
      %get3A_288 = arith.constant 160 : index
      %get3A_289 = tpu.vector_load %arg15[%get3A_287, %get3A_288] {strides = array<i32>} : memref<16x1024xf32, #tpu.memory_space<vmem>>, vector<16xf32>,
      %mul3A_290 = arith.mulf %get3A_158, %get3A_286 : vector<16xf32>
      %mul3A_291 = arith.mulf %get3A_164, %get3A_289 : vector<16xf32>
      %add3A_292 = arith.addf %mul3A_290, %mul3A_291 : vector<16xf32>
      %swap3A_293 = arith.index_cast %scan3A_152 : i32 to index
      %swap3A_294 = arith.constant 160 : index
      %swap3A_295 = tpu.vector_load %arg17[%swap3A_293, %swap3A_294] {strides = array<i32>} : memref<16x1024xf32, #tpu.memory_space<vmem>>, vector<16xf32>,
      tpu.vector_store %arg17[%swap3A_293, %swap3A_294], %add3A_292 {strides = array<i32>} : memref<16x1024xf32, #tpu.memory_space<vmem>>, vector<16xf32>,
      %get3A_296 = arith.index_cast %scan3A_152 : i32 to index
      %get3A_297 = arith.constant 176 : index
      %get3A_298 = tpu.vector_load %arg13[%get3A_296, %get3A_297] {strides = array<i32>} : memref<16x1024xf32, #tpu.memory_space<vmem>>, vector<16xf32>,
      %get3A_299 = arith.index_cast %scan3A_152 : i32 to index
      %get3A_300 = arith.constant 176 : index
      %get3A_301 = tpu.vector_load %arg15[%get3A_299, %get3A_300] {strides = array<i32>} : memref<16x1024xf32, #tpu.memory_space<vmem>>, vector<16xf32>,
      %mul3A_302 = arith.mulf %get3A_158, %get3A_298 : vector<16xf32>
      %mul3A_303 = arith.mulf %get3A_164, %get3A_301 : vector<16xf32>
      %add3A_304 = arith.addf %mul3A_302, %mul3A_303 : vector<16xf32>
      %swap3A_305 = arith.index_cast %scan3A_152 : i32 to index
      %swap3A_306 = arith.constant 176 : index
      %swap3A_307 = tpu.vector_load %arg17[%swap3A_305, %swap3A_306] {strides = array<i32>} : memref<16x1024xf32, #tpu.memory_space<vmem>>, vector<16xf32>,
      tpu.vector_store %arg17[%swap3A_305, %swap3A_306], %add3A_304 {strides = array<i32>} : memref<16x1024xf32, #tpu.memory_space<vmem>>, vector<16xf32>,
      %get3A_308 = arith.index_cast %scan3A_152 : i32 to index
      %get3A_309 = arith.constant 192 : index
      %get3A_310 = tpu.vector_load %arg13[%get3A_308, %get3A_309] {strides = array<i32>} : memref<16x1024xf32, #tpu.memory_space<vmem>>, vector<16xf32>,
      %get3A_311 = arith.index_cast %scan3A_152 : i32 to index
      %get3A_312 = arith.constant 192 : index
      %get3A_313 = tpu.vector_load %arg15[%get3A_311, %get3A_312] {strides = array<i32>} : memref<16x1024xf32, #tpu.memory_space<vmem>>, vector<16xf32>,
      %mul3A_314 = arith.mulf %get3A_158, %get3A_310 : vector<16xf32>
      %mul3A_315 = arith.mulf %get3A_164, %get3A_313 : vector<16xf32>
      %add3A_316 = arith.addf %mul3A_314, %mul3A_315 : vector<16xf32>
      %swap3A_317 = arith.index_cast %scan3A_152 : i32 to index
      %swap3A_318 = arith.constant 192 : index
      %swap3A_319 = tpu.vector_load %arg17[%swap3A_317, %swap3A_318] {strides = array<i32>} : memref<16x1024xf32, #tpu.memory_space<vmem>>, vector<16xf32>,
      tpu.vector_store %arg17[%swap3A_317, %swap3A_318], %add3A_316 {strides = array<i32>} : memref<16x1024xf32, #tpu.memory_space<vmem>>, vector<16xf32>,
      %get3A_320 = arith.index_cast %scan3A_152 : i32 to index
      %get3A_321 = arith.constant 208 : index
      %get3A_322 = tpu.vector_load %arg13[%get3A_320, %get3A_321] {strides = array<i32>} : memref<16x1024xf32, #tpu.memory_space<vmem>>, vector<16xf32>,
      %get3A_323 = arith.index_cast %scan3A_152 : i32 to index
      %get3A_324 = arith.constant 208 : index
      %get3A_325 = tpu.vector_load %arg15[%get3A_323, %get3A_324] {strides = array<i32>} : memref<16x1024xf32, #tpu.memory_space<vmem>>, vector<16xf32>,
      %mul3A_326 = arith.mulf %get3A_158, %get3A_322 : vector<16xf32>
      %mul3A_327 = arith.mulf %get3A_164, %get3A_325 : vector<16xf32>
      %add3A_328 = arith.addf %mul3A_326, %mul3A_327 : vector<16xf32>
      %swap3A_329 = arith.index_cast %scan3A_152 : i32 to index
      %swap3A_330 = arith.constant 208 : index
      %swap3A_331 = tpu.vector_load %arg17[%swap3A_329, %swap3A_330] {strides = array<i32>} : memref<16x1024xf32, #tpu.memory_space<vmem>>, vector<16xf32>,
      tpu.vector_store %arg17[%swap3A_329, %swap3A_330], %add3A_328 {strides = array<i32>} : memref<16x1024xf32, #tpu.memory_space<vmem>>, vector<16xf32>,
      %get3A_332 = arith.index_cast %scan3A_152 : i32 to index
      %get3A_333 = arith.constant 224 : index
      %get3A_334 = tpu.vector_load %arg13[%get3A_332, %get3A_333] {strides = array<i32>} : memref<16x1024xf32, #tpu.memory_space<vmem>>, vector<16xf32>,
      %get3A_335 = arith.index_cast %scan3A_152 : i32 to index
      %get3A_336 = arith.constant 224 : index
      %get3A_337 = tpu.vector_load %arg15[%get3A_335, %get3A_336] {strides = array<i32>} : memref<16x1024xf32, #tpu.memory_space<vmem>>, vector<16xf32>,
      %mul3A_338 = arith.mulf %get3A_158, %get3A_334 : vector<16xf32>
      %mul3A_339 = arith.mulf %get3A_164, %get3A_337 : vector<16xf32>
      %add3A_340 = arith.addf %mul3A_338, %mul3A_339 : vector<16xf32>
      %swap3A_341 = arith.index_cast %scan3A_152 : i32 to index
      %swap3A_342 = arith.constant 224 : index
      %swap3A_343 = tpu.vector_load %arg17[%swap3A_341, %swap3A_342] {strides = array<i32>} : memref<16x1024xf32, #tpu.memory_space<vmem>>, vector<16xf32>,
      tpu.vector_store %arg17[%swap3A_341, %swap3A_342], %add3A_340 {strides = array<i32>} : memref<16x1024xf32, #tpu.memory_space<vmem>>, vector<16xf32>,
      %get3A_344 = arith.index_cast %scan3A_152 : i32 to index
      %get3A_345 = arith.constant 240 : index
      %get3A_346 = tpu.vector_load %arg13[%get3A_344, %get3A_345] {strides = array<i32>} : memref<16x1024xf32, #tpu.memory_space<vmem>>, vector<16xf32>,
      %get3A_347 = arith.index_cast %scan3A_152 : i32 to index
      %get3A_348 = arith.constant 240 : index
      %get3A_349 = tpu.vector_load %arg15[%get3A_347, %get3A_348] {strides = array<i32>} : memref<16x1024xf32, #tpu.memory_space<vmem>>, vector<16xf32>,
      %mul3A_350 = arith.mulf %get3A_158, %get3A_346 : vector<16xf32>
      %mul3A_351 = arith.mulf %get3A_164, %get3A_349 : vector<16xf32>
      %add3A_352 = arith.addf %mul3A_350, %mul3A_351 : vector<16xf32>
      %swap3A_353 = arith.index_cast %scan3A_152 : i32 to index
      %swap3A_354 = arith.constant 240 : index
      %swap3A_355 = tpu.vector_load %arg17[%swap3A_353, %swap3A_354] {strides = array<i32>} : memref<16x1024xf32, #tpu.memory_space<vmem>>, vector<16xf32>,
      tpu.vector_store %arg17[%swap3A_353, %swap3A_354], %add3A_352 {strides = array<i32>} : memref<16x1024xf32, #tpu.memory_space<vmem>>, vector<16xf32>,
      %get3A_356 = arith.index_cast %scan3A_152 : i32 to index
      %get3A_357 = arith.constant 256 : index
      %get3A_358 = tpu.vector_load %arg13[%get3A_356, %get3A_357] {strides = array<i32>} : memref<16x1024xf32, #tpu.memory_space<vmem>>, vector<16xf32>,
      %get3A_359 = arith.index_cast %scan3A_152 : i32 to index
      %get3A_360 = arith.constant 256 : index
      %get3A_361 = tpu.vector_load %arg15[%get3A_359, %get3A_360] {strides = array<i32>} : memref<16x1024xf32, #tpu.memory_space<vmem>>, vector<16xf32>,
      %mul3A_362 = arith.mulf %get3A_158, %get3A_358 : vector<16xf32>
      %mul3A_363 = arith.mulf %get3A_164, %get3A_361 : vector<16xf32>
      %add3A_364 = arith.addf %mul3A_362, %mul3A_363 : vector<16xf32>
      %swap3A_365 = arith.index_cast %scan3A_152 : i32 to index
      %swap3A_366 = arith.constant 256 : index
      %swap3A_367 = tpu.vector_load %arg17[%swap3A_365, %swap3A_366] {strides = array<i32>} : memref<16x1024xf32, #tpu.memory_space<vmem>>, vector<16xf32>,
      tpu.vector_store %arg17[%swap3A_365, %swap3A_366], %add3A_364 {strides = array<i32>} : memref<16x1024xf32, #tpu.memory_space<vmem>>, vector<16xf32>,
      %get3A_368 = arith.index_cast %scan3A_152 : i32 to index
      %get3A_369 = arith.constant 272 : index
      %get3A_370 = tpu.vector_load %arg13[%get3A_368, %get3A_369] {strides = array<i32>} : memref<16x1024xf32, #tpu.memory_space<vmem>>, vector<16xf32>,
      %get3A_371 = arith.index_cast %scan3A_152 : i32 to index
      %get3A_372 = arith.constant 272 : index
      %get3A_373 = tpu.vector_load %arg15[%get3A_371, %get3A_372] {strides = array<i32>} : memref<16x1024xf32, #tpu.memory_space<vmem>>, vector<16xf32>,
      %mul3A_374 = arith.mulf %get3A_158, %get3A_370 : vector<16xf32>
      %mul3A_375 = arith.mulf %get3A_164, %get3A_373 : vector<16xf32>
      %add3A_376 = arith.addf %mul3A_374, %mul3A_375 : vector<16xf32>
      %swap3A_377 = arith.index_cast %scan3A_152 : i32 to index
      %swap3A_378 = arith.constant 272 : index
      %swap3A_379 = tpu.vector_load %arg17[%swap3A_377, %swap3A_378] {strides = array<i32>} : memref<16x1024xf32, #tpu.memory_space<vmem>>, vector<16xf32>,
      tpu.vector_store %arg17[%swap3A_377, %swap3A_378], %add3A_376 {strides = array<i32>} : memref<16x1024xf32, #tpu.memory_space<vmem>>, vector<16xf32>,
      %get3A_380 = arith.index_cast %scan3A_152 : i32 to index
      %get3A_381 = arith.constant 288 : index
      %get3A_382 = tpu.vector_load %arg13[%get3A_380, %get3A_381] {strides = array<i32>} : memref<16x1024xf32, #tpu.memory_space<vmem>>, vector<16xf32>,
      %get3A_383 = arith.index_cast %scan3A_152 : i32 to index
      %get3A_384 = arith.constant 288 : index
      %get3A_385 = tpu.vector_load %arg15[%get3A_383, %get3A_384] {strides = array<i32>} : memref<16x1024xf32, #tpu.memory_space<vmem>>, vector<16xf32>,
      %mul3A_386 = arith.mulf %get3A_158, %get3A_382 : vector<16xf32>
      %mul3A_387 = arith.mulf %get3A_164, %get3A_385 : vector<16xf32>
      %add3A_388 = arith.addf %mul3A_386, %mul3A_387 : vector<16xf32>
      %swap3A_389 = arith.index_cast %scan3A_152 : i32 to index
      %swap3A_390 = arith.constant 288 : index
      %swap3A_391 = tpu.vector_load %arg17[%swap3A_389, %swap3A_390] {strides = array<i32>} : memref<16x1024xf32, #tpu.memory_space<vmem>>, vector<16xf32>,
      tpu.vector_store %arg17[%swap3A_389, %swap3A_390], %add3A_388 {strides = array<i32>} : memref<16x1024xf32, #tpu.memory_space<vmem>>, vector<16xf32>,
      %get3A_392 = arith.index_cast %scan3A_152 : i32 to index
      %get3A_393 = arith.constant 304 : index
      %get3A_394 = tpu.vector_load %arg13[%get3A_392, %get3A_393] {strides = array<i32>} : memref<16x1024xf32, #tpu.memory_space<vmem>>, vector<16xf32>,
      %get3A_395 = arith.index_cast %scan3A_152 : i32 to index
      %get3A_396 = arith.constant 304 : index
      %get3A_397 = tpu.vector_load %arg15[%get3A_395, %get3A_396] {strides = array<i32>} : memref<16x1024xf32, #tpu.memory_space<vmem>>, vector<16xf32>,
      %mul3A_398 = arith.mulf %get3A_158, %get3A_394 : vector<16xf32>
      %mul3A_399 = arith.mulf %get3A_164, %get3A_397 : vector<16xf32>
      %add3A_400 = arith.addf %mul3A_398, %mul3A_399 : vector<16xf32>
      %swap3A_401 = arith.index_cast %scan3A_152 : i32 to index
      %swap3A_402 = arith.constant 304 : index
      %swap3A_403 = tpu.vector_load %arg17[%swap3A_401, %swap3A_402] {strides = array<i32>} : memref<16x1024xf32, #tpu.memory_space<vmem>>, vector<16xf32>,
      tpu.vector_store %arg17[%swap3A_401, %swap3A_402], %add3A_400 {strides = array<i32>} : memref<16x1024xf32, #tpu.memory_space<vmem>>, vector<16xf32>,
      %get3A_404 = arith.index_cast %scan3A_152 : i32 to index
      %get3A_405 = arith.constant 320 : index
      %get3A_406 = tpu.vector_load %arg13[%get3A_404, %get3A_405] {strides = array<i32>} : memref<16x1024xf32, #tpu.memory_space<vmem>>, vector<16xf32>,
      %get3A_407 = arith.index_cast %scan3A_152 : i32 to index
      %get3A_408 = arith.constant 320 : index
      %get3A_409 = tpu.vector_load %arg15[%get3A_407, %get3A_408] {strides = array<i32>} : memref<16x1024xf32, #tpu.memory_space<vmem>>, vector<16xf32>,
      %mul3A_410 = arith.mulf %get3A_158, %get3A_406 : vector<16xf32>
      %mul3A_411 = arith.mulf %get3A_164, %get3A_409 : vector<16xf32>
      %add3A_412 = arith.addf %mul3A_410, %mul3A_411 : vector<16xf32>
      %swap3A_413 = arith.index_cast %scan3A_152 : i32 to index
      %swap3A_414 = arith.constant 320 : index
      %swap3A_415 = tpu.vector_load %arg17[%swap3A_413, %swap3A_414] {strides = array<i32>} : memref<16x1024xf32, #tpu.memory_space<vmem>>, vector<16xf32>,
      tpu.vector_store %arg17[%swap3A_413, %swap3A_414], %add3A_412 {strides = array<i32>} : memref<16x1024xf32, #tpu.memory_space<vmem>>, vector<16xf32>,
      %get3A_416 = arith.index_cast %scan3A_152 : i32 to index
      %get3A_417 = arith.constant 336 : index
      %get3A_418 = tpu.vector_load %arg13[%get3A_416, %get3A_417] {strides = array<i32>} : memref<16x1024xf32, #tpu.memory_space<vmem>>, vector<16xf32>,
      %get3A_419 = arith.index_cast %scan3A_152 : i32 to index
      %get3A_420 = arith.constant 336 : index
      %get3A_421 = tpu.vector_load %arg15[%get3A_419, %get3A_420] {strides = array<i32>} : memref<16x1024xf32, #tpu.memory_space<vmem>>, vector<16xf32>,
      %mul3A_422 = arith.mulf %get3A_158, %get3A_418 : vector<16xf32>
      %mul3A_423 = arith.mulf %get3A_164, %get3A_421 : vector<16xf32>
      %add3A_424 = arith.addf %mul3A_422, %mul3A_423 : vector<16xf32>
      %swap3A_425 = arith.index_cast %scan3A_152 : i32 to index
      %swap3A_426 = arith.constant 336 : index
      %swap3A_427 = tpu.vector_load %arg17[%swap3A_425, %swap3A_426] {strides = array<i32>} : memref<16x1024xf32, #tpu.memory_space<vmem>>, vector<16xf32>,
      tpu.vector_store %arg17[%swap3A_425, %swap3A_426], %add3A_424 {strides = array<i32>} : memref<16x1024xf32, #tpu.memory_space<vmem>>, vector<16xf32>,
      %get3A_428 = arith.index_cast %scan3A_152 : i32 to index
      %get3A_429 = arith.constant 352 : index
      %get3A_430 = tpu.vector_load %arg13[%get3A_428, %get3A_429] {strides = array<i32>} : memref<16x1024xf32, #tpu.memory_space<vmem>>, vector<16xf32>,
      %get3A_431 = arith.index_cast %scan3A_152 : i32 to index
      %get3A_432 = arith.constant 352 : index
      %get3A_433 = tpu.vector_load %arg15[%get3A_431, %get3A_432] {strides = array<i32>} : memref<16x1024xf32, #tpu.memory_space<vmem>>, vector<16xf32>,
      %mul3A_434 = arith.mulf %get3A_158, %get3A_430 : vector<16xf32>
      %mul3A_435 = arith.mulf %get3A_164, %get3A_433 : vector<16xf32>
      %add3A_436 = arith.addf %mul3A_434, %mul3A_435 : vector<16xf32>
      %swap3A_437 = arith.index_cast %scan3A_152 : i32 to index
      %swap3A_438 = arith.constant 352 : index
      %swap3A_439 = tpu.vector_load %arg17[%swap3A_437, %swap3A_438] {strides = array<i32>} : memref<16x1024xf32, #tpu.memory_space<vmem>>, vector<16xf32>,
      tpu.vector_store %arg17[%swap3A_437, %swap3A_438], %add3A_436 {strides = array<i32>} : memref<16x1024xf32, #tpu.memory_space<vmem>>, vector<16xf32>,
      %get3A_440 = arith.index_cast %scan3A_152 : i32 to index
      %get3A_441 = arith.constant 368 : index
      %get3A_442 = tpu.vector_load %arg13[%get3A_440, %get3A_441] {strides = array<i32>} : memref<16x1024xf32, #tpu.memory_space<vmem>>, vector<16xf32>,
      %get3A_443 = arith.index_cast %scan3A_152 : i32 to index
      %get3A_444 = arith.constant 368 : index
      %get3A_445 = tpu.vector_load %arg15[%get3A_443, %get3A_444] {strides = array<i32>} : memref<16x1024xf32, #tpu.memory_space<vmem>>, vector<16xf32>,
      %mul3A_446 = arith.mulf %get3A_158, %get3A_442 : vector<16xf32>
      %mul3A_447 = arith.mulf %get3A_164, %get3A_445 : vector<16xf32>
      %add3A_448 = arith.addf %mul3A_446, %mul3A_447 : vector<16xf32>
      %swap3A_449 = arith.index_cast %scan3A_152 : i32 to index
      %swap3A_450 = arith.constant 368 : index
      %swap3A_451 = tpu.vector_load %arg17[%swap3A_449, %swap3A_450] {strides = array<i32>} : memref<16x1024xf32, #tpu.memory_space<vmem>>, vector<16xf32>,
      tpu.vector_store %arg17[%swap3A_449, %swap3A_450], %add3A_448 {strides = array<i32>} : memref<16x1024xf32, #tpu.memory_space<vmem>>, vector<16xf32>,
      %get3A_452 = arith.index_cast %scan3A_152 : i32 to index
      %get3A_453 = arith.constant 384 : index
      %get3A_454 = tpu.vector_load %arg13[%get3A_452, %get3A_453] {strides = array<i32>} : memref<16x1024xf32, #tpu.memory_space<vmem>>, vector<16xf32>,
      %get3A_455 = arith.index_cast %scan3A_152 : i32 to index
      %get3A_456 = arith.constant 384 : index
      %get3A_457 = tpu.vector_load %arg15[%get3A_455, %get3A_456] {strides = array<i32>} : memref<16x1024xf32, #tpu.memory_space<vmem>>, vector<16xf32>,
      %mul3A_458 = arith.mulf %get3A_158, %get3A_454 : vector<16xf32>
      %mul3A_459 = arith.mulf %get3A_164, %get3A_457 : vector<16xf32>
      %add3A_460 = arith.addf %mul3A_458, %mul3A_459 : vector<16xf32>
      %swap3A_461 = arith.index_cast %scan3A_152 : i32 to index
      %swap3A_462 = arith.constant 384 : index
      %swap3A_463 = tpu.vector_load %arg17[%swap3A_461, %swap3A_462] {strides = array<i32>} : memref<16x1024xf32, #tpu.memory_space<vmem>>, vector<16xf32>,
      tpu.vector_store %arg17[%swap3A_461, %swap3A_462], %add3A_460 {strides = array<i32>} : memref<16x1024xf32, #tpu.memory_space<vmem>>, vector<16xf32>,
      %get3A_464 = arith.index_cast %scan3A_152 : i32 to index
      %get3A_465 = arith.constant 400 : index
      %get3A_466 = tpu.vector_load %arg13[%get3A_464, %get3A_465] {strides = array<i32>} : memref<16x1024xf32, #tpu.memory_space<vmem>>, vector<16xf32>,
      %get3A_467 = arith.index_cast %scan3A_152 : i32 to index
      %get3A_468 = arith.constant 400 : index
      %get3A_469 = tpu.vector_load %arg15[%get3A_467, %get3A_468] {strides = array<i32>} : memref<16x1024xf32, #tpu.memory_space<vmem>>, vector<16xf32>,
      %mul3A_470 = arith.mulf %get3A_158, %get3A_466 : vector<16xf32>
      %mul3A_471 = arith.mulf %get3A_164, %get3A_469 : vector<16xf32>
      %add3A_472 = arith.addf %mul3A_470, %mul3A_471 : vector<16xf32>
      %swap3A_473 = arith.index_cast %scan3A_152 : i32 to index
      %swap3A_474 = arith.constant 400 : index
      %swap3A_475 = tpu.vector_load %arg17[%swap3A_473, %swap3A_474] {strides = array<i32>} : memref<16x1024xf32, #tpu.memory_space<vmem>>, vector<16xf32>,
      tpu.vector_store %arg17[%swap3A_473, %swap3A_474], %add3A_472 {strides = array<i32>} : memref<16x1024xf32, #tpu.memory_space<vmem>>, vector<16xf32>,
      %get3A_476 = arith.index_cast %scan3A_152 : i32 to index
      %get3A_477 = arith.constant 416 : index
      %get3A_478 = tpu.vector_load %arg13[%get3A_476, %get3A_477] {strides = array<i32>} : memref<16x1024xf32, #tpu.memory_space<vmem>>, vector<16xf32>,
      %get3A_479 = arith.index_cast %scan3A_152 : i32 to index
      %get3A_480 = arith.constant 416 : index
      %get3A_481 = tpu.vector_load %arg15[%get3A_479, %get3A_480] {strides = array<i32>} : memref<16x1024xf32, #tpu.memory_space<vmem>>, vector<16xf32>,
      %mul3A_482 = arith.mulf %get3A_158, %get3A_478 : vector<16xf32>
      %mul3A_483 = arith.mulf %get3A_164, %get3A_481 : vector<16xf32>
      %add3A_484 = arith.addf %mul3A_482, %mul3A_483 : vector<16xf32>
      %swap3A_485 = arith.index_cast %scan3A_152 : i32 to index
      %swap3A_486 = arith.constant 416 : index
      %swap3A_487 = tpu.vector_load %arg17[%swap3A_485, %swap3A_486] {strides = array<i32>} : memref<16x1024xf32, #tpu.memory_space<vmem>>, vector<16xf32>,
      tpu.vector_store %arg17[%swap3A_485, %swap3A_486], %add3A_484 {strides = array<i32>} : memref<16x1024xf32, #tpu.memory_space<vmem>>, vector<16xf32>,
      %get3A_488 = arith.index_cast %scan3A_152 : i32 to index
      %get3A_489 = arith.constant 432 : index
      %get3A_490 = tpu.vector_load %arg13[%get3A_488, %get3A_489] {strides = array<i32>} : memref<16x1024xf32, #tpu.memory_space<vmem>>, vector<16xf32>,
      %get3A_491 = arith.index_cast %scan3A_152 : i32 to index
      %get3A_492 = arith.constant 432 : index
      %get3A_493 = tpu.vector_load %arg15[%get3A_491, %get3A_492] {strides = array<i32>} : memref<16x1024xf32, #tpu.memory_space<vmem>>, vector<16xf32>,
      %mul3A_494 = arith.mulf %get3A_158, %get3A_490 : vector<16xf32>
      %mul3A_495 = arith.mulf %get3A_164, %get3A_493 : vector<16xf32>
      %add3A_496 = arith.addf %mul3A_494, %mul3A_495 : vector<16xf32>
      %swap3A_497 = arith.index_cast %scan3A_152 : i32 to index
      %swap3A_498 = arith.constant 432 : index
      %swap3A_499 = tpu.vector_load %arg17[%swap3A_497, %swap3A_498] {strides = array<i32>} : memref<16x1024xf32, #tpu.memory_space<vmem>>, vector<16xf32>,
      tpu.vector_store %arg17[%swap3A_497, %swap3A_498], %add3A_496 {strides = array<i32>} : memref<16x1024xf32, #tpu.memory_space<vmem>>, vector<16xf32>,
      %get3A_500 = arith.index_cast %scan3A_152 : i32 to index
      %get3A_501 = arith.constant 448 : index
      %get3A_502 = tpu.vector_load %arg13[%get3A_500, %get3A_501] {strides = array<i32>} : memref<16x1024xf32, #tpu.memory_space<vmem>>, vector<16xf32>,
      %get3A_503 = arith.index_cast %scan3A_152 : i32 to index
      %get3A_504 = arith.constant 448 : index
      %get3A_505 = tpu.vector_load %arg15[%get3A_503, %get3A_504] {strides = array<i32>} : memref<16x1024xf32, #tpu.memory_space<vmem>>, vector<16xf32>,
      %mul3A_506 = arith.mulf %get3A_158, %get3A_502 : vector<16xf32>
      %mul3A_507 = arith.mulf %get3A_164, %get3A_505 : vector<16xf32>
      %add3A_508 = arith.addf %mul3A_506, %mul3A_507 : vector<16xf32>
      %swap3A_509 = arith.index_cast %scan3A_152 : i32 to index
      %swap3A_510 = arith.constant 448 : index
      %swap3A_511 = tpu.vector_load %arg17[%swap3A_509, %swap3A_510] {strides = array<i32>} : memref<16x1024xf32, #tpu.memory_space<vmem>>, vector<16xf32>,
      tpu.vector_store %arg17[%swap3A_509, %swap3A_510], %add3A_508 {strides = array<i32>} : memref<16x1024xf32, #tpu.memory_space<vmem>>, vector<16xf32>,
      %get3A_512 = arith.index_cast %scan3A_152 : i32 to index
      %get3A_513 = arith.constant 464 : index
      %get3A_514 = tpu.vector_load %arg13[%get3A_512, %get3A_513] {strides = array<i32>} : memref<16x1024xf32, #tpu.memory_space<vmem>>, vector<16xf32>,
      %get3A_515 = arith.index_cast %scan3A_152 : i32 to index
      %get3A_516 = arith.constant 464 : index
      %get3A_517 = tpu.vector_load %arg15[%get3A_515, %get3A_516] {strides = array<i32>} : memref<16x1024xf32, #tpu.memory_space<vmem>>, vector<16xf32>,
      %mul3A_518 = arith.mulf %get3A_158, %get3A_514 : vector<16xf32>
      %mul3A_519 = arith.mulf %get3A_164, %get3A_517 : vector<16xf32>
      %add3A_520 = arith.addf %mul3A_518, %mul3A_519 : vector<16xf32>
      %swap3A_521 = arith.index_cast %scan3A_152 : i32 to index
      %swap3A_522 = arith.constant 464 : index
      %swap3A_523 = tpu.vector_load %arg17[%swap3A_521, %swap3A_522] {strides = array<i32>} : memref<16x1024xf32, #tpu.memory_space<vmem>>, vector<16xf32>,
      tpu.vector_store %arg17[%swap3A_521, %swap3A_522], %add3A_520 {strides = array<i32>} : memref<16x1024xf32, #tpu.memory_space<vmem>>, vector<16xf32>,
      %get3A_524 = arith.index_cast %scan3A_152 : i32 to index
      %get3A_525 = arith.constant 480 : index
      %get3A_526 = tpu.vector_load %arg13[%get3A_524, %get3A_525] {strides = array<i32>} : memref<16x1024xf32, #tpu.memory_space<vmem>>, vector<16xf32>,
      %get3A_527 = arith.index_cast %scan3A_152 : i32 to index
      %get3A_528 = arith.constant 480 : index
      %get3A_529 = tpu.vector_load %arg15[%get3A_527, %get3A_528] {strides = array<i32>} : memref<16x1024xf32, #tpu.memory_space<vmem>>, vector<16xf32>,
      %mul3A_530 = arith.mulf %get3A_158, %get3A_526 : vector<16xf32>
      %mul3A_531 = arith.mulf %get3A_164, %get3A_529 : vector<16xf32>
      %add3A_532 = arith.addf %mul3A_530, %mul3A_531 : vector<16xf32>
      %swap3A_533 = arith.index_cast %scan3A_152 : i32 to index
      %swap3A_534 = arith.constant 480 : index
      %swap3A_535 = tpu.vector_load %arg17[%swap3A_533, %swap3A_534] {strides = array<i32>} : memref<16x1024xf32, #tpu.memory_space<vmem>>, vector<16xf32>,
      tpu.vector_store %arg17[%swap3A_533, %swap3A_534], %add3A_532 {strides = array<i32>} : memref<16x1024xf32, #tpu.memory_space<vmem>>, vector<16xf32>,
      %get3A_536 = arith.index_cast %scan3A_152 : i32 to index
      %get3A_537 = arith.constant 496 : index
      %get3A_538 = tpu.vector_load %arg13[%get3A_536, %get3A_537] {strides = array<i32>} : memref<16x1024xf32, #tpu.memory_space<vmem>>, vector<16xf32>,
      %get3A_539 = arith.index_cast %scan3A_152 : i32 to index
      %get3A_540 = arith.constant 496 : index
      %get3A_541 = tpu.vector_load %arg15[%get3A_539, %get3A_540] {strides = array<i32>} : memref<16x1024xf32, #tpu.memory_space<vmem>>, vector<16xf32>,
      %mul3A_542 = arith.mulf %get3A_158, %get3A_538 : vector<16xf32>
      %mul3A_543 = arith.mulf %get3A_164, %get3A_541 : vector<16xf32>
      %add3A_544 = arith.addf %mul3A_542, %mul3A_543 : vector<16xf32>
      %swap3A_545 = arith.index_cast %scan3A_152 : i32 to index
      %swap3A_546 = arith.constant 496 : index
      %swap3A_547 = tpu.vector_load %arg17[%swap3A_545, %swap3A_546] {strides = array<i32>} : memref<16x1024xf32, #tpu.memory_space<vmem>>, vector<16xf32>,
      tpu.vector_store %arg17[%swap3A_545, %swap3A_546], %add3A_544 {strides = array<i32>} : memref<16x1024xf32, #tpu.memory_space<vmem>>, vector<16xf32>,
      %get3A_548 = arith.index_cast %scan3A_152 : i32 to index
      %get3A_549 = arith.constant 512 : index
      %get3A_550 = tpu.vector_load %arg13[%get3A_548, %get3A_549] {strides = array<i32>} : memref<16x1024xf32, #tpu.memory_space<vmem>>, vector<16xf32>,
      %get3A_551 = arith.index_cast %scan3A_152 : i32 to index
      %get3A_552 = arith.constant 512 : index
      %get3A_553 = tpu.vector_load %arg15[%get3A_551, %get3A_552] {strides = array<i32>} : memref<16x1024xf32, #tpu.memory_space<vmem>>, vector<16xf32>,
      %mul3A_554 = arith.mulf %get3A_158, %get3A_550 : vector<16xf32>
      %mul3A_555 = arith.mulf %get3A_164, %get3A_553 : vector<16xf32>
      %add3A_556 = arith.addf %mul3A_554, %mul3A_555 : vector<16xf32>
      %swap3A_557 = arith.index_cast %scan3A_152 : i32 to index
      %swap3A_558 = arith.constant 512 : index
      %swap3A_559 = tpu.vector_load %arg17[%swap3A_557, %swap3A_558] {strides = array<i32>} : memref<16x1024xf32, #tpu.memory_space<vmem>>, vector<16xf32>,
      tpu.vector_store %arg17[%swap3A_557, %swap3A_558], %add3A_556 {strides = array<i32>} : memref<16x1024xf32, #tpu.memory_space<vmem>>, vector<16xf32>,
      %get3A_560 = arith.index_cast %scan3A_152 : i32 to index
      %get3A_561 = arith.constant 528 : index
      %get3A_562 = tpu.vector_load %arg13[%get3A_560, %get3A_561] {strides = array<i32>} : memref<16x1024xf32, #tpu.memory_space<vmem>>, vector<16xf32>,
      %get3A_563 = arith.index_cast %scan3A_152 : i32 to index
      %get3A_564 = arith.constant 528 : index
      %get3A_565 = tpu.vector_load %arg15[%get3A_563, %get3A_564] {strides = array<i32>} : memref<16x1024xf32, #tpu.memory_space<vmem>>, vector<16xf32>,
      %mul3A_566 = arith.mulf %get3A_158, %get3A_562 : vector<16xf32>
      %mul3A_567 = arith.mulf %get3A_164, %get3A_565 : vector<16xf32>
      %add3A_568 = arith.addf %mul3A_566, %mul3A_567 : vector<16xf32>
      %swap3A_569 = arith.index_cast %scan3A_152 : i32 to index
      %swap3A_570 = arith.constant 528 : index
      %swap3A_571 = tpu.vector_load %arg17[%swap3A_569, %swap3A_570] {strides = array<i32>} : memref<16x1024xf32, #tpu.memory_space<vmem>>, vector<16xf32>,
      tpu.vector_store %arg17[%swap3A_569, %swap3A_570], %add3A_568 {strides = array<i32>} : memref<16x1024xf32, #tpu.memory_space<vmem>>, vector<16xf32>,
      %get3A_572 = arith.index_cast %scan3A_152 : i32 to index
      %get3A_573 = arith.constant 544 : index
      %get3A_574 = tpu.vector_load %arg13[%get3A_572, %get3A_573] {strides = array<i32>} : memref<16x1024xf32, #tpu.memory_space<vmem>>, vector<16xf32>,
      %get3A_575 = arith.index_cast %scan3A_152 : i32 to index
      %get3A_576 = arith.constant 544 : index
      %get3A_577 = tpu.vector_load %arg15[%get3A_575, %get3A_576] {strides = array<i32>} : memref<16x1024xf32, #tpu.memory_space<vmem>>, vector<16xf32>,
      %mul3A_578 = arith.mulf %get3A_158, %get3A_574 : vector<16xf32>
      %mul3A_579 = arith.mulf %get3A_164, %get3A_577 : vector<16xf32>
      %add3A_580 = arith.addf %mul3A_578, %mul3A_579 : vector<16xf32>
      %swap3A_581 = arith.index_cast %scan3A_152 : i32 to index
      %swap3A_582 = arith.constant 544 : index
      %swap3A_583 = tpu.vector_load %arg17[%swap3A_581, %swap3A_582] {strides = array<i32>} : memref<16x1024xf32, #tpu.memory_space<vmem>>, vector<16xf32>,
      tpu.vector_store %arg17[%swap3A_581, %swap3A_582], %add3A_580 {strides = array<i32>} : memref<16x1024xf32, #tpu.memory_space<vmem>>, vector<16xf32>,
      %get3A_584 = arith.index_cast %scan3A_152 : i32 to index
      %get3A_585 = arith.constant 560 : index
      %get3A_586 = tpu.vector_load %arg13[%get3A_584, %get3A_585] {strides = array<i32>} : memref<16x1024xf32, #tpu.memory_space<vmem>>, vector<16xf32>,
      %get3A_587 = arith.index_cast %scan3A_152 : i32 to index
      %get3A_588 = arith.constant 560 : index
      %get3A_589 = tpu.vector_load %arg15[%get3A_587, %get3A_588] {strides = array<i32>} : memref<16x1024xf32, #tpu.memory_space<vmem>>, vector<16xf32>,
      %mul3A_590 = arith.mulf %get3A_158, %get3A_586 : vector<16xf32>
      %mul3A_591 = arith.mulf %get3A_164, %get3A_589 : vector<16xf32>
      %add3A_592 = arith.addf %mul3A_590, %mul3A_591 : vector<16xf32>
      %swap3A_593 = arith.index_cast %scan3A_152 : i32 to index
      %swap3A_594 = arith.constant 560 : index
      %swap3A_595 = tpu.vector_load %arg17[%swap3A_593, %swap3A_594] {strides = array<i32>} : memref<16x1024xf32, #tpu.memory_space<vmem>>, vector<16xf32>,
      tpu.vector_store %arg17[%swap3A_593, %swap3A_594], %add3A_592 {strides = array<i32>} : memref<16x1024xf32, #tpu.memory_space<vmem>>, vector<16xf32>,
      %get3A_596 = arith.index_cast %scan3A_152 : i32 to index
      %get3A_597 = arith.constant 576 : index
      %get3A_598 = tpu.vector_load %arg13[%get3A_596, %get3A_597] {strides = array<i32>} : memref<16x1024xf32, #tpu.memory_space<vmem>>, vector<16xf32>,
      %get3A_599 = arith.index_cast %scan3A_152 : i32 to index
      %get3A_600 = arith.constant 576 : index
      %get3A_601 = tpu.vector_load %arg15[%get3A_599, %get3A_600] {strides = array<i32>} : memref<16x1024xf32, #tpu.memory_space<vmem>>, vector<16xf32>,
      %mul3A_602 = arith.mulf %get3A_158, %get3A_598 : vector<16xf32>
      %mul3A_603 = arith.mulf %get3A_164, %get3A_601 : vector<16xf32>
      %add3A_604 = arith.addf %mul3A_602, %mul3A_603 : vector<16xf32>
      %swap3A_605 = arith.index_cast %scan3A_152 : i32 to index
      %swap3A_606 = arith.constant 576 : index
      %swap3A_607 = tpu.vector_load %arg17[%swap3A_605, %swap3A_606] {strides = array<i32>} : memref<16x1024xf32, #tpu.memory_space<vmem>>, vector<16xf32>,
      tpu.vector_store %arg17[%swap3A_605, %swap3A_606], %add3A_604 {strides = array<i32>} : memref<16x1024xf32, #tpu.memory_space<vmem>>, vector<16xf32>,
      %get3A_608 = arith.index_cast %scan3A_152 : i32 to index
      %get3A_609 = arith.constant 592 : index
      %get3A_610 = tpu.vector_load %arg13[%get3A_608, %get3A_609] {strides = array<i32>} : memref<16x1024xf32, #tpu.memory_space<vmem>>, vector<16xf32>,
      %get3A_611 = arith.index_cast %scan3A_152 : i32 to index
      %get3A_612 = arith.constant 592 : index
      %get3A_613 = tpu.vector_load %arg15[%get3A_611, %get3A_612] {strides = array<i32>} : memref<16x1024xf32, #tpu.memory_space<vmem>>, vector<16xf32>,
      %mul3A_614 = arith.mulf %get3A_158, %get3A_610 : vector<16xf32>
      %mul3A_615 = arith.mulf %get3A_164, %get3A_613 : vector<16xf32>
      %add3A_616 = arith.addf %mul3A_614, %mul3A_615 : vector<16xf32>
      %swap3A_617 = arith.index_cast %scan3A_152 : i32 to index
      %swap3A_618 = arith.constant 592 : index
      %swap3A_619 = tpu.vector_load %arg17[%swap3A_617, %swap3A_618] {strides = array<i32>} : memref<16x1024xf32, #tpu.memory_space<vmem>>, vector<16xf32>,
      tpu.vector_store %arg17[%swap3A_617, %swap3A_618], %add3A_616 {strides = array<i32>} : memref<16x1024xf32, #tpu.memory_space<vmem>>, vector<16xf32>,
      %get3A_620 = arith.index_cast %scan3A_152 : i32 to index
      %get3A_621 = arith.constant 608 : index
      %get3A_622 = tpu.vector_load %arg13[%get3A_620, %get3A_621] {strides = array<i32>} : memref<16x1024xf32, #tpu.memory_space<vmem>>, vector<16xf32>,
      %get3A_623 = arith.index_cast %scan3A_152 : i32 to index
      %get3A_624 = arith.constant 608 : index
      %get3A_625 = tpu.vector_load %arg15[%get3A_623, %get3A_624] {strides = array<i32>} : memref<16x1024xf32, #tpu.memory_space<vmem>>, vector<16xf32>,
      %mul3A_626 = arith.mulf %get3A_158, %get3A_622 : vector<16xf32>
      %mul3A_627 = arith.mulf %get3A_164, %get3A_625 : vector<16xf32>
      %add3A_628 = arith.addf %mul3A_626, %mul3A_627 : vector<16xf32>
      %swap3A_629 = arith.index_cast %scan3A_152 : i32 to index
      %swap3A_630 = arith.constant 608 : index
      %swap3A_631 = tpu.vector_load %arg17[%swap3A_629, %swap3A_630] {strides = array<i32>} : memref<16x1024xf32, #tpu.memory_space<vmem>>, vector<16xf32>,
      tpu.vector_store %arg17[%swap3A_629, %swap3A_630], %add3A_628 {strides = array<i32>} : memref<16x1024xf32, #tpu.memory_space<vmem>>, vector<16xf32>,
      %get3A_632 = arith.index_cast %scan3A_152 : i32 to index
      %get3A_633 = arith.constant 624 : index
      %get3A_634 = tpu.vector_load %arg13[%get3A_632, %get3A_633] {strides = array<i32>} : memref<16x1024xf32, #tpu.memory_space<vmem>>, vector<16xf32>,
      %get3A_635 = arith.index_cast %scan3A_152 : i32 to index
      %get3A_636 = arith.constant 624 : index
      %get3A_637 = tpu.vector_load %arg15[%get3A_635, %get3A_636] {strides = array<i32>} : memref<16x1024xf32, #tpu.memory_space<vmem>>, vector<16xf32>,
      %mul3A_638 = arith.mulf %get3A_158, %get3A_634 : vector<16xf32>
      %mul3A_639 = arith.mulf %get3A_164, %get3A_637 : vector<16xf32>
      %add3A_640 = arith.addf %mul3A_638, %mul3A_639 : vector<16xf32>
      %swap3A_641 = arith.index_cast %scan3A_152 : i32 to index
      %swap3A_642 = arith.constant 624 : index
      %swap3A_643 = tpu.vector_load %arg17[%swap3A_641, %swap3A_642] {strides = array<i32>} : memref<16x1024xf32, #tpu.memory_space<vmem>>, vector<16xf32>,
      tpu.vector_store %arg17[%swap3A_641, %swap3A_642], %add3A_640 {strides = array<i32>} : memref<16x1024xf32, #tpu.memory_space<vmem>>, vector<16xf32>,
      %get3A_644 = arith.index_cast %scan3A_152 : i32 to index
      %get3A_645 = arith.constant 640 : index
      %get3A_646 = tpu.vector_load %arg13[%get3A_644, %get3A_645] {strides = array<i32>} : memref<16x1024xf32, #tpu.memory_space<vmem>>, vector<16xf32>,
      %get3A_647 = arith.index_cast %scan3A_152 : i32 to index
      %get3A_648 = arith.constant 640 : index
      %get3A_649 = tpu.vector_load %arg15[%get3A_647, %get3A_648] {strides = array<i32>} : memref<16x1024xf32, #tpu.memory_space<vmem>>, vector<16xf32>,
      %mul3A_650 = arith.mulf %get3A_158, %get3A_646 : vector<16xf32>
      %mul3A_651 = arith.mulf %get3A_164, %get3A_649 : vector<16xf32>
      %add3A_652 = arith.addf %mul3A_650, %mul3A_651 : vector<16xf32>
      %swap3A_653 = arith.index_cast %scan3A_152 : i32 to index
      %swap3A_654 = arith.constant 640 : index
      %swap3A_655 = tpu.vector_load %arg17[%swap3A_653, %swap3A_654] {strides = array<i32>} : memref<16x1024xf32, #tpu.memory_space<vmem>>, vector<16xf32>,
      tpu.vector_store %arg17[%swap3A_653, %swap3A_654], %add3A_652 {strides = array<i32>} : memref<16x1024xf32, #tpu.memory_space<vmem>>, vector<16xf32>,
      %get3A_656 = arith.index_cast %scan3A_152 : i32 to index
      %get3A_657 = arith.constant 656 : index
      %get3A_658 = tpu.vector_load %arg13[%get3A_656, %get3A_657] {strides = array<i32>} : memref<16x1024xf32, #tpu.memory_space<vmem>>, vector<16xf32>,
      %get3A_659 = arith.index_cast %scan3A_152 : i32 to index
      %get3A_660 = arith.constant 656 : index
      %get3A_661 = tpu.vector_load %arg15[%get3A_659, %get3A_660] {strides = array<i32>} : memref<16x1024xf32, #tpu.memory_space<vmem>>, vector<16xf32>,
      %mul3A_662 = arith.mulf %get3A_158, %get3A_658 : vector<16xf32>
      %mul3A_663 = arith.mulf %get3A_164, %get3A_661 : vector<16xf32>
      %add3A_664 = arith.addf %mul3A_662, %mul3A_663 : vector<16xf32>
      %swap3A_665 = arith.index_cast %scan3A_152 : i32 to index
      %swap3A_666 = arith.constant 656 : index
      %swap3A_667 = tpu.vector_load %arg17[%swap3A_665, %swap3A_666] {strides = array<i32>} : memref<16x1024xf32, #tpu.memory_space<vmem>>, vector<16xf32>,
      tpu.vector_store %arg17[%swap3A_665, %swap3A_666], %add3A_664 {strides = array<i32>} : memref<16x1024xf32, #tpu.memory_space<vmem>>, vector<16xf32>,
      %get3A_668 = arith.index_cast %scan3A_152 : i32 to index
      %get3A_669 = arith.constant 672 : index
      %get3A_670 = tpu.vector_load %arg13[%get3A_668, %get3A_669] {strides = array<i32>} : memref<16x1024xf32, #tpu.memory_space<vmem>>, vector<16xf32>,
      %get3A_671 = arith.index_cast %scan3A_152 : i32 to index
      %get3A_672 = arith.constant 672 : index
      %get3A_673 = tpu.vector_load %arg15[%get3A_671, %get3A_672] {strides = array<i32>} : memref<16x1024xf32, #tpu.memory_space<vmem>>, vector<16xf32>,
      %mul3A_674 = arith.mulf %get3A_158, %get3A_670 : vector<16xf32>
      %mul3A_675 = arith.mulf %get3A_164, %get3A_673 : vector<16xf32>
      %add3A_676 = arith.addf %mul3A_674, %mul3A_675 : vector<16xf32>
      %swap3A_677 = arith.index_cast %scan3A_152 : i32 to index
      %swap3A_678 = arith.constant 672 : index
      %swap3A_679 = tpu.vector_load %arg17[%swap3A_677, %swap3A_678] {strides = array<i32>} : memref<16x1024xf32, #tpu.memory_space<vmem>>, vector<16xf32>,
      tpu.vector_store %arg17[%swap3A_677, %swap3A_678], %add3A_676 {strides = array<i32>} : memref<16x1024xf32, #tpu.memory_space<vmem>>, vector<16xf32>,
      %get3A_680 = arith.index_cast %scan3A_152 : i32 to index
      %get3A_681 = arith.constant 688 : index
      %get3A_682 = tpu.vector_load %arg13[%get3A_680, %get3A_681] {strides = array<i32>} : memref<16x1024xf32, #tpu.memory_space<vmem>>, vector<16xf32>,
      %get3A_683 = arith.index_cast %scan3A_152 : i32 to index
      %get3A_684 = arith.constant 688 : index
      %get3A_685 = tpu.vector_load %arg15[%get3A_683, %get3A_684] {strides = array<i32>} : memref<16x1024xf32, #tpu.memory_space<vmem>>, vector<16xf32>,
      %mul3A_686 = arith.mulf %get3A_158, %get3A_682 : vector<16xf32>
      %mul3A_687 = arith.mulf %get3A_164, %get3A_685 : vector<16xf32>
      %add3A_688 = arith.addf %mul3A_686, %mul3A_687 : vector<16xf32>
      %swap3A_689 = arith.index_cast %scan3A_152 : i32 to index
      %swap3A_690 = arith.constant 688 : index
      %swap3A_691 = tpu.vector_load %arg17[%swap3A_689, %swap3A_690] {strides = array<i32>} : memref<16x1024xf32, #tpu.memory_space<vmem>>, vector<16xf32>,
      tpu.vector_store %arg17[%swap3A_689, %swap3A_690], %add3A_688 {strides = array<i32>} : memref<16x1024xf32, #tpu.memory_space<vmem>>, vector<16xf32>,
      %get3A_692 = arith.index_cast %scan3A_152 : i32 to index
      %get3A_693 = arith.constant 704 : index
      %get3A_694 = tpu.vector_load %arg13[%get3A_692, %get3A_693] {strides = array<i32>} : memref<16x1024xf32, #tpu.memory_space<vmem>>, vector<16xf32>,
      %get3A_695 = arith.index_cast %scan3A_152 : i32 to index
      %get3A_696 = arith.constant 704 : index
      %get3A_697 = tpu.vector_load %arg15[%get3A_695, %get3A_696] {strides = array<i32>} : memref<16x1024xf32, #tpu.memory_space<vmem>>, vector<16xf32>,
      %mul3A_698 = arith.mulf %get3A_158, %get3A_694 : vector<16xf32>
      %mul3A_699 = arith.mulf %get3A_164, %get3A_697 : vector<16xf32>
      %add3A_700 = arith.addf %mul3A_698, %mul3A_699 : vector<16xf32>
      %swap3A_701 = arith.index_cast %scan3A_152 : i32 to index
      %swap3A_702 = arith.constant 704 : index
      %swap3A_703 = tpu.vector_load %arg17[%swap3A_701, %swap3A_702] {strides = array<i32>} : memref<16x1024xf32, #tpu.memory_space<vmem>>, vector<16xf32>,
      tpu.vector_store %arg17[%swap3A_701, %swap3A_702], %add3A_700 {strides = array<i32>} : memref<16x1024xf32, #tpu.memory_space<vmem>>, vector<16xf32>,
      %get3A_704 = arith.index_cast %scan3A_152 : i32 to index
      %get3A_705 = arith.constant 720 : index
      %get3A_706 = tpu.vector_load %arg13[%get3A_704, %get3A_705] {strides = array<i32>} : memref<16x1024xf32, #tpu.memory_space<vmem>>, vector<16xf32>,
      %get3A_707 = arith.index_cast %scan3A_152 : i32 to index
      %get3A_708 = arith.constant 720 : index
      %get3A_709 = tpu.vector_load %arg15[%get3A_707, %get3A_708] {strides = array<i32>} : memref<16x1024xf32, #tpu.memory_space<vmem>>, vector<16xf32>,
      %mul3A_710 = arith.mulf %get3A_158, %get3A_706 : vector<16xf32>
      %mul3A_711 = arith.mulf %get3A_164, %get3A_709 : vector<16xf32>
      %add3A_712 = arith.addf %mul3A_710, %mul3A_711 : vector<16xf32>
      %swap3A_713 = arith.index_cast %scan3A_152 : i32 to index
      %swap3A_714 = arith.constant 720 : index
      %swap3A_715 = tpu.vector_load %arg17[%swap3A_713, %swap3A_714] {strides = array<i32>} : memref<16x1024xf32, #tpu.memory_space<vmem>>, vector<16xf32>,
      tpu.vector_store %arg17[%swap3A_713, %swap3A_714], %add3A_712 {strides = array<i32>} : memref<16x1024xf32, #tpu.memory_space<vmem>>, vector<16xf32>,
      %get3A_716 = arith.index_cast %scan3A_152 : i32 to index
      %get3A_717 = arith.constant 736 : index
      %get3A_718 = tpu.vector_load %arg13[%get3A_716, %get3A_717] {strides = array<i32>} : memref<16x1024xf32, #tpu.memory_space<vmem>>, vector<16xf32>,
      %get3A_719 = arith.index_cast %scan3A_152 : i32 to index
      %get3A_720 = arith.constant 736 : index
      %get3A_721 = tpu.vector_load %arg15[%get3A_719, %get3A_720] {strides = array<i32>} : memref<16x1024xf32, #tpu.memory_space<vmem>>, vector<16xf32>,
      %mul3A_722 = arith.mulf %get3A_158, %get3A_718 : vector<16xf32>
      %mul3A_723 = arith.mulf %get3A_164, %get3A_721 : vector<16xf32>
      %add3A_724 = arith.addf %mul3A_722, %mul3A_723 : vector<16xf32>
      %swap3A_725 = arith.index_cast %scan3A_152 : i32 to index
      %swap3A_726 = arith.constant 736 : index
      %swap3A_727 = tpu.vector_load %arg17[%swap3A_725, %swap3A_726] {strides = array<i32>} : memref<16x1024xf32, #tpu.memory_space<vmem>>, vector<16xf32>,
      tpu.vector_store %arg17[%swap3A_725, %swap3A_726], %add3A_724 {strides = array<i32>} : memref<16x1024xf32, #tpu.memory_space<vmem>>, vector<16xf32>,
      %get3A_728 = arith.index_cast %scan3A_152 : i32 to index
      %get3A_729 = arith.constant 752 : index
      %get3A_730 = tpu.vector_load %arg13[%get3A_728, %get3A_729] {strides = array<i32>} : memref<16x1024xf32, #tpu.memory_space<vmem>>, vector<16xf32>,
      %get3A_731 = arith.index_cast %scan3A_152 : i32 to index
      %get3A_732 = arith.constant 752 : index
      %get3A_733 = tpu.vector_load %arg15[%get3A_731, %get3A_732] {strides = array<i32>} : memref<16x1024xf32, #tpu.memory_space<vmem>>, vector<16xf32>,
      %mul3A_734 = arith.mulf %get3A_158, %get3A_730 : vector<16xf32>
      %mul3A_735 = arith.mulf %get3A_164, %get3A_733 : vector<16xf32>
      %add3A_736 = arith.addf %mul3A_734, %mul3A_735 : vector<16xf32>
      %swap3A_737 = arith.index_cast %scan3A_152 : i32 to index
      %swap3A_738 = arith.constant 752 : index
      %swap3A_739 = tpu.vector_load %arg17[%swap3A_737, %swap3A_738] {strides = array<i32>} : memref<16x1024xf32, #tpu.memory_space<vmem>>, vector<16xf32>,
      tpu.vector_store %arg17[%swap3A_737, %swap3A_738], %add3A_736 {strides = array<i32>} : memref<16x1024xf32, #tpu.memory_space<vmem>>, vector<16xf32>,
      %get3A_740 = arith.index_cast %scan3A_152 : i32 to index
      %get3A_741 = arith.constant 768 : index
      %get3A_742 = tpu.vector_load %arg13[%get3A_740, %get3A_741] {strides = array<i32>} : memref<16x1024xf32, #tpu.memory_space<vmem>>, vector<16xf32>,
      %get3A_743 = arith.index_cast %scan3A_152 : i32 to index
      %get3A_744 = arith.constant 768 : index
      %get3A_745 = tpu.vector_load %arg15[%get3A_743, %get3A_744] {strides = array<i32>} : memref<16x1024xf32, #tpu.memory_space<vmem>>, vector<16xf32>,
      %mul3A_746 = arith.mulf %get3A_158, %get3A_742 : vector<16xf32>
      %mul3A_747 = arith.mulf %get3A_164, %get3A_745 : vector<16xf32>
      %add3A_748 = arith.addf %mul3A_746, %mul3A_747 : vector<16xf32>
      %swap3A_749 = arith.index_cast %scan3A_152 : i32 to index
      %swap3A_750 = arith.constant 768 : index
      %swap3A_751 = tpu.vector_load %arg17[%swap3A_749, %swap3A_750] {strides = array<i32>} : memref<16x1024xf32, #tpu.memory_space<vmem>>, vector<16xf32>,
      tpu.vector_store %arg17[%swap3A_749, %swap3A_750], %add3A_748 {strides = array<i32>} : memref<16x1024xf32, #tpu.memory_space<vmem>>, vector<16xf32>,
      %get3A_752 = arith.index_cast %scan3A_152 : i32 to index
      %get3A_753 = arith.constant 784 : index
      %get3A_754 = tpu.vector_load %arg13[%get3A_752, %get3A_753] {strides = array<i32>} : memref<16x1024xf32, #tpu.memory_space<vmem>>, vector<16xf32>,
      %get3A_755 = arith.index_cast %scan3A_152 : i32 to index
      %get3A_756 = arith.constant 784 : index
      %get3A_757 = tpu.vector_load %arg15[%get3A_755, %get3A_756] {strides = array<i32>} : memref<16x1024xf32, #tpu.memory_space<vmem>>, vector<16xf32>,
      %mul3A_758 = arith.mulf %get3A_158, %get3A_754 : vector<16xf32>
      %mul3A_759 = arith.mulf %get3A_164, %get3A_757 : vector<16xf32>
      %add3A_760 = arith.addf %mul3A_758, %mul3A_759 : vector<16xf32>
      %swap3A_761 = arith.index_cast %scan3A_152 : i32 to index
      %swap3A_762 = arith.constant 784 : index
      %swap3A_763 = tpu.vector_load %arg17[%swap3A_761, %swap3A_762] {strides = array<i32>} : memref<16x1024xf32, #tpu.memory_space<vmem>>, vector<16xf32>,
      tpu.vector_store %arg17[%swap3A_761, %swap3A_762], %add3A_760 {strides = array<i32>} : memref<16x1024xf32, #tpu.memory_space<vmem>>, vector<16xf32>,
      %get3A_764 = arith.index_cast %scan3A_152 : i32 to index
      %get3A_765 = arith.constant 800 : index
      %get3A_766 = tpu.vector_load %arg13[%get3A_764, %get3A_765] {strides = array<i32>} : memref<16x1024xf32, #tpu.memory_space<vmem>>, vector<16xf32>,
      %get3A_767 = arith.index_cast %scan3A_152 : i32 to index
      %get3A_768 = arith.constant 800 : index
      %get3A_769 = tpu.vector_load %arg15[%get3A_767, %get3A_768] {strides = array<i32>} : memref<16x1024xf32, #tpu.memory_space<vmem>>, vector<16xf32>,
      %mul3A_770 = arith.mulf %get3A_158, %get3A_766 : vector<16xf32>
      %mul3A_771 = arith.mulf %get3A_164, %get3A_769 : vector<16xf32>
      %add3A_772 = arith.addf %mul3A_770, %mul3A_771 : vector<16xf32>
      %swap3A_773 = arith.index_cast %scan3A_152 : i32 to index
      %swap3A_774 = arith.constant 800 : index
      %swap3A_775 = tpu.vector_load %arg17[%swap3A_773, %swap3A_774] {strides = array<i32>} : memref<16x1024xf32, #tpu.memory_space<vmem>>, vector<16xf32>,
      tpu.vector_store %arg17[%swap3A_773, %swap3A_774], %add3A_772 {strides = array<i32>} : memref<16x1024xf32, #tpu.memory_space<vmem>>, vector<16xf32>,
      %get3A_776 = arith.index_cast %scan3A_152 : i32 to index
      %get3A_777 = arith.constant 816 : index
      %get3A_778 = tpu.vector_load %arg13[%get3A_776, %get3A_777] {strides = array<i32>} : memref<16x1024xf32, #tpu.memory_space<vmem>>, vector<16xf32>,
      %get3A_779 = arith.index_cast %scan3A_152 : i32 to index
      %get3A_780 = arith.constant 816 : index
      %get3A_781 = tpu.vector_load %arg15[%get3A_779, %get3A_780] {strides = array<i32>} : memref<16x1024xf32, #tpu.memory_space<vmem>>, vector<16xf32>,
      %mul3A_782 = arith.mulf %get3A_158, %get3A_778 : vector<16xf32>
      %mul3A_783 = arith.mulf %get3A_164, %get3A_781 : vector<16xf32>
      %add3A_784 = arith.addf %mul3A_782, %mul3A_783 : vector<16xf32>
      %swap3A_785 = arith.index_cast %scan3A_152 : i32 to index
      %swap3A_786 = arith.constant 816 : index
      %swap3A_787 = tpu.vector_load %arg17[%swap3A_785, %swap3A_786] {strides = array<i32>} : memref<16x1024xf32, #tpu.memory_space<vmem>>, vector<16xf32>,
      tpu.vector_store %arg17[%swap3A_785, %swap3A_786], %add3A_784 {strides = array<i32>} : memref<16x1024xf32, #tpu.memory_space<vmem>>, vector<16xf32>,
      %get3A_788 = arith.index_cast %scan3A_152 : i32 to index
      %get3A_789 = arith.constant 832 : index
      %get3A_790 = tpu.vector_load %arg13[%get3A_788, %get3A_789] {strides = array<i32>} : memref<16x1024xf32, #tpu.memory_space<vmem>>, vector<16xf32>,
      %get3A_791 = arith.index_cast %scan3A_152 : i32 to index
      %get3A_792 = arith.constant 832 : index
      %get3A_793 = tpu.vector_load %arg15[%get3A_791, %get3A_792] {strides = array<i32>} : memref<16x1024xf32, #tpu.memory_space<vmem>>, vector<16xf32>,
      %mul3A_794 = arith.mulf %get3A_158, %get3A_790 : vector<16xf32>
      %mul3A_795 = arith.mulf %get3A_164, %get3A_793 : vector<16xf32>
      %add3A_796 = arith.addf %mul3A_794, %mul3A_795 : vector<16xf32>
      %swap3A_797 = arith.index_cast %scan3A_152 : i32 to index
      %swap3A_798 = arith.constant 832 : index
      %swap3A_799 = tpu.vector_load %arg17[%swap3A_797, %swap3A_798] {strides = array<i32>} : memref<16x1024xf32, #tpu.memory_space<vmem>>, vector<16xf32>,
      tpu.vector_store %arg17[%swap3A_797, %swap3A_798], %add3A_796 {strides = array<i32>} : memref<16x1024xf32, #tpu.memory_space<vmem>>, vector<16xf32>,
      %get3A_800 = arith.index_cast %scan3A_152 : i32 to index
      %get3A_801 = arith.constant 848 : index
      %get3A_802 = tpu.vector_load %arg13[%get3A_800, %get3A_801] {strides = array<i32>} : memref<16x1024xf32, #tpu.memory_space<vmem>>, vector<16xf32>,
      %get3A_803 = arith.index_cast %scan3A_152 : i32 to index
      %get3A_804 = arith.constant 848 : index
      %get3A_805 = tpu.vector_load %arg15[%get3A_803, %get3A_804] {strides = array<i32>} : memref<16x1024xf32, #tpu.memory_space<vmem>>, vector<16xf32>,
      %mul3A_806 = arith.mulf %get3A_158, %get3A_802 : vector<16xf32>
      %mul3A_807 = arith.mulf %get3A_164, %get3A_805 : vector<16xf32>
      %add3A_808 = arith.addf %mul3A_806, %mul3A_807 : vector<16xf32>
      %swap3A_809 = arith.index_cast %scan3A_152 : i32 to index
      %swap3A_810 = arith.constant 848 : index
      %swap3A_811 = tpu.vector_load %arg17[%swap3A_809, %swap3A_810] {strides = array<i32>} : memref<16x1024xf32, #tpu.memory_space<vmem>>, vector<16xf32>,
      tpu.vector_store %arg17[%swap3A_809, %swap3A_810], %add3A_808 {strides = array<i32>} : memref<16x1024xf32, #tpu.memory_space<vmem>>, vector<16xf32>,
      %get3A_812 = arith.index_cast %scan3A_152 : i32 to index
      %get3A_813 = arith.constant 864 : index
      %get3A_814 = tpu.vector_load %arg13[%get3A_812, %get3A_813] {strides = array<i32>} : memref<16x1024xf32, #tpu.memory_space<vmem>>, vector<16xf32>,
      %get3A_815 = arith.index_cast %scan3A_152 : i32 to index
      %get3A_816 = arith.constant 864 : index
      %get3A_817 = tpu.vector_load %arg15[%get3A_815, %get3A_816] {strides = array<i32>} : memref<16x1024xf32, #tpu.memory_space<vmem>>, vector<16xf32>,
      %mul3A_818 = arith.mulf %get3A_158, %get3A_814 : vector<16xf32>
      %mul3A_819 = arith.mulf %get3A_164, %get3A_817 : vector<16xf32>
      %add3A_820 = arith.addf %mul3A_818, %mul3A_819 : vector<16xf32>
      %swap3A_821 = arith.index_cast %scan3A_152 : i32 to index
      %swap3A_822 = arith.constant 864 : index
      %swap3A_823 = tpu.vector_load %arg17[%swap3A_821, %swap3A_822] {strides = array<i32>} : memref<16x1024xf32, #tpu.memory_space<vmem>>, vector<16xf32>,
      tpu.vector_store %arg17[%swap3A_821, %swap3A_822], %add3A_820 {strides = array<i32>} : memref<16x1024xf32, #tpu.memory_space<vmem>>, vector<16xf32>,
      %get3A_824 = arith.index_cast %scan3A_152 : i32 to index
      %get3A_825 = arith.constant 880 : index
      %get3A_826 = tpu.vector_load %arg13[%get3A_824, %get3A_825] {strides = array<i32>} : memref<16x1024xf32, #tpu.memory_space<vmem>>, vector<16xf32>,
      %get3A_827 = arith.index_cast %scan3A_152 : i32 to index
      %get3A_828 = arith.constant 880 : index
      %get3A_829 = tpu.vector_load %arg15[%get3A_827, %get3A_828] {strides = array<i32>} : memref<16x1024xf32, #tpu.memory_space<vmem>>, vector<16xf32>,
      %mul3A_830 = arith.mulf %get3A_158, %get3A_826 : vector<16xf32>
      %mul3A_831 = arith.mulf %get3A_164, %get3A_829 : vector<16xf32>
      %add3A_832 = arith.addf %mul3A_830, %mul3A_831 : vector<16xf32>
      %swap3A_833 = arith.index_cast %scan3A_152 : i32 to index
      %swap3A_834 = arith.constant 880 : index
      %swap3A_835 = tpu.vector_load %arg17[%swap3A_833, %swap3A_834] {strides = array<i32>} : memref<16x1024xf32, #tpu.memory_space<vmem>>, vector<16xf32>,
      tpu.vector_store %arg17[%swap3A_833, %swap3A_834], %add3A_832 {strides = array<i32>} : memref<16x1024xf32, #tpu.memory_space<vmem>>, vector<16xf32>,
      %get3A_836 = arith.index_cast %scan3A_152 : i32 to index
      %get3A_837 = arith.constant 896 : index
      %get3A_838 = tpu.vector_load %arg13[%get3A_836, %get3A_837] {strides = array<i32>} : memref<16x1024xf32, #tpu.memory_space<vmem>>, vector<16xf32>,
      %get3A_839 = arith.index_cast %scan3A_152 : i32 to index
      %get3A_840 = arith.constant 896 : index
      %get3A_841 = tpu.vector_load %arg15[%get3A_839, %get3A_840] {strides = array<i32>} : memref<16x1024xf32, #tpu.memory_space<vmem>>, vector<16xf32>,
      %mul3A_842 = arith.mulf %get3A_158, %get3A_838 : vector<16xf32>
      %mul3A_843 = arith.mulf %get3A_164, %get3A_841 : vector<16xf32>
      %add3A_844 = arith.addf %mul3A_842, %mul3A_843 : vector<16xf32>
      %swap3A_845 = arith.index_cast %scan3A_152 : i32 to index
      %swap3A_846 = arith.constant 896 : index
      %swap3A_847 = tpu.vector_load %arg17[%swap3A_845, %swap3A_846] {strides = array<i32>} : memref<16x1024xf32, #tpu.memory_space<vmem>>, vector<16xf32>,
      tpu.vector_store %arg17[%swap3A_845, %swap3A_846], %add3A_844 {strides = array<i32>} : memref<16x1024xf32, #tpu.memory_space<vmem>>, vector<16xf32>,
      %get3A_848 = arith.index_cast %scan3A_152 : i32 to index
      %get3A_849 = arith.constant 912 : index
      %get3A_850 = tpu.vector_load %arg13[%get3A_848, %get3A_849] {strides = array<i32>} : memref<16x1024xf32, #tpu.memory_space<vmem>>, vector<16xf32>,
      %get3A_851 = arith.index_cast %scan3A_152 : i32 to index
      %get3A_852 = arith.constant 912 : index
      %get3A_853 = tpu.vector_load %arg15[%get3A_851, %get3A_852] {strides = array<i32>} : memref<16x1024xf32, #tpu.memory_space<vmem>>, vector<16xf32>,
      %mul3A_854 = arith.mulf %get3A_158, %get3A_850 : vector<16xf32>
      %mul3A_855 = arith.mulf %get3A_164, %get3A_853 : vector<16xf32>
      %add3A_856 = arith.addf %mul3A_854, %mul3A_855 : vector<16xf32>
      %swap3A_857 = arith.index_cast %scan3A_152 : i32 to index
      %swap3A_858 = arith.constant 912 : index
      %swap3A_859 = tpu.vector_load %arg17[%swap3A_857, %swap3A_858] {strides = array<i32>} : memref<16x1024xf32, #tpu.memory_space<vmem>>, vector<16xf32>,
      tpu.vector_store %arg17[%swap3A_857, %swap3A_858], %add3A_856 {strides = array<i32>} : memref<16x1024xf32, #tpu.memory_space<vmem>>, vector<16xf32>,
      %get3A_860 = arith.index_cast %scan3A_152 : i32 to index
      %get3A_861 = arith.constant 928 : index
      %get3A_862 = tpu.vector_load %arg13[%get3A_860, %get3A_861] {strides = array<i32>} : memref<16x1024xf32, #tpu.memory_space<vmem>>, vector<16xf32>,
      %get3A_863 = arith.index_cast %scan3A_152 : i32 to index
      %get3A_864 = arith.constant 928 : index
      %get3A_865 = tpu.vector_load %arg15[%get3A_863, %get3A_864] {strides = array<i32>} : memref<16x1024xf32, #tpu.memory_space<vmem>>, vector<16xf32>,
      %mul3A_866 = arith.mulf %get3A_158, %get3A_862 : vector<16xf32>
      %mul3A_867 = arith.mulf %get3A_164, %get3A_865 : vector<16xf32>
      %add3A_868 = arith.addf %mul3A_866, %mul3A_867 : vector<16xf32>
      %swap3A_869 = arith.index_cast %scan3A_152 : i32 to index
      %swap3A_870 = arith.constant 928 : index
      %swap3A_871 = tpu.vector_load %arg17[%swap3A_869, %swap3A_870] {strides = array<i32>} : memref<16x1024xf32, #tpu.memory_space<vmem>>, vector<16xf32>,
      tpu.vector_store %arg17[%swap3A_869, %swap3A_870], %add3A_868 {strides = array<i32>} : memref<16x1024xf32, #tpu.memory_space<vmem>>, vector<16xf32>,
      %get3A_872 = arith.index_cast %scan3A_152 : i32 to index
      %get3A_873 = arith.constant 944 : index
      %get3A_874 = tpu.vector_load %arg13[%get3A_872, %get3A_873] {strides = array<i32>} : memref<16x1024xf32, #tpu.memory_space<vmem>>, vector<16xf32>,
      %get3A_875 = arith.index_cast %scan3A_152 : i32 to index
      %get3A_876 = arith.constant 944 : index
      %get3A_877 = tpu.vector_load %arg15[%get3A_875, %get3A_876] {strides = array<i32>} : memref<16x1024xf32, #tpu.memory_space<vmem>>, vector<16xf32>,
      %mul3A_878 = arith.mulf %get3A_158, %get3A_874 : vector<16xf32>
      %mul3A_879 = arith.mulf %get3A_164, %get3A_877 : vector<16xf32>
      %add3A_880 = arith.addf %mul3A_878, %mul3A_879 : vector<16xf32>
      %swap3A_881 = arith.index_cast %scan3A_152 : i32 to index
      %swap3A_882 = arith.constant 944 : index
      %swap3A_883 = tpu.vector_load %arg17[%swap3A_881, %swap3A_882] {strides = array<i32>} : memref<16x1024xf32, #tpu.memory_space<vmem>>, vector<16xf32>,
      tpu.vector_store %arg17[%swap3A_881, %swap3A_882], %add3A_880 {strides = array<i32>} : memref<16x1024xf32, #tpu.memory_space<vmem>>, vector<16xf32>,
      %get3A_884 = arith.index_cast %scan3A_152 : i32 to index
      %get3A_885 = arith.constant 960 : index
      %get3A_886 = tpu.vector_load %arg13[%get3A_884, %get3A_885] {strides = array<i32>} : memref<16x1024xf32, #tpu.memory_space<vmem>>, vector<16xf32>,
      %get3A_887 = arith.index_cast %scan3A_152 : i32 to index
      %get3A_888 = arith.constant 960 : index
      %get3A_889 = tpu.vector_load %arg15[%get3A_887, %get3A_888] {strides = array<i32>} : memref<16x1024xf32, #tpu.memory_space<vmem>>, vector<16xf32>,
      %mul3A_890 = arith.mulf %get3A_158, %get3A_886 : vector<16xf32>
      %mul3A_891 = arith.mulf %get3A_164, %get3A_889 : vector<16xf32>
      %add3A_892 = arith.addf %mul3A_890, %mul3A_891 : vector<16xf32>
      %swap3A_893 = arith.index_cast %scan3A_152 : i32 to index
      %swap3A_894 = arith.constant 960 : index
      %swap3A_895 = tpu.vector_load %arg17[%swap3A_893, %swap3A_894] {strides = array<i32>} : memref<16x1024xf32, #tpu.memory_space<vmem>>, vector<16xf32>,
      tpu.vector_store %arg17[%swap3A_893, %swap3A_894], %add3A_892 {strides = array<i32>} : memref<16x1024xf32, #tpu.memory_space<vmem>>, vector<16xf32>,
      %get3A_896 = arith.index_cast %scan3A_152 : i32 to index
      %get3A_897 = arith.constant 976 : index
      %get3A_898 = tpu.vector_load %arg13[%get3A_896, %get3A_897] {strides = array<i32>} : memref<16x1024xf32, #tpu.memory_space<vmem>>, vector<16xf32>,
      %get3A_899 = arith.index_cast %scan3A_152 : i32 to index
      %get3A_900 = arith.constant 976 : index
      %get3A_901 = tpu.vector_load %arg15[%get3A_899, %get3A_900] {strides = array<i32>} : memref<16x1024xf32, #tpu.memory_space<vmem>>, vector<16xf32>,
      %mul3A_902 = arith.mulf %get3A_158, %get3A_898 : vector<16xf32>
      %mul3A_903 = arith.mulf %get3A_164, %get3A_901 : vector<16xf32>
      %add3A_904 = arith.addf %mul3A_902, %mul3A_903 : vector<16xf32>
      %swap3A_905 = arith.index_cast %scan3A_152 : i32 to index
      %swap3A_906 = arith.constant 976 : index
      %swap3A_907 = tpu.vector_load %arg17[%swap3A_905, %swap3A_906] {strides = array<i32>} : memref<16x1024xf32, #tpu.memory_space<vmem>>, vector<16xf32>,
      tpu.vector_store %arg17[%swap3A_905, %swap3A_906], %add3A_904 {strides = array<i32>} : memref<16x1024xf32, #tpu.memory_space<vmem>>, vector<16xf32>,
      %get3A_908 = arith.index_cast %scan3A_152 : i32 to index
      %get3A_909 = arith.constant 992 : index
      %get3A_910 = tpu.vector_load %arg13[%get3A_908, %get3A_909] {strides = array<i32>} : memref<16x1024xf32, #tpu.memory_space<vmem>>, vector<16xf32>,
      %get3A_911 = arith.index_cast %scan3A_152 : i32 to index
      %get3A_912 = arith.constant 992 : index
      %get3A_913 = tpu.vector_load %arg15[%get3A_911, %get3A_912] {strides = array<i32>} : memref<16x1024xf32, #tpu.memory_space<vmem>>, vector<16xf32>,
      %mul3A_914 = arith.mulf %get3A_158, %get3A_910 : vector<16xf32>
      %mul3A_915 = arith.mulf %get3A_164, %get3A_913 : vector<16xf32>
      %add3A_916 = arith.addf %mul3A_914, %mul3A_915 : vector<16xf32>
      %swap3A_917 = arith.index_cast %scan3A_152 : i32 to index
      %swap3A_918 = arith.constant 992 : index
      %swap3A_919 = tpu.vector_load %arg17[%swap3A_917, %swap3A_918] {strides = array<i32>} : memref<16x1024xf32, #tpu.memory_space<vmem>>, vector<16xf32>,
      tpu.vector_store %arg17[%swap3A_917, %swap3A_918], %add3A_916 {strides = array<i32>} : memref<16x1024xf32, #tpu.memory_space<vmem>>, vector<16xf32>,
      %get3A_920 = arith.index_cast %scan3A_152 : i32 to index
      %get3A_921 = arith.constant 1008 : index
      %get3A_922 = tpu.vector_load %arg13[%get3A_920, %get3A_921] {strides = array<i32>} : memref<16x1024xf32, #tpu.memory_space<vmem>>, vector<16xf32>,
      %get3A_923 = arith.index_cast %scan3A_152 : i32 to index
      %get3A_924 = arith.constant 1008 : index
      %get3A_925 = tpu.vector_load %arg15[%get3A_923, %get3A_924] {strides = array<i32>} : memref<16x1024xf32, #tpu.memory_space<vmem>>, vector<16xf32>,
      %mul3A_926 = arith.mulf %get3A_158, %get3A_922 : vector<16xf32>
      %mul3A_927 = arith.mulf %get3A_164, %get3A_925 : vector<16xf32>
      %add3A_928 = arith.addf %mul3A_926, %mul3A_927 : vector<16xf32>
      %swap3A_929 = arith.index_cast %scan3A_152 : i32 to index
      %swap3A_930 = arith.constant 1008 : index
      %swap3A_931 = tpu.vector_load %arg17[%swap3A_929, %swap3A_930] {strides = array<i32>} : memref<16x1024xf32, #tpu.memory_space<vmem>>, vector<16xf32>,
      tpu.vector_store %arg17[%swap3A_929, %swap3A_930], %add3A_928 {strides = array<i32>} : memref<16x1024xf32, #tpu.memory_space<vmem>>, vector<16xf32>,
      %scan3A_932 = arith.constant 0 : i32
      scf.yield %scan3A_932 : i32
    }
    %scan3A_73 = arith.constant 16 : i32
    %dma_start3A_74 = arith.constant 48 : i32
    %dma_start3A_75 = tpu.memref_slice %arg8[%dma_start3A_74] : memref<64xi32, #tpu.memory_space<vmem>> -> memref<16xi32, #tpu.memory_space<vmem>>
    %dma_start3A_76 = arith.constant 0 : i32
    %dma_start3A_77 = arith.constant 0 : i32
    %dma_start3A_78 = tpu.memref_slice %arg2[%dma_start3A_76, %dma_start3A_77] : memref<4096x1024xf32, #tpu.memory_space<hbm>> -> memref<4096x1024xf32, #tpu.memory_space<hbm>>
    tpu.enqueue_indirect_dma source(%dma_start3A_78 : memref<4096x1024xf32, #tpu.memory_space<hbm>>) target(%arg13 : memref<16x1024xf32, #tpu.memory_space<vmem>>) offsets(%dma_start3A_75 : memref<16xi32, #tpu.memory_space<vmem>>) semaphore(%arg20 : memref<!tpu.dma_semaphore, #tpu.memory_space<semaphore_mem>>)
    %dma_start3A_79 = arith.constant 48 : i32
    %dma_start3A_80 = tpu.memref_slice %arg9[%dma_start3A_79] : memref<64xi32, #tpu.memory_space<vmem>> -> memref<16xi32, #tpu.memory_space<vmem>>
    %dma_start3A_81 = arith.constant 0 : i32
    %dma_start3A_82 = arith.constant 0 : i32
    %dma_start3A_83 = tpu.memref_slice %arg2[%dma_start3A_81, %dma_start3A_82] : memref<4096x1024xf32, #tpu.memory_space<hbm>> -> memref<4096x1024xf32, #tpu.memory_space<hbm>>
    tpu.enqueue_indirect_dma source(%dma_start3A_83 : memref<4096x1024xf32, #tpu.memory_space<hbm>>) target(%arg15 : memref<16x1024xf32, #tpu.memory_space<vmem>>) offsets(%dma_start3A_80 : memref<16xi32, #tpu.memory_space<vmem>>) semaphore(%arg21 : memref<!tpu.dma_semaphore, #tpu.memory_space<semaphore_mem>>)
    %add3A_84 = arith.constant 16 : i32
    %add3A_85 = arith.addi %mul3A_2, %add3A_84 : i32
    %dma_start3A_86 = arith.constant 0 : i32
    %dma_start3A_87 = tpu.memref_slice %arg7[%add3A_85, %dma_start3A_86] : memref<2048x1024xf32, #tpu.memory_space<hbm>> -> memref<16x1024xf32, #tpu.memory_space<hbm>>
    %dma_start3A_88 = arith.constant 0 : i32
    %dma_start3A_89 = tpu.memref_slice %arg7[%add3A_85, %dma_start3A_88] : memref<2048x1024xf32, #tpu.memory_space<hbm>> -> memref<16x1024xf32, #tpu.memory_space<hbm>>
    tpu.enqueue_dma source(%arg17 : memref<16x1024xf32, #tpu.memory_space<vmem>>) target(%dma_start3A_89 : memref<16x1024xf32, #tpu.memory_space<hbm>>) target_semaphore(%arg23 : memref<!tpu.dma_semaphore, #tpu.memory_space<semaphore_mem>>)
    %dma_wait3A_90 = arith.constant 32 : i32
    %dma_wait3A_91 = tpu.memref_slice %arg8[%dma_wait3A_90] : memref<64xi32, #tpu.memory_space<vmem>> -> memref<16xi32, #tpu.memory_space<vmem>>
    %dma_wait3A_92 = arith.constant 0 : i32
    %dma_wait3A_93 = arith.constant 0 : i32
    %dma_wait3A_94 = tpu.memref_slice %arg2[%dma_wait3A_92, %dma_wait3A_93] : memref<4096x1024xf32, #tpu.memory_space<hbm>> -> memref<4096x1024xf32, #tpu.memory_space<hbm>>
    tpu.wait_indirect_dma semaphore(%arg18 : memref<!tpu.dma_semaphore, #tpu.memory_space<semaphore_mem>>) src(%dma_wait3A_94 : memref<4096x1024xf32, #tpu.memory_space<hbm>>) dst(%arg12 : memref<16x1024xf32, #tpu.memory_space<vmem>>)
    %dma_wait3A_95 = arith.constant 32 : i32
    %dma_wait3A_96 = tpu.memref_slice %arg9[%dma_wait3A_95] : memref<64xi32, #tpu.memory_space<vmem>> -> memref<16xi32, #tpu.memory_space<vmem>>
    %dma_wait3A_97 = arith.constant 0 : i32
    %dma_wait3A_98 = arith.constant 0 : i32
    %dma_wait3A_99 = tpu.memref_slice %arg2[%dma_wait3A_97, %dma_wait3A_98] : memref<4096x1024xf32, #tpu.memory_space<hbm>> -> memref<4096x1024xf32, #tpu.memory_space<hbm>>
    tpu.wait_indirect_dma semaphore(%arg19 : memref<!tpu.dma_semaphore, #tpu.memory_space<semaphore_mem>>) src(%dma_wait3A_99 : memref<4096x1024xf32, #tpu.memory_space<hbm>>) dst(%arg14 : memref<16x1024xf32, #tpu.memory_space<vmem>>)
    %dma_wait3A_100 = arith.constant 0 : i32
    %dma_wait3A_101 = tpu.memref_slice %arg7[%add3A_52, %dma_wait3A_100] : memref<2048x1024xf32, #tpu.memory_space<hbm>> -> memref<16x1024xf32, #tpu.memory_space<hbm>>
    %dma_wait3A_102 = arith.constant 0 : i32
    %dma_wait3A_103 = tpu.memref_slice %arg7[%add3A_52, %dma_wait3A_102] : memref<2048x1024xf32, #tpu.memory_space<hbm>> -> memref<16x1024xf32, #tpu.memory_space<hbm>>
    tpu.wait_dma2 semaphore(%arg22 : memref<!tpu.dma_semaphore, #tpu.memory_space<semaphore_mem>>) src(%arg16 : memref<16x1024xf32, #tpu.memory_space<vmem>>) dst(%dma_wait3A_103 : memref<16x1024xf32, #tpu.memory_space<hbm>>)
    %scan3A_104 = arith.constant 0 : i32
    %scan3A_105 = arith.constant 0 : i32
    %scan3A_106 = arith.constant 16 : i32
    %scan3A_107 = arith.addi %scan3A_105, %scan3A_106 : i32
    %scan3A_108 = arith.constant 1 : i32
    %scan3A_109 = scf.for %scan3A_152 = %scan3A_105 to %scan3A_107 step %scan3A_108 iter_args(%scan3A_153 = %scan3A_104) -> (i32)  : i32 {
      %add3A_154 = arith.constant 32 : i32
      %add3A_155 = arith.addi %add3A_154, %scan3A_152 : i32
      %mul3A_156 = arith.constant 16 : i32
      %mul3A_157 = arith.muli %add3A_155, %mul3A_156 : i32
      %get3A = arith.index_cast %mul3A_157 : i32 to index
      %get3A_158 = tpu.vector_load %arg10[%get3A] {strides = array<i32>} : memref<1024xf32, #tpu.memory_space<vmem>>, vector<16xf32>,
      %add3A_159 = arith.constant 32 : i32
      %add3A_160 = arith.addi %add3A_159, %scan3A_152 : i32
      %mul3A_161 = arith.constant 16 : i32
      %mul3A_162 = arith.muli %add3A_160, %mul3A_161 : i32
      %get3A_163 = arith.index_cast %mul3A_162 : i32 to index
      %get3A_164 = tpu.vector_load %arg11[%get3A_163] {strides = array<i32>} : memref<1024xf32, #tpu.memory_space<vmem>>, vector<16xf32>,
      %get3A_165 = arith.index_cast %scan3A_152 : i32 to index
      %get3A_166 = arith.constant 0 : index
      %get3A_167 = tpu.vector_load %arg12[%get3A_165, %get3A_166] {strides = array<i32>} : memref<16x1024xf32, #tpu.memory_space<vmem>>, vector<16xf32>,
      %get3A_168 = arith.index_cast %scan3A_152 : i32 to index
      %get3A_169 = arith.constant 0 : index
      %get3A_170 = tpu.vector_load %arg14[%get3A_168, %get3A_169] {strides = array<i32>} : memref<16x1024xf32, #tpu.memory_space<vmem>>, vector<16xf32>,
      %mul3A_171 = arith.mulf %get3A_158, %get3A_167 : vector<16xf32>
      %mul3A_172 = arith.mulf %get3A_164, %get3A_170 : vector<16xf32>
      %add3A_173 = arith.addf %mul3A_171, %mul3A_172 : vector<16xf32>
      %swap3A = arith.index_cast %scan3A_152 : i32 to index
      %swap3A_174 = arith.constant 0 : index
      %swap3A_175 = tpu.vector_load %arg16[%swap3A, %swap3A_174] {strides = array<i32>} : memref<16x1024xf32, #tpu.memory_space<vmem>>, vector<16xf32>,
      tpu.vector_store %arg16[%swap3A, %swap3A_174], %add3A_173 {strides = array<i32>} : memref<16x1024xf32, #tpu.memory_space<vmem>>, vector<16xf32>,
      %get3A_176 = arith.index_cast %scan3A_152 : i32 to index
      %get3A_177 = arith.constant 16 : index
      %get3A_178 = tpu.vector_load %arg12[%get3A_176, %get3A_177] {strides = array<i32>} : memref<16x1024xf32, #tpu.memory_space<vmem>>, vector<16xf32>,
      %get3A_179 = arith.index_cast %scan3A_152 : i32 to index
      %get3A_180 = arith.constant 16 : index
      %get3A_181 = tpu.vector_load %arg14[%get3A_179, %get3A_180] {strides = array<i32>} : memref<16x1024xf32, #tpu.memory_space<vmem>>, vector<16xf32>,
      %mul3A_182 = arith.mulf %get3A_158, %get3A_178 : vector<16xf32>
      %mul3A_183 = arith.mulf %get3A_164, %get3A_181 : vector<16xf32>
      %add3A_184 = arith.addf %mul3A_182, %mul3A_183 : vector<16xf32>
      %swap3A_185 = arith.index_cast %scan3A_152 : i32 to index
      %swap3A_186 = arith.constant 16 : index
      %swap3A_187 = tpu.vector_load %arg16[%swap3A_185, %swap3A_186] {strides = array<i32>} : memref<16x1024xf32, #tpu.memory_space<vmem>>, vector<16xf32>,
      tpu.vector_store %arg16[%swap3A_185, %swap3A_186], %add3A_184 {strides = array<i32>} : memref<16x1024xf32, #tpu.memory_space<vmem>>, vector<16xf32>,
      %get3A_188 = arith.index_cast %scan3A_152 : i32 to index
      %get3A_189 = arith.constant 32 : index
      %get3A_190 = tpu.vector_load %arg12[%get3A_188, %get3A_189] {strides = array<i32>} : memref<16x1024xf32, #tpu.memory_space<vmem>>, vector<16xf32>,
      %get3A_191 = arith.index_cast %scan3A_152 : i32 to index
      %get3A_192 = arith.constant 32 : index
      %get3A_193 = tpu.vector_load %arg14[%get3A_191, %get3A_192] {strides = array<i32>} : memref<16x1024xf32, #tpu.memory_space<vmem>>, vector<16xf32>,
      %mul3A_194 = arith.mulf %get3A_158, %get3A_190 : vector<16xf32>
      %mul3A_195 = arith.mulf %get3A_164, %get3A_193 : vector<16xf32>
      %add3A_196 = arith.addf %mul3A_194, %mul3A_195 : vector<16xf32>
      %swap3A_197 = arith.index_cast %scan3A_152 : i32 to index
      %swap3A_198 = arith.constant 32 : index
      %swap3A_199 = tpu.vector_load %arg16[%swap3A_197, %swap3A_198] {strides = array<i32>} : memref<16x1024xf32, #tpu.memory_space<vmem>>, vector<16xf32>,
      tpu.vector_store %arg16[%swap3A_197, %swap3A_198], %add3A_196 {strides = array<i32>} : memref<16x1024xf32, #tpu.memory_space<vmem>>, vector<16xf32>,
      %get3A_200 = arith.index_cast %scan3A_152 : i32 to index
      %get3A_201 = arith.constant 48 : index
      %get3A_202 = tpu.vector_load %arg12[%get3A_200, %get3A_201] {strides = array<i32>} : memref<16x1024xf32, #tpu.memory_space<vmem>>, vector<16xf32>,
      %get3A_203 = arith.index_cast %scan3A_152 : i32 to index
      %get3A_204 = arith.constant 48 : index
      %get3A_205 = tpu.vector_load %arg14[%get3A_203, %get3A_204] {strides = array<i32>} : memref<16x1024xf32, #tpu.memory_space<vmem>>, vector<16xf32>,
      %mul3A_206 = arith.mulf %get3A_158, %get3A_202 : vector<16xf32>
      %mul3A_207 = arith.mulf %get3A_164, %get3A_205 : vector<16xf32>
      %add3A_208 = arith.addf %mul3A_206, %mul3A_207 : vector<16xf32>
      %swap3A_209 = arith.index_cast %scan3A_152 : i32 to index
      %swap3A_210 = arith.constant 48 : index
      %swap3A_211 = tpu.vector_load %arg16[%swap3A_209, %swap3A_210] {strides = array<i32>} : memref<16x1024xf32, #tpu.memory_space<vmem>>, vector<16xf32>,
      tpu.vector_store %arg16[%swap3A_209, %swap3A_210], %add3A_208 {strides = array<i32>} : memref<16x1024xf32, #tpu.memory_space<vmem>>, vector<16xf32>,
      %get3A_212 = arith.index_cast %scan3A_152 : i32 to index
      %get3A_213 = arith.constant 64 : index
      %get3A_214 = tpu.vector_load %arg12[%get3A_212, %get3A_213] {strides = array<i32>} : memref<16x1024xf32, #tpu.memory_space<vmem>>, vector<16xf32>,
      %get3A_215 = arith.index_cast %scan3A_152 : i32 to index
      %get3A_216 = arith.constant 64 : index
      %get3A_217 = tpu.vector_load %arg14[%get3A_215, %get3A_216] {strides = array<i32>} : memref<16x1024xf32, #tpu.memory_space<vmem>>, vector<16xf32>,
      %mul3A_218 = arith.mulf %get3A_158, %get3A_214 : vector<16xf32>
      %mul3A_219 = arith.mulf %get3A_164, %get3A_217 : vector<16xf32>
      %add3A_220 = arith.addf %mul3A_218, %mul3A_219 : vector<16xf32>
      %swap3A_221 = arith.index_cast %scan3A_152 : i32 to index
      %swap3A_222 = arith.constant 64 : index
      %swap3A_223 = tpu.vector_load %arg16[%swap3A_221, %swap3A_222] {strides = array<i32>} : memref<16x1024xf32, #tpu.memory_space<vmem>>, vector<16xf32>,
      tpu.vector_store %arg16[%swap3A_221, %swap3A_222], %add3A_220 {strides = array<i32>} : memref<16x1024xf32, #tpu.memory_space<vmem>>, vector<16xf32>,
      %get3A_224 = arith.index_cast %scan3A_152 : i32 to index
      %get3A_225 = arith.constant 80 : index
      %get3A_226 = tpu.vector_load %arg12[%get3A_224, %get3A_225] {strides = array<i32>} : memref<16x1024xf32, #tpu.memory_space<vmem>>, vector<16xf32>,
      %get3A_227 = arith.index_cast %scan3A_152 : i32 to index
      %get3A_228 = arith.constant 80 : index
      %get3A_229 = tpu.vector_load %arg14[%get3A_227, %get3A_228] {strides = array<i32>} : memref<16x1024xf32, #tpu.memory_space<vmem>>, vector<16xf32>,
      %mul3A_230 = arith.mulf %get3A_158, %get3A_226 : vector<16xf32>
      %mul3A_231 = arith.mulf %get3A_164, %get3A_229 : vector<16xf32>
      %add3A_232 = arith.addf %mul3A_230, %mul3A_231 : vector<16xf32>
      %swap3A_233 = arith.index_cast %scan3A_152 : i32 to index
      %swap3A_234 = arith.constant 80 : index
      %swap3A_235 = tpu.vector_load %arg16[%swap3A_233, %swap3A_234] {strides = array<i32>} : memref<16x1024xf32, #tpu.memory_space<vmem>>, vector<16xf32>,
      tpu.vector_store %arg16[%swap3A_233, %swap3A_234], %add3A_232 {strides = array<i32>} : memref<16x1024xf32, #tpu.memory_space<vmem>>, vector<16xf32>,
      %get3A_236 = arith.index_cast %scan3A_152 : i32 to index
      %get3A_237 = arith.constant 96 : index
      %get3A_238 = tpu.vector_load %arg12[%get3A_236, %get3A_237] {strides = array<i32>} : memref<16x1024xf32, #tpu.memory_space<vmem>>, vector<16xf32>,
      %get3A_239 = arith.index_cast %scan3A_152 : i32 to index
      %get3A_240 = arith.constant 96 : index
      %get3A_241 = tpu.vector_load %arg14[%get3A_239, %get3A_240] {strides = array<i32>} : memref<16x1024xf32, #tpu.memory_space<vmem>>, vector<16xf32>,
      %mul3A_242 = arith.mulf %get3A_158, %get3A_238 : vector<16xf32>
      %mul3A_243 = arith.mulf %get3A_164, %get3A_241 : vector<16xf32>
      %add3A_244 = arith.addf %mul3A_242, %mul3A_243 : vector<16xf32>
      %swap3A_245 = arith.index_cast %scan3A_152 : i32 to index
      %swap3A_246 = arith.constant 96 : index
      %swap3A_247 = tpu.vector_load %arg16[%swap3A_245, %swap3A_246] {strides = array<i32>} : memref<16x1024xf32, #tpu.memory_space<vmem>>, vector<16xf32>,
      tpu.vector_store %arg16[%swap3A_245, %swap3A_246], %add3A_244 {strides = array<i32>} : memref<16x1024xf32, #tpu.memory_space<vmem>>, vector<16xf32>,
      %get3A_248 = arith.index_cast %scan3A_152 : i32 to index
      %get3A_249 = arith.constant 112 : index
      %get3A_250 = tpu.vector_load %arg12[%get3A_248, %get3A_249] {strides = array<i32>} : memref<16x1024xf32, #tpu.memory_space<vmem>>, vector<16xf32>,
      %get3A_251 = arith.index_cast %scan3A_152 : i32 to index
      %get3A_252 = arith.constant 112 : index
      %get3A_253 = tpu.vector_load %arg14[%get3A_251, %get3A_252] {strides = array<i32>} : memref<16x1024xf32, #tpu.memory_space<vmem>>, vector<16xf32>,
      %mul3A_254 = arith.mulf %get3A_158, %get3A_250 : vector<16xf32>
      %mul3A_255 = arith.mulf %get3A_164, %get3A_253 : vector<16xf32>
      %add3A_256 = arith.addf %mul3A_254, %mul3A_255 : vector<16xf32>
      %swap3A_257 = arith.index_cast %scan3A_152 : i32 to index
      %swap3A_258 = arith.constant 112 : index
      %swap3A_259 = tpu.vector_load %arg16[%swap3A_257, %swap3A_258] {strides = array<i32>} : memref<16x1024xf32, #tpu.memory_space<vmem>>, vector<16xf32>,
      tpu.vector_store %arg16[%swap3A_257, %swap3A_258], %add3A_256 {strides = array<i32>} : memref<16x1024xf32, #tpu.memory_space<vmem>>, vector<16xf32>,
      %get3A_260 = arith.index_cast %scan3A_152 : i32 to index
      %get3A_261 = arith.constant 128 : index
      %get3A_262 = tpu.vector_load %arg12[%get3A_260, %get3A_261] {strides = array<i32>} : memref<16x1024xf32, #tpu.memory_space<vmem>>, vector<16xf32>,
      %get3A_263 = arith.index_cast %scan3A_152 : i32 to index
      %get3A_264 = arith.constant 128 : index
      %get3A_265 = tpu.vector_load %arg14[%get3A_263, %get3A_264] {strides = array<i32>} : memref<16x1024xf32, #tpu.memory_space<vmem>>, vector<16xf32>,
      %mul3A_266 = arith.mulf %get3A_158, %get3A_262 : vector<16xf32>
      %mul3A_267 = arith.mulf %get3A_164, %get3A_265 : vector<16xf32>
      %add3A_268 = arith.addf %mul3A_266, %mul3A_267 : vector<16xf32>
      %swap3A_269 = arith.index_cast %scan3A_152 : i32 to index
      %swap3A_270 = arith.constant 128 : index
      %swap3A_271 = tpu.vector_load %arg16[%swap3A_269, %swap3A_270] {strides = array<i32>} : memref<16x1024xf32, #tpu.memory_space<vmem>>, vector<16xf32>,
      tpu.vector_store %arg16[%swap3A_269, %swap3A_270], %add3A_268 {strides = array<i32>} : memref<16x1024xf32, #tpu.memory_space<vmem>>, vector<16xf32>,
      %get3A_272 = arith.index_cast %scan3A_152 : i32 to index
      %get3A_273 = arith.constant 144 : index
      %get3A_274 = tpu.vector_load %arg12[%get3A_272, %get3A_273] {strides = array<i32>} : memref<16x1024xf32, #tpu.memory_space<vmem>>, vector<16xf32>,
      %get3A_275 = arith.index_cast %scan3A_152 : i32 to index
      %get3A_276 = arith.constant 144 : index
      %get3A_277 = tpu.vector_load %arg14[%get3A_275, %get3A_276] {strides = array<i32>} : memref<16x1024xf32, #tpu.memory_space<vmem>>, vector<16xf32>,
      %mul3A_278 = arith.mulf %get3A_158, %get3A_274 : vector<16xf32>
      %mul3A_279 = arith.mulf %get3A_164, %get3A_277 : vector<16xf32>
      %add3A_280 = arith.addf %mul3A_278, %mul3A_279 : vector<16xf32>
      %swap3A_281 = arith.index_cast %scan3A_152 : i32 to index
      %swap3A_282 = arith.constant 144 : index
      %swap3A_283 = tpu.vector_load %arg16[%swap3A_281, %swap3A_282] {strides = array<i32>} : memref<16x1024xf32, #tpu.memory_space<vmem>>, vector<16xf32>,
      tpu.vector_store %arg16[%swap3A_281, %swap3A_282], %add3A_280 {strides = array<i32>} : memref<16x1024xf32, #tpu.memory_space<vmem>>, vector<16xf32>,
      %get3A_284 = arith.index_cast %scan3A_152 : i32 to index
      %get3A_285 = arith.constant 160 : index
      %get3A_286 = tpu.vector_load %arg12[%get3A_284, %get3A_285] {strides = array<i32>} : memref<16x1024xf32, #tpu.memory_space<vmem>>, vector<16xf32>,
      %get3A_287 = arith.index_cast %scan3A_152 : i32 to index
      %get3A_288 = arith.constant 160 : index
      %get3A_289 = tpu.vector_load %arg14[%get3A_287, %get3A_288] {strides = array<i32>} : memref<16x1024xf32, #tpu.memory_space<vmem>>, vector<16xf32>,
      %mul3A_290 = arith.mulf %get3A_158, %get3A_286 : vector<16xf32>
      %mul3A_291 = arith.mulf %get3A_164, %get3A_289 : vector<16xf32>
      %add3A_292 = arith.addf %mul3A_290, %mul3A_291 : vector<16xf32>
      %swap3A_293 = arith.index_cast %scan3A_152 : i32 to index
      %swap3A_294 = arith.constant 160 : index
      %swap3A_295 = tpu.vector_load %arg16[%swap3A_293, %swap3A_294] {strides = array<i32>} : memref<16x1024xf32, #tpu.memory_space<vmem>>, vector<16xf32>,
      tpu.vector_store %arg16[%swap3A_293, %swap3A_294], %add3A_292 {strides = array<i32>} : memref<16x1024xf32, #tpu.memory_space<vmem>>, vector<16xf32>,
      %get3A_296 = arith.index_cast %scan3A_152 : i32 to index
      %get3A_297 = arith.constant 176 : index
      %get3A_298 = tpu.vector_load %arg12[%get3A_296, %get3A_297] {strides = array<i32>} : memref<16x1024xf32, #tpu.memory_space<vmem>>, vector<16xf32>,
      %get3A_299 = arith.index_cast %scan3A_152 : i32 to index
      %get3A_300 = arith.constant 176 : index
      %get3A_301 = tpu.vector_load %arg14[%get3A_299, %get3A_300] {strides = array<i32>} : memref<16x1024xf32, #tpu.memory_space<vmem>>, vector<16xf32>,
      %mul3A_302 = arith.mulf %get3A_158, %get3A_298 : vector<16xf32>
      %mul3A_303 = arith.mulf %get3A_164, %get3A_301 : vector<16xf32>
      %add3A_304 = arith.addf %mul3A_302, %mul3A_303 : vector<16xf32>
      %swap3A_305 = arith.index_cast %scan3A_152 : i32 to index
      %swap3A_306 = arith.constant 176 : index
      %swap3A_307 = tpu.vector_load %arg16[%swap3A_305, %swap3A_306] {strides = array<i32>} : memref<16x1024xf32, #tpu.memory_space<vmem>>, vector<16xf32>,
      tpu.vector_store %arg16[%swap3A_305, %swap3A_306], %add3A_304 {strides = array<i32>} : memref<16x1024xf32, #tpu.memory_space<vmem>>, vector<16xf32>,
      %get3A_308 = arith.index_cast %scan3A_152 : i32 to index
      %get3A_309 = arith.constant 192 : index
      %get3A_310 = tpu.vector_load %arg12[%get3A_308, %get3A_309] {strides = array<i32>} : memref<16x1024xf32, #tpu.memory_space<vmem>>, vector<16xf32>,
      %get3A_311 = arith.index_cast %scan3A_152 : i32 to index
      %get3A_312 = arith.constant 192 : index
      %get3A_313 = tpu.vector_load %arg14[%get3A_311, %get3A_312] {strides = array<i32>} : memref<16x1024xf32, #tpu.memory_space<vmem>>, vector<16xf32>,
      %mul3A_314 = arith.mulf %get3A_158, %get3A_310 : vector<16xf32>
      %mul3A_315 = arith.mulf %get3A_164, %get3A_313 : vector<16xf32>
      %add3A_316 = arith.addf %mul3A_314, %mul3A_315 : vector<16xf32>
      %swap3A_317 = arith.index_cast %scan3A_152 : i32 to index
      %swap3A_318 = arith.constant 192 : index
      %swap3A_319 = tpu.vector_load %arg16[%swap3A_317, %swap3A_318] {strides = array<i32>} : memref<16x1024xf32, #tpu.memory_space<vmem>>, vector<16xf32>,
      tpu.vector_store %arg16[%swap3A_317, %swap3A_318], %add3A_316 {strides = array<i32>} : memref<16x1024xf32, #tpu.memory_space<vmem>>, vector<16xf32>,
      %get3A_320 = arith.index_cast %scan3A_152 : i32 to index
      %get3A_321 = arith.constant 208 : index
      %get3A_322 = tpu.vector_load %arg12[%get3A_320, %get3A_321] {strides = array<i32>} : memref<16x1024xf32, #tpu.memory_space<vmem>>, vector<16xf32>,
      %get3A_323 = arith.index_cast %scan3A_152 : i32 to index
      %get3A_324 = arith.constant 208 : index
      %get3A_325 = tpu.vector_load %arg14[%get3A_323, %get3A_324] {strides = array<i32>} : memref<16x1024xf32, #tpu.memory_space<vmem>>, vector<16xf32>,
      %mul3A_326 = arith.mulf %get3A_158, %get3A_322 : vector<16xf32>
      %mul3A_327 = arith.mulf %get3A_164, %get3A_325 : vector<16xf32>
      %add3A_328 = arith.addf %mul3A_326, %mul3A_327 : vector<16xf32>
      %swap3A_329 = arith.index_cast %scan3A_152 : i32 to index
      %swap3A_330 = arith.constant 208 : index
      %swap3A_331 = tpu.vector_load %arg16[%swap3A_329, %swap3A_330] {strides = array<i32>} : memref<16x1024xf32, #tpu.memory_space<vmem>>, vector<16xf32>,
      tpu.vector_store %arg16[%swap3A_329, %swap3A_330], %add3A_328 {strides = array<i32>} : memref<16x1024xf32, #tpu.memory_space<vmem>>, vector<16xf32>,
      %get3A_332 = arith.index_cast %scan3A_152 : i32 to index
      %get3A_333 = arith.constant 224 : index
      %get3A_334 = tpu.vector_load %arg12[%get3A_332, %get3A_333] {strides = array<i32>} : memref<16x1024xf32, #tpu.memory_space<vmem>>, vector<16xf32>,
      %get3A_335 = arith.index_cast %scan3A_152 : i32 to index
      %get3A_336 = arith.constant 224 : index
      %get3A_337 = tpu.vector_load %arg14[%get3A_335, %get3A_336] {strides = array<i32>} : memref<16x1024xf32, #tpu.memory_space<vmem>>, vector<16xf32>,
      %mul3A_338 = arith.mulf %get3A_158, %get3A_334 : vector<16xf32>
      %mul3A_339 = arith.mulf %get3A_164, %get3A_337 : vector<16xf32>
      %add3A_340 = arith.addf %mul3A_338, %mul3A_339 : vector<16xf32>
      %swap3A_341 = arith.index_cast %scan3A_152 : i32 to index
      %swap3A_342 = arith.constant 224 : index
      %swap3A_343 = tpu.vector_load %arg16[%swap3A_341, %swap3A_342] {strides = array<i32>} : memref<16x1024xf32, #tpu.memory_space<vmem>>, vector<16xf32>,
      tpu.vector_store %arg16[%swap3A_341, %swap3A_342], %add3A_340 {strides = array<i32>} : memref<16x1024xf32, #tpu.memory_space<vmem>>, vector<16xf32>,
      %get3A_344 = arith.index_cast %scan3A_152 : i32 to index
      %get3A_345 = arith.constant 240 : index
      %get3A_346 = tpu.vector_load %arg12[%get3A_344, %get3A_345] {strides = array<i32>} : memref<16x1024xf32, #tpu.memory_space<vmem>>, vector<16xf32>,
      %get3A_347 = arith.index_cast %scan3A_152 : i32 to index
      %get3A_348 = arith.constant 240 : index
      %get3A_349 = tpu.vector_load %arg14[%get3A_347, %get3A_348] {strides = array<i32>} : memref<16x1024xf32, #tpu.memory_space<vmem>>, vector<16xf32>,
      %mul3A_350 = arith.mulf %get3A_158, %get3A_346 : vector<16xf32>
      %mul3A_351 = arith.mulf %get3A_164, %get3A_349 : vector<16xf32>
      %add3A_352 = arith.addf %mul3A_350, %mul3A_351 : vector<16xf32>
      %swap3A_353 = arith.index_cast %scan3A_152 : i32 to index
      %swap3A_354 = arith.constant 240 : index
      %swap3A_355 = tpu.vector_load %arg16[%swap3A_353, %swap3A_354] {strides = array<i32>} : memref<16x1024xf32, #tpu.memory_space<vmem>>, vector<16xf32>,
      tpu.vector_store %arg16[%swap3A_353, %swap3A_354], %add3A_352 {strides = array<i32>} : memref<16x1024xf32, #tpu.memory_space<vmem>>, vector<16xf32>,
      %get3A_356 = arith.index_cast %scan3A_152 : i32 to index
      %get3A_357 = arith.constant 256 : index
      %get3A_358 = tpu.vector_load %arg12[%get3A_356, %get3A_357] {strides = array<i32>} : memref<16x1024xf32, #tpu.memory_space<vmem>>, vector<16xf32>,
      %get3A_359 = arith.index_cast %scan3A_152 : i32 to index
      %get3A_360 = arith.constant 256 : index
      %get3A_361 = tpu.vector_load %arg14[%get3A_359, %get3A_360] {strides = array<i32>} : memref<16x1024xf32, #tpu.memory_space<vmem>>, vector<16xf32>,
      %mul3A_362 = arith.mulf %get3A_158, %get3A_358 : vector<16xf32>
      %mul3A_363 = arith.mulf %get3A_164, %get3A_361 : vector<16xf32>
      %add3A_364 = arith.addf %mul3A_362, %mul3A_363 : vector<16xf32>
      %swap3A_365 = arith.index_cast %scan3A_152 : i32 to index
      %swap3A_366 = arith.constant 256 : index
      %swap3A_367 = tpu.vector_load %arg16[%swap3A_365, %swap3A_366] {strides = array<i32>} : memref<16x1024xf32, #tpu.memory_space<vmem>>, vector<16xf32>,
      tpu.vector_store %arg16[%swap3A_365, %swap3A_366], %add3A_364 {strides = array<i32>} : memref<16x1024xf32, #tpu.memory_space<vmem>>, vector<16xf32>,
      %get3A_368 = arith.index_cast %scan3A_152 : i32 to index
      %get3A_369 = arith.constant 272 : index
      %get3A_370 = tpu.vector_load %arg12[%get3A_368, %get3A_369] {strides = array<i32>} : memref<16x1024xf32, #tpu.memory_space<vmem>>, vector<16xf32>,
      %get3A_371 = arith.index_cast %scan3A_152 : i32 to index
      %get3A_372 = arith.constant 272 : index
      %get3A_373 = tpu.vector_load %arg14[%get3A_371, %get3A_372] {strides = array<i32>} : memref<16x1024xf32, #tpu.memory_space<vmem>>, vector<16xf32>,
      %mul3A_374 = arith.mulf %get3A_158, %get3A_370 : vector<16xf32>
      %mul3A_375 = arith.mulf %get3A_164, %get3A_373 : vector<16xf32>
      %add3A_376 = arith.addf %mul3A_374, %mul3A_375 : vector<16xf32>
      %swap3A_377 = arith.index_cast %scan3A_152 : i32 to index
      %swap3A_378 = arith.constant 272 : index
      %swap3A_379 = tpu.vector_load %arg16[%swap3A_377, %swap3A_378] {strides = array<i32>} : memref<16x1024xf32, #tpu.memory_space<vmem>>, vector<16xf32>,
      tpu.vector_store %arg16[%swap3A_377, %swap3A_378], %add3A_376 {strides = array<i32>} : memref<16x1024xf32, #tpu.memory_space<vmem>>, vector<16xf32>,
      %get3A_380 = arith.index_cast %scan3A_152 : i32 to index
      %get3A_381 = arith.constant 288 : index
      %get3A_382 = tpu.vector_load %arg12[%get3A_380, %get3A_381] {strides = array<i32>} : memref<16x1024xf32, #tpu.memory_space<vmem>>, vector<16xf32>,
      %get3A_383 = arith.index_cast %scan3A_152 : i32 to index
      %get3A_384 = arith.constant 288 : index
      %get3A_385 = tpu.vector_load %arg14[%get3A_383, %get3A_384] {strides = array<i32>} : memref<16x1024xf32, #tpu.memory_space<vmem>>, vector<16xf32>,
      %mul3A_386 = arith.mulf %get3A_158, %get3A_382 : vector<16xf32>
      %mul3A_387 = arith.mulf %get3A_164, %get3A_385 : vector<16xf32>
      %add3A_388 = arith.addf %mul3A_386, %mul3A_387 : vector<16xf32>
      %swap3A_389 = arith.index_cast %scan3A_152 : i32 to index
      %swap3A_390 = arith.constant 288 : index
      %swap3A_391 = tpu.vector_load %arg16[%swap3A_389, %swap3A_390] {strides = array<i32>} : memref<16x1024xf32, #tpu.memory_space<vmem>>, vector<16xf32>,
      tpu.vector_store %arg16[%swap3A_389, %swap3A_390], %add3A_388 {strides = array<i32>} : memref<16x1024xf32, #tpu.memory_space<vmem>>, vector<16xf32>,
      %get3A_392 = arith.index_cast %scan3A_152 : i32 to index
      %get3A_393 = arith.constant 304 : index
      %get3A_394 = tpu.vector_load %arg12[%get3A_392, %get3A_393] {strides = array<i32>} : memref<16x1024xf32, #tpu.memory_space<vmem>>, vector<16xf32>,
      %get3A_395 = arith.index_cast %scan3A_152 : i32 to index
      %get3A_396 = arith.constant 304 : index
      %get3A_397 = tpu.vector_load %arg14[%get3A_395, %get3A_396] {strides = array<i32>} : memref<16x1024xf32, #tpu.memory_space<vmem>>, vector<16xf32>,
      %mul3A_398 = arith.mulf %get3A_158, %get3A_394 : vector<16xf32>
      %mul3A_399 = arith.mulf %get3A_164, %get3A_397 : vector<16xf32>
      %add3A_400 = arith.addf %mul3A_398, %mul3A_399 : vector<16xf32>
      %swap3A_401 = arith.index_cast %scan3A_152 : i32 to index
      %swap3A_402 = arith.constant 304 : index
      %swap3A_403 = tpu.vector_load %arg16[%swap3A_401, %swap3A_402] {strides = array<i32>} : memref<16x1024xf32, #tpu.memory_space<vmem>>, vector<16xf32>,
      tpu.vector_store %arg16[%swap3A_401, %swap3A_402], %add3A_400 {strides = array<i32>} : memref<16x1024xf32, #tpu.memory_space<vmem>>, vector<16xf32>,
      %get3A_404 = arith.index_cast %scan3A_152 : i32 to index
      %get3A_405 = arith.constant 320 : index
      %get3A_406 = tpu.vector_load %arg12[%get3A_404, %get3A_405] {strides = array<i32>} : memref<16x1024xf32, #tpu.memory_space<vmem>>, vector<16xf32>,
      %get3A_407 = arith.index_cast %scan3A_152 : i32 to index
      %get3A_408 = arith.constant 320 : index
      %get3A_409 = tpu.vector_load %arg14[%get3A_407, %get3A_408] {strides = array<i32>} : memref<16x1024xf32, #tpu.memory_space<vmem>>, vector<16xf32>,
      %mul3A_410 = arith.mulf %get3A_158, %get3A_406 : vector<16xf32>
      %mul3A_411 = arith.mulf %get3A_164, %get3A_409 : vector<16xf32>
      %add3A_412 = arith.addf %mul3A_410, %mul3A_411 : vector<16xf32>
      %swap3A_413 = arith.index_cast %scan3A_152 : i32 to index
      %swap3A_414 = arith.constant 320 : index
      %swap3A_415 = tpu.vector_load %arg16[%swap3A_413, %swap3A_414] {strides = array<i32>} : memref<16x1024xf32, #tpu.memory_space<vmem>>, vector<16xf32>,
      tpu.vector_store %arg16[%swap3A_413, %swap3A_414], %add3A_412 {strides = array<i32>} : memref<16x1024xf32, #tpu.memory_space<vmem>>, vector<16xf32>,
      %get3A_416 = arith.index_cast %scan3A_152 : i32 to index
      %get3A_417 = arith.constant 336 : index
      %get3A_418 = tpu.vector_load %arg12[%get3A_416, %get3A_417] {strides = array<i32>} : memref<16x1024xf32, #tpu.memory_space<vmem>>, vector<16xf32>,
      %get3A_419 = arith.index_cast %scan3A_152 : i32 to index
      %get3A_420 = arith.constant 336 : index
      %get3A_421 = tpu.vector_load %arg14[%get3A_419, %get3A_420] {strides = array<i32>} : memref<16x1024xf32, #tpu.memory_space<vmem>>, vector<16xf32>,
      %mul3A_422 = arith.mulf %get3A_158, %get3A_418 : vector<16xf32>
      %mul3A_423 = arith.mulf %get3A_164, %get3A_421 : vector<16xf32>
      %add3A_424 = arith.addf %mul3A_422, %mul3A_423 : vector<16xf32>
      %swap3A_425 = arith.index_cast %scan3A_152 : i32 to index
      %swap3A_426 = arith.constant 336 : index
      %swap3A_427 = tpu.vector_load %arg16[%swap3A_425, %swap3A_426] {strides = array<i32>} : memref<16x1024xf32, #tpu.memory_space<vmem>>, vector<16xf32>,
      tpu.vector_store %arg16[%swap3A_425, %swap3A_426], %add3A_424 {strides = array<i32>} : memref<16x1024xf32, #tpu.memory_space<vmem>>, vector<16xf32>,
      %get3A_428 = arith.index_cast %scan3A_152 : i32 to index
      %get3A_429 = arith.constant 352 : index
      %get3A_430 = tpu.vector_load %arg12[%get3A_428, %get3A_429] {strides = array<i32>} : memref<16x1024xf32, #tpu.memory_space<vmem>>, vector<16xf32>,
      %get3A_431 = arith.index_cast %scan3A_152 : i32 to index
      %get3A_432 = arith.constant 352 : index
      %get3A_433 = tpu.vector_load %arg14[%get3A_431, %get3A_432] {strides = array<i32>} : memref<16x1024xf32, #tpu.memory_space<vmem>>, vector<16xf32>,
      %mul3A_434 = arith.mulf %get3A_158, %get3A_430 : vector<16xf32>
      %mul3A_435 = arith.mulf %get3A_164, %get3A_433 : vector<16xf32>
      %add3A_436 = arith.addf %mul3A_434, %mul3A_435 : vector<16xf32>
      %swap3A_437 = arith.index_cast %scan3A_152 : i32 to index
      %swap3A_438 = arith.constant 352 : index
      %swap3A_439 = tpu.vector_load %arg16[%swap3A_437, %swap3A_438] {strides = array<i32>} : memref<16x1024xf32, #tpu.memory_space<vmem>>, vector<16xf32>,
      tpu.vector_store %arg16[%swap3A_437, %swap3A_438], %add3A_436 {strides = array<i32>} : memref<16x1024xf32, #tpu.memory_space<vmem>>, vector<16xf32>,
      %get3A_440 = arith.index_cast %scan3A_152 : i32 to index
      %get3A_441 = arith.constant 368 : index
      %get3A_442 = tpu.vector_load %arg12[%get3A_440, %get3A_441] {strides = array<i32>} : memref<16x1024xf32, #tpu.memory_space<vmem>>, vector<16xf32>,
      %get3A_443 = arith.index_cast %scan3A_152 : i32 to index
      %get3A_444 = arith.constant 368 : index
      %get3A_445 = tpu.vector_load %arg14[%get3A_443, %get3A_444] {strides = array<i32>} : memref<16x1024xf32, #tpu.memory_space<vmem>>, vector<16xf32>,
      %mul3A_446 = arith.mulf %get3A_158, %get3A_442 : vector<16xf32>
      %mul3A_447 = arith.mulf %get3A_164, %get3A_445 : vector<16xf32>
      %add3A_448 = arith.addf %mul3A_446, %mul3A_447 : vector<16xf32>
      %swap3A_449 = arith.index_cast %scan3A_152 : i32 to index
      %swap3A_450 = arith.constant 368 : index
      %swap3A_451 = tpu.vector_load %arg16[%swap3A_449, %swap3A_450] {strides = array<i32>} : memref<16x1024xf32, #tpu.memory_space<vmem>>, vector<16xf32>,
      tpu.vector_store %arg16[%swap3A_449, %swap3A_450], %add3A_448 {strides = array<i32>} : memref<16x1024xf32, #tpu.memory_space<vmem>>, vector<16xf32>,
      %get3A_452 = arith.index_cast %scan3A_152 : i32 to index
      %get3A_453 = arith.constant 384 : index
      %get3A_454 = tpu.vector_load %arg12[%get3A_452, %get3A_453] {strides = array<i32>} : memref<16x1024xf32, #tpu.memory_space<vmem>>, vector<16xf32>,
      %get3A_455 = arith.index_cast %scan3A_152 : i32 to index
      %get3A_456 = arith.constant 384 : index
      %get3A_457 = tpu.vector_load %arg14[%get3A_455, %get3A_456] {strides = array<i32>} : memref<16x1024xf32, #tpu.memory_space<vmem>>, vector<16xf32>,
      %mul3A_458 = arith.mulf %get3A_158, %get3A_454 : vector<16xf32>
      %mul3A_459 = arith.mulf %get3A_164, %get3A_457 : vector<16xf32>
      %add3A_460 = arith.addf %mul3A_458, %mul3A_459 : vector<16xf32>
      %swap3A_461 = arith.index_cast %scan3A_152 : i32 to index
      %swap3A_462 = arith.constant 384 : index
      %swap3A_463 = tpu.vector_load %arg16[%swap3A_461, %swap3A_462] {strides = array<i32>} : memref<16x1024xf32, #tpu.memory_space<vmem>>, vector<16xf32>,
      tpu.vector_store %arg16[%swap3A_461, %swap3A_462], %add3A_460 {strides = array<i32>} : memref<16x1024xf32, #tpu.memory_space<vmem>>, vector<16xf32>,
      %get3A_464 = arith.index_cast %scan3A_152 : i32 to index
      %get3A_465 = arith.constant 400 : index
      %get3A_466 = tpu.vector_load %arg12[%get3A_464, %get3A_465] {strides = array<i32>} : memref<16x1024xf32, #tpu.memory_space<vmem>>, vector<16xf32>,
      %get3A_467 = arith.index_cast %scan3A_152 : i32 to index
      %get3A_468 = arith.constant 400 : index
      %get3A_469 = tpu.vector_load %arg14[%get3A_467, %get3A_468] {strides = array<i32>} : memref<16x1024xf32, #tpu.memory_space<vmem>>, vector<16xf32>,
      %mul3A_470 = arith.mulf %get3A_158, %get3A_466 : vector<16xf32>
      %mul3A_471 = arith.mulf %get3A_164, %get3A_469 : vector<16xf32>
      %add3A_472 = arith.addf %mul3A_470, %mul3A_471 : vector<16xf32>
      %swap3A_473 = arith.index_cast %scan3A_152 : i32 to index
      %swap3A_474 = arith.constant 400 : index
      %swap3A_475 = tpu.vector_load %arg16[%swap3A_473, %swap3A_474] {strides = array<i32>} : memref<16x1024xf32, #tpu.memory_space<vmem>>, vector<16xf32>,
      tpu.vector_store %arg16[%swap3A_473, %swap3A_474], %add3A_472 {strides = array<i32>} : memref<16x1024xf32, #tpu.memory_space<vmem>>, vector<16xf32>,
      %get3A_476 = arith.index_cast %scan3A_152 : i32 to index
      %get3A_477 = arith.constant 416 : index
      %get3A_478 = tpu.vector_load %arg12[%get3A_476, %get3A_477] {strides = array<i32>} : memref<16x1024xf32, #tpu.memory_space<vmem>>, vector<16xf32>,
      %get3A_479 = arith.index_cast %scan3A_152 : i32 to index
      %get3A_480 = arith.constant 416 : index
      %get3A_481 = tpu.vector_load %arg14[%get3A_479, %get3A_480] {strides = array<i32>} : memref<16x1024xf32, #tpu.memory_space<vmem>>, vector<16xf32>,
      %mul3A_482 = arith.mulf %get3A_158, %get3A_478 : vector<16xf32>
      %mul3A_483 = arith.mulf %get3A_164, %get3A_481 : vector<16xf32>
      %add3A_484 = arith.addf %mul3A_482, %mul3A_483 : vector<16xf32>
      %swap3A_485 = arith.index_cast %scan3A_152 : i32 to index
      %swap3A_486 = arith.constant 416 : index
      %swap3A_487 = tpu.vector_load %arg16[%swap3A_485, %swap3A_486] {strides = array<i32>} : memref<16x1024xf32, #tpu.memory_space<vmem>>, vector<16xf32>,
      tpu.vector_store %arg16[%swap3A_485, %swap3A_486], %add3A_484 {strides = array<i32>} : memref<16x1024xf32, #tpu.memory_space<vmem>>, vector<16xf32>,
      %get3A_488 = arith.index_cast %scan3A_152 : i32 to index
      %get3A_489 = arith.constant 432 : index
      %get3A_490 = tpu.vector_load %arg12[%get3A_488, %get3A_489] {strides = array<i32>} : memref<16x1024xf32, #tpu.memory_space<vmem>>, vector<16xf32>,
      %get3A_491 = arith.index_cast %scan3A_152 : i32 to index
      %get3A_492 = arith.constant 432 : index
      %get3A_493 = tpu.vector_load %arg14[%get3A_491, %get3A_492] {strides = array<i32>} : memref<16x1024xf32, #tpu.memory_space<vmem>>, vector<16xf32>,
      %mul3A_494 = arith.mulf %get3A_158, %get3A_490 : vector<16xf32>
      %mul3A_495 = arith.mulf %get3A_164, %get3A_493 : vector<16xf32>
      %add3A_496 = arith.addf %mul3A_494, %mul3A_495 : vector<16xf32>
      %swap3A_497 = arith.index_cast %scan3A_152 : i32 to index
      %swap3A_498 = arith.constant 432 : index
      %swap3A_499 = tpu.vector_load %arg16[%swap3A_497, %swap3A_498] {strides = array<i32>} : memref<16x1024xf32, #tpu.memory_space<vmem>>, vector<16xf32>,
      tpu.vector_store %arg16[%swap3A_497, %swap3A_498], %add3A_496 {strides = array<i32>} : memref<16x1024xf32, #tpu.memory_space<vmem>>, vector<16xf32>,
      %get3A_500 = arith.index_cast %scan3A_152 : i32 to index
      %get3A_501 = arith.constant 448 : index
      %get3A_502 = tpu.vector_load %arg12[%get3A_500, %get3A_501] {strides = array<i32>} : memref<16x1024xf32, #tpu.memory_space<vmem>>, vector<16xf32>,
      %get3A_503 = arith.index_cast %scan3A_152 : i32 to index
      %get3A_504 = arith.constant 448 : index
      %get3A_505 = tpu.vector_load %arg14[%get3A_503, %get3A_504] {strides = array<i32>} : memref<16x1024xf32, #tpu.memory_space<vmem>>, vector<16xf32>,
      %mul3A_506 = arith.mulf %get3A_158, %get3A_502 : vector<16xf32>
      %mul3A_507 = arith.mulf %get3A_164, %get3A_505 : vector<16xf32>
      %add3A_508 = arith.addf %mul3A_506, %mul3A_507 : vector<16xf32>
      %swap3A_509 = arith.index_cast %scan3A_152 : i32 to index
      %swap3A_510 = arith.constant 448 : index
      %swap3A_511 = tpu.vector_load %arg16[%swap3A_509, %swap3A_510] {strides = array<i32>} : memref<16x1024xf32, #tpu.memory_space<vmem>>, vector<16xf32>,
      tpu.vector_store %arg16[%swap3A_509, %swap3A_510], %add3A_508 {strides = array<i32>} : memref<16x1024xf32, #tpu.memory_space<vmem>>, vector<16xf32>,
      %get3A_512 = arith.index_cast %scan3A_152 : i32 to index
      %get3A_513 = arith.constant 464 : index
      %get3A_514 = tpu.vector_load %arg12[%get3A_512, %get3A_513] {strides = array<i32>} : memref<16x1024xf32, #tpu.memory_space<vmem>>, vector<16xf32>,
      %get3A_515 = arith.index_cast %scan3A_152 : i32 to index
      %get3A_516 = arith.constant 464 : index
      %get3A_517 = tpu.vector_load %arg14[%get3A_515, %get3A_516] {strides = array<i32>} : memref<16x1024xf32, #tpu.memory_space<vmem>>, vector<16xf32>,
      %mul3A_518 = arith.mulf %get3A_158, %get3A_514 : vector<16xf32>
      %mul3A_519 = arith.mulf %get3A_164, %get3A_517 : vector<16xf32>
      %add3A_520 = arith.addf %mul3A_518, %mul3A_519 : vector<16xf32>
      %swap3A_521 = arith.index_cast %scan3A_152 : i32 to index
      %swap3A_522 = arith.constant 464 : index
      %swap3A_523 = tpu.vector_load %arg16[%swap3A_521, %swap3A_522] {strides = array<i32>} : memref<16x1024xf32, #tpu.memory_space<vmem>>, vector<16xf32>,
      tpu.vector_store %arg16[%swap3A_521, %swap3A_522], %add3A_520 {strides = array<i32>} : memref<16x1024xf32, #tpu.memory_space<vmem>>, vector<16xf32>,
      %get3A_524 = arith.index_cast %scan3A_152 : i32 to index
      %get3A_525 = arith.constant 480 : index
      %get3A_526 = tpu.vector_load %arg12[%get3A_524, %get3A_525] {strides = array<i32>} : memref<16x1024xf32, #tpu.memory_space<vmem>>, vector<16xf32>,
      %get3A_527 = arith.index_cast %scan3A_152 : i32 to index
      %get3A_528 = arith.constant 480 : index
      %get3A_529 = tpu.vector_load %arg14[%get3A_527, %get3A_528] {strides = array<i32>} : memref<16x1024xf32, #tpu.memory_space<vmem>>, vector<16xf32>,
      %mul3A_530 = arith.mulf %get3A_158, %get3A_526 : vector<16xf32>
      %mul3A_531 = arith.mulf %get3A_164, %get3A_529 : vector<16xf32>
      %add3A_532 = arith.addf %mul3A_530, %mul3A_531 : vector<16xf32>
      %swap3A_533 = arith.index_cast %scan3A_152 : i32 to index
      %swap3A_534 = arith.constant 480 : index
      %swap3A_535 = tpu.vector_load %arg16[%swap3A_533, %swap3A_534] {strides = array<i32>} : memref<16x1024xf32, #tpu.memory_space<vmem>>, vector<16xf32>,
      tpu.vector_store %arg16[%swap3A_533, %swap3A_534], %add3A_532 {strides = array<i32>} : memref<16x1024xf32, #tpu.memory_space<vmem>>, vector<16xf32>,
      %get3A_536 = arith.index_cast %scan3A_152 : i32 to index
      %get3A_537 = arith.constant 496 : index
      %get3A_538 = tpu.vector_load %arg12[%get3A_536, %get3A_537] {strides = array<i32>} : memref<16x1024xf32, #tpu.memory_space<vmem>>, vector<16xf32>,
      %get3A_539 = arith.index_cast %scan3A_152 : i32 to index
      %get3A_540 = arith.constant 496 : index
      %get3A_541 = tpu.vector_load %arg14[%get3A_539, %get3A_540] {strides = array<i32>} : memref<16x1024xf32, #tpu.memory_space<vmem>>, vector<16xf32>,
      %mul3A_542 = arith.mulf %get3A_158, %get3A_538 : vector<16xf32>
      %mul3A_543 = arith.mulf %get3A_164, %get3A_541 : vector<16xf32>
      %add3A_544 = arith.addf %mul3A_542, %mul3A_543 : vector<16xf32>
      %swap3A_545 = arith.index_cast %scan3A_152 : i32 to index
      %swap3A_546 = arith.constant 496 : index
      %swap3A_547 = tpu.vector_load %arg16[%swap3A_545, %swap3A_546] {strides = array<i32>} : memref<16x1024xf32, #tpu.memory_space<vmem>>, vector<16xf32>,
      tpu.vector_store %arg16[%swap3A_545, %swap3A_546], %add3A_544 {strides = array<i32>} : memref<16x1024xf32, #tpu.memory_space<vmem>>, vector<16xf32>,
      %get3A_548 = arith.index_cast %scan3A_152 : i32 to index
      %get3A_549 = arith.constant 512 : index
      %get3A_550 = tpu.vector_load %arg12[%get3A_548, %get3A_549] {strides = array<i32>} : memref<16x1024xf32, #tpu.memory_space<vmem>>, vector<16xf32>,
      %get3A_551 = arith.index_cast %scan3A_152 : i32 to index
      %get3A_552 = arith.constant 512 : index
      %get3A_553 = tpu.vector_load %arg14[%get3A_551, %get3A_552] {strides = array<i32>} : memref<16x1024xf32, #tpu.memory_space<vmem>>, vector<16xf32>,
      %mul3A_554 = arith.mulf %get3A_158, %get3A_550 : vector<16xf32>
      %mul3A_555 = arith.mulf %get3A_164, %get3A_553 : vector<16xf32>
      %add3A_556 = arith.addf %mul3A_554, %mul3A_555 : vector<16xf32>
      %swap3A_557 = arith.index_cast %scan3A_152 : i32 to index
      %swap3A_558 = arith.constant 512 : index
      %swap3A_559 = tpu.vector_load %arg16[%swap3A_557, %swap3A_558] {strides = array<i32>} : memref<16x1024xf32, #tpu.memory_space<vmem>>, vector<16xf32>,
      tpu.vector_store %arg16[%swap3A_557, %swap3A_558], %add3A_556 {strides = array<i32>} : memref<16x1024xf32, #tpu.memory_space<vmem>>, vector<16xf32>,
      %get3A_560 = arith.index_cast %scan3A_152 : i32 to index
      %get3A_561 = arith.constant 528 : index
      %get3A_562 = tpu.vector_load %arg12[%get3A_560, %get3A_561] {strides = array<i32>} : memref<16x1024xf32, #tpu.memory_space<vmem>>, vector<16xf32>,
      %get3A_563 = arith.index_cast %scan3A_152 : i32 to index
      %get3A_564 = arith.constant 528 : index
      %get3A_565 = tpu.vector_load %arg14[%get3A_563, %get3A_564] {strides = array<i32>} : memref<16x1024xf32, #tpu.memory_space<vmem>>, vector<16xf32>,
      %mul3A_566 = arith.mulf %get3A_158, %get3A_562 : vector<16xf32>
      %mul3A_567 = arith.mulf %get3A_164, %get3A_565 : vector<16xf32>
      %add3A_568 = arith.addf %mul3A_566, %mul3A_567 : vector<16xf32>
      %swap3A_569 = arith.index_cast %scan3A_152 : i32 to index
      %swap3A_570 = arith.constant 528 : index
      %swap3A_571 = tpu.vector_load %arg16[%swap3A_569, %swap3A_570] {strides = array<i32>} : memref<16x1024xf32, #tpu.memory_space<vmem>>, vector<16xf32>,
      tpu.vector_store %arg16[%swap3A_569, %swap3A_570], %add3A_568 {strides = array<i32>} : memref<16x1024xf32, #tpu.memory_space<vmem>>, vector<16xf32>,
      %get3A_572 = arith.index_cast %scan3A_152 : i32 to index
      %get3A_573 = arith.constant 544 : index
      %get3A_574 = tpu.vector_load %arg12[%get3A_572, %get3A_573] {strides = array<i32>} : memref<16x1024xf32, #tpu.memory_space<vmem>>, vector<16xf32>,
      %get3A_575 = arith.index_cast %scan3A_152 : i32 to index
      %get3A_576 = arith.constant 544 : index
      %get3A_577 = tpu.vector_load %arg14[%get3A_575, %get3A_576] {strides = array<i32>} : memref<16x1024xf32, #tpu.memory_space<vmem>>, vector<16xf32>,
      %mul3A_578 = arith.mulf %get3A_158, %get3A_574 : vector<16xf32>
      %mul3A_579 = arith.mulf %get3A_164, %get3A_577 : vector<16xf32>
      %add3A_580 = arith.addf %mul3A_578, %mul3A_579 : vector<16xf32>
      %swap3A_581 = arith.index_cast %scan3A_152 : i32 to index
      %swap3A_582 = arith.constant 544 : index
      %swap3A_583 = tpu.vector_load %arg16[%swap3A_581, %swap3A_582] {strides = array<i32>} : memref<16x1024xf32, #tpu.memory_space<vmem>>, vector<16xf32>,
      tpu.vector_store %arg16[%swap3A_581, %swap3A_582], %add3A_580 {strides = array<i32>} : memref<16x1024xf32, #tpu.memory_space<vmem>>, vector<16xf32>,
      %get3A_584 = arith.index_cast %scan3A_152 : i32 to index
      %get3A_585 = arith.constant 560 : index
      %get3A_586 = tpu.vector_load %arg12[%get3A_584, %get3A_585] {strides = array<i32>} : memref<16x1024xf32, #tpu.memory_space<vmem>>, vector<16xf32>,
      %get3A_587 = arith.index_cast %scan3A_152 : i32 to index
      %get3A_588 = arith.constant 560 : index
      %get3A_589 = tpu.vector_load %arg14[%get3A_587, %get3A_588] {strides = array<i32>} : memref<16x1024xf32, #tpu.memory_space<vmem>>, vector<16xf32>,
      %mul3A_590 = arith.mulf %get3A_158, %get3A_586 : vector<16xf32>
      %mul3A_591 = arith.mulf %get3A_164, %get3A_589 : vector<16xf32>
      %add3A_592 = arith.addf %mul3A_590, %mul3A_591 : vector<16xf32>
      %swap3A_593 = arith.index_cast %scan3A_152 : i32 to index
      %swap3A_594 = arith.constant 560 : index
      %swap3A_595 = tpu.vector_load %arg16[%swap3A_593, %swap3A_594] {strides = array<i32>} : memref<16x1024xf32, #tpu.memory_space<vmem>>, vector<16xf32>,
      tpu.vector_store %arg16[%swap3A_593, %swap3A_594], %add3A_592 {strides = array<i32>} : memref<16x1024xf32, #tpu.memory_space<vmem>>, vector<16xf32>,
      %get3A_596 = arith.index_cast %scan3A_152 : i32 to index
      %get3A_597 = arith.constant 576 : index
      %get3A_598 = tpu.vector_load %arg12[%get3A_596, %get3A_597] {strides = array<i32>} : memref<16x1024xf32, #tpu.memory_space<vmem>>, vector<16xf32>,
      %get3A_599 = arith.index_cast %scan3A_152 : i32 to index
      %get3A_600 = arith.constant 576 : index
      %get3A_601 = tpu.vector_load %arg14[%get3A_599, %get3A_600] {strides = array<i32>} : memref<16x1024xf32, #tpu.memory_space<vmem>>, vector<16xf32>,
      %mul3A_602 = arith.mulf %get3A_158, %get3A_598 : vector<16xf32>
      %mul3A_603 = arith.mulf %get3A_164, %get3A_601 : vector<16xf32>
      %add3A_604 = arith.addf %mul3A_602, %mul3A_603 : vector<16xf32>
      %swap3A_605 = arith.index_cast %scan3A_152 : i32 to index
      %swap3A_606 = arith.constant 576 : index
      %swap3A_607 = tpu.vector_load %arg16[%swap3A_605, %swap3A_606] {strides = array<i32>} : memref<16x1024xf32, #tpu.memory_space<vmem>>, vector<16xf32>,
      tpu.vector_store %arg16[%swap3A_605, %swap3A_606], %add3A_604 {strides = array<i32>} : memref<16x1024xf32, #tpu.memory_space<vmem>>, vector<16xf32>,
      %get3A_608 = arith.index_cast %scan3A_152 : i32 to index
      %get3A_609 = arith.constant 592 : index
      %get3A_610 = tpu.vector_load %arg12[%get3A_608, %get3A_609] {strides = array<i32>} : memref<16x1024xf32, #tpu.memory_space<vmem>>, vector<16xf32>,
      %get3A_611 = arith.index_cast %scan3A_152 : i32 to index
      %get3A_612 = arith.constant 592 : index
      %get3A_613 = tpu.vector_load %arg14[%get3A_611, %get3A_612] {strides = array<i32>} : memref<16x1024xf32, #tpu.memory_space<vmem>>, vector<16xf32>,
      %mul3A_614 = arith.mulf %get3A_158, %get3A_610 : vector<16xf32>
      %mul3A_615 = arith.mulf %get3A_164, %get3A_613 : vector<16xf32>
      %add3A_616 = arith.addf %mul3A_614, %mul3A_615 : vector<16xf32>
      %swap3A_617 = arith.index_cast %scan3A_152 : i32 to index
      %swap3A_618 = arith.constant 592 : index
      %swap3A_619 = tpu.vector_load %arg16[%swap3A_617, %swap3A_618] {strides = array<i32>} : memref<16x1024xf32, #tpu.memory_space<vmem>>, vector<16xf32>,
      tpu.vector_store %arg16[%swap3A_617, %swap3A_618], %add3A_616 {strides = array<i32>} : memref<16x1024xf32, #tpu.memory_space<vmem>>, vector<16xf32>,
      %get3A_620 = arith.index_cast %scan3A_152 : i32 to index
      %get3A_621 = arith.constant 608 : index
      %get3A_622 = tpu.vector_load %arg12[%get3A_620, %get3A_621] {strides = array<i32>} : memref<16x1024xf32, #tpu.memory_space<vmem>>, vector<16xf32>,
      %get3A_623 = arith.index_cast %scan3A_152 : i32 to index
      %get3A_624 = arith.constant 608 : index
      %get3A_625 = tpu.vector_load %arg14[%get3A_623, %get3A_624] {strides = array<i32>} : memref<16x1024xf32, #tpu.memory_space<vmem>>, vector<16xf32>,
      %mul3A_626 = arith.mulf %get3A_158, %get3A_622 : vector<16xf32>
      %mul3A_627 = arith.mulf %get3A_164, %get3A_625 : vector<16xf32>
      %add3A_628 = arith.addf %mul3A_626, %mul3A_627 : vector<16xf32>
      %swap3A_629 = arith.index_cast %scan3A_152 : i32 to index
      %swap3A_630 = arith.constant 608 : index
      %swap3A_631 = tpu.vector_load %arg16[%swap3A_629, %swap3A_630] {strides = array<i32>} : memref<16x1024xf32, #tpu.memory_space<vmem>>, vector<16xf32>,
      tpu.vector_store %arg16[%swap3A_629, %swap3A_630], %add3A_628 {strides = array<i32>} : memref<16x1024xf32, #tpu.memory_space<vmem>>, vector<16xf32>,
      %get3A_632 = arith.index_cast %scan3A_152 : i32 to index
      %get3A_633 = arith.constant 624 : index
      %get3A_634 = tpu.vector_load %arg12[%get3A_632, %get3A_633] {strides = array<i32>} : memref<16x1024xf32, #tpu.memory_space<vmem>>, vector<16xf32>,
      %get3A_635 = arith.index_cast %scan3A_152 : i32 to index
      %get3A_636 = arith.constant 624 : index
      %get3A_637 = tpu.vector_load %arg14[%get3A_635, %get3A_636] {strides = array<i32>} : memref<16x1024xf32, #tpu.memory_space<vmem>>, vector<16xf32>,
      %mul3A_638 = arith.mulf %get3A_158, %get3A_634 : vector<16xf32>
      %mul3A_639 = arith.mulf %get3A_164, %get3A_637 : vector<16xf32>
      %add3A_640 = arith.addf %mul3A_638, %mul3A_639 : vector<16xf32>
      %swap3A_641 = arith.index_cast %scan3A_152 : i32 to index
      %swap3A_642 = arith.constant 624 : index
      %swap3A_643 = tpu.vector_load %arg16[%swap3A_641, %swap3A_642] {strides = array<i32>} : memref<16x1024xf32, #tpu.memory_space<vmem>>, vector<16xf32>,
      tpu.vector_store %arg16[%swap3A_641, %swap3A_642], %add3A_640 {strides = array<i32>} : memref<16x1024xf32, #tpu.memory_space<vmem>>, vector<16xf32>,
      %get3A_644 = arith.index_cast %scan3A_152 : i32 to index
      %get3A_645 = arith.constant 640 : index
      %get3A_646 = tpu.vector_load %arg12[%get3A_644, %get3A_645] {strides = array<i32>} : memref<16x1024xf32, #tpu.memory_space<vmem>>, vector<16xf32>,
      %get3A_647 = arith.index_cast %scan3A_152 : i32 to index
      %get3A_648 = arith.constant 640 : index
      %get3A_649 = tpu.vector_load %arg14[%get3A_647, %get3A_648] {strides = array<i32>} : memref<16x1024xf32, #tpu.memory_space<vmem>>, vector<16xf32>,
      %mul3A_650 = arith.mulf %get3A_158, %get3A_646 : vector<16xf32>
      %mul3A_651 = arith.mulf %get3A_164, %get3A_649 : vector<16xf32>
      %add3A_652 = arith.addf %mul3A_650, %mul3A_651 : vector<16xf32>
      %swap3A_653 = arith.index_cast %scan3A_152 : i32 to index
      %swap3A_654 = arith.constant 640 : index
      %swap3A_655 = tpu.vector_load %arg16[%swap3A_653, %swap3A_654] {strides = array<i32>} : memref<16x1024xf32, #tpu.memory_space<vmem>>, vector<16xf32>,
      tpu.vector_store %arg16[%swap3A_653, %swap3A_654], %add3A_652 {strides = array<i32>} : memref<16x1024xf32, #tpu.memory_space<vmem>>, vector<16xf32>,
      %get3A_656 = arith.index_cast %scan3A_152 : i32 to index
      %get3A_657 = arith.constant 656 : index
      %get3A_658 = tpu.vector_load %arg12[%get3A_656, %get3A_657] {strides = array<i32>} : memref<16x1024xf32, #tpu.memory_space<vmem>>, vector<16xf32>,
      %get3A_659 = arith.index_cast %scan3A_152 : i32 to index
      %get3A_660 = arith.constant 656 : index
      %get3A_661 = tpu.vector_load %arg14[%get3A_659, %get3A_660] {strides = array<i32>} : memref<16x1024xf32, #tpu.memory_space<vmem>>, vector<16xf32>,
      %mul3A_662 = arith.mulf %get3A_158, %get3A_658 : vector<16xf32>
      %mul3A_663 = arith.mulf %get3A_164, %get3A_661 : vector<16xf32>
      %add3A_664 = arith.addf %mul3A_662, %mul3A_663 : vector<16xf32>
      %swap3A_665 = arith.index_cast %scan3A_152 : i32 to index
      %swap3A_666 = arith.constant 656 : index
      %swap3A_667 = tpu.vector_load %arg16[%swap3A_665, %swap3A_666] {strides = array<i32>} : memref<16x1024xf32, #tpu.memory_space<vmem>>, vector<16xf32>,
      tpu.vector_store %arg16[%swap3A_665, %swap3A_666], %add3A_664 {strides = array<i32>} : memref<16x1024xf32, #tpu.memory_space<vmem>>, vector<16xf32>,
      %get3A_668 = arith.index_cast %scan3A_152 : i32 to index
      %get3A_669 = arith.constant 672 : index
      %get3A_670 = tpu.vector_load %arg12[%get3A_668, %get3A_669] {strides = array<i32>} : memref<16x1024xf32, #tpu.memory_space<vmem>>, vector<16xf32>,
      %get3A_671 = arith.index_cast %scan3A_152 : i32 to index
      %get3A_672 = arith.constant 672 : index
      %get3A_673 = tpu.vector_load %arg14[%get3A_671, %get3A_672] {strides = array<i32>} : memref<16x1024xf32, #tpu.memory_space<vmem>>, vector<16xf32>,
      %mul3A_674 = arith.mulf %get3A_158, %get3A_670 : vector<16xf32>
      %mul3A_675 = arith.mulf %get3A_164, %get3A_673 : vector<16xf32>
      %add3A_676 = arith.addf %mul3A_674, %mul3A_675 : vector<16xf32>
      %swap3A_677 = arith.index_cast %scan3A_152 : i32 to index
      %swap3A_678 = arith.constant 672 : index
      %swap3A_679 = tpu.vector_load %arg16[%swap3A_677, %swap3A_678] {strides = array<i32>} : memref<16x1024xf32, #tpu.memory_space<vmem>>, vector<16xf32>,
      tpu.vector_store %arg16[%swap3A_677, %swap3A_678], %add3A_676 {strides = array<i32>} : memref<16x1024xf32, #tpu.memory_space<vmem>>, vector<16xf32>,
      %get3A_680 = arith.index_cast %scan3A_152 : i32 to index
      %get3A_681 = arith.constant 688 : index
      %get3A_682 = tpu.vector_load %arg12[%get3A_680, %get3A_681] {strides = array<i32>} : memref<16x1024xf32, #tpu.memory_space<vmem>>, vector<16xf32>,
      %get3A_683 = arith.index_cast %scan3A_152 : i32 to index
      %get3A_684 = arith.constant 688 : index
      %get3A_685 = tpu.vector_load %arg14[%get3A_683, %get3A_684] {strides = array<i32>} : memref<16x1024xf32, #tpu.memory_space<vmem>>, vector<16xf32>,
      %mul3A_686 = arith.mulf %get3A_158, %get3A_682 : vector<16xf32>
      %mul3A_687 = arith.mulf %get3A_164, %get3A_685 : vector<16xf32>
      %add3A_688 = arith.addf %mul3A_686, %mul3A_687 : vector<16xf32>
      %swap3A_689 = arith.index_cast %scan3A_152 : i32 to index
      %swap3A_690 = arith.constant 688 : index
      %swap3A_691 = tpu.vector_load %arg16[%swap3A_689, %swap3A_690] {strides = array<i32>} : memref<16x1024xf32, #tpu.memory_space<vmem>>, vector<16xf32>,
      tpu.vector_store %arg16[%swap3A_689, %swap3A_690], %add3A_688 {strides = array<i32>} : memref<16x1024xf32, #tpu.memory_space<vmem>>, vector<16xf32>,
      %get3A_692 = arith.index_cast %scan3A_152 : i32 to index
      %get3A_693 = arith.constant 704 : index
      %get3A_694 = tpu.vector_load %arg12[%get3A_692, %get3A_693] {strides = array<i32>} : memref<16x1024xf32, #tpu.memory_space<vmem>>, vector<16xf32>,
      %get3A_695 = arith.index_cast %scan3A_152 : i32 to index
      %get3A_696 = arith.constant 704 : index
      %get3A_697 = tpu.vector_load %arg14[%get3A_695, %get3A_696] {strides = array<i32>} : memref<16x1024xf32, #tpu.memory_space<vmem>>, vector<16xf32>,
      %mul3A_698 = arith.mulf %get3A_158, %get3A_694 : vector<16xf32>
      %mul3A_699 = arith.mulf %get3A_164, %get3A_697 : vector<16xf32>
      %add3A_700 = arith.addf %mul3A_698, %mul3A_699 : vector<16xf32>
      %swap3A_701 = arith.index_cast %scan3A_152 : i32 to index
      %swap3A_702 = arith.constant 704 : index
      %swap3A_703 = tpu.vector_load %arg16[%swap3A_701, %swap3A_702] {strides = array<i32>} : memref<16x1024xf32, #tpu.memory_space<vmem>>, vector<16xf32>,
      tpu.vector_store %arg16[%swap3A_701, %swap3A_702], %add3A_700 {strides = array<i32>} : memref<16x1024xf32, #tpu.memory_space<vmem>>, vector<16xf32>,
      %get3A_704 = arith.index_cast %scan3A_152 : i32 to index
      %get3A_705 = arith.constant 720 : index
      %get3A_706 = tpu.vector_load %arg12[%get3A_704, %get3A_705] {strides = array<i32>} : memref<16x1024xf32, #tpu.memory_space<vmem>>, vector<16xf32>,
      %get3A_707 = arith.index_cast %scan3A_152 : i32 to index
      %get3A_708 = arith.constant 720 : index
      %get3A_709 = tpu.vector_load %arg14[%get3A_707, %get3A_708] {strides = array<i32>} : memref<16x1024xf32, #tpu.memory_space<vmem>>, vector<16xf32>,
      %mul3A_710 = arith.mulf %get3A_158, %get3A_706 : vector<16xf32>
      %mul3A_711 = arith.mulf %get3A_164, %get3A_709 : vector<16xf32>
      %add3A_712 = arith.addf %mul3A_710, %mul3A_711 : vector<16xf32>
      %swap3A_713 = arith.index_cast %scan3A_152 : i32 to index
      %swap3A_714 = arith.constant 720 : index
      %swap3A_715 = tpu.vector_load %arg16[%swap3A_713, %swap3A_714] {strides = array<i32>} : memref<16x1024xf32, #tpu.memory_space<vmem>>, vector<16xf32>,
      tpu.vector_store %arg16[%swap3A_713, %swap3A_714], %add3A_712 {strides = array<i32>} : memref<16x1024xf32, #tpu.memory_space<vmem>>, vector<16xf32>,
      %get3A_716 = arith.index_cast %scan3A_152 : i32 to index
      %get3A_717 = arith.constant 736 : index
      %get3A_718 = tpu.vector_load %arg12[%get3A_716, %get3A_717] {strides = array<i32>} : memref<16x1024xf32, #tpu.memory_space<vmem>>, vector<16xf32>,
      %get3A_719 = arith.index_cast %scan3A_152 : i32 to index
      %get3A_720 = arith.constant 736 : index
      %get3A_721 = tpu.vector_load %arg14[%get3A_719, %get3A_720] {strides = array<i32>} : memref<16x1024xf32, #tpu.memory_space<vmem>>, vector<16xf32>,
      %mul3A_722 = arith.mulf %get3A_158, %get3A_718 : vector<16xf32>
      %mul3A_723 = arith.mulf %get3A_164, %get3A_721 : vector<16xf32>
      %add3A_724 = arith.addf %mul3A_722, %mul3A_723 : vector<16xf32>
      %swap3A_725 = arith.index_cast %scan3A_152 : i32 to index
      %swap3A_726 = arith.constant 736 : index
      %swap3A_727 = tpu.vector_load %arg16[%swap3A_725, %swap3A_726] {strides = array<i32>} : memref<16x1024xf32, #tpu.memory_space<vmem>>, vector<16xf32>,
      tpu.vector_store %arg16[%swap3A_725, %swap3A_726], %add3A_724 {strides = array<i32>} : memref<16x1024xf32, #tpu.memory_space<vmem>>, vector<16xf32>,
      %get3A_728 = arith.index_cast %scan3A_152 : i32 to index
      %get3A_729 = arith.constant 752 : index
      %get3A_730 = tpu.vector_load %arg12[%get3A_728, %get3A_729] {strides = array<i32>} : memref<16x1024xf32, #tpu.memory_space<vmem>>, vector<16xf32>,
      %get3A_731 = arith.index_cast %scan3A_152 : i32 to index
      %get3A_732 = arith.constant 752 : index
      %get3A_733 = tpu.vector_load %arg14[%get3A_731, %get3A_732] {strides = array<i32>} : memref<16x1024xf32, #tpu.memory_space<vmem>>, vector<16xf32>,
      %mul3A_734 = arith.mulf %get3A_158, %get3A_730 : vector<16xf32>
      %mul3A_735 = arith.mulf %get3A_164, %get3A_733 : vector<16xf32>
      %add3A_736 = arith.addf %mul3A_734, %mul3A_735 : vector<16xf32>
      %swap3A_737 = arith.index_cast %scan3A_152 : i32 to index
      %swap3A_738 = arith.constant 752 : index
      %swap3A_739 = tpu.vector_load %arg16[%swap3A_737, %swap3A_738] {strides = array<i32>} : memref<16x1024xf32, #tpu.memory_space<vmem>>, vector<16xf32>,
      tpu.vector_store %arg16[%swap3A_737, %swap3A_738], %add3A_736 {strides = array<i32>} : memref<16x1024xf32, #tpu.memory_space<vmem>>, vector<16xf32>,
      %get3A_740 = arith.index_cast %scan3A_152 : i32 to index
      %get3A_741 = arith.constant 768 : index
      %get3A_742 = tpu.vector_load %arg12[%get3A_740, %get3A_741] {strides = array<i32>} : memref<16x1024xf32, #tpu.memory_space<vmem>>, vector<16xf32>,
      %get3A_743 = arith.index_cast %scan3A_152 : i32 to index
      %get3A_744 = arith.constant 768 : index
      %get3A_745 = tpu.vector_load %arg14[%get3A_743, %get3A_744] {strides = array<i32>} : memref<16x1024xf32, #tpu.memory_space<vmem>>, vector<16xf32>,
      %mul3A_746 = arith.mulf %get3A_158, %get3A_742 : vector<16xf32>
      %mul3A_747 = arith.mulf %get3A_164, %get3A_745 : vector<16xf32>
      %add3A_748 = arith.addf %mul3A_746, %mul3A_747 : vector<16xf32>
      %swap3A_749 = arith.index_cast %scan3A_152 : i32 to index
      %swap3A_750 = arith.constant 768 : index
      %swap3A_751 = tpu.vector_load %arg16[%swap3A_749, %swap3A_750] {strides = array<i32>} : memref<16x1024xf32, #tpu.memory_space<vmem>>, vector<16xf32>,
      tpu.vector_store %arg16[%swap3A_749, %swap3A_750], %add3A_748 {strides = array<i32>} : memref<16x1024xf32, #tpu.memory_space<vmem>>, vector<16xf32>,
      %get3A_752 = arith.index_cast %scan3A_152 : i32 to index
      %get3A_753 = arith.constant 784 : index
      %get3A_754 = tpu.vector_load %arg12[%get3A_752, %get3A_753] {strides = array<i32>} : memref<16x1024xf32, #tpu.memory_space<vmem>>, vector<16xf32>,
      %get3A_755 = arith.index_cast %scan3A_152 : i32 to index
      %get3A_756 = arith.constant 784 : index
      %get3A_757 = tpu.vector_load %arg14[%get3A_755, %get3A_756] {strides = array<i32>} : memref<16x1024xf32, #tpu.memory_space<vmem>>, vector<16xf32>,
      %mul3A_758 = arith.mulf %get3A_158, %get3A_754 : vector<16xf32>
      %mul3A_759 = arith.mulf %get3A_164, %get3A_757 : vector<16xf32>
      %add3A_760 = arith.addf %mul3A_758, %mul3A_759 : vector<16xf32>
      %swap3A_761 = arith.index_cast %scan3A_152 : i32 to index
      %swap3A_762 = arith.constant 784 : index
      %swap3A_763 = tpu.vector_load %arg16[%swap3A_761, %swap3A_762] {strides = array<i32>} : memref<16x1024xf32, #tpu.memory_space<vmem>>, vector<16xf32>,
      tpu.vector_store %arg16[%swap3A_761, %swap3A_762], %add3A_760 {strides = array<i32>} : memref<16x1024xf32, #tpu.memory_space<vmem>>, vector<16xf32>,
      %get3A_764 = arith.index_cast %scan3A_152 : i32 to index
      %get3A_765 = arith.constant 800 : index
      %get3A_766 = tpu.vector_load %arg12[%get3A_764, %get3A_765] {strides = array<i32>} : memref<16x1024xf32, #tpu.memory_space<vmem>>, vector<16xf32>,
      %get3A_767 = arith.index_cast %scan3A_152 : i32 to index
      %get3A_768 = arith.constant 800 : index
      %get3A_769 = tpu.vector_load %arg14[%get3A_767, %get3A_768] {strides = array<i32>} : memref<16x1024xf32, #tpu.memory_space<vmem>>, vector<16xf32>,
      %mul3A_770 = arith.mulf %get3A_158, %get3A_766 : vector<16xf32>
      %mul3A_771 = arith.mulf %get3A_164, %get3A_769 : vector<16xf32>
      %add3A_772 = arith.addf %mul3A_770, %mul3A_771 : vector<16xf32>
      %swap3A_773 = arith.index_cast %scan3A_152 : i32 to index
      %swap3A_774 = arith.constant 800 : index
      %swap3A_775 = tpu.vector_load %arg16[%swap3A_773, %swap3A_774] {strides = array<i32>} : memref<16x1024xf32, #tpu.memory_space<vmem>>, vector<16xf32>,
      tpu.vector_store %arg16[%swap3A_773, %swap3A_774], %add3A_772 {strides = array<i32>} : memref<16x1024xf32, #tpu.memory_space<vmem>>, vector<16xf32>,
      %get3A_776 = arith.index_cast %scan3A_152 : i32 to index
      %get3A_777 = arith.constant 816 : index
      %get3A_778 = tpu.vector_load %arg12[%get3A_776, %get3A_777] {strides = array<i32>} : memref<16x1024xf32, #tpu.memory_space<vmem>>, vector<16xf32>,
      %get3A_779 = arith.index_cast %scan3A_152 : i32 to index
      %get3A_780 = arith.constant 816 : index
      %get3A_781 = tpu.vector_load %arg14[%get3A_779, %get3A_780] {strides = array<i32>} : memref<16x1024xf32, #tpu.memory_space<vmem>>, vector<16xf32>,
      %mul3A_782 = arith.mulf %get3A_158, %get3A_778 : vector<16xf32>
      %mul3A_783 = arith.mulf %get3A_164, %get3A_781 : vector<16xf32>
      %add3A_784 = arith.addf %mul3A_782, %mul3A_783 : vector<16xf32>
      %swap3A_785 = arith.index_cast %scan3A_152 : i32 to index
      %swap3A_786 = arith.constant 816 : index
      %swap3A_787 = tpu.vector_load %arg16[%swap3A_785, %swap3A_786] {strides = array<i32>} : memref<16x1024xf32, #tpu.memory_space<vmem>>, vector<16xf32>,
      tpu.vector_store %arg16[%swap3A_785, %swap3A_786], %add3A_784 {strides = array<i32>} : memref<16x1024xf32, #tpu.memory_space<vmem>>, vector<16xf32>,
      %get3A_788 = arith.index_cast %scan3A_152 : i32 to index
      %get3A_789 = arith.constant 832 : index
      %get3A_790 = tpu.vector_load %arg12[%get3A_788, %get3A_789] {strides = array<i32>} : memref<16x1024xf32, #tpu.memory_space<vmem>>, vector<16xf32>,
      %get3A_791 = arith.index_cast %scan3A_152 : i32 to index
      %get3A_792 = arith.constant 832 : index
      %get3A_793 = tpu.vector_load %arg14[%get3A_791, %get3A_792] {strides = array<i32>} : memref<16x1024xf32, #tpu.memory_space<vmem>>, vector<16xf32>,
      %mul3A_794 = arith.mulf %get3A_158, %get3A_790 : vector<16xf32>
      %mul3A_795 = arith.mulf %get3A_164, %get3A_793 : vector<16xf32>
      %add3A_796 = arith.addf %mul3A_794, %mul3A_795 : vector<16xf32>
      %swap3A_797 = arith.index_cast %scan3A_152 : i32 to index
      %swap3A_798 = arith.constant 832 : index
      %swap3A_799 = tpu.vector_load %arg16[%swap3A_797, %swap3A_798] {strides = array<i32>} : memref<16x1024xf32, #tpu.memory_space<vmem>>, vector<16xf32>,
      tpu.vector_store %arg16[%swap3A_797, %swap3A_798], %add3A_796 {strides = array<i32>} : memref<16x1024xf32, #tpu.memory_space<vmem>>, vector<16xf32>,
      %get3A_800 = arith.index_cast %scan3A_152 : i32 to index
      %get3A_801 = arith.constant 848 : index
      %get3A_802 = tpu.vector_load %arg12[%get3A_800, %get3A_801] {strides = array<i32>} : memref<16x1024xf32, #tpu.memory_space<vmem>>, vector<16xf32>,
      %get3A_803 = arith.index_cast %scan3A_152 : i32 to index
      %get3A_804 = arith.constant 848 : index
      %get3A_805 = tpu.vector_load %arg14[%get3A_803, %get3A_804] {strides = array<i32>} : memref<16x1024xf32, #tpu.memory_space<vmem>>, vector<16xf32>,
      %mul3A_806 = arith.mulf %get3A_158, %get3A_802 : vector<16xf32>
      %mul3A_807 = arith.mulf %get3A_164, %get3A_805 : vector<16xf32>
      %add3A_808 = arith.addf %mul3A_806, %mul3A_807 : vector<16xf32>
      %swap3A_809 = arith.index_cast %scan3A_152 : i32 to index
      %swap3A_810 = arith.constant 848 : index
      %swap3A_811 = tpu.vector_load %arg16[%swap3A_809, %swap3A_810] {strides = array<i32>} : memref<16x1024xf32, #tpu.memory_space<vmem>>, vector<16xf32>,
      tpu.vector_store %arg16[%swap3A_809, %swap3A_810], %add3A_808 {strides = array<i32>} : memref<16x1024xf32, #tpu.memory_space<vmem>>, vector<16xf32>,
      %get3A_812 = arith.index_cast %scan3A_152 : i32 to index
      %get3A_813 = arith.constant 864 : index
      %get3A_814 = tpu.vector_load %arg12[%get3A_812, %get3A_813] {strides = array<i32>} : memref<16x1024xf32, #tpu.memory_space<vmem>>, vector<16xf32>,
      %get3A_815 = arith.index_cast %scan3A_152 : i32 to index
      %get3A_816 = arith.constant 864 : index
      %get3A_817 = tpu.vector_load %arg14[%get3A_815, %get3A_816] {strides = array<i32>} : memref<16x1024xf32, #tpu.memory_space<vmem>>, vector<16xf32>,
      %mul3A_818 = arith.mulf %get3A_158, %get3A_814 : vector<16xf32>
      %mul3A_819 = arith.mulf %get3A_164, %get3A_817 : vector<16xf32>
      %add3A_820 = arith.addf %mul3A_818, %mul3A_819 : vector<16xf32>
      %swap3A_821 = arith.index_cast %scan3A_152 : i32 to index
      %swap3A_822 = arith.constant 864 : index
      %swap3A_823 = tpu.vector_load %arg16[%swap3A_821, %swap3A_822] {strides = array<i32>} : memref<16x1024xf32, #tpu.memory_space<vmem>>, vector<16xf32>,
      tpu.vector_store %arg16[%swap3A_821, %swap3A_822], %add3A_820 {strides = array<i32>} : memref<16x1024xf32, #tpu.memory_space<vmem>>, vector<16xf32>,
      %get3A_824 = arith.index_cast %scan3A_152 : i32 to index
      %get3A_825 = arith.constant 880 : index
      %get3A_826 = tpu.vector_load %arg12[%get3A_824, %get3A_825] {strides = array<i32>} : memref<16x1024xf32, #tpu.memory_space<vmem>>, vector<16xf32>,
      %get3A_827 = arith.index_cast %scan3A_152 : i32 to index
      %get3A_828 = arith.constant 880 : index
      %get3A_829 = tpu.vector_load %arg14[%get3A_827, %get3A_828] {strides = array<i32>} : memref<16x1024xf32, #tpu.memory_space<vmem>>, vector<16xf32>,
      %mul3A_830 = arith.mulf %get3A_158, %get3A_826 : vector<16xf32>
      %mul3A_831 = arith.mulf %get3A_164, %get3A_829 : vector<16xf32>
      %add3A_832 = arith.addf %mul3A_830, %mul3A_831 : vector<16xf32>
      %swap3A_833 = arith.index_cast %scan3A_152 : i32 to index
      %swap3A_834 = arith.constant 880 : index
      %swap3A_835 = tpu.vector_load %arg16[%swap3A_833, %swap3A_834] {strides = array<i32>} : memref<16x1024xf32, #tpu.memory_space<vmem>>, vector<16xf32>,
      tpu.vector_store %arg16[%swap3A_833, %swap3A_834], %add3A_832 {strides = array<i32>} : memref<16x1024xf32, #tpu.memory_space<vmem>>, vector<16xf32>,
      %get3A_836 = arith.index_cast %scan3A_152 : i32 to index
      %get3A_837 = arith.constant 896 : index
      %get3A_838 = tpu.vector_load %arg12[%get3A_836, %get3A_837] {strides = array<i32>} : memref<16x1024xf32, #tpu.memory_space<vmem>>, vector<16xf32>,
      %get3A_839 = arith.index_cast %scan3A_152 : i32 to index
      %get3A_840 = arith.constant 896 : index
      %get3A_841 = tpu.vector_load %arg14[%get3A_839, %get3A_840] {strides = array<i32>} : memref<16x1024xf32, #tpu.memory_space<vmem>>, vector<16xf32>,
      %mul3A_842 = arith.mulf %get3A_158, %get3A_838 : vector<16xf32>
      %mul3A_843 = arith.mulf %get3A_164, %get3A_841 : vector<16xf32>
      %add3A_844 = arith.addf %mul3A_842, %mul3A_843 : vector<16xf32>
      %swap3A_845 = arith.index_cast %scan3A_152 : i32 to index
      %swap3A_846 = arith.constant 896 : index
      %swap3A_847 = tpu.vector_load %arg16[%swap3A_845, %swap3A_846] {strides = array<i32>} : memref<16x1024xf32, #tpu.memory_space<vmem>>, vector<16xf32>,
      tpu.vector_store %arg16[%swap3A_845, %swap3A_846], %add3A_844 {strides = array<i32>} : memref<16x1024xf32, #tpu.memory_space<vmem>>, vector<16xf32>,
      %get3A_848 = arith.index_cast %scan3A_152 : i32 to index
      %get3A_849 = arith.constant 912 : index
      %get3A_850 = tpu.vector_load %arg12[%get3A_848, %get3A_849] {strides = array<i32>} : memref<16x1024xf32, #tpu.memory_space<vmem>>, vector<16xf32>,
      %get3A_851 = arith.index_cast %scan3A_152 : i32 to index
      %get3A_852 = arith.constant 912 : index
      %get3A_853 = tpu.vector_load %arg14[%get3A_851, %get3A_852] {strides = array<i32>} : memref<16x1024xf32, #tpu.memory_space<vmem>>, vector<16xf32>,
      %mul3A_854 = arith.mulf %get3A_158, %get3A_850 : vector<16xf32>
      %mul3A_855 = arith.mulf %get3A_164, %get3A_853 : vector<16xf32>
      %add3A_856 = arith.addf %mul3A_854, %mul3A_855 : vector<16xf32>
      %swap3A_857 = arith.index_cast %scan3A_152 : i32 to index
      %swap3A_858 = arith.constant 912 : index
      %swap3A_859 = tpu.vector_load %arg16[%swap3A_857, %swap3A_858] {strides = array<i32>} : memref<16x1024xf32, #tpu.memory_space<vmem>>, vector<16xf32>,
      tpu.vector_store %arg16[%swap3A_857, %swap3A_858], %add3A_856 {strides = array<i32>} : memref<16x1024xf32, #tpu.memory_space<vmem>>, vector<16xf32>,
      %get3A_860 = arith.index_cast %scan3A_152 : i32 to index
      %get3A_861 = arith.constant 928 : index
      %get3A_862 = tpu.vector_load %arg12[%get3A_860, %get3A_861] {strides = array<i32>} : memref<16x1024xf32, #tpu.memory_space<vmem>>, vector<16xf32>,
      %get3A_863 = arith.index_cast %scan3A_152 : i32 to index
      %get3A_864 = arith.constant 928 : index
      %get3A_865 = tpu.vector_load %arg14[%get3A_863, %get3A_864] {strides = array<i32>} : memref<16x1024xf32, #tpu.memory_space<vmem>>, vector<16xf32>,
      %mul3A_866 = arith.mulf %get3A_158, %get3A_862 : vector<16xf32>
      %mul3A_867 = arith.mulf %get3A_164, %get3A_865 : vector<16xf32>
      %add3A_868 = arith.addf %mul3A_866, %mul3A_867 : vector<16xf32>
      %swap3A_869 = arith.index_cast %scan3A_152 : i32 to index
      %swap3A_870 = arith.constant 928 : index
      %swap3A_871 = tpu.vector_load %arg16[%swap3A_869, %swap3A_870] {strides = array<i32>} : memref<16x1024xf32, #tpu.memory_space<vmem>>, vector<16xf32>,
      tpu.vector_store %arg16[%swap3A_869, %swap3A_870], %add3A_868 {strides = array<i32>} : memref<16x1024xf32, #tpu.memory_space<vmem>>, vector<16xf32>,
      %get3A_872 = arith.index_cast %scan3A_152 : i32 to index
      %get3A_873 = arith.constant 944 : index
      %get3A_874 = tpu.vector_load %arg12[%get3A_872, %get3A_873] {strides = array<i32>} : memref<16x1024xf32, #tpu.memory_space<vmem>>, vector<16xf32>,
      %get3A_875 = arith.index_cast %scan3A_152 : i32 to index
      %get3A_876 = arith.constant 944 : index
      %get3A_877 = tpu.vector_load %arg14[%get3A_875, %get3A_876] {strides = array<i32>} : memref<16x1024xf32, #tpu.memory_space<vmem>>, vector<16xf32>,
      %mul3A_878 = arith.mulf %get3A_158, %get3A_874 : vector<16xf32>
      %mul3A_879 = arith.mulf %get3A_164, %get3A_877 : vector<16xf32>
      %add3A_880 = arith.addf %mul3A_878, %mul3A_879 : vector<16xf32>
      %swap3A_881 = arith.index_cast %scan3A_152 : i32 to index
      %swap3A_882 = arith.constant 944 : index
      %swap3A_883 = tpu.vector_load %arg16[%swap3A_881, %swap3A_882] {strides = array<i32>} : memref<16x1024xf32, #tpu.memory_space<vmem>>, vector<16xf32>,
      tpu.vector_store %arg16[%swap3A_881, %swap3A_882], %add3A_880 {strides = array<i32>} : memref<16x1024xf32, #tpu.memory_space<vmem>>, vector<16xf32>,
      %get3A_884 = arith.index_cast %scan3A_152 : i32 to index
      %get3A_885 = arith.constant 960 : index
      %get3A_886 = tpu.vector_load %arg12[%get3A_884, %get3A_885] {strides = array<i32>} : memref<16x1024xf32, #tpu.memory_space<vmem>>, vector<16xf32>,
      %get3A_887 = arith.index_cast %scan3A_152 : i32 to index
      %get3A_888 = arith.constant 960 : index
      %get3A_889 = tpu.vector_load %arg14[%get3A_887, %get3A_888] {strides = array<i32>} : memref<16x1024xf32, #tpu.memory_space<vmem>>, vector<16xf32>,
      %mul3A_890 = arith.mulf %get3A_158, %get3A_886 : vector<16xf32>
      %mul3A_891 = arith.mulf %get3A_164, %get3A_889 : vector<16xf32>
      %add3A_892 = arith.addf %mul3A_890, %mul3A_891 : vector<16xf32>
      %swap3A_893 = arith.index_cast %scan3A_152 : i32 to index
      %swap3A_894 = arith.constant 960 : index
      %swap3A_895 = tpu.vector_load %arg16[%swap3A_893, %swap3A_894] {strides = array<i32>} : memref<16x1024xf32, #tpu.memory_space<vmem>>, vector<16xf32>,
      tpu.vector_store %arg16[%swap3A_893, %swap3A_894], %add3A_892 {strides = array<i32>} : memref<16x1024xf32, #tpu.memory_space<vmem>>, vector<16xf32>,
      %get3A_896 = arith.index_cast %scan3A_152 : i32 to index
      %get3A_897 = arith.constant 976 : index
      %get3A_898 = tpu.vector_load %arg12[%get3A_896, %get3A_897] {strides = array<i32>} : memref<16x1024xf32, #tpu.memory_space<vmem>>, vector<16xf32>,
      %get3A_899 = arith.index_cast %scan3A_152 : i32 to index
      %get3A_900 = arith.constant 976 : index
      %get3A_901 = tpu.vector_load %arg14[%get3A_899, %get3A_900] {strides = array<i32>} : memref<16x1024xf32, #tpu.memory_space<vmem>>, vector<16xf32>,
      %mul3A_902 = arith.mulf %get3A_158, %get3A_898 : vector<16xf32>
      %mul3A_903 = arith.mulf %get3A_164, %get3A_901 : vector<16xf32>
      %add3A_904 = arith.addf %mul3A_902, %mul3A_903 : vector<16xf32>
      %swap3A_905 = arith.index_cast %scan3A_152 : i32 to index
      %swap3A_906 = arith.constant 976 : index
      %swap3A_907 = tpu.vector_load %arg16[%swap3A_905, %swap3A_906] {strides = array<i32>} : memref<16x1024xf32, #tpu.memory_space<vmem>>, vector<16xf32>,
      tpu.vector_store %arg16[%swap3A_905, %swap3A_906], %add3A_904 {strides = array<i32>} : memref<16x1024xf32, #tpu.memory_space<vmem>>, vector<16xf32>,
      %get3A_908 = arith.index_cast %scan3A_152 : i32 to index
      %get3A_909 = arith.constant 992 : index
      %get3A_910 = tpu.vector_load %arg12[%get3A_908, %get3A_909] {strides = array<i32>} : memref<16x1024xf32, #tpu.memory_space<vmem>>, vector<16xf32>,
      %get3A_911 = arith.index_cast %scan3A_152 : i32 to index
      %get3A_912 = arith.constant 992 : index
      %get3A_913 = tpu.vector_load %arg14[%get3A_911, %get3A_912] {strides = array<i32>} : memref<16x1024xf32, #tpu.memory_space<vmem>>, vector<16xf32>,
      %mul3A_914 = arith.mulf %get3A_158, %get3A_910 : vector<16xf32>
      %mul3A_915 = arith.mulf %get3A_164, %get3A_913 : vector<16xf32>
      %add3A_916 = arith.addf %mul3A_914, %mul3A_915 : vector<16xf32>
      %swap3A_917 = arith.index_cast %scan3A_152 : i32 to index
      %swap3A_918 = arith.constant 992 : index
      %swap3A_919 = tpu.vector_load %arg16[%swap3A_917, %swap3A_918] {strides = array<i32>} : memref<16x1024xf32, #tpu.memory_space<vmem>>, vector<16xf32>,
      tpu.vector_store %arg16[%swap3A_917, %swap3A_918], %add3A_916 {strides = array<i32>} : memref<16x1024xf32, #tpu.memory_space<vmem>>, vector<16xf32>,
      %get3A_920 = arith.index_cast %scan3A_152 : i32 to index
      %get3A_921 = arith.constant 1008 : index
      %get3A_922 = tpu.vector_load %arg12[%get3A_920, %get3A_921] {strides = array<i32>} : memref<16x1024xf32, #tpu.memory_space<vmem>>, vector<16xf32>,
      %get3A_923 = arith.index_cast %scan3A_152 : i32 to index
      %get3A_924 = arith.constant 1008 : index
      %get3A_925 = tpu.vector_load %arg14[%get3A_923, %get3A_924] {strides = array<i32>} : memref<16x1024xf32, #tpu.memory_space<vmem>>, vector<16xf32>,
      %mul3A_926 = arith.mulf %get3A_158, %get3A_922 : vector<16xf32>
      %mul3A_927 = arith.mulf %get3A_164, %get3A_925 : vector<16xf32>
      %add3A_928 = arith.addf %mul3A_926, %mul3A_927 : vector<16xf32>
      %swap3A_929 = arith.index_cast %scan3A_152 : i32 to index
      %swap3A_930 = arith.constant 1008 : index
      %swap3A_931 = tpu.vector_load %arg16[%swap3A_929, %swap3A_930] {strides = array<i32>} : memref<16x1024xf32, #tpu.memory_space<vmem>>, vector<16xf32>,
      tpu.vector_store %arg16[%swap3A_929, %swap3A_930], %add3A_928 {strides = array<i32>} : memref<16x1024xf32, #tpu.memory_space<vmem>>, vector<16xf32>,
      %scan3A_932 = arith.constant 0 : i32
      scf.yield %scan3A_932 : i32
    }
    %scan3A_110 = arith.constant 16 : i32
    %add3A_111 = arith.constant 32 : i32
    %add3A_112 = arith.addi %mul3A_2, %add3A_111 : i32
    %dma_start3A_113 = arith.constant 0 : i32
    %dma_start3A_114 = tpu.memref_slice %arg7[%add3A_112, %dma_start3A_113] : memref<2048x1024xf32, #tpu.memory_space<hbm>> -> memref<16x1024xf32, #tpu.memory_space<hbm>>
    %dma_start3A_115 = arith.constant 0 : i32
    %dma_start3A_116 = tpu.memref_slice %arg7[%add3A_112, %dma_start3A_115] : memref<2048x1024xf32, #tpu.memory_space<hbm>> -> memref<16x1024xf32, #tpu.memory_space<hbm>>
    tpu.enqueue_dma source(%arg16 : memref<16x1024xf32, #tpu.memory_space<vmem>>) target(%dma_start3A_116 : memref<16x1024xf32, #tpu.memory_space<hbm>>) target_semaphore(%arg22 : memref<!tpu.dma_semaphore, #tpu.memory_space<semaphore_mem>>)
    %dma_wait3A_117 = arith.constant 48 : i32
    %dma_wait3A_118 = tpu.memref_slice %arg8[%dma_wait3A_117] : memref<64xi32, #tpu.memory_space<vmem>> -> memref<16xi32, #tpu.memory_space<vmem>>
    %dma_wait3A_119 = arith.constant 0 : i32
    %dma_wait3A_120 = arith.constant 0 : i32
    %dma_wait3A_121 = tpu.memref_slice %arg2[%dma_wait3A_119, %dma_wait3A_120] : memref<4096x1024xf32, #tpu.memory_space<hbm>> -> memref<4096x1024xf32, #tpu.memory_space<hbm>>
    tpu.wait_indirect_dma semaphore(%arg20 : memref<!tpu.dma_semaphore, #tpu.memory_space<semaphore_mem>>) src(%dma_wait3A_121 : memref<4096x1024xf32, #tpu.memory_space<hbm>>) dst(%arg13 : memref<16x1024xf32, #tpu.memory_space<vmem>>)
    %dma_wait3A_122 = arith.constant 48 : i32
    %dma_wait3A_123 = tpu.memref_slice %arg9[%dma_wait3A_122] : memref<64xi32, #tpu.memory_space<vmem>> -> memref<16xi32, #tpu.memory_space<vmem>>
    %dma_wait3A_124 = arith.constant 0 : i32
    %dma_wait3A_125 = arith.constant 0 : i32
    %dma_wait3A_126 = tpu.memref_slice %arg2[%dma_wait3A_124, %dma_wait3A_125] : memref<4096x1024xf32, #tpu.memory_space<hbm>> -> memref<4096x1024xf32, #tpu.memory_space<hbm>>
    tpu.wait_indirect_dma semaphore(%arg21 : memref<!tpu.dma_semaphore, #tpu.memory_space<semaphore_mem>>) src(%dma_wait3A_126 : memref<4096x1024xf32, #tpu.memory_space<hbm>>) dst(%arg15 : memref<16x1024xf32, #tpu.memory_space<vmem>>)
    %dma_wait3A_127 = arith.constant 0 : i32
    %dma_wait3A_128 = tpu.memref_slice %arg7[%add3A_85, %dma_wait3A_127] : memref<2048x1024xf32, #tpu.memory_space<hbm>> -> memref<16x1024xf32, #tpu.memory_space<hbm>>
    %dma_wait3A_129 = arith.constant 0 : i32
    %dma_wait3A_130 = tpu.memref_slice %arg7[%add3A_85, %dma_wait3A_129] : memref<2048x1024xf32, #tpu.memory_space<hbm>> -> memref<16x1024xf32, #tpu.memory_space<hbm>>
    tpu.wait_dma2 semaphore(%arg23 : memref<!tpu.dma_semaphore, #tpu.memory_space<semaphore_mem>>) src(%arg17 : memref<16x1024xf32, #tpu.memory_space<vmem>>) dst(%dma_wait3A_130 : memref<16x1024xf32, #tpu.memory_space<hbm>>)
    %scan3A_131 = arith.constant 0 : i32
    %scan3A_132 = arith.constant 0 : i32
    %scan3A_133 = arith.constant 16 : i32
    %scan3A_134 = arith.addi %scan3A_132, %scan3A_133 : i32
    %scan3A_135 = arith.constant 1 : i32
    %scan3A_136 = scf.for %scan3A_152 = %scan3A_132 to %scan3A_134 step %scan3A_135 iter_args(%scan3A_153 = %scan3A_131) -> (i32)  : i32 {
      %add3A_154 = arith.constant 48 : i32
      %add3A_155 = arith.addi %add3A_154, %scan3A_152 : i32
      %mul3A_156 = arith.constant 16 : i32
      %mul3A_157 = arith.muli %add3A_155, %mul3A_156 : i32
      %get3A = arith.index_cast %mul3A_157 : i32 to index
      %get3A_158 = tpu.vector_load %arg10[%get3A] {strides = array<i32>} : memref<1024xf32, #tpu.memory_space<vmem>>, vector<16xf32>,
      %add3A_159 = arith.constant 48 : i32
      %add3A_160 = arith.addi %add3A_159, %scan3A_152 : i32
      %mul3A_161 = arith.constant 16 : i32
      %mul3A_162 = arith.muli %add3A_160, %mul3A_161 : i32
      %get3A_163 = arith.index_cast %mul3A_162 : i32 to index
      %get3A_164 = tpu.vector_load %arg11[%get3A_163] {strides = array<i32>} : memref<1024xf32, #tpu.memory_space<vmem>>, vector<16xf32>,
      %get3A_165 = arith.index_cast %scan3A_152 : i32 to index
      %get3A_166 = arith.constant 0 : index
      %get3A_167 = tpu.vector_load %arg13[%get3A_165, %get3A_166] {strides = array<i32>} : memref<16x1024xf32, #tpu.memory_space<vmem>>, vector<16xf32>,
      %get3A_168 = arith.index_cast %scan3A_152 : i32 to index
      %get3A_169 = arith.constant 0 : index
      %get3A_170 = tpu.vector_load %arg15[%get3A_168, %get3A_169] {strides = array<i32>} : memref<16x1024xf32, #tpu.memory_space<vmem>>, vector<16xf32>,
      %mul3A_171 = arith.mulf %get3A_158, %get3A_167 : vector<16xf32>
      %mul3A_172 = arith.mulf %get3A_164, %get3A_170 : vector<16xf32>
      %add3A_173 = arith.addf %mul3A_171, %mul3A_172 : vector<16xf32>
      %swap3A = arith.index_cast %scan3A_152 : i32 to index
      %swap3A_174 = arith.constant 0 : index
      %swap3A_175 = tpu.vector_load %arg17[%swap3A, %swap3A_174] {strides = array<i32>} : memref<16x1024xf32, #tpu.memory_space<vmem>>, vector<16xf32>,
      tpu.vector_store %arg17[%swap3A, %swap3A_174], %add3A_173 {strides = array<i32>} : memref<16x1024xf32, #tpu.memory_space<vmem>>, vector<16xf32>,
      %get3A_176 = arith.index_cast %scan3A_152 : i32 to index
      %get3A_177 = arith.constant 16 : index
      %get3A_178 = tpu.vector_load %arg13[%get3A_176, %get3A_177] {strides = array<i32>} : memref<16x1024xf32, #tpu.memory_space<vmem>>, vector<16xf32>,
      %get3A_179 = arith.index_cast %scan3A_152 : i32 to index
      %get3A_180 = arith.constant 16 : index
      %get3A_181 = tpu.vector_load %arg15[%get3A_179, %get3A_180] {strides = array<i32>} : memref<16x1024xf32, #tpu.memory_space<vmem>>, vector<16xf32>,
      %mul3A_182 = arith.mulf %get3A_158, %get3A_178 : vector<16xf32>
      %mul3A_183 = arith.mulf %get3A_164, %get3A_181 : vector<16xf32>
      %add3A_184 = arith.addf %mul3A_182, %mul3A_183 : vector<16xf32>
      %swap3A_185 = arith.index_cast %scan3A_152 : i32 to index
      %swap3A_186 = arith.constant 16 : index
      %swap3A_187 = tpu.vector_load %arg17[%swap3A_185, %swap3A_186] {strides = array<i32>} : memref<16x1024xf32, #tpu.memory_space<vmem>>, vector<16xf32>,
      tpu.vector_store %arg17[%swap3A_185, %swap3A_186], %add3A_184 {strides = array<i32>} : memref<16x1024xf32, #tpu.memory_space<vmem>>, vector<16xf32>,
      %get3A_188 = arith.index_cast %scan3A_152 : i32 to index
      %get3A_189 = arith.constant 32 : index
      %get3A_190 = tpu.vector_load %arg13[%get3A_188, %get3A_189] {strides = array<i32>} : memref<16x1024xf32, #tpu.memory_space<vmem>>, vector<16xf32>,
      %get3A_191 = arith.index_cast %scan3A_152 : i32 to index
      %get3A_192 = arith.constant 32 : index
      %get3A_193 = tpu.vector_load %arg15[%get3A_191, %get3A_192] {strides = array<i32>} : memref<16x1024xf32, #tpu.memory_space<vmem>>, vector<16xf32>,
      %mul3A_194 = arith.mulf %get3A_158, %get3A_190 : vector<16xf32>
      %mul3A_195 = arith.mulf %get3A_164, %get3A_193 : vector<16xf32>
      %add3A_196 = arith.addf %mul3A_194, %mul3A_195 : vector<16xf32>
      %swap3A_197 = arith.index_cast %scan3A_152 : i32 to index
      %swap3A_198 = arith.constant 32 : index
      %swap3A_199 = tpu.vector_load %arg17[%swap3A_197, %swap3A_198] {strides = array<i32>} : memref<16x1024xf32, #tpu.memory_space<vmem>>, vector<16xf32>,
      tpu.vector_store %arg17[%swap3A_197, %swap3A_198], %add3A_196 {strides = array<i32>} : memref<16x1024xf32, #tpu.memory_space<vmem>>, vector<16xf32>,
      %get3A_200 = arith.index_cast %scan3A_152 : i32 to index
      %get3A_201 = arith.constant 48 : index
      %get3A_202 = tpu.vector_load %arg13[%get3A_200, %get3A_201] {strides = array<i32>} : memref<16x1024xf32, #tpu.memory_space<vmem>>, vector<16xf32>,
      %get3A_203 = arith.index_cast %scan3A_152 : i32 to index
      %get3A_204 = arith.constant 48 : index
      %get3A_205 = tpu.vector_load %arg15[%get3A_203, %get3A_204] {strides = array<i32>} : memref<16x1024xf32, #tpu.memory_space<vmem>>, vector<16xf32>,
      %mul3A_206 = arith.mulf %get3A_158, %get3A_202 : vector<16xf32>
      %mul3A_207 = arith.mulf %get3A_164, %get3A_205 : vector<16xf32>
      %add3A_208 = arith.addf %mul3A_206, %mul3A_207 : vector<16xf32>
      %swap3A_209 = arith.index_cast %scan3A_152 : i32 to index
      %swap3A_210 = arith.constant 48 : index
      %swap3A_211 = tpu.vector_load %arg17[%swap3A_209, %swap3A_210] {strides = array<i32>} : memref<16x1024xf32, #tpu.memory_space<vmem>>, vector<16xf32>,
      tpu.vector_store %arg17[%swap3A_209, %swap3A_210], %add3A_208 {strides = array<i32>} : memref<16x1024xf32, #tpu.memory_space<vmem>>, vector<16xf32>,
      %get3A_212 = arith.index_cast %scan3A_152 : i32 to index
      %get3A_213 = arith.constant 64 : index
      %get3A_214 = tpu.vector_load %arg13[%get3A_212, %get3A_213] {strides = array<i32>} : memref<16x1024xf32, #tpu.memory_space<vmem>>, vector<16xf32>,
      %get3A_215 = arith.index_cast %scan3A_152 : i32 to index
      %get3A_216 = arith.constant 64 : index
      %get3A_217 = tpu.vector_load %arg15[%get3A_215, %get3A_216] {strides = array<i32>} : memref<16x1024xf32, #tpu.memory_space<vmem>>, vector<16xf32>,
      %mul3A_218 = arith.mulf %get3A_158, %get3A_214 : vector<16xf32>
      %mul3A_219 = arith.mulf %get3A_164, %get3A_217 : vector<16xf32>
      %add3A_220 = arith.addf %mul3A_218, %mul3A_219 : vector<16xf32>
      %swap3A_221 = arith.index_cast %scan3A_152 : i32 to index
      %swap3A_222 = arith.constant 64 : index
      %swap3A_223 = tpu.vector_load %arg17[%swap3A_221, %swap3A_222] {strides = array<i32>} : memref<16x1024xf32, #tpu.memory_space<vmem>>, vector<16xf32>,
      tpu.vector_store %arg17[%swap3A_221, %swap3A_222], %add3A_220 {strides = array<i32>} : memref<16x1024xf32, #tpu.memory_space<vmem>>, vector<16xf32>,
      %get3A_224 = arith.index_cast %scan3A_152 : i32 to index
      %get3A_225 = arith.constant 80 : index
      %get3A_226 = tpu.vector_load %arg13[%get3A_224, %get3A_225] {strides = array<i32>} : memref<16x1024xf32, #tpu.memory_space<vmem>>, vector<16xf32>,
      %get3A_227 = arith.index_cast %scan3A_152 : i32 to index
      %get3A_228 = arith.constant 80 : index
      %get3A_229 = tpu.vector_load %arg15[%get3A_227, %get3A_228] {strides = array<i32>} : memref<16x1024xf32, #tpu.memory_space<vmem>>, vector<16xf32>,
      %mul3A_230 = arith.mulf %get3A_158, %get3A_226 : vector<16xf32>
      %mul3A_231 = arith.mulf %get3A_164, %get3A_229 : vector<16xf32>
      %add3A_232 = arith.addf %mul3A_230, %mul3A_231 : vector<16xf32>
      %swap3A_233 = arith.index_cast %scan3A_152 : i32 to index
      %swap3A_234 = arith.constant 80 : index
      %swap3A_235 = tpu.vector_load %arg17[%swap3A_233, %swap3A_234] {strides = array<i32>} : memref<16x1024xf32, #tpu.memory_space<vmem>>, vector<16xf32>,
      tpu.vector_store %arg17[%swap3A_233, %swap3A_234], %add3A_232 {strides = array<i32>} : memref<16x1024xf32, #tpu.memory_space<vmem>>, vector<16xf32>,
      %get3A_236 = arith.index_cast %scan3A_152 : i32 to index
      %get3A_237 = arith.constant 96 : index
      %get3A_238 = tpu.vector_load %arg13[%get3A_236, %get3A_237] {strides = array<i32>} : memref<16x1024xf32, #tpu.memory_space<vmem>>, vector<16xf32>,
      %get3A_239 = arith.index_cast %scan3A_152 : i32 to index
      %get3A_240 = arith.constant 96 : index
      %get3A_241 = tpu.vector_load %arg15[%get3A_239, %get3A_240] {strides = array<i32>} : memref<16x1024xf32, #tpu.memory_space<vmem>>, vector<16xf32>,
      %mul3A_242 = arith.mulf %get3A_158, %get3A_238 : vector<16xf32>
      %mul3A_243 = arith.mulf %get3A_164, %get3A_241 : vector<16xf32>
      %add3A_244 = arith.addf %mul3A_242, %mul3A_243 : vector<16xf32>
      %swap3A_245 = arith.index_cast %scan3A_152 : i32 to index
      %swap3A_246 = arith.constant 96 : index
      %swap3A_247 = tpu.vector_load %arg17[%swap3A_245, %swap3A_246] {strides = array<i32>} : memref<16x1024xf32, #tpu.memory_space<vmem>>, vector<16xf32>,
      tpu.vector_store %arg17[%swap3A_245, %swap3A_246], %add3A_244 {strides = array<i32>} : memref<16x1024xf32, #tpu.memory_space<vmem>>, vector<16xf32>,
      %get3A_248 = arith.index_cast %scan3A_152 : i32 to index
      %get3A_249 = arith.constant 112 : index
      %get3A_250 = tpu.vector_load %arg13[%get3A_248, %get3A_249] {strides = array<i32>} : memref<16x1024xf32, #tpu.memory_space<vmem>>, vector<16xf32>,
      %get3A_251 = arith.index_cast %scan3A_152 : i32 to index
      %get3A_252 = arith.constant 112 : index
      %get3A_253 = tpu.vector_load %arg15[%get3A_251, %get3A_252] {strides = array<i32>} : memref<16x1024xf32, #tpu.memory_space<vmem>>, vector<16xf32>,
      %mul3A_254 = arith.mulf %get3A_158, %get3A_250 : vector<16xf32>
      %mul3A_255 = arith.mulf %get3A_164, %get3A_253 : vector<16xf32>
      %add3A_256 = arith.addf %mul3A_254, %mul3A_255 : vector<16xf32>
      %swap3A_257 = arith.index_cast %scan3A_152 : i32 to index
      %swap3A_258 = arith.constant 112 : index
      %swap3A_259 = tpu.vector_load %arg17[%swap3A_257, %swap3A_258] {strides = array<i32>} : memref<16x1024xf32, #tpu.memory_space<vmem>>, vector<16xf32>,
      tpu.vector_store %arg17[%swap3A_257, %swap3A_258], %add3A_256 {strides = array<i32>} : memref<16x1024xf32, #tpu.memory_space<vmem>>, vector<16xf32>,
      %get3A_260 = arith.index_cast %scan3A_152 : i32 to index
      %get3A_261 = arith.constant 128 : index
      %get3A_262 = tpu.vector_load %arg13[%get3A_260, %get3A_261] {strides = array<i32>} : memref<16x1024xf32, #tpu.memory_space<vmem>>, vector<16xf32>,
      %get3A_263 = arith.index_cast %scan3A_152 : i32 to index
      %get3A_264 = arith.constant 128 : index
      %get3A_265 = tpu.vector_load %arg15[%get3A_263, %get3A_264] {strides = array<i32>} : memref<16x1024xf32, #tpu.memory_space<vmem>>, vector<16xf32>,
      %mul3A_266 = arith.mulf %get3A_158, %get3A_262 : vector<16xf32>
      %mul3A_267 = arith.mulf %get3A_164, %get3A_265 : vector<16xf32>
      %add3A_268 = arith.addf %mul3A_266, %mul3A_267 : vector<16xf32>
      %swap3A_269 = arith.index_cast %scan3A_152 : i32 to index
      %swap3A_270 = arith.constant 128 : index
      %swap3A_271 = tpu.vector_load %arg17[%swap3A_269, %swap3A_270] {strides = array<i32>} : memref<16x1024xf32, #tpu.memory_space<vmem>>, vector<16xf32>,
      tpu.vector_store %arg17[%swap3A_269, %swap3A_270], %add3A_268 {strides = array<i32>} : memref<16x1024xf32, #tpu.memory_space<vmem>>, vector<16xf32>,
      %get3A_272 = arith.index_cast %scan3A_152 : i32 to index
      %get3A_273 = arith.constant 144 : index
      %get3A_274 = tpu.vector_load %arg13[%get3A_272, %get3A_273] {strides = array<i32>} : memref<16x1024xf32, #tpu.memory_space<vmem>>, vector<16xf32>,
      %get3A_275 = arith.index_cast %scan3A_152 : i32 to index
      %get3A_276 = arith.constant 144 : index
      %get3A_277 = tpu.vector_load %arg15[%get3A_275, %get3A_276] {strides = array<i32>} : memref<16x1024xf32, #tpu.memory_space<vmem>>, vector<16xf32>,
      %mul3A_278 = arith.mulf %get3A_158, %get3A_274 : vector<16xf32>
      %mul3A_279 = arith.mulf %get3A_164, %get3A_277 : vector<16xf32>
      %add3A_280 = arith.addf %mul3A_278, %mul3A_279 : vector<16xf32>
      %swap3A_281 = arith.index_cast %scan3A_152 : i32 to index
      %swap3A_282 = arith.constant 144 : index
      %swap3A_283 = tpu.vector_load %arg17[%swap3A_281, %swap3A_282] {strides = array<i32>} : memref<16x1024xf32, #tpu.memory_space<vmem>>, vector<16xf32>,
      tpu.vector_store %arg17[%swap3A_281, %swap3A_282], %add3A_280 {strides = array<i32>} : memref<16x1024xf32, #tpu.memory_space<vmem>>, vector<16xf32>,
      %get3A_284 = arith.index_cast %scan3A_152 : i32 to index
      %get3A_285 = arith.constant 160 : index
      %get3A_286 = tpu.vector_load %arg13[%get3A_284, %get3A_285] {strides = array<i32>} : memref<16x1024xf32, #tpu.memory_space<vmem>>, vector<16xf32>,
      %get3A_287 = arith.index_cast %scan3A_152 : i32 to index
      %get3A_288 = arith.constant 160 : index
      %get3A_289 = tpu.vector_load %arg15[%get3A_287, %get3A_288] {strides = array<i32>} : memref<16x1024xf32, #tpu.memory_space<vmem>>, vector<16xf32>,
      %mul3A_290 = arith.mulf %get3A_158, %get3A_286 : vector<16xf32>
      %mul3A_291 = arith.mulf %get3A_164, %get3A_289 : vector<16xf32>
      %add3A_292 = arith.addf %mul3A_290, %mul3A_291 : vector<16xf32>
      %swap3A_293 = arith.index_cast %scan3A_152 : i32 to index
      %swap3A_294 = arith.constant 160 : index
      %swap3A_295 = tpu.vector_load %arg17[%swap3A_293, %swap3A_294] {strides = array<i32>} : memref<16x1024xf32, #tpu.memory_space<vmem>>, vector<16xf32>,
      tpu.vector_store %arg17[%swap3A_293, %swap3A_294], %add3A_292 {strides = array<i32>} : memref<16x1024xf32, #tpu.memory_space<vmem>>, vector<16xf32>,
      %get3A_296 = arith.index_cast %scan3A_152 : i32 to index
      %get3A_297 = arith.constant 176 : index
      %get3A_298 = tpu.vector_load %arg13[%get3A_296, %get3A_297] {strides = array<i32>} : memref<16x1024xf32, #tpu.memory_space<vmem>>, vector<16xf32>,
      %get3A_299 = arith.index_cast %scan3A_152 : i32 to index
      %get3A_300 = arith.constant 176 : index
      %get3A_301 = tpu.vector_load %arg15[%get3A_299, %get3A_300] {strides = array<i32>} : memref<16x1024xf32, #tpu.memory_space<vmem>>, vector<16xf32>,
      %mul3A_302 = arith.mulf %get3A_158, %get3A_298 : vector<16xf32>
      %mul3A_303 = arith.mulf %get3A_164, %get3A_301 : vector<16xf32>
      %add3A_304 = arith.addf %mul3A_302, %mul3A_303 : vector<16xf32>
      %swap3A_305 = arith.index_cast %scan3A_152 : i32 to index
      %swap3A_306 = arith.constant 176 : index
      %swap3A_307 = tpu.vector_load %arg17[%swap3A_305, %swap3A_306] {strides = array<i32>} : memref<16x1024xf32, #tpu.memory_space<vmem>>, vector<16xf32>,
      tpu.vector_store %arg17[%swap3A_305, %swap3A_306], %add3A_304 {strides = array<i32>} : memref<16x1024xf32, #tpu.memory_space<vmem>>, vector<16xf32>,
      %get3A_308 = arith.index_cast %scan3A_152 : i32 to index
      %get3A_309 = arith.constant 192 : index
      %get3A_310 = tpu.vector_load %arg13[%get3A_308, %get3A_309] {strides = array<i32>} : memref<16x1024xf32, #tpu.memory_space<vmem>>, vector<16xf32>,
      %get3A_311 = arith.index_cast %scan3A_152 : i32 to index
      %get3A_312 = arith.constant 192 : index
      %get3A_313 = tpu.vector_load %arg15[%get3A_311, %get3A_312] {strides = array<i32>} : memref<16x1024xf32, #tpu.memory_space<vmem>>, vector<16xf32>,
      %mul3A_314 = arith.mulf %get3A_158, %get3A_310 : vector<16xf32>
      %mul3A_315 = arith.mulf %get3A_164, %get3A_313 : vector<16xf32>
      %add3A_316 = arith.addf %mul3A_314, %mul3A_315 : vector<16xf32>
      %swap3A_317 = arith.index_cast %scan3A_152 : i32 to index
      %swap3A_318 = arith.constant 192 : index
      %swap3A_319 = tpu.vector_load %arg17[%swap3A_317, %swap3A_318] {strides = array<i32>} : memref<16x1024xf32, #tpu.memory_space<vmem>>, vector<16xf32>,
      tpu.vector_store %arg17[%swap3A_317, %swap3A_318], %add3A_316 {strides = array<i32>} : memref<16x1024xf32, #tpu.memory_space<vmem>>, vector<16xf32>,
      %get3A_320 = arith.index_cast %scan3A_152 : i32 to index
      %get3A_321 = arith.constant 208 : index
      %get3A_322 = tpu.vector_load %arg13[%get3A_320, %get3A_321] {strides = array<i32>} : memref<16x1024xf32, #tpu.memory_space<vmem>>, vector<16xf32>,
      %get3A_323 = arith.index_cast %scan3A_152 : i32 to index
      %get3A_324 = arith.constant 208 : index
      %get3A_325 = tpu.vector_load %arg15[%get3A_323, %get3A_324] {strides = array<i32>} : memref<16x1024xf32, #tpu.memory_space<vmem>>, vector<16xf32>,
      %mul3A_326 = arith.mulf %get3A_158, %get3A_322 : vector<16xf32>
      %mul3A_327 = arith.mulf %get3A_164, %get3A_325 : vector<16xf32>
      %add3A_328 = arith.addf %mul3A_326, %mul3A_327 : vector<16xf32>
      %swap3A_329 = arith.index_cast %scan3A_152 : i32 to index
      %swap3A_330 = arith.constant 208 : index
      %swap3A_331 = tpu.vector_load %arg17[%swap3A_329, %swap3A_330] {strides = array<i32>} : memref<16x1024xf32, #tpu.memory_space<vmem>>, vector<16xf32>,
      tpu.vector_store %arg17[%swap3A_329, %swap3A_330], %add3A_328 {strides = array<i32>} : memref<16x1024xf32, #tpu.memory_space<vmem>>, vector<16xf32>,
      %get3A_332 = arith.index_cast %scan3A_152 : i32 to index
      %get3A_333 = arith.constant 224 : index
      %get3A_334 = tpu.vector_load %arg13[%get3A_332, %get3A_333] {strides = array<i32>} : memref<16x1024xf32, #tpu.memory_space<vmem>>, vector<16xf32>,
      %get3A_335 = arith.index_cast %scan3A_152 : i32 to index
      %get3A_336 = arith.constant 224 : index
      %get3A_337 = tpu.vector_load %arg15[%get3A_335, %get3A_336] {strides = array<i32>} : memref<16x1024xf32, #tpu.memory_space<vmem>>, vector<16xf32>,
      %mul3A_338 = arith.mulf %get3A_158, %get3A_334 : vector<16xf32>
      %mul3A_339 = arith.mulf %get3A_164, %get3A_337 : vector<16xf32>
      %add3A_340 = arith.addf %mul3A_338, %mul3A_339 : vector<16xf32>
      %swap3A_341 = arith.index_cast %scan3A_152 : i32 to index
      %swap3A_342 = arith.constant 224 : index
      %swap3A_343 = tpu.vector_load %arg17[%swap3A_341, %swap3A_342] {strides = array<i32>} : memref<16x1024xf32, #tpu.memory_space<vmem>>, vector<16xf32>,
      tpu.vector_store %arg17[%swap3A_341, %swap3A_342], %add3A_340 {strides = array<i32>} : memref<16x1024xf32, #tpu.memory_space<vmem>>, vector<16xf32>,
      %get3A_344 = arith.index_cast %scan3A_152 : i32 to index
      %get3A_345 = arith.constant 240 : index
      %get3A_346 = tpu.vector_load %arg13[%get3A_344, %get3A_345] {strides = array<i32>} : memref<16x1024xf32, #tpu.memory_space<vmem>>, vector<16xf32>,
      %get3A_347 = arith.index_cast %scan3A_152 : i32 to index
      %get3A_348 = arith.constant 240 : index
      %get3A_349 = tpu.vector_load %arg15[%get3A_347, %get3A_348] {strides = array<i32>} : memref<16x1024xf32, #tpu.memory_space<vmem>>, vector<16xf32>,
      %mul3A_350 = arith.mulf %get3A_158, %get3A_346 : vector<16xf32>
      %mul3A_351 = arith.mulf %get3A_164, %get3A_349 : vector<16xf32>
      %add3A_352 = arith.addf %mul3A_350, %mul3A_351 : vector<16xf32>
      %swap3A_353 = arith.index_cast %scan3A_152 : i32 to index
      %swap3A_354 = arith.constant 240 : index
      %swap3A_355 = tpu.vector_load %arg17[%swap3A_353, %swap3A_354] {strides = array<i32>} : memref<16x1024xf32, #tpu.memory_space<vmem>>, vector<16xf32>,
      tpu.vector_store %arg17[%swap3A_353, %swap3A_354], %add3A_352 {strides = array<i32>} : memref<16x1024xf32, #tpu.memory_space<vmem>>, vector<16xf32>,
      %get3A_356 = arith.index_cast %scan3A_152 : i32 to index
      %get3A_357 = arith.constant 256 : index
      %get3A_358 = tpu.vector_load %arg13[%get3A_356, %get3A_357] {strides = array<i32>} : memref<16x1024xf32, #tpu.memory_space<vmem>>, vector<16xf32>,
      %get3A_359 = arith.index_cast %scan3A_152 : i32 to index
      %get3A_360 = arith.constant 256 : index
      %get3A_361 = tpu.vector_load %arg15[%get3A_359, %get3A_360] {strides = array<i32>} : memref<16x1024xf32, #tpu.memory_space<vmem>>, vector<16xf32>,
      %mul3A_362 = arith.mulf %get3A_158, %get3A_358 : vector<16xf32>
      %mul3A_363 = arith.mulf %get3A_164, %get3A_361 : vector<16xf32>
      %add3A_364 = arith.addf %mul3A_362, %mul3A_363 : vector<16xf32>
      %swap3A_365 = arith.index_cast %scan3A_152 : i32 to index
      %swap3A_366 = arith.constant 256 : index
      %swap3A_367 = tpu.vector_load %arg17[%swap3A_365, %swap3A_366] {strides = array<i32>} : memref<16x1024xf32, #tpu.memory_space<vmem>>, vector<16xf32>,
      tpu.vector_store %arg17[%swap3A_365, %swap3A_366], %add3A_364 {strides = array<i32>} : memref<16x1024xf32, #tpu.memory_space<vmem>>, vector<16xf32>,
      %get3A_368 = arith.index_cast %scan3A_152 : i32 to index
      %get3A_369 = arith.constant 272 : index
      %get3A_370 = tpu.vector_load %arg13[%get3A_368, %get3A_369] {strides = array<i32>} : memref<16x1024xf32, #tpu.memory_space<vmem>>, vector<16xf32>,
      %get3A_371 = arith.index_cast %scan3A_152 : i32 to index
      %get3A_372 = arith.constant 272 : index
      %get3A_373 = tpu.vector_load %arg15[%get3A_371, %get3A_372] {strides = array<i32>} : memref<16x1024xf32, #tpu.memory_space<vmem>>, vector<16xf32>,
      %mul3A_374 = arith.mulf %get3A_158, %get3A_370 : vector<16xf32>
      %mul3A_375 = arith.mulf %get3A_164, %get3A_373 : vector<16xf32>
      %add3A_376 = arith.addf %mul3A_374, %mul3A_375 : vector<16xf32>
      %swap3A_377 = arith.index_cast %scan3A_152 : i32 to index
      %swap3A_378 = arith.constant 272 : index
      %swap3A_379 = tpu.vector_load %arg17[%swap3A_377, %swap3A_378] {strides = array<i32>} : memref<16x1024xf32, #tpu.memory_space<vmem>>, vector<16xf32>,
      tpu.vector_store %arg17[%swap3A_377, %swap3A_378], %add3A_376 {strides = array<i32>} : memref<16x1024xf32, #tpu.memory_space<vmem>>, vector<16xf32>,
      %get3A_380 = arith.index_cast %scan3A_152 : i32 to index
      %get3A_381 = arith.constant 288 : index
      %get3A_382 = tpu.vector_load %arg13[%get3A_380, %get3A_381] {strides = array<i32>} : memref<16x1024xf32, #tpu.memory_space<vmem>>, vector<16xf32>,
      %get3A_383 = arith.index_cast %scan3A_152 : i32 to index
      %get3A_384 = arith.constant 288 : index
      %get3A_385 = tpu.vector_load %arg15[%get3A_383, %get3A_384] {strides = array<i32>} : memref<16x1024xf32, #tpu.memory_space<vmem>>, vector<16xf32>,
      %mul3A_386 = arith.mulf %get3A_158, %get3A_382 : vector<16xf32>
      %mul3A_387 = arith.mulf %get3A_164, %get3A_385 : vector<16xf32>
      %add3A_388 = arith.addf %mul3A_386, %mul3A_387 : vector<16xf32>
      %swap3A_389 = arith.index_cast %scan3A_152 : i32 to index
      %swap3A_390 = arith.constant 288 : index
      %swap3A_391 = tpu.vector_load %arg17[%swap3A_389, %swap3A_390] {strides = array<i32>} : memref<16x1024xf32, #tpu.memory_space<vmem>>, vector<16xf32>,
      tpu.vector_store %arg17[%swap3A_389, %swap3A_390], %add3A_388 {strides = array<i32>} : memref<16x1024xf32, #tpu.memory_space<vmem>>, vector<16xf32>,
      %get3A_392 = arith.index_cast %scan3A_152 : i32 to index
      %get3A_393 = arith.constant 304 : index
      %get3A_394 = tpu.vector_load %arg13[%get3A_392, %get3A_393] {strides = array<i32>} : memref<16x1024xf32, #tpu.memory_space<vmem>>, vector<16xf32>,
      %get3A_395 = arith.index_cast %scan3A_152 : i32 to index
      %get3A_396 = arith.constant 304 : index
      %get3A_397 = tpu.vector_load %arg15[%get3A_395, %get3A_396] {strides = array<i32>} : memref<16x1024xf32, #tpu.memory_space<vmem>>, vector<16xf32>,
      %mul3A_398 = arith.mulf %get3A_158, %get3A_394 : vector<16xf32>
      %mul3A_399 = arith.mulf %get3A_164, %get3A_397 : vector<16xf32>
      %add3A_400 = arith.addf %mul3A_398, %mul3A_399 : vector<16xf32>
      %swap3A_401 = arith.index_cast %scan3A_152 : i32 to index
      %swap3A_402 = arith.constant 304 : index
      %swap3A_403 = tpu.vector_load %arg17[%swap3A_401, %swap3A_402] {strides = array<i32>} : memref<16x1024xf32, #tpu.memory_space<vmem>>, vector<16xf32>,
      tpu.vector_store %arg17[%swap3A_401, %swap3A_402], %add3A_400 {strides = array<i32>} : memref<16x1024xf32, #tpu.memory_space<vmem>>, vector<16xf32>,
      %get3A_404 = arith.index_cast %scan3A_152 : i32 to index
      %get3A_405 = arith.constant 320 : index
      %get3A_406 = tpu.vector_load %arg13[%get3A_404, %get3A_405] {strides = array<i32>} : memref<16x1024xf32, #tpu.memory_space<vmem>>, vector<16xf32>,
      %get3A_407 = arith.index_cast %scan3A_152 : i32 to index
      %get3A_408 = arith.constant 320 : index
      %get3A_409 = tpu.vector_load %arg15[%get3A_407, %get3A_408] {strides = array<i32>} : memref<16x1024xf32, #tpu.memory_space<vmem>>, vector<16xf32>,
      %mul3A_410 = arith.mulf %get3A_158, %get3A_406 : vector<16xf32>
      %mul3A_411 = arith.mulf %get3A_164, %get3A_409 : vector<16xf32>
      %add3A_412 = arith.addf %mul3A_410, %mul3A_411 : vector<16xf32>
      %swap3A_413 = arith.index_cast %scan3A_152 : i32 to index
      %swap3A_414 = arith.constant 320 : index
      %swap3A_415 = tpu.vector_load %arg17[%swap3A_413, %swap3A_414] {strides = array<i32>} : memref<16x1024xf32, #tpu.memory_space<vmem>>, vector<16xf32>,
      tpu.vector_store %arg17[%swap3A_413, %swap3A_414], %add3A_412 {strides = array<i32>} : memref<16x1024xf32, #tpu.memory_space<vmem>>, vector<16xf32>,
      %get3A_416 = arith.index_cast %scan3A_152 : i32 to index
      %get3A_417 = arith.constant 336 : index
      %get3A_418 = tpu.vector_load %arg13[%get3A_416, %get3A_417] {strides = array<i32>} : memref<16x1024xf32, #tpu.memory_space<vmem>>, vector<16xf32>,
      %get3A_419 = arith.index_cast %scan3A_152 : i32 to index
      %get3A_420 = arith.constant 336 : index
      %get3A_421 = tpu.vector_load %arg15[%get3A_419, %get3A_420] {strides = array<i32>} : memref<16x1024xf32, #tpu.memory_space<vmem>>, vector<16xf32>,
      %mul3A_422 = arith.mulf %get3A_158, %get3A_418 : vector<16xf32>
      %mul3A_423 = arith.mulf %get3A_164, %get3A_421 : vector<16xf32>
      %add3A_424 = arith.addf %mul3A_422, %mul3A_423 : vector<16xf32>
      %swap3A_425 = arith.index_cast %scan3A_152 : i32 to index
      %swap3A_426 = arith.constant 336 : index
      %swap3A_427 = tpu.vector_load %arg17[%swap3A_425, %swap3A_426] {strides = array<i32>} : memref<16x1024xf32, #tpu.memory_space<vmem>>, vector<16xf32>,
      tpu.vector_store %arg17[%swap3A_425, %swap3A_426], %add3A_424 {strides = array<i32>} : memref<16x1024xf32, #tpu.memory_space<vmem>>, vector<16xf32>,
      %get3A_428 = arith.index_cast %scan3A_152 : i32 to index
      %get3A_429 = arith.constant 352 : index
      %get3A_430 = tpu.vector_load %arg13[%get3A_428, %get3A_429] {strides = array<i32>} : memref<16x1024xf32, #tpu.memory_space<vmem>>, vector<16xf32>,
      %get3A_431 = arith.index_cast %scan3A_152 : i32 to index
      %get3A_432 = arith.constant 352 : index
      %get3A_433 = tpu.vector_load %arg15[%get3A_431, %get3A_432] {strides = array<i32>} : memref<16x1024xf32, #tpu.memory_space<vmem>>, vector<16xf32>,
      %mul3A_434 = arith.mulf %get3A_158, %get3A_430 : vector<16xf32>
      %mul3A_435 = arith.mulf %get3A_164, %get3A_433 : vector<16xf32>
      %add3A_436 = arith.addf %mul3A_434, %mul3A_435 : vector<16xf32>
      %swap3A_437 = arith.index_cast %scan3A_152 : i32 to index
      %swap3A_438 = arith.constant 352 : index
      %swap3A_439 = tpu.vector_load %arg17[%swap3A_437, %swap3A_438] {strides = array<i32>} : memref<16x1024xf32, #tpu.memory_space<vmem>>, vector<16xf32>,
      tpu.vector_store %arg17[%swap3A_437, %swap3A_438], %add3A_436 {strides = array<i32>} : memref<16x1024xf32, #tpu.memory_space<vmem>>, vector<16xf32>,
      %get3A_440 = arith.index_cast %scan3A_152 : i32 to index
      %get3A_441 = arith.constant 368 : index
      %get3A_442 = tpu.vector_load %arg13[%get3A_440, %get3A_441] {strides = array<i32>} : memref<16x1024xf32, #tpu.memory_space<vmem>>, vector<16xf32>,
      %get3A_443 = arith.index_cast %scan3A_152 : i32 to index
      %get3A_444 = arith.constant 368 : index
      %get3A_445 = tpu.vector_load %arg15[%get3A_443, %get3A_444] {strides = array<i32>} : memref<16x1024xf32, #tpu.memory_space<vmem>>, vector<16xf32>,
      %mul3A_446 = arith.mulf %get3A_158, %get3A_442 : vector<16xf32>
      %mul3A_447 = arith.mulf %get3A_164, %get3A_445 : vector<16xf32>
      %add3A_448 = arith.addf %mul3A_446, %mul3A_447 : vector<16xf32>
      %swap3A_449 = arith.index_cast %scan3A_152 : i32 to index
      %swap3A_450 = arith.constant 368 : index
      %swap3A_451 = tpu.vector_load %arg17[%swap3A_449, %swap3A_450] {strides = array<i32>} : memref<16x1024xf32, #tpu.memory_space<vmem>>, vector<16xf32>,
      tpu.vector_store %arg17[%swap3A_449, %swap3A_450], %add3A_448 {strides = array<i32>} : memref<16x1024xf32, #tpu.memory_space<vmem>>, vector<16xf32>,
      %get3A_452 = arith.index_cast %scan3A_152 : i32 to index
      %get3A_453 = arith.constant 384 : index
      %get3A_454 = tpu.vector_load %arg13[%get3A_452, %get3A_453] {strides = array<i32>} : memref<16x1024xf32, #tpu.memory_space<vmem>>, vector<16xf32>,
      %get3A_455 = arith.index_cast %scan3A_152 : i32 to index
      %get3A_456 = arith.constant 384 : index
      %get3A_457 = tpu.vector_load %arg15[%get3A_455, %get3A_456] {strides = array<i32>} : memref<16x1024xf32, #tpu.memory_space<vmem>>, vector<16xf32>,
      %mul3A_458 = arith.mulf %get3A_158, %get3A_454 : vector<16xf32>
      %mul3A_459 = arith.mulf %get3A_164, %get3A_457 : vector<16xf32>
      %add3A_460 = arith.addf %mul3A_458, %mul3A_459 : vector<16xf32>
      %swap3A_461 = arith.index_cast %scan3A_152 : i32 to index
      %swap3A_462 = arith.constant 384 : index
      %swap3A_463 = tpu.vector_load %arg17[%swap3A_461, %swap3A_462] {strides = array<i32>} : memref<16x1024xf32, #tpu.memory_space<vmem>>, vector<16xf32>,
      tpu.vector_store %arg17[%swap3A_461, %swap3A_462], %add3A_460 {strides = array<i32>} : memref<16x1024xf32, #tpu.memory_space<vmem>>, vector<16xf32>,
      %get3A_464 = arith.index_cast %scan3A_152 : i32 to index
      %get3A_465 = arith.constant 400 : index
      %get3A_466 = tpu.vector_load %arg13[%get3A_464, %get3A_465] {strides = array<i32>} : memref<16x1024xf32, #tpu.memory_space<vmem>>, vector<16xf32>,
      %get3A_467 = arith.index_cast %scan3A_152 : i32 to index
      %get3A_468 = arith.constant 400 : index
      %get3A_469 = tpu.vector_load %arg15[%get3A_467, %get3A_468] {strides = array<i32>} : memref<16x1024xf32, #tpu.memory_space<vmem>>, vector<16xf32>,
      %mul3A_470 = arith.mulf %get3A_158, %get3A_466 : vector<16xf32>
      %mul3A_471 = arith.mulf %get3A_164, %get3A_469 : vector<16xf32>
      %add3A_472 = arith.addf %mul3A_470, %mul3A_471 : vector<16xf32>
      %swap3A_473 = arith.index_cast %scan3A_152 : i32 to index
      %swap3A_474 = arith.constant 400 : index
      %swap3A_475 = tpu.vector_load %arg17[%swap3A_473, %swap3A_474] {strides = array<i32>} : memref<16x1024xf32, #tpu.memory_space<vmem>>, vector<16xf32>,
      tpu.vector_store %arg17[%swap3A_473, %swap3A_474], %add3A_472 {strides = array<i32>} : memref<16x1024xf32, #tpu.memory_space<vmem>>, vector<16xf32>,
      %get3A_476 = arith.index_cast %scan3A_152 : i32 to index
      %get3A_477 = arith.constant 416 : index
      %get3A_478 = tpu.vector_load %arg13[%get3A_476, %get3A_477] {strides = array<i32>} : memref<16x1024xf32, #tpu.memory_space<vmem>>, vector<16xf32>,
      %get3A_479 = arith.index_cast %scan3A_152 : i32 to index
      %get3A_480 = arith.constant 416 : index
      %get3A_481 = tpu.vector_load %arg15[%get3A_479, %get3A_480] {strides = array<i32>} : memref<16x1024xf32, #tpu.memory_space<vmem>>, vector<16xf32>,
      %mul3A_482 = arith.mulf %get3A_158, %get3A_478 : vector<16xf32>
      %mul3A_483 = arith.mulf %get3A_164, %get3A_481 : vector<16xf32>
      %add3A_484 = arith.addf %mul3A_482, %mul3A_483 : vector<16xf32>
      %swap3A_485 = arith.index_cast %scan3A_152 : i32 to index
      %swap3A_486 = arith.constant 416 : index
      %swap3A_487 = tpu.vector_load %arg17[%swap3A_485, %swap3A_486] {strides = array<i32>} : memref<16x1024xf32, #tpu.memory_space<vmem>>, vector<16xf32>,
      tpu.vector_store %arg17[%swap3A_485, %swap3A_486], %add3A_484 {strides = array<i32>} : memref<16x1024xf32, #tpu.memory_space<vmem>>, vector<16xf32>,
      %get3A_488 = arith.index_cast %scan3A_152 : i32 to index
      %get3A_489 = arith.constant 432 : index
      %get3A_490 = tpu.vector_load %arg13[%get3A_488, %get3A_489] {strides = array<i32>} : memref<16x1024xf32, #tpu.memory_space<vmem>>, vector<16xf32>,
      %get3A_491 = arith.index_cast %scan3A_152 : i32 to index
      %get3A_492 = arith.constant 432 : index
      %get3A_493 = tpu.vector_load %arg15[%get3A_491, %get3A_492] {strides = array<i32>} : memref<16x1024xf32, #tpu.memory_space<vmem>>, vector<16xf32>,
      %mul3A_494 = arith.mulf %get3A_158, %get3A_490 : vector<16xf32>
      %mul3A_495 = arith.mulf %get3A_164, %get3A_493 : vector<16xf32>
      %add3A_496 = arith.addf %mul3A_494, %mul3A_495 : vector<16xf32>
      %swap3A_497 = arith.index_cast %scan3A_152 : i32 to index
      %swap3A_498 = arith.constant 432 : index
      %swap3A_499 = tpu.vector_load %arg17[%swap3A_497, %swap3A_498] {strides = array<i32>} : memref<16x1024xf32, #tpu.memory_space<vmem>>, vector<16xf32>,
      tpu.vector_store %arg17[%swap3A_497, %swap3A_498], %add3A_496 {strides = array<i32>} : memref<16x1024xf32, #tpu.memory_space<vmem>>, vector<16xf32>,
      %get3A_500 = arith.index_cast %scan3A_152 : i32 to index
      %get3A_501 = arith.constant 448 : index
      %get3A_502 = tpu.vector_load %arg13[%get3A_500, %get3A_501] {strides = array<i32>} : memref<16x1024xf32, #tpu.memory_space<vmem>>, vector<16xf32>,
      %get3A_503 = arith.index_cast %scan3A_152 : i32 to index
      %get3A_504 = arith.constant 448 : index
      %get3A_505 = tpu.vector_load %arg15[%get3A_503, %get3A_504] {strides = array<i32>} : memref<16x1024xf32, #tpu.memory_space<vmem>>, vector<16xf32>,
      %mul3A_506 = arith.mulf %get3A_158, %get3A_502 : vector<16xf32>
      %mul3A_507 = arith.mulf %get3A_164, %get3A_505 : vector<16xf32>
      %add3A_508 = arith.addf %mul3A_506, %mul3A_507 : vector<16xf32>
      %swap3A_509 = arith.index_cast %scan3A_152 : i32 to index
      %swap3A_510 = arith.constant 448 : index
      %swap3A_511 = tpu.vector_load %arg17[%swap3A_509, %swap3A_510] {strides = array<i32>} : memref<16x1024xf32, #tpu.memory_space<vmem>>, vector<16xf32>,
      tpu.vector_store %arg17[%swap3A_509, %swap3A_510], %add3A_508 {strides = array<i32>} : memref<16x1024xf32, #tpu.memory_space<vmem>>, vector<16xf32>,
      %get3A_512 = arith.index_cast %scan3A_152 : i32 to index
      %get3A_513 = arith.constant 464 : index
      %get3A_514 = tpu.vector_load %arg13[%get3A_512, %get3A_513] {strides = array<i32>} : memref<16x1024xf32, #tpu.memory_space<vmem>>, vector<16xf32>,
      %get3A_515 = arith.index_cast %scan3A_152 : i32 to index
      %get3A_516 = arith.constant 464 : index
      %get3A_517 = tpu.vector_load %arg15[%get3A_515, %get3A_516] {strides = array<i32>} : memref<16x1024xf32, #tpu.memory_space<vmem>>, vector<16xf32>,
      %mul3A_518 = arith.mulf %get3A_158, %get3A_514 : vector<16xf32>
      %mul3A_519 = arith.mulf %get3A_164, %get3A_517 : vector<16xf32>
      %add3A_520 = arith.addf %mul3A_518, %mul3A_519 : vector<16xf32>
      %swap3A_521 = arith.index_cast %scan3A_152 : i32 to index
      %swap3A_522 = arith.constant 464 : index
      %swap3A_523 = tpu.vector_load %arg17[%swap3A_521, %swap3A_522] {strides = array<i32>} : memref<16x1024xf32, #tpu.memory_space<vmem>>, vector<16xf32>,
      tpu.vector_store %arg17[%swap3A_521, %swap3A_522], %add3A_520 {strides = array<i32>} : memref<16x1024xf32, #tpu.memory_space<vmem>>, vector<16xf32>,
      %get3A_524 = arith.index_cast %scan3A_152 : i32 to index
      %get3A_525 = arith.constant 480 : index
      %get3A_526 = tpu.vector_load %arg13[%get3A_524, %get3A_525] {strides = array<i32>} : memref<16x1024xf32, #tpu.memory_space<vmem>>, vector<16xf32>,
      %get3A_527 = arith.index_cast %scan3A_152 : i32 to index
      %get3A_528 = arith.constant 480 : index
      %get3A_529 = tpu.vector_load %arg15[%get3A_527, %get3A_528] {strides = array<i32>} : memref<16x1024xf32, #tpu.memory_space<vmem>>, vector<16xf32>,
      %mul3A_530 = arith.mulf %get3A_158, %get3A_526 : vector<16xf32>
      %mul3A_531 = arith.mulf %get3A_164, %get3A_529 : vector<16xf32>
      %add3A_532 = arith.addf %mul3A_530, %mul3A_531 : vector<16xf32>
      %swap3A_533 = arith.index_cast %scan3A_152 : i32 to index
      %swap3A_534 = arith.constant 480 : index
      %swap3A_535 = tpu.vector_load %arg17[%swap3A_533, %swap3A_534] {strides = array<i32>} : memref<16x1024xf32, #tpu.memory_space<vmem>>, vector<16xf32>,
      tpu.vector_store %arg17[%swap3A_533, %swap3A_534], %add3A_532 {strides = array<i32>} : memref<16x1024xf32, #tpu.memory_space<vmem>>, vector<16xf32>,
      %get3A_536 = arith.index_cast %scan3A_152 : i32 to index
      %get3A_537 = arith.constant 496 : index
      %get3A_538 = tpu.vector_load %arg13[%get3A_536, %get3A_537] {strides = array<i32>} : memref<16x1024xf32, #tpu.memory_space<vmem>>, vector<16xf32>,
      %get3A_539 = arith.index_cast %scan3A_152 : i32 to index
      %get3A_540 = arith.constant 496 : index
      %get3A_541 = tpu.vector_load %arg15[%get3A_539, %get3A_540] {strides = array<i32>} : memref<16x1024xf32, #tpu.memory_space<vmem>>, vector<16xf32>,
      %mul3A_542 = arith.mulf %get3A_158, %get3A_538 : vector<16xf32>
      %mul3A_543 = arith.mulf %get3A_164, %get3A_541 : vector<16xf32>
      %add3A_544 = arith.addf %mul3A_542, %mul3A_543 : vector<16xf32>
      %swap3A_545 = arith.index_cast %scan3A_152 : i32 to index
      %swap3A_546 = arith.constant 496 : index
      %swap3A_547 = tpu.vector_load %arg17[%swap3A_545, %swap3A_546] {strides = array<i32>} : memref<16x1024xf32, #tpu.memory_space<vmem>>, vector<16xf32>,
      tpu.vector_store %arg17[%swap3A_545, %swap3A_546], %add3A_544 {strides = array<i32>} : memref<16x1024xf32, #tpu.memory_space<vmem>>, vector<16xf32>,
      %get3A_548 = arith.index_cast %scan3A_152 : i32 to index
      %get3A_549 = arith.constant 512 : index
      %get3A_550 = tpu.vector_load %arg13[%get3A_548, %get3A_549] {strides = array<i32>} : memref<16x1024xf32, #tpu.memory_space<vmem>>, vector<16xf32>,
      %get3A_551 = arith.index_cast %scan3A_152 : i32 to index
      %get3A_552 = arith.constant 512 : index
      %get3A_553 = tpu.vector_load %arg15[%get3A_551, %get3A_552] {strides = array<i32>} : memref<16x1024xf32, #tpu.memory_space<vmem>>, vector<16xf32>,
      %mul3A_554 = arith.mulf %get3A_158, %get3A_550 : vector<16xf32>
      %mul3A_555 = arith.mulf %get3A_164, %get3A_553 : vector<16xf32>
      %add3A_556 = arith.addf %mul3A_554, %mul3A_555 : vector<16xf32>
      %swap3A_557 = arith.index_cast %scan3A_152 : i32 to index
      %swap3A_558 = arith.constant 512 : index
      %swap3A_559 = tpu.vector_load %arg17[%swap3A_557, %swap3A_558] {strides = array<i32>} : memref<16x1024xf32, #tpu.memory_space<vmem>>, vector<16xf32>,
      tpu.vector_store %arg17[%swap3A_557, %swap3A_558], %add3A_556 {strides = array<i32>} : memref<16x1024xf32, #tpu.memory_space<vmem>>, vector<16xf32>,
      %get3A_560 = arith.index_cast %scan3A_152 : i32 to index
      %get3A_561 = arith.constant 528 : index
      %get3A_562 = tpu.vector_load %arg13[%get3A_560, %get3A_561] {strides = array<i32>} : memref<16x1024xf32, #tpu.memory_space<vmem>>, vector<16xf32>,
      %get3A_563 = arith.index_cast %scan3A_152 : i32 to index
      %get3A_564 = arith.constant 528 : index
      %get3A_565 = tpu.vector_load %arg15[%get3A_563, %get3A_564] {strides = array<i32>} : memref<16x1024xf32, #tpu.memory_space<vmem>>, vector<16xf32>,
      %mul3A_566 = arith.mulf %get3A_158, %get3A_562 : vector<16xf32>
      %mul3A_567 = arith.mulf %get3A_164, %get3A_565 : vector<16xf32>
      %add3A_568 = arith.addf %mul3A_566, %mul3A_567 : vector<16xf32>
      %swap3A_569 = arith.index_cast %scan3A_152 : i32 to index
      %swap3A_570 = arith.constant 528 : index
      %swap3A_571 = tpu.vector_load %arg17[%swap3A_569, %swap3A_570] {strides = array<i32>} : memref<16x1024xf32, #tpu.memory_space<vmem>>, vector<16xf32>,
      tpu.vector_store %arg17[%swap3A_569, %swap3A_570], %add3A_568 {strides = array<i32>} : memref<16x1024xf32, #tpu.memory_space<vmem>>, vector<16xf32>,
      %get3A_572 = arith.index_cast %scan3A_152 : i32 to index
      %get3A_573 = arith.constant 544 : index
      %get3A_574 = tpu.vector_load %arg13[%get3A_572, %get3A_573] {strides = array<i32>} : memref<16x1024xf32, #tpu.memory_space<vmem>>, vector<16xf32>,
      %get3A_575 = arith.index_cast %scan3A_152 : i32 to index
      %get3A_576 = arith.constant 544 : index
      %get3A_577 = tpu.vector_load %arg15[%get3A_575, %get3A_576] {strides = array<i32>} : memref<16x1024xf32, #tpu.memory_space<vmem>>, vector<16xf32>,
      %mul3A_578 = arith.mulf %get3A_158, %get3A_574 : vector<16xf32>
      %mul3A_579 = arith.mulf %get3A_164, %get3A_577 : vector<16xf32>
      %add3A_580 = arith.addf %mul3A_578, %mul3A_579 : vector<16xf32>
      %swap3A_581 = arith.index_cast %scan3A_152 : i32 to index
      %swap3A_582 = arith.constant 544 : index
      %swap3A_583 = tpu.vector_load %arg17[%swap3A_581, %swap3A_582] {strides = array<i32>} : memref<16x1024xf32, #tpu.memory_space<vmem>>, vector<16xf32>,
      tpu.vector_store %arg17[%swap3A_581, %swap3A_582], %add3A_580 {strides = array<i32>} : memref<16x1024xf32, #tpu.memory_space<vmem>>, vector<16xf32>,
      %get3A_584 = arith.index_cast %scan3A_152 : i32 to index
      %get3A_585 = arith.constant 560 : index
      %get3A_586 = tpu.vector_load %arg13[%get3A_584, %get3A_585] {strides = array<i32>} : memref<16x1024xf32, #tpu.memory_space<vmem>>, vector<16xf32>,
      %get3A_587 = arith.index_cast %scan3A_152 : i32 to index
      %get3A_588 = arith.constant 560 : index
      %get3A_589 = tpu.vector_load %arg15[%get3A_587, %get3A_588] {strides = array<i32>} : memref<16x1024xf32, #tpu.memory_space<vmem>>, vector<16xf32>,
      %mul3A_590 = arith.mulf %get3A_158, %get3A_586 : vector<16xf32>
      %mul3A_591 = arith.mulf %get3A_164, %get3A_589 : vector<16xf32>
      %add3A_592 = arith.addf %mul3A_590, %mul3A_591 : vector<16xf32>
      %swap3A_593 = arith.index_cast %scan3A_152 : i32 to index
      %swap3A_594 = arith.constant 560 : index
      %swap3A_595 = tpu.vector_load %arg17[%swap3A_593, %swap3A_594] {strides = array<i32>} : memref<16x1024xf32, #tpu.memory_space<vmem>>, vector<16xf32>,
      tpu.vector_store %arg17[%swap3A_593, %swap3A_594], %add3A_592 {strides = array<i32>} : memref<16x1024xf32, #tpu.memory_space<vmem>>, vector<16xf32>,
      %get3A_596 = arith.index_cast %scan3A_152 : i32 to index
      %get3A_597 = arith.constant 576 : index
      %get3A_598 = tpu.vector_load %arg13[%get3A_596, %get3A_597] {strides = array<i32>} : memref<16x1024xf32, #tpu.memory_space<vmem>>, vector<16xf32>,
      %get3A_599 = arith.index_cast %scan3A_152 : i32 to index
      %get3A_600 = arith.constant 576 : index
      %get3A_601 = tpu.vector_load %arg15[%get3A_599, %get3A_600] {strides = array<i32>} : memref<16x1024xf32, #tpu.memory_space<vmem>>, vector<16xf32>,
      %mul3A_602 = arith.mulf %get3A_158, %get3A_598 : vector<16xf32>
      %mul3A_603 = arith.mulf %get3A_164, %get3A_601 : vector<16xf32>
      %add3A_604 = arith.addf %mul3A_602, %mul3A_603 : vector<16xf32>
      %swap3A_605 = arith.index_cast %scan3A_152 : i32 to index
      %swap3A_606 = arith.constant 576 : index
      %swap3A_607 = tpu.vector_load %arg17[%swap3A_605, %swap3A_606] {strides = array<i32>} : memref<16x1024xf32, #tpu.memory_space<vmem>>, vector<16xf32>,
      tpu.vector_store %arg17[%swap3A_605, %swap3A_606], %add3A_604 {strides = array<i32>} : memref<16x1024xf32, #tpu.memory_space<vmem>>, vector<16xf32>,
      %get3A_608 = arith.index_cast %scan3A_152 : i32 to index
      %get3A_609 = arith.constant 592 : index
      %get3A_610 = tpu.vector_load %arg13[%get3A_608, %get3A_609] {strides = array<i32>} : memref<16x1024xf32, #tpu.memory_space<vmem>>, vector<16xf32>,
      %get3A_611 = arith.index_cast %scan3A_152 : i32 to index
      %get3A_612 = arith.constant 592 : index
      %get3A_613 = tpu.vector_load %arg15[%get3A_611, %get3A_612] {strides = array<i32>} : memref<16x1024xf32, #tpu.memory_space<vmem>>, vector<16xf32>,
      %mul3A_614 = arith.mulf %get3A_158, %get3A_610 : vector<16xf32>
      %mul3A_615 = arith.mulf %get3A_164, %get3A_613 : vector<16xf32>
      %add3A_616 = arith.addf %mul3A_614, %mul3A_615 : vector<16xf32>
      %swap3A_617 = arith.index_cast %scan3A_152 : i32 to index
      %swap3A_618 = arith.constant 592 : index
      %swap3A_619 = tpu.vector_load %arg17[%swap3A_617, %swap3A_618] {strides = array<i32>} : memref<16x1024xf32, #tpu.memory_space<vmem>>, vector<16xf32>,
      tpu.vector_store %arg17[%swap3A_617, %swap3A_618], %add3A_616 {strides = array<i32>} : memref<16x1024xf32, #tpu.memory_space<vmem>>, vector<16xf32>,
      %get3A_620 = arith.index_cast %scan3A_152 : i32 to index
      %get3A_621 = arith.constant 608 : index
      %get3A_622 = tpu.vector_load %arg13[%get3A_620, %get3A_621] {strides = array<i32>} : memref<16x1024xf32, #tpu.memory_space<vmem>>, vector<16xf32>,
      %get3A_623 = arith.index_cast %scan3A_152 : i32 to index
      %get3A_624 = arith.constant 608 : index
      %get3A_625 = tpu.vector_load %arg15[%get3A_623, %get3A_624] {strides = array<i32>} : memref<16x1024xf32, #tpu.memory_space<vmem>>, vector<16xf32>,
      %mul3A_626 = arith.mulf %get3A_158, %get3A_622 : vector<16xf32>
      %mul3A_627 = arith.mulf %get3A_164, %get3A_625 : vector<16xf32>
      %add3A_628 = arith.addf %mul3A_626, %mul3A_627 : vector<16xf32>
      %swap3A_629 = arith.index_cast %scan3A_152 : i32 to index
      %swap3A_630 = arith.constant 608 : index
      %swap3A_631 = tpu.vector_load %arg17[%swap3A_629, %swap3A_630] {strides = array<i32>} : memref<16x1024xf32, #tpu.memory_space<vmem>>, vector<16xf32>,
      tpu.vector_store %arg17[%swap3A_629, %swap3A_630], %add3A_628 {strides = array<i32>} : memref<16x1024xf32, #tpu.memory_space<vmem>>, vector<16xf32>,
      %get3A_632 = arith.index_cast %scan3A_152 : i32 to index
      %get3A_633 = arith.constant 624 : index
      %get3A_634 = tpu.vector_load %arg13[%get3A_632, %get3A_633] {strides = array<i32>} : memref<16x1024xf32, #tpu.memory_space<vmem>>, vector<16xf32>,
      %get3A_635 = arith.index_cast %scan3A_152 : i32 to index
      %get3A_636 = arith.constant 624 : index
      %get3A_637 = tpu.vector_load %arg15[%get3A_635, %get3A_636] {strides = array<i32>} : memref<16x1024xf32, #tpu.memory_space<vmem>>, vector<16xf32>,
      %mul3A_638 = arith.mulf %get3A_158, %get3A_634 : vector<16xf32>
      %mul3A_639 = arith.mulf %get3A_164, %get3A_637 : vector<16xf32>
      %add3A_640 = arith.addf %mul3A_638, %mul3A_639 : vector<16xf32>
      %swap3A_641 = arith.index_cast %scan3A_152 : i32 to index
      %swap3A_642 = arith.constant 624 : index
      %swap3A_643 = tpu.vector_load %arg17[%swap3A_641, %swap3A_642] {strides = array<i32>} : memref<16x1024xf32, #tpu.memory_space<vmem>>, vector<16xf32>,
      tpu.vector_store %arg17[%swap3A_641, %swap3A_642], %add3A_640 {strides = array<i32>} : memref<16x1024xf32, #tpu.memory_space<vmem>>, vector<16xf32>,
      %get3A_644 = arith.index_cast %scan3A_152 : i32 to index
      %get3A_645 = arith.constant 640 : index
      %get3A_646 = tpu.vector_load %arg13[%get3A_644, %get3A_645] {strides = array<i32>} : memref<16x1024xf32, #tpu.memory_space<vmem>>, vector<16xf32>,
      %get3A_647 = arith.index_cast %scan3A_152 : i32 to index
      %get3A_648 = arith.constant 640 : index
      %get3A_649 = tpu.vector_load %arg15[%get3A_647, %get3A_648] {strides = array<i32>} : memref<16x1024xf32, #tpu.memory_space<vmem>>, vector<16xf32>,
      %mul3A_650 = arith.mulf %get3A_158, %get3A_646 : vector<16xf32>
      %mul3A_651 = arith.mulf %get3A_164, %get3A_649 : vector<16xf32>
      %add3A_652 = arith.addf %mul3A_650, %mul3A_651 : vector<16xf32>
      %swap3A_653 = arith.index_cast %scan3A_152 : i32 to index
      %swap3A_654 = arith.constant 640 : index
      %swap3A_655 = tpu.vector_load %arg17[%swap3A_653, %swap3A_654] {strides = array<i32>} : memref<16x1024xf32, #tpu.memory_space<vmem>>, vector<16xf32>,
      tpu.vector_store %arg17[%swap3A_653, %swap3A_654], %add3A_652 {strides = array<i32>} : memref<16x1024xf32, #tpu.memory_space<vmem>>, vector<16xf32>,
      %get3A_656 = arith.index_cast %scan3A_152 : i32 to index
      %get3A_657 = arith.constant 656 : index
      %get3A_658 = tpu.vector_load %arg13[%get3A_656, %get3A_657] {strides = array<i32>} : memref<16x1024xf32, #tpu.memory_space<vmem>>, vector<16xf32>,
      %get3A_659 = arith.index_cast %scan3A_152 : i32 to index
      %get3A_660 = arith.constant 656 : index
      %get3A_661 = tpu.vector_load %arg15[%get3A_659, %get3A_660] {strides = array<i32>} : memref<16x1024xf32, #tpu.memory_space<vmem>>, vector<16xf32>,
      %mul3A_662 = arith.mulf %get3A_158, %get3A_658 : vector<16xf32>
      %mul3A_663 = arith.mulf %get3A_164, %get3A_661 : vector<16xf32>
      %add3A_664 = arith.addf %mul3A_662, %mul3A_663 : vector<16xf32>
      %swap3A_665 = arith.index_cast %scan3A_152 : i32 to index
      %swap3A_666 = arith.constant 656 : index
      %swap3A_667 = tpu.vector_load %arg17[%swap3A_665, %swap3A_666] {strides = array<i32>} : memref<16x1024xf32, #tpu.memory_space<vmem>>, vector<16xf32>,
      tpu.vector_store %arg17[%swap3A_665, %swap3A_666], %add3A_664 {strides = array<i32>} : memref<16x1024xf32, #tpu.memory_space<vmem>>, vector<16xf32>,
      %get3A_668 = arith.index_cast %scan3A_152 : i32 to index
      %get3A_669 = arith.constant 672 : index
      %get3A_670 = tpu.vector_load %arg13[%get3A_668, %get3A_669] {strides = array<i32>} : memref<16x1024xf32, #tpu.memory_space<vmem>>, vector<16xf32>,
      %get3A_671 = arith.index_cast %scan3A_152 : i32 to index
      %get3A_672 = arith.constant 672 : index
      %get3A_673 = tpu.vector_load %arg15[%get3A_671, %get3A_672] {strides = array<i32>} : memref<16x1024xf32, #tpu.memory_space<vmem>>, vector<16xf32>,
      %mul3A_674 = arith.mulf %get3A_158, %get3A_670 : vector<16xf32>
      %mul3A_675 = arith.mulf %get3A_164, %get3A_673 : vector<16xf32>
      %add3A_676 = arith.addf %mul3A_674, %mul3A_675 : vector<16xf32>
      %swap3A_677 = arith.index_cast %scan3A_152 : i32 to index
      %swap3A_678 = arith.constant 672 : index
      %swap3A_679 = tpu.vector_load %arg17[%swap3A_677, %swap3A_678] {strides = array<i32>} : memref<16x1024xf32, #tpu.memory_space<vmem>>, vector<16xf32>,
      tpu.vector_store %arg17[%swap3A_677, %swap3A_678], %add3A_676 {strides = array<i32>} : memref<16x1024xf32, #tpu.memory_space<vmem>>, vector<16xf32>,
      %get3A_680 = arith.index_cast %scan3A_152 : i32 to index
      %get3A_681 = arith.constant 688 : index
      %get3A_682 = tpu.vector_load %arg13[%get3A_680, %get3A_681] {strides = array<i32>} : memref<16x1024xf32, #tpu.memory_space<vmem>>, vector<16xf32>,
      %get3A_683 = arith.index_cast %scan3A_152 : i32 to index
      %get3A_684 = arith.constant 688 : index
      %get3A_685 = tpu.vector_load %arg15[%get3A_683, %get3A_684] {strides = array<i32>} : memref<16x1024xf32, #tpu.memory_space<vmem>>, vector<16xf32>,
      %mul3A_686 = arith.mulf %get3A_158, %get3A_682 : vector<16xf32>
      %mul3A_687 = arith.mulf %get3A_164, %get3A_685 : vector<16xf32>
      %add3A_688 = arith.addf %mul3A_686, %mul3A_687 : vector<16xf32>
      %swap3A_689 = arith.index_cast %scan3A_152 : i32 to index
      %swap3A_690 = arith.constant 688 : index
      %swap3A_691 = tpu.vector_load %arg17[%swap3A_689, %swap3A_690] {strides = array<i32>} : memref<16x1024xf32, #tpu.memory_space<vmem>>, vector<16xf32>,
      tpu.vector_store %arg17[%swap3A_689, %swap3A_690], %add3A_688 {strides = array<i32>} : memref<16x1024xf32, #tpu.memory_space<vmem>>, vector<16xf32>,
      %get3A_692 = arith.index_cast %scan3A_152 : i32 to index
      %get3A_693 = arith.constant 704 : index
      %get3A_694 = tpu.vector_load %arg13[%get3A_692, %get3A_693] {strides = array<i32>} : memref<16x1024xf32, #tpu.memory_space<vmem>>, vector<16xf32>,
      %get3A_695 = arith.index_cast %scan3A_152 : i32 to index
      %get3A_696 = arith.constant 704 : index
      %get3A_697 = tpu.vector_load %arg15[%get3A_695, %get3A_696] {strides = array<i32>} : memref<16x1024xf32, #tpu.memory_space<vmem>>, vector<16xf32>,
      %mul3A_698 = arith.mulf %get3A_158, %get3A_694 : vector<16xf32>
      %mul3A_699 = arith.mulf %get3A_164, %get3A_697 : vector<16xf32>
      %add3A_700 = arith.addf %mul3A_698, %mul3A_699 : vector<16xf32>
      %swap3A_701 = arith.index_cast %scan3A_152 : i32 to index
      %swap3A_702 = arith.constant 704 : index
      %swap3A_703 = tpu.vector_load %arg17[%swap3A_701, %swap3A_702] {strides = array<i32>} : memref<16x1024xf32, #tpu.memory_space<vmem>>, vector<16xf32>,
      tpu.vector_store %arg17[%swap3A_701, %swap3A_702], %add3A_700 {strides = array<i32>} : memref<16x1024xf32, #tpu.memory_space<vmem>>, vector<16xf32>,
      %get3A_704 = arith.index_cast %scan3A_152 : i32 to index
      %get3A_705 = arith.constant 720 : index
      %get3A_706 = tpu.vector_load %arg13[%get3A_704, %get3A_705] {strides = array<i32>} : memref<16x1024xf32, #tpu.memory_space<vmem>>, vector<16xf32>,
      %get3A_707 = arith.index_cast %scan3A_152 : i32 to index
      %get3A_708 = arith.constant 720 : index
      %get3A_709 = tpu.vector_load %arg15[%get3A_707, %get3A_708] {strides = array<i32>} : memref<16x1024xf32, #tpu.memory_space<vmem>>, vector<16xf32>,
      %mul3A_710 = arith.mulf %get3A_158, %get3A_706 : vector<16xf32>
      %mul3A_711 = arith.mulf %get3A_164, %get3A_709 : vector<16xf32>
      %add3A_712 = arith.addf %mul3A_710, %mul3A_711 : vector<16xf32>
      %swap3A_713 = arith.index_cast %scan3A_152 : i32 to index
      %swap3A_714 = arith.constant 720 : index
      %swap3A_715 = tpu.vector_load %arg17[%swap3A_713, %swap3A_714] {strides = array<i32>} : memref<16x1024xf32, #tpu.memory_space<vmem>>, vector<16xf32>,
      tpu.vector_store %arg17[%swap3A_713, %swap3A_714], %add3A_712 {strides = array<i32>} : memref<16x1024xf32, #tpu.memory_space<vmem>>, vector<16xf32>,
      %get3A_716 = arith.index_cast %scan3A_152 : i32 to index
      %get3A_717 = arith.constant 736 : index
      %get3A_718 = tpu.vector_load %arg13[%get3A_716, %get3A_717] {strides = array<i32>} : memref<16x1024xf32, #tpu.memory_space<vmem>>, vector<16xf32>,
      %get3A_719 = arith.index_cast %scan3A_152 : i32 to index
      %get3A_720 = arith.constant 736 : index
      %get3A_721 = tpu.vector_load %arg15[%get3A_719, %get3A_720] {strides = array<i32>} : memref<16x1024xf32, #tpu.memory_space<vmem>>, vector<16xf32>,
      %mul3A_722 = arith.mulf %get3A_158, %get3A_718 : vector<16xf32>
      %mul3A_723 = arith.mulf %get3A_164, %get3A_721 : vector<16xf32>
      %add3A_724 = arith.addf %mul3A_722, %mul3A_723 : vector<16xf32>
      %swap3A_725 = arith.index_cast %scan3A_152 : i32 to index
      %swap3A_726 = arith.constant 736 : index
      %swap3A_727 = tpu.vector_load %arg17[%swap3A_725, %swap3A_726] {strides = array<i32>} : memref<16x1024xf32, #tpu.memory_space<vmem>>, vector<16xf32>,
      tpu.vector_store %arg17[%swap3A_725, %swap3A_726], %add3A_724 {strides = array<i32>} : memref<16x1024xf32, #tpu.memory_space<vmem>>, vector<16xf32>,
      %get3A_728 = arith.index_cast %scan3A_152 : i32 to index
      %get3A_729 = arith.constant 752 : index
      %get3A_730 = tpu.vector_load %arg13[%get3A_728, %get3A_729] {strides = array<i32>} : memref<16x1024xf32, #tpu.memory_space<vmem>>, vector<16xf32>,
      %get3A_731 = arith.index_cast %scan3A_152 : i32 to index
      %get3A_732 = arith.constant 752 : index
      %get3A_733 = tpu.vector_load %arg15[%get3A_731, %get3A_732] {strides = array<i32>} : memref<16x1024xf32, #tpu.memory_space<vmem>>, vector<16xf32>,
      %mul3A_734 = arith.mulf %get3A_158, %get3A_730 : vector<16xf32>
      %mul3A_735 = arith.mulf %get3A_164, %get3A_733 : vector<16xf32>
      %add3A_736 = arith.addf %mul3A_734, %mul3A_735 : vector<16xf32>
      %swap3A_737 = arith.index_cast %scan3A_152 : i32 to index
      %swap3A_738 = arith.constant 752 : index
      %swap3A_739 = tpu.vector_load %arg17[%swap3A_737, %swap3A_738] {strides = array<i32>} : memref<16x1024xf32, #tpu.memory_space<vmem>>, vector<16xf32>,
      tpu.vector_store %arg17[%swap3A_737, %swap3A_738], %add3A_736 {strides = array<i32>} : memref<16x1024xf32, #tpu.memory_space<vmem>>, vector<16xf32>,
      %get3A_740 = arith.index_cast %scan3A_152 : i32 to index
      %get3A_741 = arith.constant 768 : index
      %get3A_742 = tpu.vector_load %arg13[%get3A_740, %get3A_741] {strides = array<i32>} : memref<16x1024xf32, #tpu.memory_space<vmem>>, vector<16xf32>,
      %get3A_743 = arith.index_cast %scan3A_152 : i32 to index
      %get3A_744 = arith.constant 768 : index
      %get3A_745 = tpu.vector_load %arg15[%get3A_743, %get3A_744] {strides = array<i32>} : memref<16x1024xf32, #tpu.memory_space<vmem>>, vector<16xf32>,
      %mul3A_746 = arith.mulf %get3A_158, %get3A_742 : vector<16xf32>
      %mul3A_747 = arith.mulf %get3A_164, %get3A_745 : vector<16xf32>
      %add3A_748 = arith.addf %mul3A_746, %mul3A_747 : vector<16xf32>
      %swap3A_749 = arith.index_cast %scan3A_152 : i32 to index
      %swap3A_750 = arith.constant 768 : index
      %swap3A_751 = tpu.vector_load %arg17[%swap3A_749, %swap3A_750] {strides = array<i32>} : memref<16x1024xf32, #tpu.memory_space<vmem>>, vector<16xf32>,
      tpu.vector_store %arg17[%swap3A_749, %swap3A_750], %add3A_748 {strides = array<i32>} : memref<16x1024xf32, #tpu.memory_space<vmem>>, vector<16xf32>,
      %get3A_752 = arith.index_cast %scan3A_152 : i32 to index
      %get3A_753 = arith.constant 784 : index
      %get3A_754 = tpu.vector_load %arg13[%get3A_752, %get3A_753] {strides = array<i32>} : memref<16x1024xf32, #tpu.memory_space<vmem>>, vector<16xf32>,
      %get3A_755 = arith.index_cast %scan3A_152 : i32 to index
      %get3A_756 = arith.constant 784 : index
      %get3A_757 = tpu.vector_load %arg15[%get3A_755, %get3A_756] {strides = array<i32>} : memref<16x1024xf32, #tpu.memory_space<vmem>>, vector<16xf32>,
      %mul3A_758 = arith.mulf %get3A_158, %get3A_754 : vector<16xf32>
      %mul3A_759 = arith.mulf %get3A_164, %get3A_757 : vector<16xf32>
      %add3A_760 = arith.addf %mul3A_758, %mul3A_759 : vector<16xf32>
      %swap3A_761 = arith.index_cast %scan3A_152 : i32 to index
      %swap3A_762 = arith.constant 784 : index
      %swap3A_763 = tpu.vector_load %arg17[%swap3A_761, %swap3A_762] {strides = array<i32>} : memref<16x1024xf32, #tpu.memory_space<vmem>>, vector<16xf32>,
      tpu.vector_store %arg17[%swap3A_761, %swap3A_762], %add3A_760 {strides = array<i32>} : memref<16x1024xf32, #tpu.memory_space<vmem>>, vector<16xf32>,
      %get3A_764 = arith.index_cast %scan3A_152 : i32 to index
      %get3A_765 = arith.constant 800 : index
      %get3A_766 = tpu.vector_load %arg13[%get3A_764, %get3A_765] {strides = array<i32>} : memref<16x1024xf32, #tpu.memory_space<vmem>>, vector<16xf32>,
      %get3A_767 = arith.index_cast %scan3A_152 : i32 to index
      %get3A_768 = arith.constant 800 : index
      %get3A_769 = tpu.vector_load %arg15[%get3A_767, %get3A_768] {strides = array<i32>} : memref<16x1024xf32, #tpu.memory_space<vmem>>, vector<16xf32>,
      %mul3A_770 = arith.mulf %get3A_158, %get3A_766 : vector<16xf32>
      %mul3A_771 = arith.mulf %get3A_164, %get3A_769 : vector<16xf32>
      %add3A_772 = arith.addf %mul3A_770, %mul3A_771 : vector<16xf32>
      %swap3A_773 = arith.index_cast %scan3A_152 : i32 to index
      %swap3A_774 = arith.constant 800 : index
      %swap3A_775 = tpu.vector_load %arg17[%swap3A_773, %swap3A_774] {strides = array<i32>} : memref<16x1024xf32, #tpu.memory_space<vmem>>, vector<16xf32>,
      tpu.vector_store %arg17[%swap3A_773, %swap3A_774], %add3A_772 {strides = array<i32>} : memref<16x1024xf32, #tpu.memory_space<vmem>>, vector<16xf32>,
      %get3A_776 = arith.index_cast %scan3A_152 : i32 to index
      %get3A_777 = arith.constant 816 : index
      %get3A_778 = tpu.vector_load %arg13[%get3A_776, %get3A_777] {strides = array<i32>} : memref<16x1024xf32, #tpu.memory_space<vmem>>, vector<16xf32>,
      %get3A_779 = arith.index_cast %scan3A_152 : i32 to index
      %get3A_780 = arith.constant 816 : index
      %get3A_781 = tpu.vector_load %arg15[%get3A_779, %get3A_780] {strides = array<i32>} : memref<16x1024xf32, #tpu.memory_space<vmem>>, vector<16xf32>,
      %mul3A_782 = arith.mulf %get3A_158, %get3A_778 : vector<16xf32>
      %mul3A_783 = arith.mulf %get3A_164, %get3A_781 : vector<16xf32>
      %add3A_784 = arith.addf %mul3A_782, %mul3A_783 : vector<16xf32>
      %swap3A_785 = arith.index_cast %scan3A_152 : i32 to index
      %swap3A_786 = arith.constant 816 : index
      %swap3A_787 = tpu.vector_load %arg17[%swap3A_785, %swap3A_786] {strides = array<i32>} : memref<16x1024xf32, #tpu.memory_space<vmem>>, vector<16xf32>,
      tpu.vector_store %arg17[%swap3A_785, %swap3A_786], %add3A_784 {strides = array<i32>} : memref<16x1024xf32, #tpu.memory_space<vmem>>, vector<16xf32>,
      %get3A_788 = arith.index_cast %scan3A_152 : i32 to index
      %get3A_789 = arith.constant 832 : index
      %get3A_790 = tpu.vector_load %arg13[%get3A_788, %get3A_789] {strides = array<i32>} : memref<16x1024xf32, #tpu.memory_space<vmem>>, vector<16xf32>,
      %get3A_791 = arith.index_cast %scan3A_152 : i32 to index
      %get3A_792 = arith.constant 832 : index
      %get3A_793 = tpu.vector_load %arg15[%get3A_791, %get3A_792] {strides = array<i32>} : memref<16x1024xf32, #tpu.memory_space<vmem>>, vector<16xf32>,
      %mul3A_794 = arith.mulf %get3A_158, %get3A_790 : vector<16xf32>
      %mul3A_795 = arith.mulf %get3A_164, %get3A_793 : vector<16xf32>
      %add3A_796 = arith.addf %mul3A_794, %mul3A_795 : vector<16xf32>
      %swap3A_797 = arith.index_cast %scan3A_152 : i32 to index
      %swap3A_798 = arith.constant 832 : index
      %swap3A_799 = tpu.vector_load %arg17[%swap3A_797, %swap3A_798] {strides = array<i32>} : memref<16x1024xf32, #tpu.memory_space<vmem>>, vector<16xf32>,
      tpu.vector_store %arg17[%swap3A_797, %swap3A_798], %add3A_796 {strides = array<i32>} : memref<16x1024xf32, #tpu.memory_space<vmem>>, vector<16xf32>,
      %get3A_800 = arith.index_cast %scan3A_152 : i32 to index
      %get3A_801 = arith.constant 848 : index
      %get3A_802 = tpu.vector_load %arg13[%get3A_800, %get3A_801] {strides = array<i32>} : memref<16x1024xf32, #tpu.memory_space<vmem>>, vector<16xf32>,
      %get3A_803 = arith.index_cast %scan3A_152 : i32 to index
      %get3A_804 = arith.constant 848 : index
      %get3A_805 = tpu.vector_load %arg15[%get3A_803, %get3A_804] {strides = array<i32>} : memref<16x1024xf32, #tpu.memory_space<vmem>>, vector<16xf32>,
      %mul3A_806 = arith.mulf %get3A_158, %get3A_802 : vector<16xf32>
      %mul3A_807 = arith.mulf %get3A_164, %get3A_805 : vector<16xf32>
      %add3A_808 = arith.addf %mul3A_806, %mul3A_807 : vector<16xf32>
      %swap3A_809 = arith.index_cast %scan3A_152 : i32 to index
      %swap3A_810 = arith.constant 848 : index
      %swap3A_811 = tpu.vector_load %arg17[%swap3A_809, %swap3A_810] {strides = array<i32>} : memref<16x1024xf32, #tpu.memory_space<vmem>>, vector<16xf32>,
      tpu.vector_store %arg17[%swap3A_809, %swap3A_810], %add3A_808 {strides = array<i32>} : memref<16x1024xf32, #tpu.memory_space<vmem>>, vector<16xf32>,
      %get3A_812 = arith.index_cast %scan3A_152 : i32 to index
      %get3A_813 = arith.constant 864 : index
      %get3A_814 = tpu.vector_load %arg13[%get3A_812, %get3A_813] {strides = array<i32>} : memref<16x1024xf32, #tpu.memory_space<vmem>>, vector<16xf32>,
      %get3A_815 = arith.index_cast %scan3A_152 : i32 to index
      %get3A_816 = arith.constant 864 : index
      %get3A_817 = tpu.vector_load %arg15[%get3A_815, %get3A_816] {strides = array<i32>} : memref<16x1024xf32, #tpu.memory_space<vmem>>, vector<16xf32>,
      %mul3A_818 = arith.mulf %get3A_158, %get3A_814 : vector<16xf32>
      %mul3A_819 = arith.mulf %get3A_164, %get3A_817 : vector<16xf32>
      %add3A_820 = arith.addf %mul3A_818, %mul3A_819 : vector<16xf32>
      %swap3A_821 = arith.index_cast %scan3A_152 : i32 to index
      %swap3A_822 = arith.constant 864 : index
      %swap3A_823 = tpu.vector_load %arg17[%swap3A_821, %swap3A_822] {strides = array<i32>} : memref<16x1024xf32, #tpu.memory_space<vmem>>, vector<16xf32>,
      tpu.vector_store %arg17[%swap3A_821, %swap3A_822], %add3A_820 {strides = array<i32>} : memref<16x1024xf32, #tpu.memory_space<vmem>>, vector<16xf32>,
      %get3A_824 = arith.index_cast %scan3A_152 : i32 to index
      %get3A_825 = arith.constant 880 : index
      %get3A_826 = tpu.vector_load %arg13[%get3A_824, %get3A_825] {strides = array<i32>} : memref<16x1024xf32, #tpu.memory_space<vmem>>, vector<16xf32>,
      %get3A_827 = arith.index_cast %scan3A_152 : i32 to index
      %get3A_828 = arith.constant 880 : index
      %get3A_829 = tpu.vector_load %arg15[%get3A_827, %get3A_828] {strides = array<i32>} : memref<16x1024xf32, #tpu.memory_space<vmem>>, vector<16xf32>,
      %mul3A_830 = arith.mulf %get3A_158, %get3A_826 : vector<16xf32>
      %mul3A_831 = arith.mulf %get3A_164, %get3A_829 : vector<16xf32>
      %add3A_832 = arith.addf %mul3A_830, %mul3A_831 : vector<16xf32>
      %swap3A_833 = arith.index_cast %scan3A_152 : i32 to index
      %swap3A_834 = arith.constant 880 : index
      %swap3A_835 = tpu.vector_load %arg17[%swap3A_833, %swap3A_834] {strides = array<i32>} : memref<16x1024xf32, #tpu.memory_space<vmem>>, vector<16xf32>,
      tpu.vector_store %arg17[%swap3A_833, %swap3A_834], %add3A_832 {strides = array<i32>} : memref<16x1024xf32, #tpu.memory_space<vmem>>, vector<16xf32>,
      %get3A_836 = arith.index_cast %scan3A_152 : i32 to index
      %get3A_837 = arith.constant 896 : index
      %get3A_838 = tpu.vector_load %arg13[%get3A_836, %get3A_837] {strides = array<i32>} : memref<16x1024xf32, #tpu.memory_space<vmem>>, vector<16xf32>,
      %get3A_839 = arith.index_cast %scan3A_152 : i32 to index
      %get3A_840 = arith.constant 896 : index
      %get3A_841 = tpu.vector_load %arg15[%get3A_839, %get3A_840] {strides = array<i32>} : memref<16x1024xf32, #tpu.memory_space<vmem>>, vector<16xf32>,
      %mul3A_842 = arith.mulf %get3A_158, %get3A_838 : vector<16xf32>
      %mul3A_843 = arith.mulf %get3A_164, %get3A_841 : vector<16xf32>
      %add3A_844 = arith.addf %mul3A_842, %mul3A_843 : vector<16xf32>
      %swap3A_845 = arith.index_cast %scan3A_152 : i32 to index
      %swap3A_846 = arith.constant 896 : index
      %swap3A_847 = tpu.vector_load %arg17[%swap3A_845, %swap3A_846] {strides = array<i32>} : memref<16x1024xf32, #tpu.memory_space<vmem>>, vector<16xf32>,
      tpu.vector_store %arg17[%swap3A_845, %swap3A_846], %add3A_844 {strides = array<i32>} : memref<16x1024xf32, #tpu.memory_space<vmem>>, vector<16xf32>,
      %get3A_848 = arith.index_cast %scan3A_152 : i32 to index
      %get3A_849 = arith.constant 912 : index
      %get3A_850 = tpu.vector_load %arg13[%get3A_848, %get3A_849] {strides = array<i32>} : memref<16x1024xf32, #tpu.memory_space<vmem>>, vector<16xf32>,
      %get3A_851 = arith.index_cast %scan3A_152 : i32 to index
      %get3A_852 = arith.constant 912 : index
      %get3A_853 = tpu.vector_load %arg15[%get3A_851, %get3A_852] {strides = array<i32>} : memref<16x1024xf32, #tpu.memory_space<vmem>>, vector<16xf32>,
      %mul3A_854 = arith.mulf %get3A_158, %get3A_850 : vector<16xf32>
      %mul3A_855 = arith.mulf %get3A_164, %get3A_853 : vector<16xf32>
      %add3A_856 = arith.addf %mul3A_854, %mul3A_855 : vector<16xf32>
      %swap3A_857 = arith.index_cast %scan3A_152 : i32 to index
      %swap3A_858 = arith.constant 912 : index
      %swap3A_859 = tpu.vector_load %arg17[%swap3A_857, %swap3A_858] {strides = array<i32>} : memref<16x1024xf32, #tpu.memory_space<vmem>>, vector<16xf32>,
      tpu.vector_store %arg17[%swap3A_857, %swap3A_858], %add3A_856 {strides = array<i32>} : memref<16x1024xf32, #tpu.memory_space<vmem>>, vector<16xf32>,
      %get3A_860 = arith.index_cast %scan3A_152 : i32 to index
      %get3A_861 = arith.constant 928 : index
      %get3A_862 = tpu.vector_load %arg13[%get3A_860, %get3A_861] {strides = array<i32>} : memref<16x1024xf32, #tpu.memory_space<vmem>>, vector<16xf32>,
      %get3A_863 = arith.index_cast %scan3A_152 : i32 to index
      %get3A_864 = arith.constant 928 : index
      %get3A_865 = tpu.vector_load %arg15[%get3A_863, %get3A_864] {strides = array<i32>} : memref<16x1024xf32, #tpu.memory_space<vmem>>, vector<16xf32>,
      %mul3A_866 = arith.mulf %get3A_158, %get3A_862 : vector<16xf32>
      %mul3A_867 = arith.mulf %get3A_164, %get3A_865 : vector<16xf32>
      %add3A_868 = arith.addf %mul3A_866, %mul3A_867 : vector<16xf32>
      %swap3A_869 = arith.index_cast %scan3A_152 : i32 to index
      %swap3A_870 = arith.constant 928 : index
      %swap3A_871 = tpu.vector_load %arg17[%swap3A_869, %swap3A_870] {strides = array<i32>} : memref<16x1024xf32, #tpu.memory_space<vmem>>, vector<16xf32>,
      tpu.vector_store %arg17[%swap3A_869, %swap3A_870], %add3A_868 {strides = array<i32>} : memref<16x1024xf32, #tpu.memory_space<vmem>>, vector<16xf32>,
      %get3A_872 = arith.index_cast %scan3A_152 : i32 to index
      %get3A_873 = arith.constant 944 : index
      %get3A_874 = tpu.vector_load %arg13[%get3A_872, %get3A_873] {strides = array<i32>} : memref<16x1024xf32, #tpu.memory_space<vmem>>, vector<16xf32>,
      %get3A_875 = arith.index_cast %scan3A_152 : i32 to index
      %get3A_876 = arith.constant 944 : index
      %get3A_877 = tpu.vector_load %arg15[%get3A_875, %get3A_876] {strides = array<i32>} : memref<16x1024xf32, #tpu.memory_space<vmem>>, vector<16xf32>,
      %mul3A_878 = arith.mulf %get3A_158, %get3A_874 : vector<16xf32>
      %mul3A_879 = arith.mulf %get3A_164, %get3A_877 : vector<16xf32>
      %add3A_880 = arith.addf %mul3A_878, %mul3A_879 : vector<16xf32>
      %swap3A_881 = arith.index_cast %scan3A_152 : i32 to index
      %swap3A_882 = arith.constant 944 : index
      %swap3A_883 = tpu.vector_load %arg17[%swap3A_881, %swap3A_882] {strides = array<i32>} : memref<16x1024xf32, #tpu.memory_space<vmem>>, vector<16xf32>,
      tpu.vector_store %arg17[%swap3A_881, %swap3A_882], %add3A_880 {strides = array<i32>} : memref<16x1024xf32, #tpu.memory_space<vmem>>, vector<16xf32>,
      %get3A_884 = arith.index_cast %scan3A_152 : i32 to index
      %get3A_885 = arith.constant 960 : index
      %get3A_886 = tpu.vector_load %arg13[%get3A_884, %get3A_885] {strides = array<i32>} : memref<16x1024xf32, #tpu.memory_space<vmem>>, vector<16xf32>,
      %get3A_887 = arith.index_cast %scan3A_152 : i32 to index
      %get3A_888 = arith.constant 960 : index
      %get3A_889 = tpu.vector_load %arg15[%get3A_887, %get3A_888] {strides = array<i32>} : memref<16x1024xf32, #tpu.memory_space<vmem>>, vector<16xf32>,
      %mul3A_890 = arith.mulf %get3A_158, %get3A_886 : vector<16xf32>
      %mul3A_891 = arith.mulf %get3A_164, %get3A_889 : vector<16xf32>
      %add3A_892 = arith.addf %mul3A_890, %mul3A_891 : vector<16xf32>
      %swap3A_893 = arith.index_cast %scan3A_152 : i32 to index
      %swap3A_894 = arith.constant 960 : index
      %swap3A_895 = tpu.vector_load %arg17[%swap3A_893, %swap3A_894] {strides = array<i32>} : memref<16x1024xf32, #tpu.memory_space<vmem>>, vector<16xf32>,
      tpu.vector_store %arg17[%swap3A_893, %swap3A_894], %add3A_892 {strides = array<i32>} : memref<16x1024xf32, #tpu.memory_space<vmem>>, vector<16xf32>,
      %get3A_896 = arith.index_cast %scan3A_152 : i32 to index
      %get3A_897 = arith.constant 976 : index
      %get3A_898 = tpu.vector_load %arg13[%get3A_896, %get3A_897] {strides = array<i32>} : memref<16x1024xf32, #tpu.memory_space<vmem>>, vector<16xf32>,
      %get3A_899 = arith.index_cast %scan3A_152 : i32 to index
      %get3A_900 = arith.constant 976 : index
      %get3A_901 = tpu.vector_load %arg15[%get3A_899, %get3A_900] {strides = array<i32>} : memref<16x1024xf32, #tpu.memory_space<vmem>>, vector<16xf32>,
      %mul3A_902 = arith.mulf %get3A_158, %get3A_898 : vector<16xf32>
      %mul3A_903 = arith.mulf %get3A_164, %get3A_901 : vector<16xf32>
      %add3A_904 = arith.addf %mul3A_902, %mul3A_903 : vector<16xf32>
      %swap3A_905 = arith.index_cast %scan3A_152 : i32 to index
      %swap3A_906 = arith.constant 976 : index
      %swap3A_907 = tpu.vector_load %arg17[%swap3A_905, %swap3A_906] {strides = array<i32>} : memref<16x1024xf32, #tpu.memory_space<vmem>>, vector<16xf32>,
      tpu.vector_store %arg17[%swap3A_905, %swap3A_906], %add3A_904 {strides = array<i32>} : memref<16x1024xf32, #tpu.memory_space<vmem>>, vector<16xf32>,
      %get3A_908 = arith.index_cast %scan3A_152 : i32 to index
      %get3A_909 = arith.constant 992 : index
      %get3A_910 = tpu.vector_load %arg13[%get3A_908, %get3A_909] {strides = array<i32>} : memref<16x1024xf32, #tpu.memory_space<vmem>>, vector<16xf32>,
      %get3A_911 = arith.index_cast %scan3A_152 : i32 to index
      %get3A_912 = arith.constant 992 : index
      %get3A_913 = tpu.vector_load %arg15[%get3A_911, %get3A_912] {strides = array<i32>} : memref<16x1024xf32, #tpu.memory_space<vmem>>, vector<16xf32>,
      %mul3A_914 = arith.mulf %get3A_158, %get3A_910 : vector<16xf32>
      %mul3A_915 = arith.mulf %get3A_164, %get3A_913 : vector<16xf32>
      %add3A_916 = arith.addf %mul3A_914, %mul3A_915 : vector<16xf32>
      %swap3A_917 = arith.index_cast %scan3A_152 : i32 to index
      %swap3A_918 = arith.constant 992 : index
      %swap3A_919 = tpu.vector_load %arg17[%swap3A_917, %swap3A_918] {strides = array<i32>} : memref<16x1024xf32, #tpu.memory_space<vmem>>, vector<16xf32>,
      tpu.vector_store %arg17[%swap3A_917, %swap3A_918], %add3A_916 {strides = array<i32>} : memref<16x1024xf32, #tpu.memory_space<vmem>>, vector<16xf32>,
      %get3A_920 = arith.index_cast %scan3A_152 : i32 to index
      %get3A_921 = arith.constant 1008 : index
      %get3A_922 = tpu.vector_load %arg13[%get3A_920, %get3A_921] {strides = array<i32>} : memref<16x1024xf32, #tpu.memory_space<vmem>>, vector<16xf32>,
      %get3A_923 = arith.index_cast %scan3A_152 : i32 to index
      %get3A_924 = arith.constant 1008 : index
      %get3A_925 = tpu.vector_load %arg15[%get3A_923, %get3A_924] {strides = array<i32>} : memref<16x1024xf32, #tpu.memory_space<vmem>>, vector<16xf32>,
      %mul3A_926 = arith.mulf %get3A_158, %get3A_922 : vector<16xf32>
      %mul3A_927 = arith.mulf %get3A_164, %get3A_925 : vector<16xf32>
      %add3A_928 = arith.addf %mul3A_926, %mul3A_927 : vector<16xf32>
      %swap3A_929 = arith.index_cast %scan3A_152 : i32 to index
      %swap3A_930 = arith.constant 1008 : index
      %swap3A_931 = tpu.vector_load %arg17[%swap3A_929, %swap3A_930] {strides = array<i32>} : memref<16x1024xf32, #tpu.memory_space<vmem>>, vector<16xf32>,
      tpu.vector_store %arg17[%swap3A_929, %swap3A_930], %add3A_928 {strides = array<i32>} : memref<16x1024xf32, #tpu.memory_space<vmem>>, vector<16xf32>,
      %scan3A_932 = arith.constant 0 : i32
      scf.yield %scan3A_932 : i32
    }
    %scan3A_137 = arith.constant 16 : i32
    %add3A_138 = arith.constant 48 : i32
    %add3A_139 = arith.addi %mul3A_2, %add3A_138 : i32
    %dma_start3A_140 = arith.constant 0 : i32
    %dma_start3A_141 = tpu.memref_slice %arg7[%add3A_139, %dma_start3A_140] : memref<2048x1024xf32, #tpu.memory_space<hbm>> -> memref<16x1024xf32, #tpu.memory_space<hbm>>
    %dma_start3A_142 = arith.constant 0 : i32
    %dma_start3A_143 = tpu.memref_slice %arg7[%add3A_139, %dma_start3A_142] : memref<2048x1024xf32, #tpu.memory_space<hbm>> -> memref<16x1024xf32, #tpu.memory_space<hbm>>
    tpu.enqueue_dma source(%arg17 : memref<16x1024xf32, #tpu.memory_space<vmem>>) target(%dma_start3A_143 : memref<16x1024xf32, #tpu.memory_space<hbm>>) target_semaphore(%arg23 : memref<!tpu.dma_semaphore, #tpu.memory_space<semaphore_mem>>)
    %dma_wait3A_144 = arith.constant 0 : i32
    %dma_wait3A_145 = tpu.memref_slice %arg7[%add3A_112, %dma_wait3A_144] : memref<2048x1024xf32, #tpu.memory_space<hbm>> -> memref<16x1024xf32, #tpu.memory_space<hbm>>
    %dma_wait3A_146 = arith.constant 0 : i32
    %dma_wait3A_147 = tpu.memref_slice %arg7[%add3A_112, %dma_wait3A_146] : memref<2048x1024xf32, #tpu.memory_space<hbm>> -> memref<16x1024xf32, #tpu.memory_space<hbm>>
    tpu.wait_dma2 semaphore(%arg22 : memref<!tpu.dma_semaphore, #tpu.memory_space<semaphore_mem>>) src(%arg16 : memref<16x1024xf32, #tpu.memory_space<vmem>>) dst(%dma_wait3A_147 : memref<16x1024xf32, #tpu.memory_space<hbm>>)
    %dma_wait3A_148 = arith.constant 0 : i32
    %dma_wait3A_149 = tpu.memref_slice %arg7[%add3A_139, %dma_wait3A_148] : memref<2048x1024xf32, #tpu.memory_space<hbm>> -> memref<16x1024xf32, #tpu.memory_space<hbm>>
    %dma_wait3A_150 = arith.constant 0 : i32
    %dma_wait3A_151 = tpu.memref_slice %arg7[%add3A_139, %dma_wait3A_150] : memref<2048x1024xf32, #tpu.memory_space<hbm>> -> memref<16x1024xf32, #tpu.memory_space<hbm>>
    tpu.wait_dma2 semaphore(%arg23 : memref<!tpu.dma_semaphore, #tpu.memory_space<semaphore_mem>>) src(%arg17 : memref<16x1024xf32, #tpu.memory_space<vmem>>) dst(%dma_wait3A_151 : memref<16x1024xf32, #tpu.memory_space<hbm>>)
    return
  }
}

module attributes {stable_mosaic.version = 14 : i64} {
  func.func @_router_body(%arg0: memref<2048x1024xf32, #tpu.memory_space<vmem>>, %arg1: memref<1x1024xf32, #tpu.memory_space<vmem>>, %arg2: memref<1024x8xf32, #tpu.memory_space<vmem>>, %arg3: memref<1x1024xf32, #tpu.memory_space<vmem>>, %arg4: memref<2064x1024xf32, #tpu.memory_space<vmem>>, %arg5: memref<2048x8xf32, #tpu.memory_space<vmem>>) attributes {dimension_semantics = [], scalar_prefetch = 0 : i64, scratch_operands = 0 : i64, tpu.core_type = #tpu.core_type<tc>} {
    %get3A = arith.constant 0 : index
    %get3A_0 = arith.constant 0 : index
    %get3A_1 = vector.load %arg0[%get3A, %get3A_0] : memref<2048x1024xf32, #tpu.memory_space<vmem>>, vector<2048x1024xf32>
    %mul3A = arith.mulf %get3A_1, %get3A_1 : vector<2048x1024xf32>
    %reduce_sum3A = arith.constant dense<0.000000e+00> : vector<2048xf32>
    %reduce_sum3A_2 = vector.multi_reduction <add>, %mul3A, %reduce_sum3A [1] : vector<2048x1024xf32> to vector<2048xf32>
    %broadcast_in_dim3A = vector.shape_cast %reduce_sum3A_2 : vector<2048xf32> to vector<2048x1xf32>
    %div3A = arith.constant 1.024000e+03 : f32
    %div3A_3 = vector.broadcast %div3A : f32 to vector<2048x1xf32>
    %div3A_4 = arith.divf %broadcast_in_dim3A, %div3A_3 : vector<2048x1xf32>
    %add3A = arith.constant 9.99999997E-7 : f32
    %add3A_5 = vector.broadcast %add3A : f32 to vector<2048x1xf32>
    %add3A_6 = arith.addf %div3A_4, %add3A_5 : vector<2048x1xf32>
    %rsqrt3A = math.rsqrt %add3A_6 : vector<2048x1xf32>
    %mul3A_7 = vector.broadcast %rsqrt3A : vector<2048x1xf32> to vector<2048x1024xf32>
    %mul3A_8 = arith.mulf %get3A_1, %mul3A_7 : vector<2048x1024xf32>
    %get3A_9 = arith.constant 0 : index
    %get3A_10 = arith.constant 0 : index
    %get3A_11 = vector.load %arg3[%get3A_9, %get3A_10] : memref<1x1024xf32, #tpu.memory_space<vmem>>, vector<1x1024xf32>
    %mul3A_12 = vector.broadcast %get3A_11 : vector<1x1024xf32> to vector<2048x1024xf32>
    %mul3A_13 = arith.mulf %mul3A_8, %mul3A_12 : vector<2048x1024xf32>
    %swap3A = arith.constant 0 : index
    %swap3A_14 = arith.constant 0 : index
    %swap3A_15 = vector.load %arg4[%swap3A, %swap3A_14] : memref<2064x1024xf32, #tpu.memory_space<vmem>>, vector<2048x1024xf32>
    tpu.vector_store %arg4[%swap3A, %swap3A_14], %mul3A_13 {strides = array<i32>} : memref<2064x1024xf32, #tpu.memory_space<vmem>>, vector<2048x1024xf32>,
    %broadcast_in_dim3A_16 = arith.constant 0.000000e+00 : f32
    %broadcast_in_dim3A_17 = vector.broadcast %broadcast_in_dim3A_16 : f32 to vector<16x1024xf32>
    %swap3A_18 = arith.constant 2048 : index
    %swap3A_19 = arith.constant 0 : index
    %swap3A_20 = vector.load %arg4[%swap3A_18, %swap3A_19] : memref<2064x1024xf32, #tpu.memory_space<vmem>>, vector<16x1024xf32>
    tpu.vector_store %arg4[%swap3A_18, %swap3A_19], %broadcast_in_dim3A_17 {strides = array<i32>} : memref<2064x1024xf32, #tpu.memory_space<vmem>>, vector<16x1024xf32>,
    %mul3A_21 = arith.constant 3.125000e-02 : f32
    %mul3A_22 = vector.broadcast %mul3A_21 : f32 to vector<2048x1024xf32>
    %mul3A_23 = arith.mulf %mul3A_8, %mul3A_22 : vector<2048x1024xf32>
    %get3A_24 = arith.constant 0 : index
    %get3A_25 = arith.constant 0 : index
    %get3A_26 = vector.load %arg1[%get3A_24, %get3A_25] : memref<1x1024xf32, #tpu.memory_space<vmem>>, vector<1x1024xf32>
    %mul3A_27 = vector.broadcast %get3A_26 : vector<1x1024xf32> to vector<2048x1024xf32>
    %mul3A_28 = arith.mulf %mul3A_23, %mul3A_27 : vector<2048x1024xf32>
    %get3A_29 = arith.constant 0 : index
    %get3A_30 = arith.constant 0 : index
    %get3A_31 = vector.load %arg2[%get3A_29, %get3A_30] : memref<1024x8xf32, #tpu.memory_space<vmem>>, vector<1024x8xf32>
    %dot_general3A = arith.constant dense<0.000000e+00> : vector<2048x8xf32>
    %dot_general3A_32 = tpu.matmul %mul3A_28, %get3A_31, %dot_general3A {dimension_numbers = #tpu.dot_dimension_numbers<[1], [0], [0], [1], [0, 0, 1, 1], [], []>, transpose_lhs_hint = false} : vector<2048x1024xf32>, vector<1024x8xf32>, vector<2048x8xf32> -> vector<2048x8xf32>
    %broadcast_in_dim3A_33 = arith.constant -1.000000e+30 : f32
    %broadcast_in_dim3A_34 = vector.broadcast %broadcast_in_dim3A_33 : f32 to vector<2048x120xf32>
    %concatenate3A = tpu.concatenate %dot_general3A_32, %broadcast_in_dim3A_34 in 1 : vector<2048x8xf32>, vector<2048x120xf32> -> vector<2048x128xf32>
    %iota3A = tpu.iota {dimensions = array<i32: 1>} : vector<2048x128xi32>
    %reduce_max3A = arith.constant dense<0xFF800000> : vector<2048xf32>
    %reduce_max3A_35 = vector.multi_reduction <maximumf>, %concatenate3A, %reduce_max3A [1] : vector<2048x128xf32> to vector<2048xf32>
    %broadcast_in_dim3A_36 = vector.shape_cast %reduce_max3A_35 : vector<2048xf32> to vector<2048x1xf32>
    %sub3A = vector.broadcast %broadcast_in_dim3A_36 : vector<2048x1xf32> to vector<2048x128xf32>
    %sub3A_37 = arith.subf %concatenate3A, %sub3A : vector<2048x128xf32>
    %exp3A = math.exp %sub3A_37 : vector<2048x128xf32>
    %reduce_sum3A_38 = arith.constant dense<0.000000e+00> : vector<2048xf32>
    %reduce_sum3A_39 = vector.multi_reduction <add>, %exp3A, %reduce_sum3A_38 [1] : vector<2048x128xf32> to vector<2048xf32>
    %broadcast_in_dim3A_40 = vector.shape_cast %reduce_sum3A_39 : vector<2048xf32> to vector<2048x1xf32>
    %div3A_41 = vector.broadcast %broadcast_in_dim3A_40 : vector<2048x1xf32> to vector<2048x128xf32>
    %div3A_42 = arith.divf %exp3A, %div3A_41 : vector<2048x128xf32>
    %reduce_max3A_43 = arith.constant dense<0xFF800000> : vector<2048xf32>
    %reduce_max3A_44 = vector.multi_reduction <maximumf>, %div3A_42, %reduce_max3A_43 [1] : vector<2048x128xf32> to vector<2048xf32>
    %broadcast_in_dim3A_45 = vector.shape_cast %reduce_max3A_44 : vector<2048xf32> to vector<2048x1xf32>
    %ge3A = vector.broadcast %broadcast_in_dim3A_45 : vector<2048x1xf32> to vector<2048x128xf32>
    %ge3A_46 = arith.cmpf oge, %div3A_42, %ge3A : vector<2048x128xf32>
    %jit3A = arith.constant 128 : i32
    %broadcast_in_dim3A_47 = vector.broadcast %jit3A : i32 to vector<2048x128xi32>
    %select_n3A = arith.select %ge3A_46, %iota3A, %broadcast_in_dim3A_47 : vector<2048x128xi1>, vector<2048x128xi32>
    %reduce_min3A = arith.constant dense<2147483647> : vector<2048xi32>
    %reduce_min3A_48 = vector.multi_reduction <minsi>, %select_n3A, %reduce_min3A [1] : vector<2048x128xi32> to vector<2048xi32>
    %broadcast_in_dim3A_49 = vector.shape_cast %reduce_min3A_48 : vector<2048xi32> to vector<2048x1xi32>
    %eq3A = vector.broadcast %broadcast_in_dim3A_49 : vector<2048x1xi32> to vector<2048x128xi32>
    %eq3A_50 = arith.cmpi eq, %iota3A, %eq3A : vector<2048x128xi32>
    %jit3A_51 = arith.constant -1.000000e+00 : f32
    %broadcast_in_dim3A_52 = vector.broadcast %jit3A_51 : f32 to vector<2048x128xf32>
    %select_n3A_53 = arith.select %eq3A_50, %broadcast_in_dim3A_52, %div3A_42 : vector<2048x128xi1>, vector<2048x128xf32>
    %reduce_max3A_54 = arith.constant dense<0xFF800000> : vector<2048xf32>
    %reduce_max3A_55 = vector.multi_reduction <maximumf>, %select_n3A_53, %reduce_max3A_54 [1] : vector<2048x128xf32> to vector<2048xf32>
    %broadcast_in_dim3A_56 = vector.shape_cast %reduce_max3A_55 : vector<2048xf32> to vector<2048x1xf32>
    %ge3A_57 = vector.broadcast %broadcast_in_dim3A_56 : vector<2048x1xf32> to vector<2048x128xf32>
    %ge3A_58 = arith.cmpf oge, %select_n3A_53, %ge3A_57 : vector<2048x128xf32>
    %jit3A_59 = arith.constant 128 : i32
    %broadcast_in_dim3A_60 = vector.broadcast %jit3A_59 : i32 to vector<2048x128xi32>
    %select_n3A_61 = arith.select %ge3A_58, %iota3A, %broadcast_in_dim3A_60 : vector<2048x128xi1>, vector<2048x128xi32>
    %reduce_min3A_62 = arith.constant dense<2147483647> : vector<2048xi32>
    %reduce_min3A_63 = vector.multi_reduction <minsi>, %select_n3A_61, %reduce_min3A_62 [1] : vector<2048x128xi32> to vector<2048xi32>
    %broadcast_in_dim3A_64 = vector.shape_cast %reduce_min3A_63 : vector<2048xi32> to vector<2048x1xi32>
    %add3A_65 = arith.addf %broadcast_in_dim3A_45, %broadcast_in_dim3A_56 : vector<2048x1xf32>
    %max3A = arith.constant 9.99999968E-21 : f32
    %max3A_66 = vector.broadcast %max3A : f32 to vector<2048x1xf32>
    %max3A_67 = arith.maximumf %add3A_65, %max3A_66 : vector<2048x1xf32>
    %div3A_68 = arith.divf %broadcast_in_dim3A_45, %max3A_67 : vector<2048x1xf32>
    %div3A_69 = arith.divf %broadcast_in_dim3A_56, %max3A_67 : vector<2048x1xf32>
    %eq3A_70 = vector.broadcast %broadcast_in_dim3A_49 : vector<2048x1xi32> to vector<2048x128xi32>
    %eq3A_71 = arith.cmpi eq, %iota3A, %eq3A_70 : vector<2048x128xi32>
    %convert_element_type3A = arith.extui %eq3A_71 : vector<2048x128xi1> to vector<2048x128xi32>
    %convert_element_type3A_72 = arith.sitofp %convert_element_type3A : vector<2048x128xi32> to vector<2048x128xf32>
    %eq3A_73 = vector.broadcast %broadcast_in_dim3A_64 : vector<2048x1xi32> to vector<2048x128xi32>
    %eq3A_74 = arith.cmpi eq, %iota3A, %eq3A_73 : vector<2048x128xi32>
    %convert_element_type3A_75 = arith.extui %eq3A_74 : vector<2048x128xi1> to vector<2048x128xi32>
    %convert_element_type3A_76 = arith.sitofp %convert_element_type3A_75 : vector<2048x128xi32> to vector<2048x128xf32>
    %add3A_77 = arith.addf %convert_element_type3A_72, %convert_element_type3A_76 : vector<2048x128xf32>
    %broadcast_in_dim3A_78 = arith.constant 0.000000e+00 : f32
    %broadcast_in_dim3A_79 = vector.broadcast %broadcast_in_dim3A_78 : f32 to vector<1x128xf32>
    %slice3A = vector.extract_strided_slice %add3A_77 {offsets = [0, 0], sizes = [2047, 128], strides = [1, 1]} : vector<2048x128xf32> to vector<2047x128xf32>
    %concatenate3A_80 = tpu.concatenate %broadcast_in_dim3A_79, %slice3A in 0 : vector<1x128xf32>, vector<2047x128xf32> -> vector<2048x128xf32>
    %add3A_81 = arith.addf %add3A_77, %concatenate3A_80 : vector<2048x128xf32>
    %broadcast_in_dim3A_82 = arith.constant 0.000000e+00 : f32
    %broadcast_in_dim3A_83 = vector.broadcast %broadcast_in_dim3A_82 : f32 to vector<2x128xf32>
    %slice3A_84 = vector.extract_strided_slice %add3A_81 {offsets = [0, 0], sizes = [2046, 128], strides = [1, 1]} : vector<2048x128xf32> to vector<2046x128xf32>
    %concatenate3A_85 = tpu.concatenate %broadcast_in_dim3A_83, %slice3A_84 in 0 : vector<2x128xf32>, vector<2046x128xf32> -> vector<2048x128xf32>
    %add3A_86 = arith.addf %add3A_81, %concatenate3A_85 : vector<2048x128xf32>
    %broadcast_in_dim3A_87 = arith.constant 0.000000e+00 : f32
    %broadcast_in_dim3A_88 = vector.broadcast %broadcast_in_dim3A_87 : f32 to vector<4x128xf32>
    %slice3A_89 = vector.extract_strided_slice %add3A_86 {offsets = [0, 0], sizes = [2044, 128], strides = [1, 1]} : vector<2048x128xf32> to vector<2044x128xf32>
    %concatenate3A_90 = tpu.concatenate %broadcast_in_dim3A_88, %slice3A_89 in 0 : vector<4x128xf32>, vector<2044x128xf32> -> vector<2048x128xf32>
    %add3A_91 = arith.addf %add3A_86, %concatenate3A_90 : vector<2048x128xf32>
    %broadcast_in_dim3A_92 = arith.constant 0.000000e+00 : f32
    %broadcast_in_dim3A_93 = vector.broadcast %broadcast_in_dim3A_92 : f32 to vector<8x128xf32>
    %slice3A_94 = vector.extract_strided_slice %add3A_91 {offsets = [0, 0], sizes = [2040, 128], strides = [1, 1]} : vector<2048x128xf32> to vector<2040x128xf32>
    %concatenate3A_95 = tpu.concatenate %broadcast_in_dim3A_93, %slice3A_94 in 0 : vector<8x128xf32>, vector<2040x128xf32> -> vector<2048x128xf32>
    %add3A_96 = arith.addf %add3A_91, %concatenate3A_95 : vector<2048x128xf32>
    %broadcast_in_dim3A_97 = arith.constant 0.000000e+00 : f32
    %broadcast_in_dim3A_98 = vector.broadcast %broadcast_in_dim3A_97 : f32 to vector<16x128xf32>
    %slice3A_99 = vector.extract_strided_slice %add3A_96 {offsets = [0, 0], sizes = [2032, 128], strides = [1, 1]} : vector<2048x128xf32> to vector<2032x128xf32>
    %concatenate3A_100 = tpu.concatenate %broadcast_in_dim3A_98, %slice3A_99 in 0 : vector<16x128xf32>, vector<2032x128xf32> -> vector<2048x128xf32>
    %add3A_101 = arith.addf %add3A_96, %concatenate3A_100 : vector<2048x128xf32>
    %broadcast_in_dim3A_102 = arith.constant 0.000000e+00 : f32
    %broadcast_in_dim3A_103 = vector.broadcast %broadcast_in_dim3A_102 : f32 to vector<32x128xf32>
    %slice3A_104 = vector.extract_strided_slice %add3A_101 {offsets = [0, 0], sizes = [2016, 128], strides = [1, 1]} : vector<2048x128xf32> to vector<2016x128xf32>
    %concatenate3A_105 = tpu.concatenate %broadcast_in_dim3A_103, %slice3A_104 in 0 : vector<32x128xf32>, vector<2016x128xf32> -> vector<2048x128xf32>
    %add3A_106 = arith.addf %add3A_101, %concatenate3A_105 : vector<2048x128xf32>
    %broadcast_in_dim3A_107 = arith.constant 0.000000e+00 : f32
    %broadcast_in_dim3A_108 = vector.broadcast %broadcast_in_dim3A_107 : f32 to vector<64x128xf32>
    %slice3A_109 = vector.extract_strided_slice %add3A_106 {offsets = [0, 0], sizes = [1984, 128], strides = [1, 1]} : vector<2048x128xf32> to vector<1984x128xf32>
    %concatenate3A_110 = tpu.concatenate %broadcast_in_dim3A_108, %slice3A_109 in 0 : vector<64x128xf32>, vector<1984x128xf32> -> vector<2048x128xf32>
    %add3A_111 = arith.addf %add3A_106, %concatenate3A_110 : vector<2048x128xf32>
    %broadcast_in_dim3A_112 = arith.constant 0.000000e+00 : f32
    %broadcast_in_dim3A_113 = vector.broadcast %broadcast_in_dim3A_112 : f32 to vector<128x128xf32>
    %slice3A_114 = vector.extract_strided_slice %add3A_111 {offsets = [0, 0], sizes = [1920, 128], strides = [1, 1]} : vector<2048x128xf32> to vector<1920x128xf32>
    %concatenate3A_115 = tpu.concatenate %broadcast_in_dim3A_113, %slice3A_114 in 0 : vector<128x128xf32>, vector<1920x128xf32> -> vector<2048x128xf32>
    %add3A_116 = arith.addf %add3A_111, %concatenate3A_115 : vector<2048x128xf32>
    %broadcast_in_dim3A_117 = arith.constant 0.000000e+00 : f32
    %broadcast_in_dim3A_118 = vector.broadcast %broadcast_in_dim3A_117 : f32 to vector<256x128xf32>
    %slice3A_119 = vector.extract_strided_slice %add3A_116 {offsets = [0, 0], sizes = [1792, 128], strides = [1, 1]} : vector<2048x128xf32> to vector<1792x128xf32>
    %concatenate3A_120 = tpu.concatenate %broadcast_in_dim3A_118, %slice3A_119 in 0 : vector<256x128xf32>, vector<1792x128xf32> -> vector<2048x128xf32>
    %add3A_121 = arith.addf %add3A_116, %concatenate3A_120 : vector<2048x128xf32>
    %broadcast_in_dim3A_122 = arith.constant 0.000000e+00 : f32
    %broadcast_in_dim3A_123 = vector.broadcast %broadcast_in_dim3A_122 : f32 to vector<512x128xf32>
    %slice3A_124 = vector.extract_strided_slice %add3A_121 {offsets = [0, 0], sizes = [1536, 128], strides = [1, 1]} : vector<2048x128xf32> to vector<1536x128xf32>
    %concatenate3A_125 = tpu.concatenate %broadcast_in_dim3A_123, %slice3A_124 in 0 : vector<512x128xf32>, vector<1536x128xf32> -> vector<2048x128xf32>
    %add3A_126 = arith.addf %add3A_121, %concatenate3A_125 : vector<2048x128xf32>
    %broadcast_in_dim3A_127 = arith.constant 0.000000e+00 : f32
    %broadcast_in_dim3A_128 = vector.broadcast %broadcast_in_dim3A_127 : f32 to vector<1024x128xf32>
    %slice3A_129 = vector.extract_strided_slice %add3A_126 {offsets = [0, 0], sizes = [1024, 128], strides = [1, 1]} : vector<2048x128xf32> to vector<1024x128xf32>
    %concatenate3A_130 = tpu.concatenate %broadcast_in_dim3A_128, %slice3A_129 in 0 : vector<1024x128xf32>, vector<1024x128xf32> -> vector<2048x128xf32>
    %add3A_131 = arith.addf %add3A_126, %concatenate3A_130 : vector<2048x128xf32>
    %sub3A_132 = arith.subf %add3A_131, %add3A_77 : vector<2048x128xf32>
    %eq3A_133 = vector.broadcast %broadcast_in_dim3A_49 : vector<2048x1xi32> to vector<2048x128xi32>
    %eq3A_134 = arith.cmpi eq, %iota3A, %eq3A_133 : vector<2048x128xi32>
    %jit3A_135 = arith.constant 0.000000e+00 : f32
    %broadcast_in_dim3A_136 = vector.broadcast %jit3A_135 : f32 to vector<2048x128xf32>
    %select_n3A_137 = arith.select %eq3A_134, %sub3A_132, %broadcast_in_dim3A_136 : vector<2048x128xi1>, vector<2048x128xf32>
    %reduce_sum3A_138 = arith.constant dense<0.000000e+00> : vector<2048xf32>
    %reduce_sum3A_139 = vector.multi_reduction <add>, %select_n3A_137, %reduce_sum3A_138 [1] : vector<2048x128xf32> to vector<2048xf32>
    %broadcast_in_dim3A_140 = vector.shape_cast %reduce_sum3A_139 : vector<2048xf32> to vector<2048x1xf32>
    %eq3A_141 = vector.broadcast %broadcast_in_dim3A_64 : vector<2048x1xi32> to vector<2048x128xi32>
    %eq3A_142 = arith.cmpi eq, %iota3A, %eq3A_141 : vector<2048x128xi32>
    %jit3A_143 = arith.constant 0.000000e+00 : f32
    %broadcast_in_dim3A_144 = vector.broadcast %jit3A_143 : f32 to vector<2048x128xf32>
    %select_n3A_145 = arith.select %eq3A_142, %sub3A_132, %broadcast_in_dim3A_144 : vector<2048x128xi1>, vector<2048x128xf32>
    %reduce_sum3A_146 = arith.constant dense<0.000000e+00> : vector<2048xf32>
    %reduce_sum3A_147 = vector.multi_reduction <add>, %select_n3A_145, %reduce_sum3A_146 [1] : vector<2048x128xf32> to vector<2048xf32>
    %broadcast_in_dim3A_148 = vector.shape_cast %reduce_sum3A_147 : vector<2048xf32> to vector<2048x1xf32>
    %lt3A = arith.constant 5.120000e+02 : f32
    %lt3A_149 = vector.broadcast %lt3A : f32 to vector<2048x1xf32>
    %lt3A_150 = arith.cmpf olt, %broadcast_in_dim3A_140, %lt3A_149 : vector<2048x1xf32>
    %lt3A_151 = arith.constant 5.120000e+02 : f32
    %lt3A_152 = vector.broadcast %lt3A_151 : f32 to vector<2048x1xf32>
    %lt3A_153 = arith.cmpf olt, %broadcast_in_dim3A_148, %lt3A_152 : vector<2048x1xf32>
    %convert_element_type3A_154 = arith.sitofp %broadcast_in_dim3A_49 : vector<2048x1xi32> to vector<2048x1xf32>
    %convert_element_type3A_155 = arith.sitofp %broadcast_in_dim3A_64 : vector<2048x1xi32> to vector<2048x1xf32>
    %mul3A_156 = arith.constant 5.120000e+02 : f32
    %mul3A_157 = vector.broadcast %mul3A_156 : f32 to vector<2048x1xf32>
    %mul3A_158 = arith.mulf %convert_element_type3A_154, %mul3A_157 : vector<2048x1xf32>
    %add3A_159 = arith.addf %mul3A_158, %broadcast_in_dim3A_140 : vector<2048x1xf32>
    %jit3A_160 = arith.constant 4.096000e+03 : f32
    %broadcast_in_dim3A_161 = vector.broadcast %jit3A_160 : f32 to vector<2048x1xf32>
    %select_n3A_162 = arith.select %lt3A_150, %add3A_159, %broadcast_in_dim3A_161 : vector<2048x1xi1>, vector<2048x1xf32>
    %mul3A_163 = arith.constant 5.120000e+02 : f32
    %mul3A_164 = vector.broadcast %mul3A_163 : f32 to vector<2048x1xf32>
    %mul3A_165 = arith.mulf %convert_element_type3A_155, %mul3A_164 : vector<2048x1xf32>
    %add3A_166 = arith.addf %mul3A_165, %broadcast_in_dim3A_148 : vector<2048x1xf32>
    %jit3A_167 = arith.constant 4.096000e+03 : f32
    %broadcast_in_dim3A_168 = vector.broadcast %jit3A_167 : f32 to vector<2048x1xf32>
    %select_n3A_169 = arith.select %lt3A_153, %add3A_166, %broadcast_in_dim3A_168 : vector<2048x1xi1>, vector<2048x1xf32>
    %mul3A_170 = arith.constant 5.120000e+02 : f32
    %mul3A_171 = vector.broadcast %mul3A_170 : f32 to vector<2048x1xf32>
    %mul3A_172 = arith.mulf %convert_element_type3A_154, %mul3A_171 : vector<2048x1xf32>
    %min3A = arith.constant 5.110000e+02 : f32
    %min3A_173 = vector.broadcast %min3A : f32 to vector<2048x1xf32>
    %min3A_174 = arith.minimumf %broadcast_in_dim3A_140, %min3A_173 : vector<2048x1xf32>
    %add3A_175 = arith.addf %mul3A_172, %min3A_174 : vector<2048x1xf32>
    %mul3A_176 = arith.constant 5.120000e+02 : f32
    %mul3A_177 = vector.broadcast %mul3A_176 : f32 to vector<2048x1xf32>
    %mul3A_178 = arith.mulf %convert_element_type3A_155, %mul3A_177 : vector<2048x1xf32>
    %min3A_179 = arith.constant 5.110000e+02 : f32
    %min3A_180 = vector.broadcast %min3A_179 : f32 to vector<2048x1xf32>
    %min3A_181 = arith.minimumf %broadcast_in_dim3A_148, %min3A_180 : vector<2048x1xf32>
    %add3A_182 = arith.addf %mul3A_178, %min3A_181 : vector<2048x1xf32>
    %jit3A_183 = arith.constant 0.000000e+00 : f32
    %broadcast_in_dim3A_184 = vector.broadcast %jit3A_183 : f32 to vector<2048x1xf32>
    %select_n3A_185 = arith.select %lt3A_150, %div3A_68, %broadcast_in_dim3A_184 : vector<2048x1xi1>, vector<2048x1xf32>
    %jit3A_186 = arith.constant 0.000000e+00 : f32
    %broadcast_in_dim3A_187 = vector.broadcast %jit3A_186 : f32 to vector<2048x1xf32>
    %select_n3A_188 = arith.select %lt3A_153, %div3A_69, %broadcast_in_dim3A_187 : vector<2048x1xi1>, vector<2048x1xf32>
    %iota3A_189 = tpu.iota {dimensions = array<i32: 1>} : vector<2048x8xi32>
    %eq3A_190 = arith.constant 0 : i32
    %eq3A_191 = vector.broadcast %eq3A_190 : i32 to vector<2048x8xi32>
    %eq3A_192 = arith.cmpi eq, %iota3A_189, %eq3A_191 : vector<2048x8xi32>
    %eq3A_193 = arith.constant 1 : i32
    %eq3A_194 = vector.broadcast %eq3A_193 : i32 to vector<2048x8xi32>
    %eq3A_195 = arith.cmpi eq, %iota3A_189, %eq3A_194 : vector<2048x8xi32>
    %eq3A_196 = arith.constant 2 : i32
    %eq3A_197 = vector.broadcast %eq3A_196 : i32 to vector<2048x8xi32>
    %eq3A_198 = arith.cmpi eq, %iota3A_189, %eq3A_197 : vector<2048x8xi32>
    %eq3A_199 = arith.constant 3 : i32
    %eq3A_200 = vector.broadcast %eq3A_199 : i32 to vector<2048x8xi32>
    %eq3A_201 = arith.cmpi eq, %iota3A_189, %eq3A_200 : vector<2048x8xi32>
    %eq3A_202 = arith.constant 4 : i32
    %eq3A_203 = vector.broadcast %eq3A_202 : i32 to vector<2048x8xi32>
    %eq3A_204 = arith.cmpi eq, %iota3A_189, %eq3A_203 : vector<2048x8xi32>
    %eq3A_205 = arith.constant 5 : i32
    %eq3A_206 = vector.broadcast %eq3A_205 : i32 to vector<2048x8xi32>
    %eq3A_207 = arith.cmpi eq, %iota3A_189, %eq3A_206 : vector<2048x8xi32>
    %jit3A_208 = arith.constant 0.000000e+00 : f32
    %broadcast_in_dim3A_209 = vector.shape_cast %select_n3A_188 : vector<2048x1xf32> to vector<2048x1xf32>
    %broadcast_in_dim3A_210 = vector.broadcast %broadcast_in_dim3A_209 : vector<2048x1xf32> to vector<2048x8xf32>
    %broadcast_in_dim3A_211 = vector.broadcast %jit3A_208 : f32 to vector<2048x8xf32>
    %select_n3A_212 = arith.select %eq3A_207, %broadcast_in_dim3A_210, %broadcast_in_dim3A_211 : vector<2048x8xi1>, vector<2048x8xf32>
    %broadcast_in_dim3A_213 = vector.shape_cast %select_n3A_185 : vector<2048x1xf32> to vector<2048x1xf32>
    %broadcast_in_dim3A_214 = vector.broadcast %broadcast_in_dim3A_213 : vector<2048x1xf32> to vector<2048x8xf32>
    %select_n3A_215 = arith.select %eq3A_204, %broadcast_in_dim3A_214, %select_n3A_212 : vector<2048x8xi1>, vector<2048x8xf32>
    %broadcast_in_dim3A_216 = vector.shape_cast %add3A_182 : vector<2048x1xf32> to vector<2048x1xf32>
    %broadcast_in_dim3A_217 = vector.broadcast %broadcast_in_dim3A_216 : vector<2048x1xf32> to vector<2048x8xf32>
    %select_n3A_218 = arith.select %eq3A_201, %broadcast_in_dim3A_217, %select_n3A_215 : vector<2048x8xi1>, vector<2048x8xf32>
    %broadcast_in_dim3A_219 = vector.shape_cast %add3A_175 : vector<2048x1xf32> to vector<2048x1xf32>
    %broadcast_in_dim3A_220 = vector.broadcast %broadcast_in_dim3A_219 : vector<2048x1xf32> to vector<2048x8xf32>
    %select_n3A_221 = arith.select %eq3A_198, %broadcast_in_dim3A_220, %select_n3A_218 : vector<2048x8xi1>, vector<2048x8xf32>
    %broadcast_in_dim3A_222 = vector.shape_cast %select_n3A_169 : vector<2048x1xf32> to vector<2048x1xf32>
    %broadcast_in_dim3A_223 = vector.broadcast %broadcast_in_dim3A_222 : vector<2048x1xf32> to vector<2048x8xf32>
    %select_n3A_224 = arith.select %eq3A_195, %broadcast_in_dim3A_223, %select_n3A_221 : vector<2048x8xi1>, vector<2048x8xf32>
    %broadcast_in_dim3A_225 = vector.shape_cast %select_n3A_162 : vector<2048x1xf32> to vector<2048x1xf32>
    %broadcast_in_dim3A_226 = vector.broadcast %broadcast_in_dim3A_225 : vector<2048x1xf32> to vector<2048x8xf32>
    %select_n3A_227 = arith.select %eq3A_192, %broadcast_in_dim3A_226, %select_n3A_224 : vector<2048x8xi1>, vector<2048x8xf32>
    %swap3A_228 = arith.constant 0 : index
    %swap3A_229 = arith.constant 0 : index
    %swap3A_230 = vector.load %arg5[%swap3A_228, %swap3A_229] : memref<2048x8xf32, #tpu.memory_space<vmem>>, vector<2048x8xf32>
    tpu.vector_store %arg5[%swap3A_228, %swap3A_229], %select_n3A_227 {strides = array<i32>} : memref<2048x8xf32, #tpu.memory_space<vmem>>, vector<2048x8xf32>,
    return
  }
}

module attributes {stable_mosaic.version = 14 : i64} {
  func.func @_ffn_body(%arg0: i32, %arg1: i32, %arg2: memref<1x512x1024xf32, #tpu.memory_space<vmem>>, %arg3: memref<1x1024x1024xf32, #tpu.memory_space<vmem>>, %arg4: memref<1x1024x1024xf32, #tpu.memory_space<vmem>>, %arg5: memref<1x1024x1024xf32, #tpu.memory_space<vmem>>, %arg6: memref<1x512x1024xf32, #tpu.memory_space<vmem>>) attributes {dimension_semantics = [#tpu.dimension_semantics<arbitrary>, #tpu.dimension_semantics<arbitrary>], iteration_bounds = array<i64: 8, 2>, scalar_prefetch = 0 : i64, scratch_operands = 0 : i64, tpu.core_type = #tpu.core_type<tc>, window_params = [{transform_indices = @transform_0, window_bounds = array<i64: 1, 512, 1024>}, {transform_indices = @transform_1, window_bounds = array<i64: 1, 1024, 1024>}, {transform_indices = @transform_2, window_bounds = array<i64: 1, 1024, 1024>}, {transform_indices = @transform_3, window_bounds = array<i64: 1, 1024, 1024>}, {transform_indices = @transform_4, window_bounds = array<i64: 1, 512, 1024>}]} {
    %get3A = arith.constant 0 : index
    %get3A_0 = arith.constant 0 : index
    %get3A_1 = arith.constant 0 : index
    %get3A_2 = vector.load %arg2[%get3A, %get3A_0, %get3A_1] : memref<1x512x1024xf32, #tpu.memory_space<vmem>>, vector<1x512x1024xf32>
    %get3A_3 = vector.shape_cast %get3A_2 : vector<1x512x1024xf32> to vector<512x1024xf32>
    %convert_element_type3A = arith.truncf %get3A_3 : vector<512x1024xf32> to vector<512x1024xbf16>
    %get3A_4 = arith.constant 0 : index
    %get3A_5 = arith.constant 0 : index
    %get3A_6 = arith.constant 0 : index
    %get3A_7 = vector.load %arg3[%get3A_4, %get3A_5, %get3A_6] : memref<1x1024x1024xf32, #tpu.memory_space<vmem>>, vector<1x1024x1024xf32>
    %get3A_8 = vector.shape_cast %get3A_7 : vector<1x1024x1024xf32> to vector<1024x1024xf32>
    %convert_element_type3A_9 = arith.truncf %get3A_8 : vector<1024x1024xf32> to vector<1024x1024xbf16>
    %dot_general3A = arith.constant dense<0.000000e+00> : vector<512x1024xf32>
    %dot_general3A_10 = tpu.matmul %convert_element_type3A, %convert_element_type3A_9, %dot_general3A {dimension_numbers = #tpu.dot_dimension_numbers<[1], [0], [0], [1], [0, 0, 1, 1], [], []>, transpose_lhs_hint = false} : vector<512x1024xbf16>, vector<1024x1024xbf16>, vector<512x1024xf32> -> vector<512x1024xf32>
    %get3A_11 = arith.constant 0 : index
    %get3A_12 = arith.constant 0 : index
    %get3A_13 = arith.constant 0 : index
    %get3A_14 = vector.load %arg4[%get3A_11, %get3A_12, %get3A_13] : memref<1x1024x1024xf32, #tpu.memory_space<vmem>>, vector<1x1024x1024xf32>
    %get3A_15 = vector.shape_cast %get3A_14 : vector<1x1024x1024xf32> to vector<1024x1024xf32>
    %convert_element_type3A_16 = arith.truncf %get3A_15 : vector<1024x1024xf32> to vector<1024x1024xbf16>
    %dot_general3A_17 = arith.constant dense<0.000000e+00> : vector<512x1024xf32>
    %dot_general3A_18 = tpu.matmul %convert_element_type3A, %convert_element_type3A_16, %dot_general3A_17 {dimension_numbers = #tpu.dot_dimension_numbers<[1], [0], [0], [1], [0, 0, 1, 1], [], []>, transpose_lhs_hint = false} : vector<512x1024xbf16>, vector<1024x1024xbf16>, vector<512x1024xf32> -> vector<512x1024xf32>
    %integer_pow3A = arith.mulf %dot_general3A_10, %dot_general3A_10 : vector<512x1024xf32>
    %integer_pow3A_19 = arith.mulf %dot_general3A_10, %integer_pow3A : vector<512x1024xf32>
    %mul3A = arith.constant 4.471500e-02 : f32
    %mul3A_20 = vector.broadcast %mul3A : f32 to vector<512x1024xf32>
    %mul3A_21 = arith.mulf %mul3A_20, %integer_pow3A_19 : vector<512x1024xf32>
    %add3A = arith.addf %dot_general3A_10, %mul3A_21 : vector<512x1024xf32>
    %mul3A_22 = arith.constant 0.797884583 : f32
    %mul3A_23 = vector.broadcast %mul3A_22 : f32 to vector<512x1024xf32>
    %mul3A_24 = arith.mulf %mul3A_23, %add3A : vector<512x1024xf32>
    %tanh3A = math.tanh %mul3A_24 : vector<512x1024xf32>
    %add3A_25 = arith.constant 1.000000e+00 : f32
    %add3A_26 = vector.broadcast %add3A_25 : f32 to vector<512x1024xf32>
    %add3A_27 = arith.addf %add3A_26, %tanh3A : vector<512x1024xf32>
    %mul3A_28 = arith.constant 5.000000e-01 : f32
    %mul3A_29 = vector.broadcast %mul3A_28 : f32 to vector<512x1024xf32>
    %mul3A_30 = arith.mulf %mul3A_29, %add3A_27 : vector<512x1024xf32>
    %mul3A_31 = arith.mulf %dot_general3A_10, %mul3A_30 : vector<512x1024xf32>
    %mul3A_32 = arith.mulf %mul3A_31, %dot_general3A_18 : vector<512x1024xf32>
    %convert_element_type3A_33 = arith.truncf %mul3A_32 : vector<512x1024xf32> to vector<512x1024xbf16>
    %get3A_34 = arith.constant 0 : index
    %get3A_35 = arith.constant 0 : index
    %get3A_36 = arith.constant 0 : index
    %get3A_37 = vector.load %arg5[%get3A_34, %get3A_35, %get3A_36] : memref<1x1024x1024xf32, #tpu.memory_space<vmem>>, vector<1x1024x1024xf32>
    %get3A_38 = vector.shape_cast %get3A_37 : vector<1x1024x1024xf32> to vector<1024x1024xf32>
    %convert_element_type3A_39 = arith.truncf %get3A_38 : vector<1024x1024xf32> to vector<1024x1024xbf16>
    %dot_general3A_40 = arith.constant dense<0.000000e+00> : vector<512x1024xf32>
    %dot_general3A_41 = tpu.matmul %convert_element_type3A_33, %convert_element_type3A_39, %dot_general3A_40 {dimension_numbers = #tpu.dot_dimension_numbers<[1], [0], [0], [1], [0, 0, 1, 1], [], []>, transpose_lhs_hint = false} : vector<512x1024xbf16>, vector<1024x1024xbf16>, vector<512x1024xf32> -> vector<512x1024xf32>
    %eq3A = arith.constant 0 : i32
    %eq3A_42 = arith.cmpi eq, %arg1, %eq3A : i32
    %convert_element_type3A_43 = arith.extui %eq3A_42 : i1 to i32
    %cond3A = arith.constant 0 : i32
    %cond3A_44 = arith.cmpi ne, %convert_element_type3A_43, %cond3A : i32
    scf.if %cond3A_44 {
      %swap3A = arith.constant 0 : index
      %swap3A_49 = arith.constant 0 : index
      %swap3A_50 = arith.constant 0 : index
      %swap3A_51 = vector.load %arg6[%swap3A, %swap3A_49, %swap3A_50] : memref<1x512x1024xf32, #tpu.memory_space<vmem>>, vector<1x512x1024xf32>
      %swap3A_52 = vector.shape_cast %swap3A_51 : vector<1x512x1024xf32> to vector<512x1024xf32>
      %swap3A_53 = vector.shape_cast %dot_general3A_41 : vector<512x1024xf32> to vector<1x512x1024xf32>
      tpu.vector_store %arg6[%swap3A, %swap3A_49, %swap3A_50], %swap3A_53 {strides = array<i32>} : memref<1x512x1024xf32, #tpu.memory_space<vmem>>, vector<1x512x1024xf32>,
    } else {
    }
    %gt3A = arith.constant 0 : i32
    %gt3A_45 = arith.cmpi sgt, %arg1, %gt3A : i32
    %convert_element_type3A_46 = arith.extui %gt3A_45 : i1 to i32
    %cond3A_47 = arith.constant 0 : i32
    %cond3A_48 = arith.cmpi ne, %convert_element_type3A_46, %cond3A_47 : i32
    scf.if %cond3A_48 {
      %get3A_49 = arith.constant 0 : index
      %get3A_50 = arith.constant 0 : index
      %get3A_51 = arith.constant 0 : index
      %get3A_52 = vector.load %arg6[%get3A_49, %get3A_50, %get3A_51] : memref<1x512x1024xf32, #tpu.memory_space<vmem>>, vector<1x512x1024xf32>
      %get3A_53 = vector.shape_cast %get3A_52 : vector<1x512x1024xf32> to vector<512x1024xf32>
      %add3A_54 = arith.addf %get3A_53, %dot_general3A_41 : vector<512x1024xf32>
      %swap3A = arith.constant 0 : index
      %swap3A_55 = arith.constant 0 : index
      %swap3A_56 = arith.constant 0 : index
      %swap3A_57 = vector.load %arg6[%swap3A, %swap3A_55, %swap3A_56] : memref<1x512x1024xf32, #tpu.memory_space<vmem>>, vector<1x512x1024xf32>
      %swap3A_58 = vector.shape_cast %swap3A_57 : vector<1x512x1024xf32> to vector<512x1024xf32>
      %swap3A_59 = vector.shape_cast %add3A_54 : vector<512x1024xf32> to vector<1x512x1024xf32>
      tpu.vector_store %arg6[%swap3A, %swap3A_55, %swap3A_56], %swap3A_59 {strides = array<i32>} : memref<1x512x1024xf32, #tpu.memory_space<vmem>>, vector<1x512x1024xf32>,
    } else {
    }
    return
  }
  func.func @transform_0(%arg0: i32, %arg1: i32) -> (i32, i32, i32) {
    %c0_i32 = arith.constant 0 : i32
    %c0_i32_0 = arith.constant 0 : i32
    %c0_i32_1 = arith.constant 0 : i32
    return %arg0, %c0_i32, %c0_i32_0 : i32, i32, i32
  }
  func.func @transform_1(%arg0: i32, %arg1: i32) -> (i32, i32, i32) {
    %c0_i32 = arith.constant 0 : i32
    %c0_i32_0 = arith.constant 0 : i32
    return %arg0, %c0_i32, %arg1 : i32, i32, i32
  }
  func.func @transform_2(%arg0: i32, %arg1: i32) -> (i32, i32, i32) {
    %c0_i32 = arith.constant 0 : i32
    %c0_i32_0 = arith.constant 0 : i32
    return %arg0, %c0_i32, %arg1 : i32, i32, i32
  }
  func.func @transform_3(%arg0: i32, %arg1: i32) -> (i32, i32, i32) {
    %c0_i32 = arith.constant 0 : i32
    %c0_i32_0 = arith.constant 0 : i32
    return %arg0, %arg1, %c0_i32 : i32, i32, i32
  }
  func.func @transform_4(%arg0: i32, %arg1: i32) -> (i32, i32, i32) {
    %c0_i32 = arith.constant 0 : i32
    %c0_i32_0 = arith.constant 0 : i32
    %c0_i32_1 = arith.constant 0 : i32
    return %arg0, %c0_i32, %c0_i32_0 : i32, i32, i32
  }
}

</mosaic_0001>

<sc_bundles>
// kernel: kernel.6.cloned.1.call-start
scs
__scs_entry_jumppad:
0x0: {  	(pc) =	sbr.rel $0x88, $3  }
0x1: {  	(tag) =	ssettag $0x0;
	lr =	simm.s32 $0x1  }
0x2: {  	[smem:$0x3F9A] =	sst lr;
	_ =	strace $0xD0000000  }
0x3: {  	_ = 	snop  }
0x4: {  	_ = 	snop  }
0x5: {  	_ = 	snop  }
0x6: {  	_ = 	snop  }
0x7: {  	_ = 	snop  }
__scs_overlays_trampoline_lowered:
0x8: {  	[smem:$0x3FA9] =	sst s0  }
0x9: {  	[smem:$0x3FAA] =	sst s1  }
0xa: {  	[smem:$0x3FAB] =	sst s2  }
0xb: {  	[smem:$0x3FAC] =	sst s3  }
0xc: {  	[smem:$0x3FAD] =	sst s4  }
0xd: {  	[smem:$0x3FAE] =	sst s5  }
0xe: {  	[smem:$0x3FAF] =	sst s6  }
0xf: {  	[smem:$0x3FB0] =	sst s7  }
0x10: {  	[smem:$0x3FB1] =	sst s8  }
0x11: {  	[smem:$0x3FB2] =	sst s9;
	s0 =	simm.s32 @!p0 $0x0  }
0x12: {  	s1 =	sld [smem:$0x3F98];
	s0 =	simm.s32 @p0 $0x1  }
0x13: {  	[smem:$0x3FB3] =	sst s0;
	s0 =	simm.s32 @!p1 $0x0  }
0x14: {  	s2 =	sld [smem:$0x3F97];
	s0 =	simm.s32 @p1 $0x1  }
0x15: {  	[smem:$0x3FB4] =	sst s0;
	s0 =	simm.s32 @!p2 $0x0  }
0x16: {  	s3 =	sld [smem:$0x3FDB];
	s0 =	simm.s32 @p2 $0x1  }
0x17: {  	s4 =	simm.s32 $0x1BF5;
	[smem:$0x3FB6] =	sst s0  }
0x18: {  	s0 =	sld [smem:$0x3F99];
	_ =	swait.ge [sflag:s4], $0x0  }
0x19: {  	s7 =	sld [smem:$0x3F9A]  }
0x1a: {  	s8 =	sadd.s32 $0xFFFFE003, lr  }
0x1b: {  	s9 =	sadd.s32 $0xFFFFFEF7, lr;
	s5 =	simm.s32 $0xFFFFFFFF;
	p2 =	slt.u32 s8, $0xFFFFF086  }
0x1c: {  	p1 =	slt.u32 s9, $0xF7A;
	s5 =	simm.s32 @!p2 $0x0  }
0x1d: {  	s5 =	simm.s32 @p1 $0x1;
	p0 =	seq.s32 s7, s2  }
0x1e: {  	s7 =	smul.u32 @!p0 $0xF7A, s2;
	p2 =	seq.s32 @!p0 s5, $0x0  }
0x1f: {  	s9 =	smul.u32 $0xF7A, s1;
	s8 =	simm.s32 @!p0 $0x1BF5;
	p2 =	por !p2, p0  }
0x20: {  	[sflag:s8] =	ssyncset.s32 @!p0 $0xFFFFF086;
	s6 =	sadd.s32 @!p0 s3, s7;
	s7 =	simm.s32 @!p0 $0x108  }
0x21: {  	s3 =	sadd.s32 s3, s9;
	s6 =	sadd.s32 @!p0 $0x88, s6;
	s7 =	simm.s32 @p2 $0x1082  }
0x22: {  	[simem:s7], [sflag:s8] =	dma.local @!p0 [hbm:s6], $0xF7A  }
0x23: {  	s9 =	sor.u32 $0xD0000000, s2;
	s6 =	simm.s32 $0x108;
	_ =	swait.ge @!p0 [sflag:s8], $0x0  }
0x24: {  	s3 =	sadd.s32 $0x88, s3;
	s6 =	simm.s32 @!p1 $0x1082;
	[sflag:s4] =	ssyncset.s32 $0xFFFFF086  }
0x25: {  	[simem:s6], [sflag:s4] =	dma.local [hbm:s3], $0xF7A  }
0x26: {  	[smem:$0x3F9A] =	sst s1;
	(tag) =	ssettag s2;
	_ =	strace s9  }
0x27: {  	s1 =	sld [smem:$0x3FAA]  }
0x28: {  	s2 =	sld [smem:$0x3FAB]  }
0x29: {  	s4 =	sld [smem:$0x3FAD]  }
0x2a: {  	p0 =	seq.s32 s5, $0x0;
	s5 =	sld [smem:$0x3FAE]  }
0x2b: {  	s6 =	sld [smem:$0x3FAF]  }
0x2c: {  	s7 =	sld [smem:$0x3FB0]  }
0x2d: {  	s3 =	simm.s32 $0x108;
	s8 =	sld [smem:$0x3FB1]  }
0x2e: {  	s3 =	simm.s32 @!p0 $0x1082;
	s9 =	sld [smem:$0x3FB2]  }
0x2f: {  	lr =	sadd.s32 s0, s3;
	s0 =	sld [smem:$0x3FA9]  }
0x30: {  	s3 =	sld [smem:$0x3FAC]  }
0x31: {  	[smem:$0x3FB5] =	sst s10  }
0x32: {  	s10 =	sld [smem:$0x3FB3];
	_ =	sdelay $0x3  }
0x33: {  	p0 =	seq.s32 s10, $0x1;
	s10 =	sld [smem:$0x3FB5];
	_ =	sdelay $0x3  }
0x34: {  	[smem:$0x3FB5] =	sst s10  }
0x35: {  	s10 =	sld [smem:$0x3FB4];
	_ =	sdelay $0x3  }
0x36: {  	p1 =	seq.s32 s10, $0x1;
	s10 =	sld [smem:$0x3FB5];
	_ =	sdelay $0x3  }
0x37: {  	[smem:$0x3FB5] =	sst s10  }
0x38: {  	s10 =	sld [smem:$0x3FB6]  }
0x39: {  	_ = 	snop;
	(pc) =	sbr.ind lr, $3  }
0x3a: {  	_ = 	snop  }
0x3b: {  	_ = 	snop  }
0x3c: {  	p2 =	seq.s32 s10, $0x1;
	s10 =	sld [smem:$0x3FB5]  }
0x3d: {  	_ =	shalt  }
0x3e: {  	_ =	shalt  }
0x3f: {  	_ =	shalt  }
0x40: {  	_ =	shalt  }
0x41: {  	_ =	shalt  }
0x42: {  	_ =	shalt  }
0x43: {  	_ =	shalt  }
0x44: {  	_ =	shalt  }
0x45: {  	_ =	shalt  }
0x46: {  	_ =	shalt  }
0x47: {  	_ =	shalt  }
0x48: {  	_ =	shalt  }
0x49: {  	_ =	shalt  }
0x4a: {  	_ =	shalt  }
0x4b: {  	_ =	shalt  }
0x4c: {  	_ =	shalt  }
0x4d: {  	_ =	shalt  }
0x4e: {  	_ =	shalt  }
0x4f: {  	_ =	shalt  }
0x50: {  	_ =	shalt  }
0x51: {  	_ =	shalt  }
0x52: {  	_ =	shalt  }
0x53: {  	_ =	shalt  }
0x54: {  	_ =	shalt  }
0x55: {  	_ =	shalt  }
0x56: {  	_ =	shalt  }
0x57: {  	_ =	shalt  }
0x58: {  	_ =	shalt  }
0x59: {  	_ =	shalt  }
0x5a: {  	_ =	shalt  }
0x5b: {  	_ =	shalt  }
0x5c: {  	_ =	shalt  }
0x5d: {  	_ =	shalt  }
0x5e: {  	_ =	shalt  }
0x5f: {  	_ =	shalt  }
0x60: {  	_ =	shalt  }
0x61: {  	_ =	shalt  }
0x62: {  	_ =	shalt  }
0x63: {  	_ =	shalt  }
0x64: {  	_ =	shalt  }
0x65: {  	_ =	shalt  }
0x66: {  	_ =	shalt  }
0x67: {  	_ =	shalt  }
0x68: {  	_ =	shalt  }
0x69: {  	_ =	shalt  }
0x6a: {  	_ =	shalt  }
0x6b: {  	_ =	shalt  }
0x6c: {  	_ =	shalt  }
0x6d: {  	_ =	shalt  }
0x6e: {  	_ =	shalt  }
0x6f: {  	_ =	shalt  }
0x70: {  	_ =	shalt  }
0x71: {  	_ =	shalt  }
0x72: {  	_ =	shalt  }
0x73: {  	_ =	shalt  }
0x74: {  	_ =	shalt  }
0x75: {  	_ =	shalt  }
0x76: {  	_ =	shalt  }
0x77: {  	_ =	shalt  }
0x78: {  	_ =	shalt  }
0x79: {  	_ =	shalt  }
0x7a: {  	_ =	shalt  }
0x7b: {  	_ =	shalt  }
0x7c: {  	_ =	shalt  }
0x7d: {  	_ =	shalt  }
0x7e: {  	_ =	shalt  }
0x7f: {  	_ =	shalt  }
0x80: {  	_ =	shalt  }
0x81: {  	_ =	shalt  }
0x82: {  	_ =	shalt  }
0x83: {  	_ =	shalt  }
0x84: {  	_ =	shalt  }
0x85: {  	_ =	shalt  }
0x86: {  	_ =	shalt  }
0x87: {  	_ =	shalt  }
.Lfunc_end0:
.L_simem_size_0:
called_computation_lowered:
.L_overlay_start_0:
0x88: {  	s2 =	sld [smem:$0x3FD9]  }
0x89: {  	s3 =	sld [smem:$0x3FFE];
	_ =	sdelay $0x1  }
0x8a: {  	s1 =	srdreg.scid  }
0x8b: {  	s0 =	sand.u32 $0x1, s1  }
0x8c: {  	s17 =	sshll.u32 s0, $0xA;
	s2 =	sadd.s32 s3, s2  }
0x8d: {  	s2 =	sadd.s32 s2, s17  }
0x8e: {  	[smem:$0x3FC1] =	sst s2  }
0x8f: {  	_ = 	snop  }
0x90: {  	s2 =	sld [smem:$0x3FD0];
	(tm) =	ssettm $0x1  }
0x91: {  	s18 =	sld [smem:$0x3FFB];
	_ =	sdelay $0x3  }
0x92: {  	_ =	strace s18  }
0x93: {  	s3 =	sld [smem:$0x3FFC];
	_ =	sdelay $0x3  }
0x94: {  	_ =	strace s3  }
0x95: {  	s3 =	sld [smem:$0x3FFD];
	_ =	sdelay $0x3  }
0x96: {  	_ =	strace s3  }
0x97: {  	_ =	strace $0x8FFFFFFF  }
0x98: {  	s19 =	sld [smem:$0x3FDB];
	_ =	sdelay $0x1  }
0x99: {  	s4 =	simm.s32 $_scs_section_size  }
0x9a: {  	s5 =	simm.s32 $_size__tile_overlayer_lowered;
	s6 =	simm.s32 $_tile_overlayer_lowered  }
0x9b: {  	s22 =	simm.s32 $0x1BFF;
	s21 =	sshll.u32 s6, $0x1;
	s3 =	sadd.s32 s4, s19  }
0x9c: {  	s7 =	simm.s32 $0x0;
	s20 =	sshll.u32 s5, $0x1;
	s5 =	sadd.s32 s21, s3  }
0x9d: {  	[timem:s7], [sflag:s22] =	dma.local [hbm:s5], s20  }
0x9e: {  	_ =	swait.ge [sflag:s22], s20  }
0x9f: {  	s4 =	ssub.s32 $0x0, s20;
	[sflag:s22] =	ssyncset.done $0x0  }
0xa0: {  	[sflag:s22] =	ssyncadd.s32 s4;
	_ =	sdelay $0x1  }
0xa1: {  	s23 =	simm.s32 $0x1B8B  }
0xa2: {  	_ =	swait.ge [sflag:s23], $0x1  }
0xa3: {  	[sflag:s23] =	ssyncset.done $0x0  }
0xa4: {  	s25 =	simm.s32 $0x1B8E;
	s24 =	sld [smem:$0x3FFE];
	[sflag:s23] =	ssyncadd.s32 $0xFFFFFFFF  }
0xa5: {  	s26 =	simm.s32 $execute0_lowered;
	[smem:$0x3FD2] =	sst s25  }
0xa6: {  	s5 =	sshll.u32 s26, $0x1;
	_ =	strace $0x80000046;
	[dreg:$0x1] =	wrdreg $0xFFFFFFFF  }
0xa7: {  	s28 =	simm.s32 $_size_execute0_lowered;
	s3 =	sadd.s32 s3, s5;
	[dreg:$0x0] =	wrdreg $0x0  }
0xa8: {  	s5 =	sshll.u32 s28, $0x1;
	[dreg:$0x2] =	wrdreg s3  }
0xa9: {  	[dreg:$0x3] =	wrdreg s5  }
0xaa: {  	[dreg:$0x4] =	wrdreg $0xC0  }
0xab: {  	_ =	task [dreg:s7], $0x5FFFF  }
0xac: {  	[dreg:$0x1] =	wrdreg $0xFFFFFFFF  }
0xad: {  	[dreg:$0x0] =	wrdreg $0x60  }
0xae: {  	[dreg:$0x2] =	wrdreg s24  }
0xaf: {  	[dreg:$0x3] =	wrdreg s2  }
0xb0: {  	[dreg:$0x4] =	wrdreg $0x9  }
0xb1: {  	_ =	task.clear_ibuf [dreg:s7], $0x5FFFF;
	_ =	strace $0x90000046  }
0xb2: {  	s29 =	simm.s32 $0x9;
	_ =	strace $0x80000048  }
0xb3: {  	_ =	swait.ge [sflag:s29], $0x1  }
0xb4: {  	[sflag:s29] =	ssyncadd.s32 $0xFFFFFFFF  }
0xb5: {  	_ =	strace $0x90000048  }
0xb6: {  	_ =	sfence  }
0xb7: {  	s30 =	sld [smem:$0x0];
	_ =	sdelay $0x2  }
0xb8: {  	s31 =	sshll.u32 s1, $0xD;
	s1 =	sshrl.u32 s1, $0x2  }
0xb9: {  	s3 =	sand.u32 $0x4000, s31;
	s1 =	sadd.s32 s1, s30  }
0xba: {  	s0 =	sor.u32 s3, s0;
	s1 =	sshll.u32 s1, $0x11  }
0xbb: {  	s0 =	sor.u32 s1, s0  }
0xbc: {  	s0 =	sadd.s32 $0x8F2B, s0  }
0xbd: {  	[sflag:s0] =	ssyncadd.remote.s32 $0x1  }
0xbe: {  	_ =	sfence.sel $0xFFFF  }
0xbf: {  	[dreg:$0x0] =	wrdreg $0xFFFFFFFF;
	(pc) =	sbr.abs _section_cstart, $3  }
0xc0: {  	[dreg:$0x1] =	wrdreg $0xFFFFFFFF  }
0xc1: {  	_ =	task.clear_ibuf [dreg:s7], $0x2FFFF;
	_ =	strace $0x9FFFFFFF  }
0xc2: {  	(tm) =	ssettm $0x7FFFFFFF  }
0xc3: {  	_ =	shalt  }
tec
execute0_lowered:
.L_overlay_start_1:
0x0: {  	(tag) =	ssettag $0x1  }
0x1: {  	s1 =	rddreg [dreg:$0x0];
	s3 =	simm.s32 $0x0  }
0x2: {  	s0 =	srdreg.scid;
	s5 =	stileid.u32;
	s18 =	simm.s32 $0x7  }
0x3: {  	s19 =	simm.s32 $0x1000;
	s20 =	simm.s32 $0x2000;
	s16 =	simm.s32 $0x1  }
0x4: {  	s21 =	simm.s32 $0x4;
	s30 =	simm.s32 $0x3800;
	s31 =	simm.s32 $0x4000  }
0x5: {  	s14 =	simm.s32 $0x7000;
	s15 =	simm.s32 $0x7800;
	s17 =	simm.s32 $0x8000  }
0x6: {  	s9 =	simm.s32 $0x12000;
	[smem:$0x7FF] =	sst s3;
	s0 =	sand.u32 $0x1, s0  }
0x7: {  	s2 =	sadd.s32 $0x40800, s1;
	s5 =	sshll.u32 s5, $0x8;
	s13 =	sadd.s32 $0x40E00, s1  }
0x8: {  	s10 =	sadd.s32 $0x100, s1;
	s11 =	sadd.s32 $0x200, s1;
	s12 =	sadd.s32 $0x300, s1  }
0x9: {  	_ =	strace $0x80000047;
	s22 =	ssub.s32 $0x2, s0;
	s0 =	sshll.u32 s0, $0x7  }
0xa: {  	[dreg:$0x3] =	wrdreg s2;
	s4 =	sshrl.u32 s22, $0x1;
	s6 =	sor.u32 s0, s5  }
0xb: {  	s2 =	ssub.s32 s22, s4;
	s23 =	sor.u32 $0x20, s6;
	s5 =	sor.u32 $0x40, s6  }
0xc: {  	s7 =	sor.u32 $0x60, s6;
	s0 =	sshll.u32 s6, $0x7;
	s4 =	simm.s32 $0x5000  }
0xd: {  	s22 =	simm.s32 $0x8800;
	s0 =	sadd.s32 s13, s0;
	[dreg:$0x9] =	wrdreg s23  }
0xe: {  	s24 =	sshll.u32 s23, $0x7;
	[dreg:$0xa] =	wrdreg s5;
	s25 =	sshll.u32 s5, $0x7  }
0xf: {  	[dreg:$0xb] =	wrdreg s7;
	s26 =	sshll.u32 s7, $0x7;
	s29 =	smax.u32 s2, $0x1  }
0x10: {  	s2 =	simm.s32 $0x5800;
	s5 =	simm.s32 $0x6000;
	[dreg:$0x4] =	wrdreg s0  }
0x11: {  	s23 =	simm.s32 $0x9000;
	s0 =	sadd.s32 s13, s24;
	[dreg:$0x8] =	wrdreg s29  }
0x12: {  	v0 =	vlaneseq.u32;
	s7 =	simm.s32 $0xA000;
	s28 =	sadd.s32 s13, s26;
	[dreg:$0x5] =	wrdreg s0  }
0x13: {  	v1 =	vimm.s32 $0x800;
	vm0 =	vmmov $0xffff;
	v3 =	vshrl.u32 v0, $0x3;
	s24 =	simm.s32 $0x9800;
	s0 =	sadd.s32 s13, s25;
	[dreg:$0x7] =	wrdreg s28  }
0x14: {  	v2 =	vand.u32 $0x7, v0;
	v4 =	vor.u32 $0x8, v0;
	v3 =	vmul.u32 $0x8, v3;
	s25 =	simm.s32 $0x0;
	s13 =	simm.s32 $0x6800;
	[dreg:$0x6] =	wrdreg s0  }
.LBB2_1:
0x15: {  	s26 =	rddreg [dreg:$0x3]  }
0x16: {  	[tilespmem:s3], [sflag:$0x7] =	stream.linear.gather [hbm4b:s26+s3], $0x800, $0x38;
	[tilespmem:$0x1A000] =	vst v63  }
0x17: {  	_ =	swait.ge [sflag:s18], $0x800  }
0x18: {  	[sflag:s18] =	ssyncset.done $0x0  }
0x19: {  	[sflag:s18] =	ssyncadd.s32 $0xFFFFF800  }
0x1a: {  	s26 =	simm.s32 $0x800;
	s28 =	rddreg [dreg:$0x1]  }
0x1b: {  	[tilespmem:s26], [sflag:$0x7] =	stream.linear.gather [hbm4b:s28+s3], $0x800, $0x38;
	[tilespmem:$0x1A000] =	vst v63  }
0x1c: {  	_ =	swait.ge [sflag:s18], $0x800  }
0x1d: {  	[sflag:s18] =	ssyncset.done $0x0  }
0x1e: {  	[sflag:s18] =	ssyncadd.s32 $0xFFFFF800  }
0x1f: {  	[tilespmem:s6+$0x1000] =	vst v1  }
0x20: {  	[tilespmem:s6+$0x1010] =	vst v1  }
0x21: {  	[tilespmem:s6+$0x1020] =	vst v1  }
0x22: {  	[tilespmem:s6+$0x1030] =	vst v1  }
0x23: {  	[tilespmem:s6+$0x1040] =	vst v1  }
0x24: {  	[tilespmem:s6+$0x1050] =	vst v1  }
0x25: {  	[tilespmem:s6+$0x1060] =	vst v1  }
0x26: {  	s29 =	simm.s32 $0x0;
	s28 =	simm.s32 $0x0;
	[tilespmem:s6+$0x1070] =	vst v1  }
.LBB2_2:
0x27: {  	v5 =	vld [tilespmem:s28+$0x0];
	_ =	sdelay $0x4  }
0x28: {  	vm1 =	vlt.s32 v5, $0x1000;
	_ =	sdelay $0x4  }
0x29: {  	v6 =	vor.u32 s29, v0  }
0x2a: {  	[tilespmem:v5+s19+$0x0] =	vst.idx.msk vm1, v6  }
0x2b: {  	v5 =	vld [tilespmem:s26+$0x0];
	_ =	sdelay $0x4  }
0x2c: {  	vm1 =	vlt.s32 v5, $0x1000  }
0x2d: {  	p0 =	sne.s32 s29, $0x7F0  }
.Ltmp0:
0x2e: {  	_ = 	snop;
	(pc) =	sbr.rel @p0 .LBB2_2-.Ltmp0, $2  }
0x2f: {  	_ =	sdelay $0x2  }
0x30: {  	s28 =	sadd.s32 $0x10, s28;
	s29 =	sadd.s32 $0x10, s29;
	s26 =	sadd.s32 $0x10, s26;
	[tilespmem:v5+s19+$0x0] =	vst.idx.msk vm1, v6  }
0x31: {  	v5 =	vld [tilespmem:s6+$0x1000];
	_ =	sdelay $0x4  }
0x32: {  	v6 =	vshll.u32 v5, $0x3  }
0x33: {  	v5 =	vand.u32 $0x7, v5;
	v6 =	vand.u32 $0xFFFFFFC0, v6  }
0x34: {  	v5 =	vor.u32 v5, v6  }
0x35: {  	v6 =	vperm.xlane v5, v2;
	_ =	sdelay $0x1  }
0x36: {  	v6 =	vadd.s32 v3, v6;
	_ =	sdelay $0x4  }
0x37: {  	[tilespmem:s20], [sflag:$0x1] =	stream.indirect_vreg.gather [hbm4b:s1+s3], $0x80, v6, vm0, $0xb8;
	[tilespmem:$0x1A000] =	vst v63  }
0x38: {  	s28 =	simm.s32 $0x2800;
	v5 =	vperm.xlane v5, v4  }
0x39: {  	[tilespmem:s28], [sflag:$0x1] =	stream.indirect_vreg.gather [hbm4b:s10+s3], $0x80, v6, vm0, $0xb8;
	[tilespmem:$0x1A000] =	vst v63  }
0x3a: {  	s29 =	simm.s32 $0x3000;
	v5 =	vadd.s32 v3, v5  }
0x3b: {  	[tilespmem:s29], [sflag:$0x1] =	stream.indirect_vreg.gather [hbm4b:s11+s3], $0x80, v6, vm0, $0xb8;
	[tilespmem:$0x1A000] =	vst v63  }
0x3c: {  	_ = 	snop  }
0x3d: {  	[tilespmem:s30], [sflag:$0x1] =	stream.indirect_vreg.gather [hbm4b:s12+s3], $0x80, v6, vm0, $0xb8;
	[tilespmem:$0x1A000] =	vst v63  }
0x3e: {  	_ = 	snop  }
0x3f: {  	[tilespmem:s31], [sflag:$0x1] =	stream.indirect_vreg.gather [hbm4b:s1+s3], $0x80, v5, vm0, $0xb8;
	[tilespmem:$0x1A000] =	vst v63  }
0x40: {  	s0 =	simm.s32 $0x4800  }
0x41: {  	[tilespmem:s0], [sflag:$0x1] =	stream.indirect_vreg.gather [hbm4b:s10+s3], $0x80, v5, vm0, $0xb8;
	[tilespmem:$0x1A000] =	vst v63  }
0x42: {  	_ = 	snop  }
0x43: {  	[tilespmem:s4], [sflag:$0x1] =	stream.indirect_vreg.gather [hbm4b:s11+s3], $0x80, v5, vm0, $0xb8;
	[tilespmem:$0x1A000] =	vst v63  }
0x44: {  	_ = 	snop  }
0x45: {  	[tilespmem:s2], [sflag:$0x1] =	stream.indirect_vreg.gather [hbm4b:s12+s3], $0x80, v5, vm0, $0xb8;
	[tilespmem:$0x1A000] =	vst v63  }
0x46: {  	v5 =	vld [tilespmem:s6+$0x1010];
	_ =	sdelay $0x4  }
0x47: {  	v6 =	vshll.u32 v5, $0x3  }
0x48: {  	v5 =	vand.u32 $0x7, v5;
	v6 =	vand.u32 $0xFFFFFFC0, v6  }
0x49: {  	v5 =	vor.u32 v5, v6  }
0x4a: {  	v6 =	vperm.xlane v5, v2;
	_ =	sdelay $0x1  }
0x4b: {  	v6 =	vadd.s32 v3, v6;
	_ =	sdelay $0x4  }
0x4c: {  	[tilespmem:s5], [sflag:$0x1] =	stream.indirect_vreg.gather [hbm4b:s1+s3], $0x80, v6, vm0, $0xb8;
	[tilespmem:$0x1A000] =	vst v63  }
0x4d: {  	v5 =	vperm.xlane v5, v4  }
0x4e: {  	[tilespmem:s13], [sflag:$0x1] =	stream.indirect_vreg.gather [hbm4b:s10+s3], $0x80, v6, vm0, $0xb8;
	[tilespmem:$0x1A000] =	vst v63  }
0x4f: {  	v5 =	vadd.s32 v3, v5  }
0x50: {  	[tilespmem:s14], [sflag:$0x1] =	stream.indirect_vreg.gather [hbm4b:s11+s3], $0x80, v6, vm0, $0xb8;
	[tilespmem:$0x1A000] =	vst v63  }
0x51: {  	_ = 	snop  }
0x52: {  	[tilespmem:s15], [sflag:$0x1] =	stream.indirect_vreg.gather [hbm4b:s12+s3], $0x80, v6, vm0, $0xb8;
	[tilespmem:$0x1A000] =	vst v63  }
0x53: {  	_ = 	snop  }
0x54: {  	[tilespmem:s17], [sflag:$0x1] =	stream.indirect_vreg.gather [hbm4b:s1+s3], $0x80, v5, vm0, $0xb8;
	[tilespmem:$0x1A000] =	vst v63  }
0x55: {  	_ = 	snop  }
0x56: {  	[tilespmem:s22], [sflag:$0x1] =	stream.indirect_vreg.gather [hbm4b:s10+s3], $0x80, v5, vm0, $0xb8;
	[tilespmem:$0x1A000] =	vst v63  }
0x57: {  	_ = 	snop  }
0x58: {  	[tilespmem:s23], [sflag:$0x1] =	stream.indirect_vreg.gather [hbm4b:s11+s3], $0x80, v5, vm0, $0xb8;
	[tilespmem:$0x1A000] =	vst v63  }
0x59: {  	s26 =	rddreg [dreg:$0x9]  }
0x5a: {  	[tilespmem:s24], [sflag:$0x1] =	stream.indirect_vreg.gather [hbm4b:s12+s3], $0x80, v5, vm0, $0xb8;
	[tilespmem:$0x1A000] =	vst v63  }
0x5b: {  	v5 =	vld [tilespmem:s26+$0x1000];
	_ =	sdelay $0x4  }
0x5c: {  	v6 =	vshll.u32 v5, $0x3  }
0x5d: {  	v5 =	vand.u32 $0x7, v5;
	v6 =	vand.u32 $0xFFFFFFC0, v6  }
0x5e: {  	v5 =	vor.u32 v5, v6  }
0x5f: {  	v6 =	vperm.xlane v5, v2;
	_ =	sdelay $0x1  }
0x60: {  	v6 =	vadd.s32 v3, v6;
	_ =	sdelay $0x4  }
0x61: {  	[tilespmem:s7], [sflag:$0x2] =	stream.indirect_vreg.gather [hbm4b:s1+s3], $0x80, v6, vm0, $0xb8;
	[tilespmem:$0x1A000] =	vst v63  }
0x62: {  	s8 =	simm.s32 $0xA800;
	v5 =	vperm.xlane v5, v4  }
0x63: {  	[tilespmem:s8], [sflag:$0x2] =	stream.indirect_vreg.gather [hbm4b:s10+s3], $0x80, v6, vm0, $0xb8;
	[tilespmem:$0x1A000] =	vst v63  }
0x64: {  	v5 =	vadd.s32 v3, v5;
	s8 =	simm.s32 $0xB000  }
0x65: {  	[tilespmem:s8], [sflag:$0x2] =	stream.indirect_vreg.gather [hbm4b:s11+s3], $0x80, v6, vm0, $0xb8;
	[tilespmem:$0x1A000] =	vst v63  }
0x66: {  	s8 =	simm.s32 $0xB800  }
0x67: {  	[tilespmem:s8], [sflag:$0x2] =	stream.indirect_vreg.gather [hbm4b:s12+s3], $0x80, v6, vm0, $0xb8;
	[tilespmem:$0x1A000] =	vst v63  }
0x68: {  	s8 =	simm.s32 $0xC000  }
0x69: {  	[tilespmem:s8], [sflag:$0x2] =	stream.indirect_vreg.gather [hbm4b:s1+s3], $0x80, v5, vm0, $0xb8;
	[tilespmem:$0x1A000] =	vst v63  }
0x6a: {  	s8 =	simm.s32 $0xC800  }
0x6b: {  	[tilespmem:s8], [sflag:$0x2] =	stream.indirect_vreg.gather [hbm4b:s10+s3], $0x80, v5, vm0, $0xb8;
	[tilespmem:$0x1A000] =	vst v63  }
0x6c: {  	s8 =	simm.s32 $0xD000  }
0x6d: {  	[tilespmem:s8], [sflag:$0x2] =	stream.indirect_vreg.gather [hbm4b:s11+s3], $0x80, v5, vm0, $0xb8;
	[tilespmem:$0x1A000] =	vst v63  }
0x6e: {  	s8 =	simm.s32 $0xD800  }
0x6f: {  	[tilespmem:s8], [sflag:$0x2] =	stream.indirect_vreg.gather [hbm4b:s12+s3], $0x80, v5, vm0, $0xb8;
	[tilespmem:$0x1A000] =	vst v63  }
0x70: {  	v5 =	vld [tilespmem:s26+$0x1010];
	_ =	sdelay $0x4  }
0x71: {  	v6 =	vshll.u32 v5, $0x3  }
0x72: {  	v5 =	vand.u32 $0x7, v5;
	v6 =	vand.u32 $0xFFFFFFC0, v6  }
0x73: {  	v5 =	vor.u32 v5, v6  }
0x74: {  	v6 =	vperm.xlane v5, v2;
	_ =	sdelay $0x1  }
0x75: {  	v6 =	vadd.s32 v3, v6;
	_ =	sdelay $0x3  }
0x76: {  	s26 =	simm.s32 $0xE000  }
0x77: {  	[tilespmem:s26], [sflag:$0x2] =	stream.indirect_vreg.gather [hbm4b:s1+s3], $0x80, v6, vm0, $0xb8;
	[tilespmem:$0x1A000] =	vst v63  }
0x78: {  	v5 =	vperm.xlane v5, v4;
	s26 =	simm.s32 $0xE800  }
0x79: {  	[tilespmem:s26], [sflag:$0x2] =	stream.indirect_vreg.gather [hbm4b:s10+s3], $0x80, v6, vm0, $0xb8;
	[tilespmem:$0x1A000] =	vst v63  }
0x7a: {  	v5 =	vadd.s32 v3, v5;
	s26 =	simm.s32 $0xF000  }
0x7b: {  	[tilespmem:s26], [sflag:$0x2] =	stream.indirect_vreg.gather [hbm4b:s11+s3], $0x80, v6, vm0, $0xb8;
	[tilespmem:$0x1A000] =	vst v63  }
0x7c: {  	s26 =	simm.s32 $0xF800  }
0x7d: {  	[tilespmem:s26], [sflag:$0x2] =	stream.indirect_vreg.gather [hbm4b:s12+s3], $0x80, v6, vm0, $0xb8;
	[tilespmem:$0x1A000] =	vst v63  }
0x7e: {  	s26 =	simm.s32 $0x10000  }
0x7f: {  	[tilespmem:s26], [sflag:$0x2] =	stream.indirect_vreg.gather [hbm4b:s1+s3], $0x80, v5, vm0, $0xb8;
	[tilespmem:$0x1A000] =	vst v63  }
0x80: {  	s26 =	simm.s32 $0x10800  }
0x81: {  	[tilespmem:s26], [sflag:$0x2] =	stream.indirect_vreg.gather [hbm4b:s10+s3], $0x80, v5, vm0, $0xb8;
	[tilespmem:$0x1A000] =	vst v63  }
0x82: {  	s26 =	simm.s32 $0x11000  }
0x83: {  	[tilespmem:s26], [sflag:$0x2] =	stream.indirect_vreg.gather [hbm4b:s11+s3], $0x80, v5, vm0, $0xb8;
	[tilespmem:$0x1A000] =	vst v63  }
0x84: {  	s8 =	rddreg [dreg:$0xa];
	s26 =	simm.s32 $0x11800  }
0x85: {  	[tilespmem:s26], [sflag:$0x2] =	stream.indirect_vreg.gather [hbm4b:s12+s3], $0x80, v5, vm0, $0xb8;
	[tilespmem:$0x1A000] =	vst v63  }
0x86: {  	v5 =	vld [tilespmem:s8+$0x1000];
	_ =	sdelay $0x4  }
0x87: {  	v6 =	vshll.u32 v5, $0x3  }
0x88: {  	v5 =	vand.u32 $0x7, v5;
	v6 =	vand.u32 $0xFFFFFFC0, v6  }
0x89: {  	v5 =	vor.u32 v5, v6  }
0x8a: {  	v6 =	vperm.xlane v5, v2;
	_ =	sdelay $0x1  }
0x8b: {  	v6 =	vadd.s32 v3, v6;
	_ =	sdelay $0x4  }
0x8c: {  	[tilespmem:s9], [sflag:$0x3] =	stream.indirect_vreg.gather [hbm4b:s1+s3], $0x80, v6, vm0, $0xb8;
	[tilespmem:$0x1A000] =	vst v63  }
0x8d: {  	s26 =	simm.s32 $0x12800;
	v5 =	vperm.xlane v5, v4  }
0x8e: {  	[tilespmem:s26], [sflag:$0x3] =	stream.indirect_vreg.gather [hbm4b:s10+s3], $0x80, v6, vm0, $0xb8;
	[tilespmem:$0x1A000] =	vst v63  }
0x8f: {  	v5 =	vadd.s32 v3, v5;
	s26 =	simm.s32 $0x13000  }
0x90: {  	[tilespmem:s26], [sflag:$0x3] =	stream.indirect_vreg.gather [hbm4b:s11+s3], $0x80, v6, vm0, $0xb8;
	[tilespmem:$0x1A000] =	vst v63  }
0x91: {  	s26 =	simm.s32 $0x13800  }
0x92: {  	[tilespmem:s26], [sflag:$0x3] =	stream.indirect_vreg.gather [hbm4b:s12+s3], $0x80, v6, vm0, $0xb8;
	[tilespmem:$0x1A000] =	vst v63  }
0x93: {  	s26 =	simm.s32 $0x14000  }
0x94: {  	[tilespmem:s26], [sflag:$0x3] =	stream.indirect_vreg.gather [hbm4b:s1+s3], $0x80, v5, vm0, $0xb8;
	[tilespmem:$0x1A000] =	vst v63  }
0x95: {  	s26 =	simm.s32 $0x14800  }
0x96: {  	[tilespmem:s26], [sflag:$0x3] =	stream.indirect_vreg.gather [hbm4b:s10+s3], $0x80, v5, vm0, $0xb8;
	[tilespmem:$0x1A000] =	vst v63  }
0x97: {  	s26 =	simm.s32 $0x15000  }
0x98: {  	[tilespmem:s26], [sflag:$0x3] =	stream.indirect_vreg.gather [hbm4b:s11+s3], $0x80, v5, vm0, $0xb8;
	[tilespmem:$0x1A000] =	vst v63  }
0x99: {  	s26 =	simm.s32 $0x15800  }
0x9a: {  	[tilespmem:s26], [sflag:$0x3] =	stream.indirect_vreg.gather [hbm4b:s12+s3], $0x80, v5, vm0, $0xb8;
	[tilespmem:$0x1A000] =	vst v63  }
0x9b: {  	v5 =	vld [tilespmem:s8+$0x1010];
	_ =	sdelay $0x4  }
0x9c: {  	v6 =	vshll.u32 v5, $0x3  }
0x9d: {  	v5 =	vand.u32 $0x7, v5;
	v6 =	vand.u32 $0xFFFFFFC0, v6  }
0x9e: {  	v5 =	vor.u32 v5, v6  }
0x9f: {  	v6 =	vperm.xlane v5, v2;
	_ =	sdelay $0x1  }
0xa0: {  	v6 =	vadd.s32 v3, v6;
	_ =	sdelay $0x3  }
0xa1: {  	s26 =	simm.s32 $0x16000  }
0xa2: {  	[tilespmem:s26], [sflag:$0x3] =	stream.indirect_vreg.gather [hbm4b:s1+s3], $0x80, v6, vm0, $0xb8;
	[tilespmem:$0x1A000] =	vst v63  }
0xa3: {  	v5 =	vperm.xlane v5, v4;
	s26 =	simm.s32 $0x16800  }
0xa4: {  	[tilespmem:s26], [sflag:$0x3] =	stream.indirect_vreg.gather [hbm4b:s10+s3], $0x80, v6, vm0, $0xb8;
	[tilespmem:$0x1A000] =	vst v63  }
0xa5: {  	v5 =	vadd.s32 v3, v5;
	s26 =	simm.s32 $0x17000  }
0xa6: {  	[tilespmem:s26], [sflag:$0x3] =	stream.indirect_vreg.gather [hbm4b:s11+s3], $0x80, v6, vm0, $0xb8;
	[tilespmem:$0x1A000] =	vst v63  }
0xa7: {  	s26 =	simm.s32 $0x17800  }
0xa8: {  	[tilespmem:s26], [sflag:$0x3] =	stream.indirect_vreg.gather [hbm4b:s12+s3], $0x80, v6, vm0, $0xb8;
	[tilespmem:$0x1A000] =	vst v63  }
0xa9: {  	s26 =	simm.s32 $0x18000  }
0xaa: {  	[tilespmem:s26], [sflag:$0x3] =	stream.indirect_vreg.gather [hbm4b:s1+s3], $0x80, v5, vm0, $0xb8;
	[tilespmem:$0x1A000] =	vst v63  }
0xab: {  	s26 =	simm.s32 $0x18800  }
0xac: {  	[tilespmem:s26], [sflag:$0x3] =	stream.indirect_vreg.gather [hbm4b:s10+s3], $0x80, v5, vm0, $0xb8;
	[tilespmem:$0x1A000] =	vst v63  }
0xad: {  	s26 =	simm.s32 $0x19000  }
0xae: {  	[tilespmem:s26], [sflag:$0x3] =	stream.indirect_vreg.gather [hbm4b:s11+s3], $0x80, v5, vm0, $0xb8;
	[tilespmem:$0x1A000] =	vst v63  }
0xaf: {  	s26 =	simm.s32 $0x19800  }
0xb0: {  	[tilespmem:s26], [sflag:$0x3] =	stream.indirect_vreg.gather [hbm4b:s12+s3], $0x80, v5, vm0, $0xb8;
	[tilespmem:$0x1A000] =	vst v63  }
0xb1: {  	_ =	swait.ge [sflag:s16], $0x8000  }
0xb2: {  	[sflag:s16] =	ssyncset.done $0x0  }
0xb3: {  	s8 =	rddreg [dreg:$0x4];
	[sflag:s16] =	ssyncadd.s32 $0xFFFF8000  }
0xb4: {  	[hbm4b:s8+s3] =	stream.linear.scatter [tilespmem:s20], [sflag:$0x4], $0x8000, $0x38;
	[tilespmem:$0x1A000] =	vst v63  }
0xb5: {  	_ =	swait.ge [sflag:s21], $0x8000  }
0xb6: {  	[sflag:s21] =	ssyncset.done $0x0  }
0xb7: {  	s26 =	rddreg [dreg:$0xb];
	[sflag:s21] =	ssyncadd.s32 $0xFFFF8000  }
0xb8: {  	v5 =	vld [tilespmem:s26+$0x1000];
	_ =	sdelay $0x4  }
0xb9: {  	v6 =	vshll.u32 v5, $0x3  }
0xba: {  	v5 =	vand.u32 $0x7, v5;
	v6 =	vand.u32 $0xFFFFFFC0, v6  }
0xbb: {  	v5 =	vor.u32 v5, v6  }
0xbc: {  	v6 =	vperm.xlane v5, v2;
	_ =	sdelay $0x1  }
0xbd: {  	v6 =	vadd.s32 v3, v6;
	_ =	sdelay $0x4  }
0xbe: {  	[tilespmem:s20], [sflag:$0x1] =	stream.indirect_vreg.gather [hbm4b:s1+s3], $0x80, v6, vm0, $0xb8;
	[tilespmem:$0x1A000] =	vst v63  }
0xbf: {  	v5 =	vperm.xlane v5, v4  }
0xc0: {  	[tilespmem:s28], [sflag:$0x1] =	stream.indirect_vreg.gather [hbm4b:s10+s3], $0x80, v6, vm0, $0xb8;
	[tilespmem:$0x1A000] =	vst v63  }
0xc1: {  	v5 =	vadd.s32 v3, v5  }
0xc2: {  	[tilespmem:s29], [sflag:$0x1] =	stream.indirect_vreg.gather [hbm4b:s11+s3], $0x80, v6, vm0, $0xb8;
	[tilespmem:$0x1A000] =	vst v63  }
0xc3: {  	_ = 	snop  }
0xc4: {  	[tilespmem:s30], [sflag:$0x1] =	stream.indirect_vreg.gather [hbm4b:s12+s3], $0x80, v6, vm0, $0xb8;
	[tilespmem:$0x1A000] =	vst v63  }
0xc5: {  	_ = 	snop  }
0xc6: {  	[tilespmem:s31], [sflag:$0x1] =	stream.indirect_vreg.gather [hbm4b:s1+s3], $0x80, v5, vm0, $0xb8;
	[tilespmem:$0x1A000] =	vst v63  }
0xc7: {  	_ = 	snop  }
0xc8: {  	[tilespmem:s0], [sflag:$0x1] =	stream.indirect_vreg.gather [hbm4b:s10+s3], $0x80, v5, vm0, $0xb8;
	[tilespmem:$0x1A000] =	vst v63  }
0xc9: {  	_ = 	snop  }
0xca: {  	[tilespmem:s4], [sflag:$0x1] =	stream.indirect_vreg.gather [hbm4b:s11+s3], $0x80, v5, vm0, $0xb8;
	[tilespmem:$0x1A000] =	vst v63  }
0xcb: {  	_ = 	snop  }
0xcc: {  	[tilespmem:s2], [sflag:$0x1] =	stream.indirect_vreg.gather [hbm4b:s12+s3], $0x80, v5, vm0, $0xb8;
	[tilespmem:$0x1A000] =	vst v63  }
0xcd: {  	v5 =	vld [tilespmem:s26+$0x1010];
	_ =	sdelay $0x4  }
0xce: {  	v6 =	vshll.u32 v5, $0x3  }
0xcf: {  	v5 =	vand.u32 $0x7, v5;
	v6 =	vand.u32 $0xFFFFFFC0, v6  }
0xd0: {  	v5 =	vor.u32 v5, v6  }
0xd1: {  	v6 =	vperm.xlane v5, v2;
	_ =	sdelay $0x1  }
0xd2: {  	v6 =	vadd.s32 v3, v6;
	_ =	sdelay $0x4  }
0xd3: {  	[tilespmem:s5], [sflag:$0x1] =	stream.indirect_vreg.gather [hbm4b:s1+s3], $0x80, v6, vm0, $0xb8;
	[tilespmem:$0x1A000] =	vst v63  }
0xd4: {  	v5 =	vperm.xlane v5, v4  }
0xd5: {  	[tilespmem:s13], [sflag:$0x1] =	stream.indirect_vreg.gather [hbm4b:s10+s3], $0x80, v6, vm0, $0xb8;
	[tilespmem:$0x1A000] =	vst v63  }
0xd6: {  	v5 =	vadd.s32 v3, v5  }
0xd7: {  	[tilespmem:s14], [sflag:$0x1] =	stream.indirect_vreg.gather [hbm4b:s11+s3], $0x80, v6, vm0, $0xb8;
	[tilespmem:$0x1A000] =	vst v63  }
0xd8: {  	_ = 	snop  }
0xd9: {  	[tilespmem:s15], [sflag:$0x1] =	stream.indirect_vreg.gather [hbm4b:s12+s3], $0x80, v6, vm0, $0xb8;
	[tilespmem:$0x1A000] =	vst v63  }
0xda: {  	_ = 	snop  }
0xdb: {  	[tilespmem:s17], [sflag:$0x1] =	stream.indirect_vreg.gather [hbm4b:s1+s3], $0x80, v5, vm0, $0xb8;
	[tilespmem:$0x1A000] =	vst v63  }
0xdc: {  	_ = 	snop  }
0xdd: {  	[tilespmem:s22], [sflag:$0x1] =	stream.indirect_vreg.gather [hbm4b:s10+s3], $0x80, v5, vm0, $0xb8;
	[tilespmem:$0x1A000] =	vst v63  }
0xde: {  	_ = 	snop  }
0xdf: {  	[tilespmem:s23], [sflag:$0x1] =	stream.indirect_vreg.gather [hbm4b:s11+s3], $0x80, v5, vm0, $0xb8;
	[tilespmem:$0x1A000] =	vst v63  }
0xe0: {  	s26 =	simm.s32 $0x2  }
0xe1: {  	[tilespmem:s24], [sflag:$0x1] =	stream.indirect_vreg.gather [hbm4b:s12+s3], $0x80, v5, vm0, $0xb8;
	[tilespmem:$0x1A000] =	vst v63  }
0xe2: {  	_ =	swait.ge [sflag:s26], $0x8000  }
0xe3: {  	[sflag:s26] =	ssyncset.done $0x0  }
0xe4: {  	s29 =	simm.s32 $0x3;
	s28 =	rddreg [dreg:$0x5];
	[sflag:s26] =	ssyncadd.s32 $0xFFFF8000  }
0xe5: {  	[hbm4b:s28+s3] =	stream.linear.scatter [tilespmem:s7], [sflag:$0x5], $0x8000, $0x38;
	[tilespmem:$0x1A000] =	vst v63  }
0xe6: {  	_ =	swait.ge [sflag:s29], $0x8000  }
0xe7: {  	[sflag:s29] =	ssyncset.done $0x0  }
0xe8: {  	s0 =	rddreg [dreg:$0x6];
	[sflag:s29] =	ssyncadd.s32 $0xFFFF8000  }
0xe9: {  	[hbm4b:s0+s3] =	stream.linear.scatter [tilespmem:s9], [sflag:$0x6], $0x8000, $0x38;
	[tilespmem:$0x1A000] =	vst v63  }
0xea: {  	_ =	swait.ge [sflag:s16], $0x8000  }
0xeb: {  	[sflag:s16] =	ssyncset.done $0x0  }
0xec: {  	s26 =	simm.s32 $0x5;
	s8 =	rddreg [dreg:$0x7];
	[sflag:s16] =	ssyncadd.s32 $0xFFFF8000  }
0xed: {  	[hbm4b:s8+s3] =	stream.linear.scatter [tilespmem:s20], [sflag:$0x4], $0x8000, $0x38;
	[tilespmem:$0x1A000] =	vst v63  }
0xee: {  	_ =	swait.ge [sflag:s26], $0x8000  }
0xef: {  	[sflag:s26] =	ssyncset.done $0x0  }
0xf0: {  	s28 =	simm.s32 $0x6;
	[sflag:s26] =	ssyncadd.s32 $0xFFFF8000  }
0xf1: {  	_ =	swait.ge [sflag:s28], $0x8000  }
0xf2: {  	[sflag:s28] =	ssyncset.done $0x0  }
0xf3: {  	[sflag:s28] =	ssyncadd.s32 $0xFFFF8000  }
0xf4: {  	_ =	swait.ge [sflag:s21], $0x8000  }
0xf5: {  	s25 =	sadd.s32 $0x1, s25;
	s29 =	rddreg [dreg:$0x8]  }
0xf6: {  	p0 =	sne.s32 s25, s29  }
.Ltmp1:
0xf7: {  	_ = 	snop;
	(pc) =	sbr.rel @p0 .LBB2_1-.Ltmp1, $3  }
0xf8: {  	_ =	sdelay $0x1  }
0xf9: {  	[sflag:s21] =	ssyncset.done $0x0  }
0xfa: {  	[sflag:s21] =	ssyncadd.s32 $0xFFFF8000  }
0xfb: {  	_ =	sfence.sel $0x180000  }
0xfc: {  	[bflag:$0x0] =	sbarrier.arrive $0xFFFF  }
0xfd: {  	_ =	strace $0x90000047  }
0xfe: {  	s0 =	stileid.u32;
	[bflag:$0x2] =	sbarrier.arrive $0xFFFF  }
0xff: {  	p0 =	sne.s32 s0, $0x0;
	s0 =	rddreg [dreg:$0x2]  }
0x100: {  	s0 =	sadd.s32 @!p0 $0x100000, s0  }
0x101: {  	[sflag:s0] =	ssyncadd.tile.s32 @!p0 $0x1;
	_ =	shalt  }
.Lfunc_end2:
_tile_overlayer_lowered:
.L_overlay_start_2:
0x102: {  	(tag) =	ssettag $0x2  }
0x103: {  	s0 =	rddreg [dreg:$0x0];
	s2 =	stileid.u32  }
0x104: {  	s1 =	rddreg [dreg:$0x1];
	p0 =	sne.s32 s2, $0x0  }
0x105: {  	s3 =	rddreg [dreg:$0x2];
	[bflag:$0x3] =	sbarrier.arrive $0xFFFF;
	s2 =	simm.s32 @!p0 $0x1C07  }
0x106: {  	[timem:s3], [sflag:s2] =	dma.local @!p0 [hbm:s0], s1  }
0x107: {  	s0 =	simm.s32 @!p0 $0x7  }
0x108: {  	_ =	swait.ge @!p0 [sflag:s0], s1  }
0x109: {  	s1 =	ssub.s32 @!p0 $0x0, s1;
	[sflag:s0] =	ssyncset.done @!p0 $0x0  }
0x10a: {  	[sflag:s0] =	ssyncadd.s32 @!p0 s1  }
0x10b: {  	[bflag:$0x3] =	sbarrier.arrive $0xFFFF  }
0x10c: {  	_ =	shalt  }

// kernel: kernel.9.cloned.1.call-start
scs
__scs_entry_jumppad:
0x0: {  	(pc) =	sbr.rel $0x88, $3  }
0x1: {  	(tag) =	ssettag $0x0;
	lr =	simm.s32 $0x1  }
0x2: {  	[smem:$0x3F9A] =	sst lr;
	_ =	strace $0xD0000000  }
0x3: {  	_ = 	snop  }
0x4: {  	_ = 	snop  }
0x5: {  	_ = 	snop  }
0x6: {  	_ = 	snop  }
0x7: {  	_ = 	snop  }
__scs_overlays_trampoline_lowered:
0x8: {  	[smem:$0x3FA9] =	sst s0  }
0x9: {  	[smem:$0x3FAA] =	sst s1  }
0xa: {  	[smem:$0x3FAB] =	sst s2  }
0xb: {  	[smem:$0x3FAC] =	sst s3  }
0xc: {  	[smem:$0x3FAD] =	sst s4  }
0xd: {  	[smem:$0x3FAE] =	sst s5  }
0xe: {  	[smem:$0x3FAF] =	sst s6  }
0xf: {  	[smem:$0x3FB0] =	sst s7  }
0x10: {  	[smem:$0x3FB1] =	sst s8  }
0x11: {  	[smem:$0x3FB2] =	sst s9;
	s0 =	simm.s32 @!p0 $0x0  }
0x12: {  	s1 =	sld [smem:$0x3F98];
	s0 =	simm.s32 @p0 $0x1  }
0x13: {  	[smem:$0x3FB3] =	sst s0;
	s0 =	simm.s32 @!p1 $0x0  }
0x14: {  	s2 =	sld [smem:$0x3F97];
	s0 =	simm.s32 @p1 $0x1  }
0x15: {  	[smem:$0x3FB4] =	sst s0;
	s0 =	simm.s32 @!p2 $0x0  }
0x16: {  	s3 =	sld [smem:$0x3FDB];
	s0 =	simm.s32 @p2 $0x1  }
0x17: {  	s4 =	simm.s32 $0x1BF5;
	[smem:$0x3FB6] =	sst s0  }
0x18: {  	s0 =	sld [smem:$0x3F99];
	_ =	swait.ge [sflag:s4], $0x0  }
0x19: {  	s7 =	sld [smem:$0x3F9A]  }
0x1a: {  	s8 =	sadd.s32 $0xFFFFE003, lr  }
0x1b: {  	s9 =	sadd.s32 $0xFFFFFEF7, lr;
	s5 =	simm.s32 $0xFFFFFFFF;
	p2 =	slt.u32 s8, $0xFFFFF086  }
0x1c: {  	p1 =	slt.u32 s9, $0xF7A;
	s5 =	simm.s32 @!p2 $0x0  }
0x1d: {  	s5 =	simm.s32 @p1 $0x1;
	p0 =	seq.s32 s7, s2  }
0x1e: {  	s7 =	smul.u32 @!p0 $0xF7A, s2;
	p2 =	seq.s32 @!p0 s5, $0x0  }
0x1f: {  	s9 =	smul.u32 $0xF7A, s1;
	s8 =	simm.s32 @!p0 $0x1BF5;
	p2 =	por !p2, p0  }
0x20: {  	[sflag:s8] =	ssyncset.s32 @!p0 $0xFFFFF086;
	s6 =	sadd.s32 @!p0 s3, s7;
	s7 =	simm.s32 @!p0 $0x108  }
0x21: {  	s3 =	sadd.s32 s3, s9;
	s6 =	sadd.s32 @!p0 $0x88, s6;
	s7 =	simm.s32 @p2 $0x1082  }
0x22: {  	[simem:s7], [sflag:s8] =	dma.local @!p0 [hbm:s6], $0xF7A  }
0x23: {  	s9 =	sor.u32 $0xD0000000, s2;
	s6 =	simm.s32 $0x108;
	_ =	swait.ge @!p0 [sflag:s8], $0x0  }
0x24: {  	s3 =	sadd.s32 $0x88, s3;
	s6 =	simm.s32 @!p1 $0x1082;
	[sflag:s4] =	ssyncset.s32 $0xFFFFF086  }
0x25: {  	[simem:s6], [sflag:s4] =	dma.local [hbm:s3], $0xF7A  }
0x26: {  	[smem:$0x3F9A] =	sst s1;
	(tag) =	ssettag s2;
	_ =	strace s9  }
0x27: {  	s1 =	sld [smem:$0x3FAA]  }
0x28: {  	s2 =	sld [smem:$0x3FAB]  }
0x29: {  	s4 =	sld [smem:$0x3FAD]  }
0x2a: {  	p0 =	seq.s32 s5, $0x0;
	s5 =	sld [smem:$0x3FAE]  }
0x2b: {  	s6 =	sld [smem:$0x3FAF]  }
0x2c: {  	s7 =	sld [smem:$0x3FB0]  }
0x2d: {  	s3 =	simm.s32 $0x108;
	s8 =	sld [smem:$0x3FB1]  }
0x2e: {  	s3 =	simm.s32 @!p0 $0x1082;
	s9 =	sld [smem:$0x3FB2]  }
0x2f: {  	lr =	sadd.s32 s0, s3;
	s0 =	sld [smem:$0x3FA9]  }
0x30: {  	s3 =	sld [smem:$0x3FAC]  }
0x31: {  	[smem:$0x3FB5] =	sst s10  }
0x32: {  	s10 =	sld [smem:$0x3FB3];
	_ =	sdelay $0x3  }
0x33: {  	p0 =	seq.s32 s10, $0x1;
	s10 =	sld [smem:$0x3FB5];
	_ =	sdelay $0x3  }
0x34: {  	[smem:$0x3FB5] =	sst s10  }
0x35: {  	s10 =	sld [smem:$0x3FB4];
	_ =	sdelay $0x3  }
0x36: {  	p1 =	seq.s32 s10, $0x1;
	s10 =	sld [smem:$0x3FB5];
	_ =	sdelay $0x3  }
0x37: {  	[smem:$0x3FB5] =	sst s10  }
0x38: {  	s10 =	sld [smem:$0x3FB6]  }
0x39: {  	_ = 	snop;
	(pc) =	sbr.ind lr, $3  }
0x3a: {  	_ = 	snop  }
0x3b: {  	_ = 	snop  }
0x3c: {  	p2 =	seq.s32 s10, $0x1;
	s10 =	sld [smem:$0x3FB5]  }
0x3d: {  	_ =	shalt  }
0x3e: {  	_ =	shalt  }
0x3f: {  	_ =	shalt  }
0x40: {  	_ =	shalt  }
0x41: {  	_ =	shalt  }
0x42: {  	_ =	shalt  }
0x43: {  	_ =	shalt  }
0x44: {  	_ =	shalt  }
0x45: {  	_ =	shalt  }
0x46: {  	_ =	shalt  }
0x47: {  	_ =	shalt  }
0x48: {  	_ =	shalt  }
0x49: {  	_ =	shalt  }
0x4a: {  	_ =	shalt  }
0x4b: {  	_ =	shalt  }
0x4c: {  	_ =	shalt  }
0x4d: {  	_ =	shalt  }
0x4e: {  	_ =	shalt  }
0x4f: {  	_ =	shalt  }
0x50: {  	_ =	shalt  }
0x51: {  	_ =	shalt  }
0x52: {  	_ =	shalt  }
0x53: {  	_ =	shalt  }
0x54: {  	_ =	shalt  }
0x55: {  	_ =	shalt  }
0x56: {  	_ =	shalt  }
0x57: {  	_ =	shalt  }
0x58: {  	_ =	shalt  }
0x59: {  	_ =	shalt  }
0x5a: {  	_ =	shalt  }
0x5b: {  	_ =	shalt  }
0x5c: {  	_ =	shalt  }
0x5d: {  	_ =	shalt  }
0x5e: {  	_ =	shalt  }
0x5f: {  	_ =	shalt  }
0x60: {  	_ =	shalt  }
0x61: {  	_ =	shalt  }
0x62: {  	_ =	shalt  }
0x63: {  	_ =	shalt  }
0x64: {  	_ =	shalt  }
0x65: {  	_ =	shalt  }
0x66: {  	_ =	shalt  }
0x67: {  	_ =	shalt  }
0x68: {  	_ =	shalt  }
0x69: {  	_ =	shalt  }
0x6a: {  	_ =	shalt  }
0x6b: {  	_ =	shalt  }
0x6c: {  	_ =	shalt  }
0x6d: {  	_ =	shalt  }
0x6e: {  	_ =	shalt  }
0x6f: {  	_ =	shalt  }
0x70: {  	_ =	shalt  }
0x71: {  	_ =	shalt  }
0x72: {  	_ =	shalt  }
0x73: {  	_ =	shalt  }
0x74: {  	_ =	shalt  }
0x75: {  	_ =	shalt  }
0x76: {  	_ =	shalt  }
0x77: {  	_ =	shalt  }
0x78: {  	_ =	shalt  }
0x79: {  	_ =	shalt  }
0x7a: {  	_ =	shalt  }
0x7b: {  	_ =	shalt  }
0x7c: {  	_ =	shalt  }
0x7d: {  	_ =	shalt  }
0x7e: {  	_ =	shalt  }
0x7f: {  	_ =	shalt  }
0x80: {  	_ =	shalt  }
0x81: {  	_ =	shalt  }
0x82: {  	_ =	shalt  }
0x83: {  	_ =	shalt  }
0x84: {  	_ =	shalt  }
0x85: {  	_ =	shalt  }
0x86: {  	_ =	shalt  }
0x87: {  	_ =	shalt  }
.Lfunc_end0:
.L_simem_size_0:
called_computation.1_lowered:
.L_overlay_start_0:
0x88: {  	s2 =	sld [smem:$0x3FD9]  }
0x89: {  	s3 =	sld [smem:$0x3FFE];
	_ =	sdelay $0x1  }
0x8a: {  	s1 =	srdreg.scid  }
0x8b: {  	s0 =	sand.u32 $0x1, s1  }
0x8c: {  	s17 =	sshll.u32 s0, $0xA;
	s2 =	sadd.s32 s3, s2  }
0x8d: {  	s2 =	sadd.s32 s2, s17  }
0x8e: {  	[smem:$0x3FC1] =	sst s2  }
0x8f: {  	_ = 	snop  }
0x90: {  	s2 =	sld [smem:$0x3FD0];
	(tm) =	ssettm $0x1  }
0x91: {  	s18 =	sld [smem:$0x3FFB];
	_ =	sdelay $0x3  }
0x92: {  	_ =	strace s18  }
0x93: {  	s3 =	sld [smem:$0x3FFC];
	_ =	sdelay $0x3  }
0x94: {  	_ =	strace s3  }
0x95: {  	s3 =	sld [smem:$0x3FFD];
	_ =	sdelay $0x3  }
0x96: {  	_ =	strace s3  }
0x97: {  	_ =	strace $0x8FFFFFFF  }
0x98: {  	s19 =	sld [smem:$0x3FDB];
	_ =	sdelay $0x1  }
0x99: {  	s4 =	simm.s32 $_scs_section_size  }
0x9a: {  	s5 =	simm.s32 $_size__tile_overlayer_lowered;
	s6 =	simm.s32 $_tile_overlayer_lowered  }
0x9b: {  	s22 =	simm.s32 $0x1BFF;
	s21 =	sshll.u32 s6, $0x1;
	s3 =	sadd.s32 s4, s19  }
0x9c: {  	s7 =	simm.s32 $0x0;
	s20 =	sshll.u32 s5, $0x1;
	s5 =	sadd.s32 s21, s3  }
0x9d: {  	[timem:s7], [sflag:s22] =	dma.local [hbm:s5], s20  }
0x9e: {  	_ =	swait.ge [sflag:s22], s20  }
0x9f: {  	s4 =	ssub.s32 $0x0, s20;
	[sflag:s22] =	ssyncset.done $0x0  }
0xa0: {  	[sflag:s22] =	ssyncadd.s32 s4;
	_ =	sdelay $0x1  }
0xa1: {  	s23 =	simm.s32 $0x1B8B  }
0xa2: {  	_ =	swait.ge [sflag:s23], $0x1  }
0xa3: {  	[sflag:s23] =	ssyncset.done $0x0  }
0xa4: {  	s25 =	simm.s32 $0x1B8E;
	s24 =	sld [smem:$0x3FFE];
	[sflag:s23] =	ssyncadd.s32 $0xFFFFFFFF  }
0xa5: {  	s26 =	simm.s32 $execute0_lowered;
	[smem:$0x3FD2] =	sst s25  }
0xa6: {  	s5 =	sshll.u32 s26, $0x1;
	_ =	strace $0x80000049;
	[dreg:$0x1] =	wrdreg $0xFFFFFFFF  }
0xa7: {  	s28 =	simm.s32 $_size_execute0_lowered;
	s3 =	sadd.s32 s3, s5;
	[dreg:$0x0] =	wrdreg $0x0  }
0xa8: {  	s5 =	sshll.u32 s28, $0x1;
	[dreg:$0x2] =	wrdreg s3  }
0xa9: {  	[dreg:$0x3] =	wrdreg s5  }
0xaa: {  	[dreg:$0x4] =	wrdreg $0xC0  }
0xab: {  	_ =	task [dreg:s7], $0x5FFFF  }
0xac: {  	[dreg:$0x1] =	wrdreg $0xFFFFFFFF  }
0xad: {  	[dreg:$0x0] =	wrdreg $0x60  }
0xae: {  	[dreg:$0x2] =	wrdreg s24  }
0xaf: {  	[dreg:$0x3] =	wrdreg s2  }
0xb0: {  	[dreg:$0x4] =	wrdreg $0x9  }
0xb1: {  	_ =	task.clear_ibuf [dreg:s7], $0x5FFFF;
	_ =	strace $0x90000049  }
0xb2: {  	s29 =	simm.s32 $0x9;
	_ =	strace $0x8000004B  }
0xb3: {  	_ =	swait.ge [sflag:s29], $0x1  }
0xb4: {  	[sflag:s29] =	ssyncadd.s32 $0xFFFFFFFF  }
0xb5: {  	_ =	strace $0x9000004B  }
0xb6: {  	_ =	sfence  }
0xb7: {  	s30 =	sld [smem:$0x0];
	_ =	sdelay $0x2  }
0xb8: {  	s31 =	sshll.u32 s1, $0xD;
	s1 =	sshrl.u32 s1, $0x2  }
0xb9: {  	s3 =	sand.u32 $0x4000, s31;
	s1 =	sadd.s32 s1, s30  }
0xba: {  	s0 =	sor.u32 s3, s0;
	s1 =	sshll.u32 s1, $0x11  }
0xbb: {  	s0 =	sor.u32 s1, s0  }
0xbc: {  	s0 =	sadd.s32 $0x8F2B, s0  }
0xbd: {  	[sflag:s0] =	ssyncadd.remote.s32 $0x1  }
0xbe: {  	_ =	sfence.sel $0xFFFF  }
0xbf: {  	[dreg:$0x0] =	wrdreg $0xFFFFFFFF;
	(pc) =	sbr.abs _section_cstart, $3  }
0xc0: {  	[dreg:$0x1] =	wrdreg $0xFFFFFFFF  }
0xc1: {  	_ =	task.clear_ibuf [dreg:s7], $0x2FFFF;
	_ =	strace $0x9FFFFFFF  }
0xc2: {  	(tm) =	ssettm $0x7FFFFFFF  }
0xc3: {  	_ =	shalt  }
tec
execute0_lowered:
.L_overlay_start_1:
0x0: {  	(tag) =	ssettag $0x1  }
0x1: {  	s0 =	rddreg [dreg:$0x0]  }
0x2: {  	s1 =	rddreg [dreg:$0x1];
	s2 =	simm.s32 $0x0  }
0x3: {  	s3 =	srdreg.scid;
	s5 =	stileid.u32;
	s16 =	simm.s32 $0x7  }
0x4: {  	s29 =	simm.s32 $0xD900;
	s30 =	simm.s32 $0xE100;
	s31 =	simm.s32 $0xE900  }
0x5: {  	s17 =	simm.s32 $0x1;
	s18 =	simm.s32 $0x10900;
	s19 =	simm.s32 $0x4  }
0x6: {  	s20 =	simm.s32 $0x5;
	s21 =	simm.s32 $0x6;
	[smem:$0x7FF] =	sst s2  }
0x7: {  	s4 =	sand.u32 $0x1, s3;
	s5 =	sshll.u32 s5, $0x1;
	s3 =	sadd.s32 $0x40E00, s0  }
0x8: {  	s9 =	sadd.s32 $0x41000, s0;
	s11 =	sadd.s32 $0x41100, s0;
	s5 =	sor.u32 s4, s5  }
0x9: {  	_ =	strace $0x8000004A;
	s4 =	ssub.s32 $0x2, s4;
	s6 =	sshll.u32 s5, $0x3  }
0xa: {  	s7 =	sshll.u32 s5, $0x7;
	s8 =	sshrl.u32 s4, $0x1;
	s5 =	sshll.u32 s5, $0xD  }
0xb: {  	s6 =	sadd.s32 s6, s0;
	s7 =	sadd.s32 s7, s0;
	s4 =	ssub.s32 s4, s8  }
0xc: {  	s8 =	sadd.s32 $0x40F00, s0;
	s10 =	sadd.s32 s1, s5;
	s22 =	sadd.s32 $0x40C00, s6  }
0xd: {  	s0 =	simm.s32 $0xF100;
	s6 =	sadd.s32 $0x40A00, s6;
	[dreg:$0x3] =	wrdreg s22  }
0xe: {  	s1 =	simm.s32 $0xF900;
	s23 =	sadd.s32 $0xC1E00, s7;
	[dreg:$0x4] =	wrdreg s6  }
0xf: {  	v2 =	vlaneseq.u32;
	s5 =	simm.s32 $0x2;
	s24 =	sadd.s32 $0xC0E00, s7;
	[dreg:$0x5] =	wrdreg s23  }
0x10: {  	v0 =	vand.u32 $0x7, v2;
	v1 =	vshrl.u32 v2, $0x3;
	s25 =	sadd.s32 $0x800, s10;
	s26 =	sadd.s32 $0x1000, s10;
	[dreg:$0x6] =	wrdreg s24  }
0x11: {  	v63 =	vor.u32 $0x8, v2;
	[tilespmem:$0x1FFD0] =	vst v0;
	v62 =	vmul.u32 $0x8, v1;
	s28 =	sadd.s32 $0x1800, s10;
	s15 =	smax.u32 s4, $0x1;
	[dreg:$0x7] =	wrdreg s25  }
0x12: {  	[tilespmem:$0x1FFF0] =	vst v63;
	s4 =	simm.s32 $0x10100;
	s7 =	simm.s32 $0x14900;
	[dreg:$0x8] =	wrdreg s26  }
0x13: {  	vm0 =	vmmov $0xffff;
	[tilespmem:$0x1FFE0] =	vst v62;
	[dreg:$0x9] =	wrdreg s28;
	s6 =	simm.s32 $0x3;
	s22 =	simm.s32 $0x0  }
.LBB2_1:
0x14: {  	s12 =	rddreg [dreg:$0x3]  }
0x15: {  	[tilespmem:s2], [sflag:$0x7] =	stream.linear.gather [hbm4b:s12+s2], $0x40, $0x38;
	[tilespmem:$0x18900] =	vst v63  }
0x16: {  	_ =	swait.ge [sflag:s16], $0x40  }
0x17: {  	[sflag:s16] =	ssyncset.done $0x0  }
0x18: {  	s13 =	simm.s32 $0x80;
	s24 =	rddreg [dreg:$0x4];
	[sflag:s16] =	ssyncadd.s32 $0xFFFFFFC0  }
0x19: {  	[tilespmem:s13], [sflag:$0x7] =	stream.linear.gather [hbm4b:s24+s2], $0x40, $0x38;
	[tilespmem:$0x18900] =	vst v63  }
0x1a: {  	_ =	swait.ge [sflag:s16], $0x40  }
0x1b: {  	[sflag:s16] =	ssyncset.done $0x0  }
0x1c: {  	s23 =	simm.s32 $0x100;
	s25 =	rddreg [dreg:$0x5];
	[sflag:s16] =	ssyncadd.s32 $0xFFFFFFC0  }
0x1d: {  	[tilespmem:s23], [sflag:$0x7] =	stream.linear.gather [hbm4b:s25+s2], $0x400, $0x38;
	[tilespmem:$0x18900] =	vst v63  }
0x1e: {  	_ =	swait.ge [sflag:s16], $0x400  }
0x1f: {  	[sflag:s16] =	ssyncset.done $0x0  }
0x20: {  	s24 =	simm.s32 $0x500;
	s26 =	rddreg [dreg:$0x6];
	[sflag:s16] =	ssyncadd.s32 $0xFFFFFC00  }
0x21: {  	[tilespmem:s24], [sflag:$0x7] =	stream.linear.gather [hbm4b:s26+s2], $0x400, $0x38;
	[tilespmem:$0x18900] =	vst v63  }
0x22: {  	_ =	swait.ge [sflag:s16], $0x400  }
0x23: {  	[sflag:s16] =	ssyncset.done $0x0  }
0x24: {  	[sflag:s16] =	ssyncadd.s32 $0xFFFFFC00  }
0x25: {  	v3 =	vld [tilespmem:$0x0];
	_ =	sdelay $0x2  }
0x26: {  	v0 =	vld [tilespmem:$0x1FFD0];
	_ =	sdelay $0x1  }
0x27: {  	v1 =	vld [tilespmem:$0x1FFE0];
	v4 =	vshll.u32 v3, $0x3  }
0x28: {  	v3 =	vand.u32 $0x7, v3;
	v4 =	vand.u32 $0xFFFFFFC0, v4  }
0x29: {  	v3 =	vor.u32 v3, v4  }
0x2a: {  	v4 =	vperm.xlane v3, v0;
	_ =	sdelay $0x1  }
0x2b: {  	v4 =	vadd.s32 v1, v4  }
0x2c: {  	v2 =	vld [tilespmem:$0x1FFF0];
	_ =	sdelay $0x2  }
0x2d: {  	s28 =	simm.s32 $0x900  }
0x2e: {  	[tilespmem:s28], [sflag:$0x1] =	stream.indirect_vreg.gather [hbm4b:s3+s2], $0x80, v4, vm0, $0xb8;
	[tilespmem:$0x18900] =	vst v63  }
0x2f: {  	s13 =	simm.s32 $0x1100;
	v3 =	vperm.xlane v3, v2  }
0x30: {  	[tilespmem:s13], [sflag:$0x1] =	stream.indirect_vreg.gather [hbm4b:s8+s2], $0x80, v4, vm0, $0xb8;
	[tilespmem:$0x18900] =	vst v63  }
0x31: {  	s14 =	simm.s32 $0x1900;
	v3 =	vadd.s32 v1, v3  }
0x32: {  	[tilespmem:s14], [sflag:$0x1] =	stream.indirect_vreg.gather [hbm4b:s9+s2], $0x80, v4, vm0, $0xb8;
	[tilespmem:$0x18900] =	vst v63  }
0x33: {  	s25 =	simm.s32 $0x2100  }
0x34: {  	[tilespmem:s25], [sflag:$0x1] =	stream.indirect_vreg.gather [hbm4b:s11+s2], $0x80, v4, vm0, $0xb8;
	[tilespmem:$0x18900] =	vst v63  }
0x35: {  	s26 =	simm.s32 $0x2900  }
0x36: {  	[tilespmem:s26], [sflag:$0x1] =	stream.indirect_vreg.gather [hbm4b:s3+s2], $0x80, v3, vm0, $0xb8;
	[tilespmem:$0x18900] =	vst v63  }
0x37: {  	s28 =	simm.s32 $0x3100  }
0x38: {  	[tilespmem:s28], [sflag:$0x1] =	stream.indirect_vreg.gather [hbm4b:s8+s2], $0x80, v3, vm0, $0xb8;
	[tilespmem:$0x18900] =	vst v63  }
0x39: {  	s13 =	simm.s32 $0x3900  }
0x3a: {  	[tilespmem:s13], [sflag:$0x1] =	stream.indirect_vreg.gather [hbm4b:s9+s2], $0x80, v3, vm0, $0xb8;
	[tilespmem:$0x18900] =	vst v63  }
0x3b: {  	s14 =	simm.s32 $0x4100  }
0x3c: {  	[tilespmem:s14], [sflag:$0x1] =	stream.indirect_vreg.gather [hbm4b:s11+s2], $0x80, v3, vm0, $0xb8;
	[tilespmem:$0x18900] =	vst v63  }
0x3d: {  	v3 =	vld [tilespmem:$0x80];
	_ =	sdelay $0x4  }
0x3e: {  	v61 =	vshll.u32 v3, $0x3  }
0x3f: {  	v3 =	vand.u32 $0x7, v3;
	v4 =	vand.u32 $0xFFFFFFC0, v61  }
0x40: {  	v3 =	vor.u32 v3, v4  }
0x41: {  	v4 =	vperm.xlane v3, v0;
	_ =	sdelay $0x1  }
0x42: {  	v4 =	vadd.s32 v1, v4;
	_ =	sdelay $0x3  }
0x43: {  	s25 =	simm.s32 $0x8900  }
0x44: {  	[tilespmem:s25], [sflag:$0x2] =	stream.indirect_vreg.gather [hbm4b:s3+s2], $0x80, v4, vm0, $0xb8;
	[tilespmem:$0x18900] =	vst v63  }
0x45: {  	s26 =	simm.s32 $0x9100;
	v3 =	vperm.xlane v3, v2  }
0x46: {  	[tilespmem:s26], [sflag:$0x2] =	stream.indirect_vreg.gather [hbm4b:s8+s2], $0x80, v4, vm0, $0xb8;
	[tilespmem:$0x18900] =	vst v63  }
0x47: {  	s28 =	simm.s32 $0x9900;
	v3 =	vadd.s32 v1, v3  }
0x48: {  	[tilespmem:s28], [sflag:$0x2] =	stream.indirect_vreg.gather [hbm4b:s9+s2], $0x80, v4, vm0, $0xb8;
	[tilespmem:$0x18900] =	vst v63  }
0x49: {  	s13 =	simm.s32 $0xA100  }
0x4a: {  	[tilespmem:s13], [sflag:$0x2] =	stream.indirect_vreg.gather [hbm4b:s11+s2], $0x80, v4, vm0, $0xb8;
	[tilespmem:$0x18900] =	vst v63  }
0x4b: {  	s14 =	simm.s32 $0xA900  }
0x4c: {  	[tilespmem:s14], [sflag:$0x2] =	stream.indirect_vreg.gather [hbm4b:s3+s2], $0x80, v3, vm0, $0xb8;
	[tilespmem:$0x18900] =	vst v63  }
0x4d: {  	s25 =	simm.s32 $0xB100  }
0x4e: {  	[tilespmem:s25], [sflag:$0x2] =	stream.indirect_vreg.gather [hbm4b:s8+s2], $0x80, v3, vm0, $0xb8;
	[tilespmem:$0x18900] =	vst v63  }
0x4f: {  	s26 =	simm.s32 $0xB900  }
0x50: {  	[tilespmem:s26], [sflag:$0x2] =	stream.indirect_vreg.gather [hbm4b:s9+s2], $0x80, v3, vm0, $0xb8;
	[tilespmem:$0x18900] =	vst v63  }
0x51: {  	s28 =	simm.s32 $0xC100  }
0x52: {  	[tilespmem:s28], [sflag:$0x2] =	stream.indirect_vreg.gather [hbm4b:s11+s2], $0x80, v3, vm0, $0xb8;
	[tilespmem:$0x18900] =	vst v63  }
0x53: {  	v3 =	vld [tilespmem:$0x10];
	_ =	sdelay $0x4  }
0x54: {  	v62 =	vshll.u32 v3, $0x3  }
0x55: {  	v3 =	vand.u32 $0x7, v3;
	v4 =	vand.u32 $0xFFFFFFC0, v62  }
0x56: {  	v3 =	vor.u32 v3, v4  }
0x57: {  	v4 =	vperm.xlane v3, v0;
	_ =	sdelay $0x1  }
0x58: {  	v4 =	vadd.s32 v1, v4;
	_ =	sdelay $0x3  }
0x59: {  	s13 =	simm.s32 $0x4900  }
0x5a: {  	[tilespmem:s13], [sflag:$0x3] =	stream.indirect_vreg.gather [hbm4b:s3+s2], $0x80, v4, vm0, $0xb8;
	[tilespmem:$0x18900] =	vst v63  }
0x5b: {  	s14 =	simm.s32 $0x5100;
	v3 =	vperm.xlane v3, v2  }
0x5c: {  	[tilespmem:s14], [sflag:$0x3] =	stream.indirect_vreg.gather [hbm4b:s8+s2], $0x80, v4, vm0, $0xb8;
	[tilespmem:$0x18900] =	vst v63  }
0x5d: {  	s25 =	simm.s32 $0x5900;
	v3 =	vadd.s32 v1, v3  }
0x5e: {  	[tilespmem:s25], [sflag:$0x3] =	stream.indirect_vreg.gather [hbm4b:s9+s2], $0x80, v4, vm0, $0xb8;
	[tilespmem:$0x18900] =	vst v63  }
0x5f: {  	s26 =	simm.s32 $0x6100  }
0x60: {  	[tilespmem:s26], [sflag:$0x3] =	stream.indirect_vreg.gather [hbm4b:s11+s2], $0x80, v4, vm0, $0xb8;
	[tilespmem:$0x18900] =	vst v63  }
0x61: {  	s28 =	simm.s32 $0x6900  }
0x62: {  	[tilespmem:s28], [sflag:$0x3] =	stream.indirect_vreg.gather [hbm4b:s3+s2], $0x80, v3, vm0, $0xb8;
	[tilespmem:$0x18900] =	vst v63  }
0x63: {  	s13 =	simm.s32 $0x7100  }
0x64: {  	[tilespmem:s13], [sflag:$0x3] =	stream.indirect_vreg.gather [hbm4b:s8+s2], $0x80, v3, vm0, $0xb8;
	[tilespmem:$0x18900] =	vst v63  }
0x65: {  	s14 =	simm.s32 $0x7900  }
0x66: {  	[tilespmem:s14], [sflag:$0x3] =	stream.indirect_vreg.gather [hbm4b:s9+s2], $0x80, v3, vm0, $0xb8;
	[tilespmem:$0x18900] =	vst v63  }
0x67: {  	s25 =	simm.s32 $0x8100  }
0x68: {  	[tilespmem:s25], [sflag:$0x3] =	stream.indirect_vreg.gather [hbm4b:s11+s2], $0x80, v3, vm0, $0xb8;
	[tilespmem:$0x18900] =	vst v63  }
0x69: {  	v3 =	vld [tilespmem:$0x90];
	_ =	sdelay $0x4  }
0x6a: {  	v63 =	vshll.u32 v3, $0x3  }
0x6b: {  	v3 =	vand.u32 $0x7, v3;
	v4 =	vand.u32 $0xFFFFFFC0, v63  }
0x6c: {  	v3 =	vor.u32 v3, v4  }
0x6d: {  	v4 =	vperm.xlane v3, v0;
	_ =	sdelay $0x1  }
0x6e: {  	v4 =	vadd.s32 v1, v4;
	_ =	sdelay $0x3  }
0x6f: {  	s26 =	simm.s32 $0xC900  }
0x70: {  	[tilespmem:s26], [sflag:$0x4] =	stream.indirect_vreg.gather [hbm4b:s3+s2], $0x80, v4, vm0, $0xb8;
	[tilespmem:$0x18900] =	vst v63  }
0x71: {  	s28 =	simm.s32 $0xD100;
	v3 =	vperm.xlane v3, v2  }
0x72: {  	[tilespmem:s28], [sflag:$0x4] =	stream.indirect_vreg.gather [hbm4b:s8+s2], $0x80, v4, vm0, $0xb8;
	[tilespmem:$0x18900] =	vst v63  }
0x73: {  	v3 =	vadd.s32 v1, v3  }
0x74: {  	[tilespmem:s29], [sflag:$0x4] =	stream.indirect_vreg.gather [hbm4b:s9+s2], $0x80, v4, vm0, $0xb8;
	[tilespmem:$0x18900] =	vst v63  }
0x75: {  	_ = 	snop  }
0x76: {  	[tilespmem:s30], [sflag:$0x4] =	stream.indirect_vreg.gather [hbm4b:s11+s2], $0x80, v4, vm0, $0xb8;
	[tilespmem:$0x18900] =	vst v63  }
0x77: {  	_ = 	snop  }
0x78: {  	[tilespmem:s31], [sflag:$0x4] =	stream.indirect_vreg.gather [hbm4b:s3+s2], $0x80, v3, vm0, $0xb8;
	[tilespmem:$0x18900] =	vst v63  }
0x79: {  	_ = 	snop  }
0x7a: {  	[tilespmem:s0], [sflag:$0x4] =	stream.indirect_vreg.gather [hbm4b:s8+s2], $0x80, v3, vm0, $0xb8;
	[tilespmem:$0x18900] =	vst v63  }
0x7b: {  	_ = 	snop  }
0x7c: {  	[tilespmem:s1], [sflag:$0x4] =	stream.indirect_vreg.gather [hbm4b:s9+s2], $0x80, v3, vm0, $0xb8;
	[tilespmem:$0x18900] =	vst v63  }
0x7d: {  	_ = 	snop  }
0x7e: {  	[tilespmem:s4], [sflag:$0x4] =	stream.indirect_vreg.gather [hbm4b:s11+s2], $0x80, v3, vm0, $0xb8;
	[tilespmem:$0x18900] =	vst v63  }
0x7f: {  	_ =	swait.ge [sflag:s17], $0x4000  }
0x80: {  	[sflag:s17] =	ssyncset.done $0x0  }
0x81: {  	[sflag:s17] =	ssyncadd.s32 $0xFFFFC000  }
0x82: {  	_ =	swait.ge [sflag:s5], $0x4000  }
0x83: {  	s12 =	simm.s32 $0x0;
	s13 =	simm.s32 $0x0;
	[sflag:s5] =	ssyncset.done $0x0  }
0x84: {  	s25 =	simm.s32 $0xFFFFC000;
	s26 =	simm.s32 $0x0;
	[sflag:s5] =	ssyncadd.s32 $0xFFFFC000  }
.LBB2_2:
0x85: {  	s28 =	sadd.s32 $0x4000, s25  }
0x86: {  	v3 =	vld [tilespmem:s23+$0x0];
	s14 =	sand.u32 $0x380, s13;
	s28 =	sand.u32 $0x2000, s28  }
0x87: {  	v4 =	vld [tilespmem:s24+$0x0];
	s28 =	sor.u32 s14, s28  }
0x88: {  	v6 =	vld [tilespmem:s28+$0x900]  }
0x89: {  	v7 =	vld [tilespmem:s28+$0x8900]  }
0x8a: {  	v10 =	vld [tilespmem:s28+$0x910]  }
0x8b: {  	v11 =	vld [tilespmem:s28+$0x8910]  }
0x8c: {  	v14 =	vld [tilespmem:s28+$0x920]  }
0x8d: {  	v17 =	vld [tilespmem:s28+$0x8920]  }
0x8e: {  	v20 =	vld [tilespmem:s28+$0x930]  }
0x8f: {  	v21 =	vld [tilespmem:s28+$0x8930]  }
0x90: {  	v26 =	vld [tilespmem:s28+$0x940]  }
0x91: {  	v27 =	vld [tilespmem:s28+$0x8940]  }
0x92: {  	v28 =	vld [tilespmem:s28+$0x950]  }
0x93: {  	v29 =	vld [tilespmem:s28+$0x8950]  }
0x94: {  	v30 =	vld [tilespmem:s28+$0x960]  }
0x95: {  	v31 =	vld [tilespmem:s28+$0x8960]  }
0x96: {  	v32 =	vld [tilespmem:s28+$0x970]  }
0x97: {  	v33 =	vld [tilespmem:s28+$0x8970]  }
0x98: {  	v34 =	vld [tilespmem:s28+$0xD00]  }
0x99: {  	v35 =	vld [tilespmem:s28+$0x8D00]  }
0x9a: {  	v36 =	vld [tilespmem:s28+$0xD10]  }
0x9b: {  	v37 =	vld [tilespmem:s28+$0x8D10]  }
0x9c: {  	v38 =	vld [tilespmem:s28+$0xD20]  }
0x9d: {  	v39 =	vld [tilespmem:s28+$0x8D20]  }
0x9e: {  	v40 =	vld [tilespmem:s28+$0xD30]  }
0x9f: {  	v41 =	vld [tilespmem:s28+$0x8D30]  }
0xa0: {  	v42 =	vld [tilespmem:s28+$0xD40]  }
0xa1: {  	v43 =	vld [tilespmem:s28+$0x8D40]  }
0xa2: {  	v44 =	vld [tilespmem:s28+$0xD50]  }
0xa3: {  	v45 =	vld [tilespmem:s28+$0x8D50]  }
0xa4: {  	v46 =	vld [tilespmem:s28+$0xD60]  }
0xa5: {  	v47 =	vld [tilespmem:s28+$0x8D60]  }
0xa6: {  	v48 =	vld [tilespmem:s28+$0xD70]  }
0xa7: {  	v49 =	vld [tilespmem:s28+$0x8D70]  }
0xa8: {  	v50 =	vld [tilespmem:s28+$0x1100]  }
0xa9: {  	v51 =	vld [tilespmem:s28+$0x9100]  }
0xaa: {  	v52 =	vld [tilespmem:s28+$0x1110]  }
0xab: {  	v53 =	vld [tilespmem:s28+$0x9110]  }
0xac: {  	v54 =	vld [tilespmem:s28+$0x1120]  }
0xad: {  	v55 =	vld [tilespmem:s28+$0x9120]  }
0xae: {  	v56 =	vld [tilespmem:s28+$0x1130]  }
0xaf: {  	v57 =	vld [tilespmem:s28+$0x9130]  }
0xb0: {  	v58 =	vld [tilespmem:s28+$0x1140]  }
0xb1: {  	v59 =	vld [tilespmem:s28+$0x9140]  }
0xb2: {  	v60 =	vld [tilespmem:s28+$0x1150]  }
0xb3: {  	v61 =	vld [tilespmem:s28+$0x9150]  }
0xb4: {  	v62 =	vld [tilespmem:s28+$0x1160]  }
0xb5: {  	v63 =	vld [tilespmem:s28+$0x9160]  }
0xb6: {  	v5 =	vld [tilespmem:s28+$0x1170]  }
0xb7: {  	v2 =	vld [tilespmem:s28+$0x9170]  }
0xb8: {  	v24 =	vld [tilespmem:s28+$0x1500]  }
0xb9: {  	v25 =	vld [tilespmem:s28+$0x9500]  }
0xba: {  	v22 =	vld [tilespmem:s28+$0x1510]  }
0xbb: {  	v23 =	vld [tilespmem:s28+$0x9510]  }
0xbc: {  	v18 =	vld [tilespmem:s28+$0x1520]  }
0xbd: {  	v19 =	vld [tilespmem:s28+$0x9520]  }
0xbe: {  	v15 =	vld [tilespmem:s28+$0x1530]  }
0xbf: {  	v0 =	vld [tilespmem:s28+$0x1560]  }
0xc0: {  	v16 =	vld [tilespmem:s28+$0x9530]  }
0xc1: {  	v12 =	vld [tilespmem:s28+$0x1540]  }
0xc2: {  	v13 =	vld [tilespmem:s28+$0x9540]  }
0xc3: {  	v8 =	vld [tilespmem:s28+$0x1550];
	v1 =	vmul.f32 v6, v3  }
0xc4: {  	v9 =	vld [tilespmem:s28+$0x9550];
	[tilespmem:$0x1FFC0] =	vst v0;
	v0 =	vmul.f32 v7, v4;
	v10 =	vmul.f32 v10, v3  }
0xc5: {  	v7 =	vld [tilespmem:s28+$0x9560];
	v11 =	vmul.f32 v11, v4;
	v14 =	vmul.f32 v14, v3  }
0xc6: {  	v6 =	vld [tilespmem:s28+$0x1570];
	v17 =	vmul.f32 v17, v4;
	v20 =	vmul.f32 v20, v3  }
0xc7: {  	v21 =	vmul.f32 v21, v4;
	v26 =	vmul.f32 v26, v3;
	v1 =	vadd.f32 v0, v1;
	v0 =	vld [tilespmem:s28+$0x9570]  }
0xc8: {  	v5 =	vmul.f32 v5, v3;
	v2 =	vmul.f32 v2, v4;
	v10 =	vadd.f32 v11, v10;
	v11 =	vld [tilespmem:s28+$0x1900]  }
0xc9: {  	v24 =	vmul.f32 v24, v3;
	v25 =	vmul.f32 v25, v4;
	[tilespmem:s28+$0x10900] =	vst v1;
	v1 =	vadd.f32 v17, v14;
	v14 =	vld [tilespmem:s28+$0x9900]  }
0xca: {  	[tilespmem:s28+$0x10910] =	vst v10;
	v10 =	vadd.f32 v21, v20;
	v21 =	vmul.f32 v28, v3;
	v28 =	vmul.f32 v29, v4;
	v17 =	vld [tilespmem:s28+$0x1910]  }
0xcb: {  	v27 =	vmul.f32 v27, v4;
	v34 =	vmul.f32 v34, v3;
	v2 =	vadd.f32 v2, v5;
	v20 =	vld [tilespmem:s28+$0x9910]  }
0xcc: {  	v35 =	vmul.f32 v35, v4;
	v25 =	vadd.f32 v25, v24;
	[tilespmem:s28+$0x10930] =	vst v10;
	v10 =	vadd.f32 v28, v21;
	v21 =	vld [tilespmem:s28+$0x1920]  }
0xcd: {  	v29 =	vmul.f32 v33, v4;
	[tilespmem:s28+$0x10920] =	vst v1;
	v1 =	vadd.f32 v27, v26;
	v27 =	vmul.f32 v31, v4;
	v31 =	vld [tilespmem:s28+$0x1930]  }
0xce: {  	[tilespmem:s28+$0x11170] =	vst v2;
	v26 =	vmul.f32 v30, v3;
	v28 =	vmul.f32 v32, v3;
	v32 =	vld [tilespmem:s28+$0x9930]  }
0xcf: {  	v38 =	vmul.f32 v38, v3;
	[tilespmem:s28+$0x11500] =	vst v25;
	v30 =	vmul.f32 v15, v3;
	v15 =	vld [tilespmem:s28+$0x1D40]  }
0xd0: {  	v39 =	vmul.f32 v39, v4;
	v33 =	vadd.f32 v27, v26;
	v26 =	vld [tilespmem:s28+$0x9920];
	[tilespmem:s28+$0x10950] =	vst v10;
	v10 =	vadd.f32 v29, v28  }
0xd1: {  	[tilespmem:s28+$0x10940] =	vst v1;
	v28 =	vmul.f32 v36, v3;
	v36 =	vmul.f32 v37, v4;
	v37 =	vadd.f32 v35, v34;
	v34 =	vld [tilespmem:s28+$0x9940]  }
0xd2: {  	v40 =	vmul.f32 v40, v3;
	v52 =	vmul.f32 v52, v3;
	v35 =	vld [tilespmem:s28+$0x1950];
	[tilespmem:s28+$0x10960] =	vst v33  }
0xd3: {  	v18 =	vmul.f32 v18, v3;
	v27 =	vld [tilespmem:s28+$0x9D20];
	[tilespmem:s28+$0x10970] =	vst v10;
	v10 =	vadd.f32 v36, v28;
	v36 =	vmul.f32 v41, v4  }
0xd4: {  	v33 =	vld [tilespmem:s28+$0x1940];
	[tilespmem:s28+$0x10D00] =	vst v37;
	v37 =	vadd.f32 v39, v38;
	v38 =	vmul.f32 v42, v3;
	v39 =	vmul.f32 v43, v4  }
0xd5: {  	v41 =	vmul.f32 v45, v4;
	v28 =	vld [tilespmem:s28+$0x1D20];
	[tilespmem:s28+$0x10D10] =	vst v10;
	v10 =	vadd.f32 v36, v40;
	v40 =	vmul.f32 v44, v3  }
0xd6: {  	v43 =	vmul.f32 v46, v3;
	[tilespmem:s28+$0x10D20] =	vst v37;
	v42 =	vadd.f32 v39, v38;
	v44 =	vmul.f32 v47, v4;
	v36 =	vld [tilespmem:s28+$0x9950]  }
0xd7: {  	v46 =	vmul.f32 v48, v3;
	v47 =	vmul.f32 v49, v4;
	v37 =	vld [tilespmem:s28+$0x1960];
	[tilespmem:s28+$0x10D30] =	vst v10;
	v45 =	vadd.f32 v41, v40  }
0xd8: {  	v49 =	vmul.f32 v50, v3;
	v50 =	vmul.f32 v51, v4;
	v38 =	vld [tilespmem:s28+$0x9960];
	[tilespmem:s28+$0x10D40] =	vst v42;
	v48 =	vadd.f32 v44, v43  }
0xd9: {  	v19 =	vmul.f32 v19, v4;
	v39 =	vld [tilespmem:s28+$0x1970];
	v51 =	vadd.f32 v47, v46;
	v44 =	vmul.f32 v53, v4;
	[tilespmem:s28+$0x10D50] =	vst v45  }
0xda: {  	v46 =	vmul.f32 v54, v3;
	v47 =	vmul.f32 v55, v4;
	v40 =	vld [tilespmem:s28+$0x9970];
	[tilespmem:s28+$0x10D60] =	vst v48;
	v45 =	vadd.f32 v50, v49  }
0xdb: {  	v41 =	vld [tilespmem:s28+$0x1D00];
	v53 =	vmul.f32 v59, v4;
	v55 =	vmul.f32 v60, v3;
	[tilespmem:s28+$0x10D70] =	vst v51;
	v48 =	vadd.f32 v44, v52  }
0xdc: {  	v42 =	vld [tilespmem:s28+$0x9D00];
	v49 =	vmul.f32 v56, v3;
	v50 =	vmul.f32 v57, v4;
	v51 =	vadd.f32 v47, v46;
	[tilespmem:s28+$0x11100] =	vst v45  }
0xdd: {  	v43 =	vld [tilespmem:s28+$0x1D10];
	v59 =	vmul.f32 v63, v4;
	v52 =	vmul.f32 v58, v3;
	v46 =	vadd.f32 v19, v18;
	[tilespmem:s28+$0x11110] =	vst v48  }
0xde: {  	v63 =	vmul.f32 v23, v4;
	v23 =	vld [tilespmem:s28+$0x9D30];
	v56 =	vmul.f32 v61, v4;
	v54 =	vadd.f32 v50, v49;
	[tilespmem:s28+$0x11120] =	vst v51  }
0xdf: {  	v58 =	vmul.f32 v62, v3;
	v44 =	vld [tilespmem:s28+$0x9D10];
	v57 =	vadd.f32 v53, v52;
	[tilespmem:s28+$0x11520] =	vst v46  }
0xe0: {  	v62 =	vmul.f32 v22, v3;
	v22 =	vld [tilespmem:s28+$0x1D30];
	v60 =	vadd.f32 v56, v55;
	[tilespmem:s28+$0x11130] =	vst v54  }
0xe1: {  	v12 =	vmul.f32 v12, v3;
	v13 =	vmul.f32 v13, v4;
	v18 =	vld [tilespmem:s28+$0x2110];
	v61 =	vadd.f32 v59, v58;
	[tilespmem:s28+$0x11140] =	vst v57  }
0xe2: {  	v25 =	vmul.f32 v34, v4;
	v24 =	vmul.f32 v33, v3;
	v19 =	vld [tilespmem:s28+$0xA110];
	v29 =	vadd.f32 v63, v62;
	[tilespmem:s28+$0x11150] =	vst v60  }
0xe3: {  	v45 =	vmul.f32 v16, v4;
	v16 =	vld [tilespmem:s28+$0x9D40];
	v48 =	vmul.f32 v8, v3;
	v50 =	vadd.f32 v13, v12;
	[tilespmem:s28+$0x11160] =	vst v61  }
0xe4: {  	v49 =	vmul.f32 v9, v4;
	v9 =	vld [tilespmem:s28+$0x1D50];
	v63 =	vmul.f32 v31, v3;
	v31 =	vadd.f32 v25, v24;
	[tilespmem:s28+$0x11510] =	vst v29  }
0xe5: {  	v0 =	vmul.f32 v0, v4;
	v51 =	vld [tilespmem:$0x1FFC0];
	v53 =	vmul.f32 v6, v3;
	v47 =	vadd.f32 v45, v30;
	[tilespmem:s28+$0x11540] =	vst v50  }
0xe6: {  	v12 =	vld [tilespmem:s28+$0x9D50];
	v55 =	vmul.f32 v11, v3;
	v56 =	vmul.f32 v14, v4;
	v52 =	vadd.f32 v49, v48;
	[tilespmem:s28+$0x11940] =	vst v31  }
0xe7: {  	v6 =	vld [tilespmem:s28+$0x1D60];
	v58 =	vmul.f32 v20, v4;
	v20 =	vmul.f32 v32, v4;
	v0 =	vadd.f32 v0, v53;
	[tilespmem:s28+$0x11530] =	vst v47  }
0xe8: {  	v33 =	vmul.f32 v38, v4;
	v11 =	vld [tilespmem:s28+$0x1D70];
	v32 =	vmul.f32 v37, v3;
	v59 =	vadd.f32 v56, v55;
	[tilespmem:s28+$0x11550] =	vst v52  }
0xe9: {  	v13 =	vld [tilespmem:s28+$0x9D70];
	v57 =	vmul.f32 v17, v3;
	v61 =	vmul.f32 v26, v4;
	v26 =	vadd.f32 v20, v63;
	[tilespmem:s28+$0x11570] =	vst v0  }
0xea: {  	v7 =	vmul.f32 v7, v4;
	v14 =	vld [tilespmem:s28+$0x2100];
	v60 =	vmul.f32 v21, v3;
	v37 =	vadd.f32 v33, v32;
	[tilespmem:s28+$0x11900] =	vst v59  }
0xeb: {  	v17 =	vld [tilespmem:s28+$0xA100];
	v29 =	vmul.f32 v35, v3;
	v30 =	vmul.f32 v36, v4;
	v62 =	vadd.f32 v58, v57;
	[tilespmem:s28+$0x11930] =	vst v26  }
0xec: {  	v35 =	vmul.f32 v39, v3;
	v36 =	vmul.f32 v40, v4;
	v20 =	vld [tilespmem:s28+$0x2120];
	v21 =	vadd.f32 v61, v60;
	[tilespmem:s28+$0x11960] =	vst v37  }
0xed: {  	v38 =	vmul.f32 v41, v3;
	v39 =	vmul.f32 v42, v4;
	v40 =	vld [tilespmem:s28+$0xA120];
	v34 =	vadd.f32 v30, v29;
	[tilespmem:s28+$0x11910] =	vst v62  }
0xee: {  	v42 =	vmul.f32 v43, v3;
	v48 =	vld [tilespmem:s28+$0xA130];
	v43 =	vmul.f32 v44, v4;
	v41 =	vadd.f32 v36, v35;
	[tilespmem:s28+$0x11920] =	vst v21  }
0xef: {  	v46 =	vmul.f32 v28, v3;
	v56 =	vld [tilespmem:s28+$0xA140];
	v45 =	vadd.f32 v39, v38;
	v47 =	vmul.f32 v27, v4;
	[tilespmem:s28+$0x11950] =	vst v34  }
0xf0: {  	v63 =	vld [tilespmem:s28+$0xA150];
	v50 =	vmul.f32 v22, v3;
	v10 =	vmul.f32 v51, v3;
	v49 =	vadd.f32 v43, v42;
	[tilespmem:s28+$0x11970] =	vst v41  }
0xf1: {  	v31 =	vld [tilespmem:s28+$0xA160];
	v33 =	vmul.f32 v18, v3;
	v51 =	vmul.f32 v23, v4;
	[tilespmem:s28+$0x11D00] =	vst v45;
	v53 =	vadd.f32 v47, v46  }
0xf2: {  	v44 =	vld [tilespmem:s28+$0x2130];
	v58 =	vmul.f32 v9, v3;
	v59 =	vmul.f32 v12, v4;
	v54 =	vadd.f32 v7, v10;
	[tilespmem:s28+$0x11D10] =	vst v49  }
0xf3: {  	v52 =	vld [tilespmem:s28+$0x2140];
	v23 =	vmul.f32 v11, v3;
	v26 =	vmul.f32 v13, v4;
	v57 =	vadd.f32 v51, v50;
	[tilespmem:s28+$0x11D20] =	vst v53  }
0xf4: {  	v60 =	vld [tilespmem:s28+$0x2150];
	v55 =	vmul.f32 v16, v4;
	v34 =	vmul.f32 v19, v4;
	v16 =	vadd.f32 v59, v58;
	[tilespmem:s28+$0x11560] =	vst v54  }
0xf5: {  	v27 =	vld [tilespmem:s28+$0x2160];
	v29 =	vmul.f32 v14, v3;
	v30 =	vmul.f32 v17, v4;
	v32 =	vadd.f32 v26, v23;
	[tilespmem:s28+$0x11D30] =	vst v57  }
0xf6: {  	v35 =	vld [tilespmem:s28+$0x2170];
	v37 =	vmul.f32 v20, v3;
	v38 =	vmul.f32 v40, v4;
	v40 =	vadd.f32 v34, v33;
	[tilespmem:s28+$0x11D50] =	vst v16  }
0xf7: {  	v39 =	vld [tilespmem:s28+$0xA170];
	v42 =	vmul.f32 v48, v4;
	v41 =	vmul.f32 v44, v3;
	v36 =	vadd.f32 v30, v29;
	[tilespmem:s28+$0x11D70] =	vst v32  }
0xf8: {  	v10 =	vld [tilespmem:s28+$0x9D60];
	v54 =	vmul.f32 v15, v3;
	v43 =	vadd.f32 v38, v37;
	[tilespmem:s28+$0x12110] =	vst v40  }
0xf9: {  	v45 =	vmul.f32 v56, v4;
	v44 =	vmul.f32 v52, v3;
	v46 =	vadd.f32 v42, v41;
	[tilespmem:s28+$0x12100] =	vst v36  }
0xfa: {  	v48 =	vmul.f32 v63, v4;
	v47 =	vmul.f32 v60, v3;
	v61 =	vadd.f32 v55, v54;
	[tilespmem:s28+$0x12120] =	vst v43  }
0xfb: {  	v51 =	vmul.f32 v31, v4;
	v50 =	vmul.f32 v27, v3;
	v49 =	vadd.f32 v45, v44;
	[tilespmem:s28+$0x12130] =	vst v46  }
0xfc: {  	v53 =	vmul.f32 v35, v3;
	v52 =	vadd.f32 v48, v47;
	v54 =	vmul.f32 v39, v4;
	[tilespmem:s28+$0x11D40] =	vst v61  }
0xfd: {  	v6 =	vmul.f32 v6, v3;
	v55 =	vadd.f32 v51, v50;
	v62 =	vmul.f32 v10, v4;
	[tilespmem:s28+$0x12140] =	vst v49  }
0xfe: {  	s14 =	sand.u32 $0x7, s12;
	[tilespmem:s28+$0x12150] =	vst v52;
	v56 =	vadd.f32 v54, v53  }
0xff: {  	s14 =	sshll.u32 s14, $0x7;
	[tilespmem:s28+$0x12160] =	vst v55;
	v28 =	vadd.f32 v62, v6  }
0x100: {  	s14 =	sadd.s32 s14, s26;
	[tilespmem:s28+$0x12170] =	vst v56  }
0x101: {  	[tilespmem:s28+$0x11D60] =	vst v28;
	s28 =	sor.u32 $0x1C00, s14  }
0x102: {  	v0 =	vld [tilespmem:s28+$0x900]  }
0x103: {  	v1 =	vld [tilespmem:s28+$0x8900];
	_ =	sdelay $0x4  }
0x104: {  	v0 =	vmul.f32 v0, v3;
	v1 =	vmul.f32 v1, v4;
	_ =	sdelay $0x1  }
0x105: {  	v0 =	vadd.f32 v1, v0;
	_ =	sdelay $0x1  }
0x106: {  	[tilespmem:s28+$0x10900] =	vst v0;
	s28 =	sor.u32 $0x1C10, s14  }
0x107: {  	v0 =	vld [tilespmem:s28+$0x900]  }
0x108: {  	v57 =	vld [tilespmem:s28+$0x8900];
	_ =	sdelay $0x4  }
0x109: {  	v0 =	vmul.f32 v0, v3;
	v1 =	vmul.f32 v57, v4;
	_ =	sdelay $0x1  }
0x10a: {  	v0 =	vadd.f32 v1, v0;
	_ =	sdelay $0x1  }
0x10b: {  	[tilespmem:s28+$0x10900] =	vst v0;
	s28 =	sor.u32 $0x1C20, s14  }
0x10c: {  	v0 =	vld [tilespmem:s28+$0x900]  }
0x10d: {  	v58 =	vld [tilespmem:s28+$0x8900];
	_ =	sdelay $0x4  }
0x10e: {  	v0 =	vmul.f32 v0, v3;
	v1 =	vmul.f32 v58, v4;
	_ =	sdelay $0x1  }
0x10f: {  	v0 =	vadd.f32 v1, v0;
	_ =	sdelay $0x1  }
0x110: {  	[tilespmem:s28+$0x10900] =	vst v0;
	s28 =	sor.u32 $0x1C30, s14  }
0x111: {  	v0 =	vld [tilespmem:s28+$0x900]  }
0x112: {  	v59 =	vld [tilespmem:s28+$0x8900];
	_ =	sdelay $0x4  }
0x113: {  	v0 =	vmul.f32 v0, v3;
	v1 =	vmul.f32 v59, v4;
	_ =	sdelay $0x1  }
0x114: {  	v0 =	vadd.f32 v1, v0;
	_ =	sdelay $0x1  }
0x115: {  	[tilespmem:s28+$0x10900] =	vst v0;
	s28 =	sor.u32 $0x1C40, s14  }
0x116: {  	v0 =	vld [tilespmem:s28+$0x900]  }
0x117: {  	v60 =	vld [tilespmem:s28+$0x8900];
	_ =	sdelay $0x4  }
0x118: {  	v0 =	vmul.f32 v0, v3;
	v1 =	vmul.f32 v60, v4;
	_ =	sdelay $0x1  }
0x119: {  	v0 =	vadd.f32 v1, v0;
	_ =	sdelay $0x1  }
0x11a: {  	[tilespmem:s28+$0x10900] =	vst v0;
	s28 =	sor.u32 $0x1C50, s14  }
0x11b: {  	v0 =	vld [tilespmem:s28+$0x900]  }
0x11c: {  	v61 =	vld [tilespmem:s28+$0x8900];
	_ =	sdelay $0x4  }
0x11d: {  	v0 =	vmul.f32 v0, v3;
	v1 =	vmul.f32 v61, v4;
	_ =	sdelay $0x1  }
0x11e: {  	v0 =	vadd.f32 v1, v0;
	_ =	sdelay $0x1  }
0x11f: {  	[tilespmem:s28+$0x10900] =	vst v0;
	s28 =	sor.u32 $0x1C60, s14  }
0x120: {  	v0 =	vld [tilespmem:s28+$0x900]  }
0x121: {  	v62 =	vld [tilespmem:s28+$0x8900];
	_ =	sdelay $0x4  }
0x122: {  	v0 =	vmul.f32 v0, v3;
	v1 =	vmul.f32 v62, v4;
	_ =	sdelay $0x1  }
0x123: {  	v0 =	vadd.f32 v1, v0;
	_ =	sdelay $0x1  }
0x124: {  	s14 =	sor.u32 $0x1C70, s14;
	[tilespmem:s28+$0x10900] =	vst v0  }
0x125: {  	v0 =	vld [tilespmem:s14+$0x900]  }
0x126: {  	v63 =	vld [tilespmem:s14+$0x8900];
	_ =	sdelay $0x3  }
0x127: {  	p0 =	sne.s32 s13, $0x780  }
.Ltmp0:
0x128: {  	v0 =	vmul.f32 v0, v3;
	v1 =	vmul.f32 v63, v4;
	(pc) =	sbr.rel @p0 .LBB2_2-.Ltmp0, $4  }
0x129: {  	_ = 	snop  }
0x12a: {  	v0 =	vadd.f32 v1, v0  }
0x12b: {  	s25 =	sadd.s32 $0x400, s25;
	s23 =	sadd.s32 $0x10, s23;
	s24 =	sadd.s32 $0x10, s24  }
0x12c: {  	s13 =	sadd.s32 $0x80, s13;
	s12 =	sadd.s32 $0x1, s12;
	s26 =	sadd.s32 $0x400, s26;
	[tilespmem:s14+$0x10900] =	vst v0  }
0x12d: {  	v0 =	vld [tilespmem:$0x20];
	_ =	sdelay $0x2  }
0x12e: {  	v2 =	vld [tilespmem:$0x1FFD0];
	_ =	sdelay $0x1  }
0x12f: {  	v3 =	vld [tilespmem:$0x1FFE0];
	v1 =	vshll.u32 v0, $0x3  }
0x130: {  	v0 =	vand.u32 $0x7, v0;
	v1 =	vand.u32 $0xFFFFFFC0, v1  }
0x131: {  	v0 =	vor.u32 v0, v1  }
0x132: {  	v1 =	vperm.xlane v0, v2;
	_ =	sdelay $0x1  }
0x133: {  	v1 =	vadd.s32 v3, v1  }
0x134: {  	v4 =	vld [tilespmem:$0x1FFF0];
	_ =	sdelay $0x2  }
0x135: {  	s23 =	simm.s32 $0x0;
	s12 =	simm.s32 $0x900  }
0x136: {  	[tilespmem:s12], [sflag:$0x1] =	stream.indirect_vreg.gather [hbm4b:s3+s23], $0x80, v1, vm0, $0xb8;
	[tilespmem:$0x18900] =	vst v63  }
0x137: {  	s25 =	simm.s32 $0x1100;
	v0 =	vperm.xlane v0, v4  }
0x138: {  	[tilespmem:s25], [sflag:$0x1] =	stream.indirect_vreg.gather [hbm4b:s8+s23], $0x80, v1, vm0, $0xb8;
	[tilespmem:$0x18900] =	vst v63  }
0x139: {  	s26 =	simm.s32 $0x1900;
	v0 =	vadd.s32 v3, v0  }
0x13a: {  	[tilespmem:s26], [sflag:$0x1] =	stream.indirect_vreg.gather [hbm4b:s9+s23], $0x80, v1, vm0, $0xb8;
	[tilespmem:$0x18900] =	vst v63  }
0x13b: {  	s28 =	simm.s32 $0x2100  }
0x13c: {  	[tilespmem:s28], [sflag:$0x1] =	stream.indirect_vreg.gather [hbm4b:s11+s23], $0x80, v1, vm0, $0xb8;
	[tilespmem:$0x18900] =	vst v63  }
0x13d: {  	s13 =	simm.s32 $0x2900  }
0x13e: {  	[tilespmem:s13], [sflag:$0x1] =	stream.indirect_vreg.gather [hbm4b:s3+s23], $0x80, v0, vm0, $0xb8;
	[tilespmem:$0x18900] =	vst v63  }
0x13f: {  	s14 =	simm.s32 $0x3100  }
0x140: {  	[tilespmem:s14], [sflag:$0x1] =	stream.indirect_vreg.gather [hbm4b:s8+s23], $0x80, v0, vm0, $0xb8;
	[tilespmem:$0x18900] =	vst v63  }
0x141: {  	s24 =	simm.s32 $0x3900  }
0x142: {  	[tilespmem:s24], [sflag:$0x1] =	stream.indirect_vreg.gather [hbm4b:s9+s23], $0x80, v0, vm0, $0xb8;
	[tilespmem:$0x18900] =	vst v63  }
0x143: {  	s25 =	simm.s32 $0x4100  }
0x144: {  	[tilespmem:s25], [sflag:$0x1] =	stream.indirect_vreg.gather [hbm4b:s11+s23], $0x80, v0, vm0, $0xb8;
	[tilespmem:$0x18900] =	vst v63  }
0x145: {  	v0 =	vld [tilespmem:$0xA0];
	_ =	sdelay $0x4  }
0x146: {  	v63 =	vshll.u32 v0, $0x3  }
0x147: {  	v0 =	vand.u32 $0x7, v0;
	v1 =	vand.u32 $0xFFFFFFC0, v63  }
0x148: {  	v0 =	vor.u32 v0, v1  }
0x149: {  	v1 =	vperm.xlane v0, v2;
	_ =	sdelay $0x1  }
0x14a: {  	v1 =	vadd.s32 v3, v1;
	_ =	sdelay $0x3  }
0x14b: {  	s26 =	simm.s32 $0x8900  }
0x14c: {  	[tilespmem:s26], [sflag:$0x2] =	stream.indirect_vreg.gather [hbm4b:s3+s23], $0x80, v1, vm0, $0xb8;
	[tilespmem:$0x18900] =	vst v63  }
0x14d: {  	s28 =	simm.s32 $0x9100;
	v0 =	vperm.xlane v0, v4  }
0x14e: {  	[tilespmem:s28], [sflag:$0x2] =	stream.indirect_vreg.gather [hbm4b:s8+s23], $0x80, v1, vm0, $0xb8;
	[tilespmem:$0x18900] =	vst v63  }
0x14f: {  	s13 =	simm.s32 $0x9900;
	v0 =	vadd.s32 v3, v0  }
0x150: {  	[tilespmem:s13], [sflag:$0x2] =	stream.indirect_vreg.gather [hbm4b:s9+s23], $0x80, v1, vm0, $0xb8;
	[tilespmem:$0x18900] =	vst v63  }
0x151: {  	s14 =	simm.s32 $0xA100  }
0x152: {  	[tilespmem:s14], [sflag:$0x2] =	stream.indirect_vreg.gather [hbm4b:s11+s23], $0x80, v1, vm0, $0xb8;
	[tilespmem:$0x18900] =	vst v63  }
0x153: {  	s24 =	simm.s32 $0xA900  }
0x154: {  	[tilespmem:s24], [sflag:$0x2] =	stream.indirect_vreg.gather [hbm4b:s3+s23], $0x80, v0, vm0, $0xb8;
	[tilespmem:$0x18900] =	vst v63  }
0x155: {  	s25 =	simm.s32 $0xB100  }
0x156: {  	[tilespmem:s25], [sflag:$0x2] =	stream.indirect_vreg.gather [hbm4b:s8+s23], $0x80, v0, vm0, $0xb8;
	[tilespmem:$0x18900] =	vst v63  }
0x157: {  	s26 =	simm.s32 $0xB900  }
0x158: {  	[tilespmem:s26], [sflag:$0x2] =	stream.indirect_vreg.gather [hbm4b:s9+s23], $0x80, v0, vm0, $0xb8;
	[tilespmem:$0x18900] =	vst v63  }
0x159: {  	s28 =	simm.s32 $0xC100  }
0x15a: {  	[tilespmem:s28], [sflag:$0x2] =	stream.indirect_vreg.gather [hbm4b:s11+s23], $0x80, v0, vm0, $0xb8;
	[tilespmem:$0x18900] =	vst v63  }
0x15b: {  	_ = 	snop  }
0x15c: {  	[hbm4b:s10+s23] =	stream.linear.scatter [tilespmem:s18], [sflag:$0x5], $0x4000, $0x38;
	[tilespmem:$0x18900] =	vst v63  }
0x15d: {  	_ =	swait.ge [sflag:s6], $0x4000  }
0x15e: {  	[sflag:s6] =	ssyncset.done $0x0  }
0x15f: {  	[sflag:s6] =	ssyncadd.s32 $0xFFFFC000  }
0x160: {  	s12 =	simm.s32 $0x600;
	_ =	swait.ge [sflag:s19], $0x4000  }
0x161: {  	s13 =	simm.s32 $0x0;
	s24 =	simm.s32 $0xFFFFC000;
	[sflag:s19] =	ssyncset.done $0x0  }
0x162: {  	s25 =	simm.s32 $0x200;
	s26 =	simm.s32 $0x0;
	[sflag:s19] =	ssyncadd.s32 $0xFFFFC000  }
.LBB2_4:
0x163: {  	s14 =	sadd.s32 $0x4000, s24  }
0x164: {  	v3 =	vld [tilespmem:s25+$0x0];
	s28 =	sand.u32 $0x380, s13;
	s14 =	sand.u32 $0x2000, s14  }
0x165: {  	v4 =	vld [tilespmem:s12+$0x0];
	s28 =	sor.u32 s28, s14  }
0x166: {  	v0 =	vld [tilespmem:s28+$0x4900]  }
0x167: {  	v1 =	vld [tilespmem:s28+$0xC900]  }
0x168: {  	v2 =	vld [tilespmem:s28+$0x4910]  }
0x169: {  	v6 =	vld [tilespmem:s28+$0xC910]  }
0x16a: {  	v10 =	vld [tilespmem:s28+$0x4920]  }
0x16b: {  	v11 =	vld [tilespmem:s28+$0xC920]  }
0x16c: {  	v14 =	vld [tilespmem:s28+$0x4930]  }
0x16d: {  	v17 =	vld [tilespmem:s28+$0xC930]  }
0x16e: {  	v20 =	vld [tilespmem:s28+$0x4940]  }
0x16f: {  	v21 =	vld [tilespmem:s28+$0xC940]  }
0x170: {  	v26 =	vld [tilespmem:s28+$0x4950]  }
0x171: {  	v27 =	vld [tilespmem:s28+$0xC950]  }
0x172: {  	v28 =	vld [tilespmem:s28+$0x4960]  }
0x173: {  	v29 =	vld [tilespmem:s28+$0xC960]  }
0x174: {  	v30 =	vld [tilespmem:s28+$0x4970]  }
0x175: {  	v31 =	vld [tilespmem:s28+$0xC970]  }
0x176: {  	v32 =	vld [tilespmem:s28+$0x4D00]  }
0x177: {  	v33 =	vld [tilespmem:s28+$0xCD00]  }
0x178: {  	v34 =	vld [tilespmem:s28+$0x4D10]  }
0x179: {  	v35 =	vld [tilespmem:s28+$0xCD10]  }
0x17a: {  	v36 =	vld [tilespmem:s28+$0x4D20]  }
0x17b: {  	v37 =	vld [tilespmem:s28+$0xCD20]  }
0x17c: {  	v38 =	vld [tilespmem:s28+$0x4D30]  }
0x17d: {  	v39 =	vld [tilespmem:s28+$0xCD30]  }
0x17e: {  	v40 =	vld [tilespmem:s28+$0x4D40]  }
0x17f: {  	v41 =	vld [tilespmem:s28+$0xCD40]  }
0x180: {  	v42 =	vld [tilespmem:s28+$0x4D50]  }
0x181: {  	v43 =	vld [tilespmem:s28+$0xCD50]  }
0x182: {  	v44 =	vld [tilespmem:s28+$0x4D60]  }
0x183: {  	v45 =	vld [tilespmem:s28+$0xCD60]  }
0x184: {  	v46 =	vld [tilespmem:s28+$0x4D70]  }
0x185: {  	v47 =	vld [tilespmem:s28+$0xCD70]  }
0x186: {  	v48 =	vld [tilespmem:s28+$0x5100]  }
0x187: {  	v49 =	vld [tilespmem:s28+$0xD100]  }
0x188: {  	v50 =	vld [tilespmem:s28+$0x5110]  }
0x189: {  	v51 =	vld [tilespmem:s28+$0xD110]  }
0x18a: {  	v52 =	vld [tilespmem:s28+$0x5120]  }
0x18b: {  	v53 =	vld [tilespmem:s28+$0xD120]  }
0x18c: {  	v54 =	vld [tilespmem:s28+$0x5130]  }
0x18d: {  	v55 =	vld [tilespmem:s28+$0xD130]  }
0x18e: {  	v56 =	vld [tilespmem:s28+$0x5140]  }
0x18f: {  	v57 =	vld [tilespmem:s28+$0xD140]  }
0x190: {  	v58 =	vld [tilespmem:s28+$0x5150]  }
0x191: {  	v59 =	vld [tilespmem:s28+$0xD150]  }
0x192: {  	v60 =	vld [tilespmem:s28+$0x5160]  }
0x193: {  	v61 =	vld [tilespmem:s28+$0xD160]  }
0x194: {  	v62 =	vld [tilespmem:s28+$0x5170]  }
0x195: {  	v63 =	vld [tilespmem:s28+$0xD170]  }
0x196: {  	v24 =	vld [tilespmem:s28+$0x5500]  }
0x197: {  	v25 =	vld [tilespmem:s28+$0xD500]  }
0x198: {  	v22 =	vld [tilespmem:s28+$0x5510]  }
0x199: {  	v23 =	vld [tilespmem:s28+$0xD510]  }
0x19a: {  	v18 =	vld [tilespmem:s28+$0x5520]  }
0x19b: {  	v19 =	vld [tilespmem:s28+$0xD520]  }
0x19c: {  	v15 =	vld [tilespmem:s28+$0x5530]  }
0x19d: {  	v16 =	vld [tilespmem:s28+$0xD530]  }
0x19e: {  	v5 =	vld [tilespmem:s28+$0x5560]  }
0x19f: {  	v12 =	vld [tilespmem:s28+$0x5540]  }
0x1a0: {  	v13 =	vld [tilespmem:s28+$0xD540]  }
0x1a1: {  	v8 =	vld [tilespmem:s28+$0x5550]  }
0x1a2: {  	v9 =	vld [tilespmem:s28+$0xD550];
	v0 =	vmul.f32 v0, v3;
	v1 =	vmul.f32 v1, v4  }
0x1a3: {  	v7 =	vld [tilespmem:s28+$0xD560];
	[tilespmem:$0x1FFA0] =	vst v5;
	v5 =	vmul.f32 v2, v3;
	v2 =	vmul.f32 v6, v4  }
0x1a4: {  	v6 =	vld [tilespmem:s28+$0x5570];
	v17 =	vmul.f32 v17, v4;
	v0 =	vadd.f32 v1, v0  }
0x1a5: {  	v1 =	vmul.f32 v10, v3;
	v10 =	vld [tilespmem:s28+$0xD570];
	v5 =	vadd.f32 v2, v5;
	v2 =	vmul.f32 v14, v3  }
0x1a6: {  	v11 =	vmul.f32 v11, v4;
	v14 =	vld [tilespmem:s28+$0xD900]  }
0x1a7: {  	v26 =	vmul.f32 v26, v3;
	v2 =	vadd.f32 v17, v2;
	v17 =	vld [tilespmem:s28+$0x5910]  }
0x1a8: {  	[tilespmem:s28+$0x14900] =	vst v0;
	v0 =	vadd.f32 v11, v1;
	v1 =	vmul.f32 v20, v3;
	v11 =	vmul.f32 v21, v4;
	v20 =	vld [tilespmem:s28+$0xD910]  }
0x1a9: {  	v27 =	vmul.f32 v27, v4;
	v30 =	vmul.f32 v30, v3;
	v21 =	vld [tilespmem:s28+$0x5920];
	[tilespmem:$0x1FFB0] =	vst v6  }
0x1aa: {  	v31 =	vmul.f32 v31, v4;
	v33 =	vmul.f32 v33, v4;
	v6 =	vld [tilespmem:s28+$0x5900];
	[tilespmem:s28+$0x14920] =	vst v0;
	v0 =	vadd.f32 v11, v1  }
0x1ab: {  	v1 =	vmul.f32 v28, v3;
	v11 =	vmul.f32 v29, v4;
	[tilespmem:s28+$0x14930] =	vst v2;
	v2 =	vadd.f32 v27, v26;
	v26 =	vld [tilespmem:s28+$0xD920]  }
0x1ac: {  	[tilespmem:s28+$0x14910] =	vst v5;
	v5 =	vmul.f32 v34, v3;
	v34 =	vmul.f32 v37, v4;
	v28 =	vld [tilespmem:s28+$0x5930]  }
0x1ad: {  	v37 =	vmul.f32 v39, v4;
	v29 =	vld [tilespmem:s28+$0xD930];
	[tilespmem:s28+$0x14940] =	vst v0;
	v0 =	vadd.f32 v11, v1;
	v1 =	vmul.f32 v32, v3  }
0x1ae: {  	v27 =	vmul.f32 v16, v4;
	v16 =	vld [tilespmem:s28+$0x5D40];
	[tilespmem:s28+$0x14950] =	vst v2;
	v2 =	vadd.f32 v31, v30;
	v32 =	vmul.f32 v35, v4  }
0x1af: {  	v30 =	vld [tilespmem:s28+$0x5940];
	[tilespmem:s28+$0x14960] =	vst v0;
	v0 =	vadd.f32 v33, v1;
	v33 =	vmul.f32 v36, v3;
	v36 =	vmul.f32 v38, v3  }
0x1b0: {  	v39 =	vmul.f32 v40, v3;
	v40 =	vmul.f32 v41, v4;
	v31 =	vld [tilespmem:s28+$0xD940];
	[tilespmem:s28+$0x14970] =	vst v2;
	v35 =	vadd.f32 v32, v5  }
0x1b1: {  	v42 =	vmul.f32 v42, v3;
	v11 =	vld [tilespmem:s28+$0xDD50];
	[tilespmem:s28+$0x14D00] =	vst v0;
	v38 =	vadd.f32 v34, v33;
	v41 =	vadd.f32 v37, v36  }
0x1b2: {  	v32 =	vld [tilespmem:s28+$0x5950];
	[tilespmem:s28+$0x14D10] =	vst v35;
	v36 =	vmul.f32 v43, v4;
	v37 =	vadd.f32 v40, v39;
	v39 =	vmul.f32 v45, v4  }
0x1b3: {  	v33 =	vld [tilespmem:s28+$0xD950];
	v45 =	vmul.f32 v49, v4;
	[tilespmem:s28+$0x14D20] =	vst v38;
	v38 =	vmul.f32 v44, v3  }
0x1b4: {  	v34 =	vld [tilespmem:s28+$0x5960];
	[tilespmem:s28+$0x14D30] =	vst v41;
	v40 =	vadd.f32 v36, v42;
	v41 =	vmul.f32 v46, v3;
	v42 =	vmul.f32 v47, v4  }
0x1b5: {  	v35 =	vld [tilespmem:s28+$0xD960];
	[tilespmem:s28+$0x14D40] =	vst v37;
	v44 =	vmul.f32 v48, v3;
	v47 =	vmul.f32 v50, v3;
	v43 =	vadd.f32 v39, v38  }
0x1b6: {  	v48 =	vmul.f32 v51, v4;
	v36 =	vld [tilespmem:s28+$0x5970];
	v50 =	vmul.f32 v52, v3;
	[tilespmem:s28+$0x14D50] =	vst v40;
	v46 =	vadd.f32 v42, v41  }
0x1b7: {  	v51 =	vmul.f32 v53, v4;
	v37 =	vld [tilespmem:s28+$0xD970];
	v53 =	vmul.f32 v54, v3;
	v49 =	vadd.f32 v45, v44;
	[tilespmem:s28+$0x14D60] =	vst v43  }
0x1b8: {  	v54 =	vmul.f32 v55, v4;
	v52 =	vadd.f32 v48, v47;
	v38 =	vld [tilespmem:s28+$0x5D00];
	v44 =	vmul.f32 v56, v3;
	[tilespmem:s28+$0x14D70] =	vst v46  }
0x1b9: {  	v55 =	vadd.f32 v51, v50;
	v45 =	vmul.f32 v57, v4;
	v39 =	vld [tilespmem:s28+$0xDD00];
	v47 =	vmul.f32 v58, v3;
	[tilespmem:s28+$0x15100] =	vst v49  }
0x1ba: {  	v48 =	vmul.f32 v59, v4;
	v40 =	vld [tilespmem:s28+$0x5D10];
	v50 =	vmul.f32 v60, v3;
	[tilespmem:s28+$0x15110] =	vst v52;
	v46 =	vadd.f32 v54, v53  }
0x1bb: {  	v51 =	vmul.f32 v61, v4;
	v41 =	vld [tilespmem:s28+$0xDD10];
	v56 =	vmul.f32 v24, v3;
	[tilespmem:s28+$0x15120] =	vst v55;
	v49 =	vadd.f32 v45, v44  }
0x1bc: {  	v42 =	vld [tilespmem:s28+$0x5D20];
	v57 =	vmul.f32 v25, v4;
	v59 =	vmul.f32 v22, v3;
	v52 =	vadd.f32 v48, v47;
	[tilespmem:s28+$0x15130] =	vst v46  }
0x1bd: {  	v24 =	vld [tilespmem:s28+$0xDD20];
	v60 =	vmul.f32 v23, v4;
	v25 =	vmul.f32 v15, v3;
	v55 =	vadd.f32 v51, v50;
	[tilespmem:s28+$0x15140] =	vst v49  }
0x1be: {  	v23 =	vld [tilespmem:s28+$0x5D30];
	v53 =	vmul.f32 v62, v3;
	v54 =	vmul.f32 v63, v4;
	v61 =	vadd.f32 v57, v56;
	[tilespmem:s28+$0x15150] =	vst v52  }
0x1bf: {  	v15 =	vld [tilespmem:s28+$0x6100];
	v62 =	vmul.f32 v18, v3;
	v63 =	vmul.f32 v19, v4;
	v22 =	vadd.f32 v60, v59;
	[tilespmem:s28+$0x15160] =	vst v55  }
0x1c0: {  	v18 =	vld [tilespmem:s28+$0xDD30];
	v44 =	vmul.f32 v12, v3;
	v45 =	vmul.f32 v13, v4;
	v58 =	vadd.f32 v54, v53;
	[tilespmem:s28+$0x15500] =	vst v61  }
0x1c1: {  	v12 =	vld [tilespmem:s28+$0xDD40];
	v47 =	vmul.f32 v8, v3;
	v48 =	vmul.f32 v9, v4;
	v43 =	vadd.f32 v63, v62;
	[tilespmem:s28+$0x15510] =	vst v22  }
0x1c2: {  	v9 =	vld [tilespmem:s28+$0x5D50];
	v56 =	vmul.f32 v14, v4;
	v59 =	vmul.f32 v20, v4;
	v46 =	vadd.f32 v27, v25;
	[tilespmem:s28+$0x15170] =	vst v58  }
0x1c3: {  	v50 =	vld [tilespmem:$0x1FFA0];
	v20 =	vmul.f32 v28, v3;
	v49 =	vadd.f32 v45, v44;
	v55 =	vmul.f32 v6, v3;
	[tilespmem:s28+$0x15520] =	vst v43  }
0x1c4: {  	v13 =	vld [tilespmem:s28+$0x5D70];
	v51 =	vadd.f32 v48, v47;
	v61 =	vmul.f32 v21, v3;
	v62 =	vmul.f32 v26, v4;
	[tilespmem:s28+$0x15530] =	vst v46  }
0x1c5: {  	v14 =	vld [tilespmem:s28+$0xDD70];
	v28 =	vmul.f32 v32, v3;
	v21 =	vmul.f32 v29, v4;
	[tilespmem:s28+$0x15540] =	vst v49;
	v60 =	vadd.f32 v56, v55  }
0x1c6: {  	v19 =	vld [tilespmem:s28+$0x6110];
	v25 =	vmul.f32 v30, v3;
	v26 =	vmul.f32 v31, v4;
	[tilespmem:s28+$0x15550] =	vst v51;
	v22 =	vadd.f32 v62, v61  }
0x1c7: {  	v32 =	vmul.f32 v35, v4;
	v52 =	vld [tilespmem:$0x1FFB0];
	v29 =	vmul.f32 v33, v4;
	v27 =	vadd.f32 v21, v20;
	[tilespmem:s28+$0x15900] =	vst v60  }
0x1c8: {  	v53 =	vmul.f32 v10, v4;
	v10 =	vld [tilespmem:s28+$0x5D60];
	v31 =	vmul.f32 v34, v3;
	v30 =	vadd.f32 v26, v25;
	[tilespmem:s28+$0x15920] =	vst v22  }
0x1c9: {  	v35 =	vmul.f32 v37, v4;
	v34 =	vmul.f32 v36, v3;
	v44 =	vld [tilespmem:s28+$0x6130];
	v33 =	vadd.f32 v29, v28;
	[tilespmem:s28+$0x15930] =	vst v27  }
0x1ca: {  	v48 =	vld [tilespmem:s28+$0xE130];
	v37 =	vmul.f32 v38, v3;
	v38 =	vmul.f32 v39, v4;
	v36 =	vadd.f32 v32, v31;
	[tilespmem:s28+$0x15940] =	vst v30  }
0x1cb: {  	v58 =	vmul.f32 v17, v3;
	v17 =	vld [tilespmem:s28+$0xE100];
	v39 =	vadd.f32 v35, v34;
	[tilespmem:s28+$0x15950] =	vst v33  }
0x1cc: {  	v40 =	vmul.f32 v40, v3;
	v20 =	vld [tilespmem:s28+$0xE110];
	v43 =	vmul.f32 v41, v4;
	v45 =	vadd.f32 v38, v37;
	[tilespmem:s28+$0x15960] =	vst v36  }
0x1cd: {  	v7 =	vmul.f32 v7, v4;
	v21 =	vld [tilespmem:s28+$0x6120];
	v1 =	vmul.f32 v50, v3;
	v63 =	vadd.f32 v59, v58;
	[tilespmem:s28+$0x15970] =	vst v39  }
0x1ce: {  	v56 =	vld [tilespmem:s28+$0xE140];
	v49 =	vadd.f32 v43, v40;
	v58 =	vmul.f32 v9, v3;
	v59 =	vmul.f32 v11, v4;
	[tilespmem:s28+$0x15D00] =	vst v45  }
0x1cf: {  	v28 =	vld [tilespmem:s28+$0x6160];
	v26 =	vmul.f32 v13, v3;
	v27 =	vmul.f32 v14, v4;
	v54 =	vadd.f32 v7, v1;
	[tilespmem:s28+$0x15910] =	vst v63  }
0x1d0: {  	v32 =	vld [tilespmem:s28+$0xE160];
	v50 =	vmul.f32 v23, v3;
	v5 =	vmul.f32 v52, v3;
	[tilespmem:s28+$0x15D10] =	vst v49;
	v23 =	vadd.f32 v59, v58  }
0x1d1: {  	v47 =	vmul.f32 v24, v4;
	v46 =	vmul.f32 v42, v3;
	v22 =	vld [tilespmem:s28+$0xE120];
	v33 =	vadd.f32 v27, v26;
	[tilespmem:s28+$0x15560] =	vst v54  }
0x1d2: {  	v60 =	vld [tilespmem:s28+$0x6150];
	v42 =	vmul.f32 v44, v3;
	v43 =	vmul.f32 v48, v4;
	v57 =	vadd.f32 v53, v5;
	[tilespmem:s28+$0x15D50] =	vst v23  }
0x1d3: {  	v51 =	vmul.f32 v18, v4;
	v36 =	vld [tilespmem:s28+$0x6170];
	v53 =	vadd.f32 v47, v46;
	[tilespmem:s28+$0x15D70] =	vst v33  }
0x1d4: {  	v55 =	vmul.f32 v12, v4;
	v40 =	vld [tilespmem:s28+$0xE170];
	v54 =	vmul.f32 v16, v3;
	v47 =	vadd.f32 v43, v42;
	[tilespmem:s28+$0x15570] =	vst v57  }
0x1d5: {  	v30 =	vmul.f32 v15, v3;
	v7 =	vld [tilespmem:s28+$0xDD60];
	v31 =	vmul.f32 v17, v4;
	v57 =	vadd.f32 v51, v50;
	[tilespmem:s28+$0x15D20] =	vst v53  }
0x1d6: {  	v34 =	vmul.f32 v19, v3;
	v52 =	vld [tilespmem:s28+$0x6140];
	v35 =	vmul.f32 v20, v4;
	v61 =	vadd.f32 v55, v54;
	[tilespmem:s28+$0x16130] =	vst v47  }
0x1d7: {  	v16 =	vld [tilespmem:s28+$0xE150];
	v38 =	vmul.f32 v21, v3;
	v37 =	vadd.f32 v31, v30;
	v39 =	vmul.f32 v22, v4;
	[tilespmem:s28+$0x15D30] =	vst v57  }
0x1d8: {  	v41 =	vadd.f32 v35, v34;
	v50 =	vmul.f32 v28, v3;
	v51 =	vmul.f32 v32, v4;
	[tilespmem:s28+$0x15D40] =	vst v61  }
0x1d9: {  	v53 =	vmul.f32 v36, v3;
	v54 =	vmul.f32 v40, v4;
	[tilespmem:s28+$0x16100] =	vst v37;
	v44 =	vadd.f32 v39, v38  }
0x1da: {  	v62 =	vmul.f32 v10, v3;
	v63 =	vmul.f32 v7, v4;
	[tilespmem:s28+$0x16110] =	vst v41;
	v55 =	vadd.f32 v51, v50  }
0x1db: {  	v46 =	vmul.f32 v56, v4;
	v45 =	vmul.f32 v52, v3;
	v56 =	vadd.f32 v54, v53;
	[tilespmem:s28+$0x16120] =	vst v44  }
0x1dc: {  	v48 =	vmul.f32 v60, v3;
	v29 =	vadd.f32 v63, v62;
	v7 =	vmul.f32 v16, v4;
	[tilespmem:s28+$0x16160] =	vst v55  }
0x1dd: {  	s14 =	sand.u32 $0x7, s23;
	v49 =	vadd.f32 v46, v45;
	[tilespmem:s28+$0x16170] =	vst v56  }
0x1de: {  	s14 =	sshll.u32 s14, $0x7;
	[tilespmem:s28+$0x15D60] =	vst v29;
	v52 =	vadd.f32 v7, v48  }
0x1df: {  	s14 =	sadd.s32 s14, s26;
	[tilespmem:s28+$0x16140] =	vst v49  }
0x1e0: {  	[tilespmem:s28+$0x16150] =	vst v52;
	s28 =	sor.u32 $0x1C00, s14  }
0x1e1: {  	v0 =	vld [tilespmem:s28+$0x4900]  }
0x1e2: {  	v1 =	vld [tilespmem:s28+$0xC900];
	_ =	sdelay $0x4  }
0x1e3: {  	v0 =	vmul.f32 v0, v3;
	v1 =	vmul.f32 v1, v4;
	_ =	sdelay $0x1  }
0x1e4: {  	v0 =	vadd.f32 v1, v0;
	_ =	sdelay $0x1  }
0x1e5: {  	[tilespmem:s28+$0x14900] =	vst v0;
	s28 =	sor.u32 $0x1C10, s14  }
0x1e6: {  	v0 =	vld [tilespmem:s28+$0x4900]  }
0x1e7: {  	v57 =	vld [tilespmem:s28+$0xC900];
	_ =	sdelay $0x4  }
0x1e8: {  	v0 =	vmul.f32 v0, v3;
	v1 =	vmul.f32 v57, v4;
	_ =	sdelay $0x1  }
0x1e9: {  	v0 =	vadd.f32 v1, v0;
	_ =	sdelay $0x1  }
0x1ea: {  	[tilespmem:s28+$0x14900] =	vst v0;
	s28 =	sor.u32 $0x1C20, s14  }
0x1eb: {  	v0 =	vld [tilespmem:s28+$0x4900]  }
0x1ec: {  	v58 =	vld [tilespmem:s28+$0xC900];
	_ =	sdelay $0x4  }
0x1ed: {  	v0 =	vmul.f32 v0, v3;
	v1 =	vmul.f32 v58, v4;
	_ =	sdelay $0x1  }
0x1ee: {  	v0 =	vadd.f32 v1, v0;
	_ =	sdelay $0x1  }
0x1ef: {  	[tilespmem:s28+$0x14900] =	vst v0;
	s28 =	sor.u32 $0x1C30, s14  }
0x1f0: {  	v0 =	vld [tilespmem:s28+$0x4900]  }
0x1f1: {  	v59 =	vld [tilespmem:s28+$0xC900];
	_ =	sdelay $0x4  }
0x1f2: {  	v0 =	vmul.f32 v0, v3;
	v1 =	vmul.f32 v59, v4;
	_ =	sdelay $0x1  }
0x1f3: {  	v0 =	vadd.f32 v1, v0;
	_ =	sdelay $0x1  }
0x1f4: {  	[tilespmem:s28+$0x14900] =	vst v0;
	s28 =	sor.u32 $0x1C40, s14  }
0x1f5: {  	v0 =	vld [tilespmem:s28+$0x4900]  }
0x1f6: {  	v60 =	vld [tilespmem:s28+$0xC900];
	_ =	sdelay $0x4  }
0x1f7: {  	v0 =	vmul.f32 v0, v3;
	v1 =	vmul.f32 v60, v4;
	_ =	sdelay $0x1  }
0x1f8: {  	v0 =	vadd.f32 v1, v0;
	_ =	sdelay $0x1  }
0x1f9: {  	[tilespmem:s28+$0x14900] =	vst v0;
	s28 =	sor.u32 $0x1C50, s14  }
0x1fa: {  	v0 =	vld [tilespmem:s28+$0x4900]  }
0x1fb: {  	v61 =	vld [tilespmem:s28+$0xC900];
	_ =	sdelay $0x4  }
0x1fc: {  	v0 =	vmul.f32 v0, v3;
	v1 =	vmul.f32 v61, v4;
	_ =	sdelay $0x1  }
0x1fd: {  	v0 =	vadd.f32 v1, v0;
	_ =	sdelay $0x1  }
0x1fe: {  	[tilespmem:s28+$0x14900] =	vst v0;
	s28 =	sor.u32 $0x1C60, s14  }
0x1ff: {  	v0 =	vld [tilespmem:s28+$0x4900]  }
0x200: {  	v62 =	vld [tilespmem:s28+$0xC900];
	_ =	sdelay $0x4  }
0x201: {  	v0 =	vmul.f32 v0, v3;
	v1 =	vmul.f32 v62, v4;
	_ =	sdelay $0x1  }
0x202: {  	v0 =	vadd.f32 v1, v0;
	_ =	sdelay $0x1  }
0x203: {  	s14 =	sor.u32 $0x1C70, s14;
	[tilespmem:s28+$0x14900] =	vst v0  }
0x204: {  	v0 =	vld [tilespmem:s14+$0x4900]  }
0x205: {  	v63 =	vld [tilespmem:s14+$0xC900];
	_ =	sdelay $0x3  }
0x206: {  	p0 =	sne.s32 s13, $0x780  }
.Ltmp1:
0x207: {  	v0 =	vmul.f32 v0, v3;
	v1 =	vmul.f32 v63, v4;
	(pc) =	sbr.rel @p0 .LBB2_4-.Ltmp1, $4  }
0x208: {  	_ = 	snop  }
0x209: {  	v0 =	vadd.f32 v1, v0  }
0x20a: {  	s24 =	sadd.s32 $0x400, s24;
	s25 =	sadd.s32 $0x10, s25;
	s12 =	sadd.s32 $0x10, s12  }
0x20b: {  	s13 =	sadd.s32 $0x80, s13;
	s23 =	sadd.s32 $0x1, s23;
	s26 =	sadd.s32 $0x400, s26;
	[tilespmem:s14+$0x14900] =	vst v0  }
0x20c: {  	v0 =	vld [tilespmem:$0x30];
	_ =	sdelay $0x2  }
0x20d: {  	v2 =	vld [tilespmem:$0x1FFD0];
	_ =	sdelay $0x1  }
0x20e: {  	v3 =	vld [tilespmem:$0x1FFE0];
	v1 =	vshll.u32 v0, $0x3  }
0x20f: {  	v0 =	vand.u32 $0x7, v0;
	v1 =	vand.u32 $0xFFFFFFC0, v1  }
0x210: {  	v0 =	vor.u32 v0, v1  }
0x211: {  	v1 =	vperm.xlane v0, v2;
	_ =	sdelay $0x1  }
0x212: {  	v1 =	vadd.s32 v3, v1  }
0x213: {  	v4 =	vld [tilespmem:$0x1FFF0];
	_ =	sdelay $0x2  }
0x214: {  	s23 =	simm.s32 $0x0;
	s12 =	simm.s32 $0x4900  }
0x215: {  	[tilespmem:s12], [sflag:$0x3] =	stream.indirect_vreg.gather [hbm4b:s3+s23], $0x80, v1, vm0, $0xb8;
	[tilespmem:$0x18900] =	vst v63  }
0x216: {  	s24 =	simm.s32 $0x5100;
	v0 =	vperm.xlane v0, v4  }
0x217: {  	[tilespmem:s24], [sflag:$0x3] =	stream.indirect_vreg.gather [hbm4b:s8+s23], $0x80, v1, vm0, $0xb8;
	[tilespmem:$0x18900] =	vst v63  }
0x218: {  	s25 =	simm.s32 $0x5900;
	v0 =	vadd.s32 v3, v0  }
0x219: {  	[tilespmem:s25], [sflag:$0x3] =	stream.indirect_vreg.gather [hbm4b:s9+s23], $0x80, v1, vm0, $0xb8;
	[tilespmem:$0x18900] =	vst v63  }
0x21a: {  	s26 =	simm.s32 $0x6100  }
0x21b: {  	[tilespmem:s26], [sflag:$0x3] =	stream.indirect_vreg.gather [hbm4b:s11+s23], $0x80, v1, vm0, $0xb8;
	[tilespmem:$0x18900] =	vst v63  }
0x21c: {  	s28 =	simm.s32 $0x6900  }
0x21d: {  	[tilespmem:s28], [sflag:$0x3] =	stream.indirect_vreg.gather [hbm4b:s3+s23], $0x80, v0, vm0, $0xb8;
	[tilespmem:$0x18900] =	vst v63  }
0x21e: {  	s13 =	simm.s32 $0x7100  }
0x21f: {  	[tilespmem:s13], [sflag:$0x3] =	stream.indirect_vreg.gather [hbm4b:s8+s23], $0x80, v0, vm0, $0xb8;
	[tilespmem:$0x18900] =	vst v63  }
0x220: {  	s14 =	simm.s32 $0x7900  }
0x221: {  	[tilespmem:s14], [sflag:$0x3] =	stream.indirect_vreg.gather [hbm4b:s9+s23], $0x80, v0, vm0, $0xb8;
	[tilespmem:$0x18900] =	vst v63  }
0x222: {  	s24 =	simm.s32 $0x8100  }
0x223: {  	[tilespmem:s24], [sflag:$0x3] =	stream.indirect_vreg.gather [hbm4b:s11+s23], $0x80, v0, vm0, $0xb8;
	[tilespmem:$0x18900] =	vst v63  }
0x224: {  	v0 =	vld [tilespmem:$0xB0];
	_ =	sdelay $0x4  }
0x225: {  	v63 =	vshll.u32 v0, $0x3  }
0x226: {  	v0 =	vand.u32 $0x7, v0;
	v1 =	vand.u32 $0xFFFFFFC0, v63  }
0x227: {  	v0 =	vor.u32 v0, v1  }
0x228: {  	v1 =	vperm.xlane v0, v2;
	_ =	sdelay $0x1  }
0x229: {  	v1 =	vadd.s32 v3, v1;
	_ =	sdelay $0x3  }
0x22a: {  	s25 =	simm.s32 $0xC900  }
0x22b: {  	[tilespmem:s25], [sflag:$0x4] =	stream.indirect_vreg.gather [hbm4b:s3+s23], $0x80, v1, vm0, $0xb8;
	[tilespmem:$0x18900] =	vst v63  }
0x22c: {  	s26 =	simm.s32 $0xD100;
	v0 =	vperm.xlane v0, v4  }
0x22d: {  	[tilespmem:s26], [sflag:$0x4] =	stream.indirect_vreg.gather [hbm4b:s8+s23], $0x80, v1, vm0, $0xb8;
	[tilespmem:$0x18900] =	vst v63  }
0x22e: {  	v0 =	vadd.s32 v3, v0  }
0x22f: {  	[tilespmem:s29], [sflag:$0x4] =	stream.indirect_vreg.gather [hbm4b:s9+s23], $0x80, v1, vm0, $0xb8;
	[tilespmem:$0x18900] =	vst v63  }
0x230: {  	_ = 	snop  }
0x231: {  	[tilespmem:s30], [sflag:$0x4] =	stream.indirect_vreg.gather [hbm4b:s11+s23], $0x80, v1, vm0, $0xb8;
	[tilespmem:$0x18900] =	vst v63  }
0x232: {  	_ = 	snop  }
0x233: {  	[tilespmem:s31], [sflag:$0x4] =	stream.indirect_vreg.gather [hbm4b:s3+s23], $0x80, v0, vm0, $0xb8;
	[tilespmem:$0x18900] =	vst v63  }
0x234: {  	_ = 	snop  }
0x235: {  	[tilespmem:s0], [sflag:$0x4] =	stream.indirect_vreg.gather [hbm4b:s8+s23], $0x80, v0, vm0, $0xb8;
	[tilespmem:$0x18900] =	vst v63  }
0x236: {  	_ = 	snop  }
0x237: {  	[tilespmem:s1], [sflag:$0x4] =	stream.indirect_vreg.gather [hbm4b:s9+s23], $0x80, v0, vm0, $0xb8;
	[tilespmem:$0x18900] =	vst v63  }
0x238: {  	_ = 	snop  }
0x239: {  	[tilespmem:s4], [sflag:$0x4] =	stream.indirect_vreg.gather [hbm4b:s11+s23], $0x80, v0, vm0, $0xb8;
	[tilespmem:$0x18900] =	vst v63  }
0x23a: {  	s28 =	rddreg [dreg:$0x7]  }
0x23b: {  	[hbm4b:s28+s23] =	stream.linear.scatter [tilespmem:s7], [sflag:$0x6], $0x4000, $0x38;
	[tilespmem:$0x18900] =	vst v63  }
0x23c: {  	_ =	swait.ge [sflag:s17], $0x4000  }
0x23d: {  	[sflag:s17] =	ssyncset.done $0x0  }
0x23e: {  	[sflag:s17] =	ssyncadd.s32 $0xFFFFC000  }
0x23f: {  	_ =	swait.ge [sflag:s5], $0x4000  }
0x240: {  	[sflag:s5] =	ssyncset.done $0x0  }
0x241: {  	[sflag:s5] =	ssyncadd.s32 $0xFFFFC000  }
0x242: {  	s12 =	simm.s32 $0x700;
	_ =	swait.ge [sflag:s20], $0x4000  }
0x243: {  	s13 =	simm.s32 $0x0;
	s24 =	simm.s32 $0xFFFFC000;
	[sflag:s20] =	ssyncset.done $0x0  }
0x244: {  	s25 =	simm.s32 $0x300;
	s26 =	simm.s32 $0x0;
	[sflag:s20] =	ssyncadd.s32 $0xFFFFC000  }
.LBB2_6:
0x245: {  	s14 =	sadd.s32 $0x4000, s24  }
0x246: {  	v3 =	vld [tilespmem:s25+$0x0];
	s28 =	sand.u32 $0x380, s13;
	s14 =	sand.u32 $0x2000, s14  }
0x247: {  	v4 =	vld [tilespmem:s12+$0x0];
	s28 =	sor.u32 s28, s14  }
0x248: {  	v0 =	vld [tilespmem:s28+$0x900]  }
0x249: {  	v1 =	vld [tilespmem:s28+$0x8900]  }
0x24a: {  	v2 =	vld [tilespmem:s28+$0x910]  }
0x24b: {  	v6 =	vld [tilespmem:s28+$0x8910]  }
0x24c: {  	v10 =	vld [tilespmem:s28+$0x920]  }
0x24d: {  	v11 =	vld [tilespmem:s28+$0x8920]  }
0x24e: {  	v14 =	vld [tilespmem:s28+$0x930]  }
0x24f: {  	v17 =	vld [tilespmem:s28+$0x8930]  }
0x250: {  	v20 =	vld [tilespmem:s28+$0x940]  }
0x251: {  	v21 =	vld [tilespmem:s28+$0x8940]  }
0x252: {  	v26 =	vld [tilespmem:s28+$0x950]  }
0x253: {  	v27 =	vld [tilespmem:s28+$0x8950]  }
0x254: {  	v28 =	vld [tilespmem:s28+$0x960]  }
0x255: {  	v29 =	vld [tilespmem:s28+$0x8960]  }
0x256: {  	v30 =	vld [tilespmem:s28+$0x970]  }
0x257: {  	v31 =	vld [tilespmem:s28+$0x8970]  }
0x258: {  	v32 =	vld [tilespmem:s28+$0xD00]  }
0x259: {  	v33 =	vld [tilespmem:s28+$0x8D00]  }
0x25a: {  	v34 =	vld [tilespmem:s28+$0xD10]  }
0x25b: {  	v35 =	vld [tilespmem:s28+$0x8D10]  }
0x25c: {  	v36 =	vld [tilespmem:s28+$0xD20]  }
0x25d: {  	v37 =	vld [tilespmem:s28+$0x8D20]  }
0x25e: {  	v38 =	vld [tilespmem:s28+$0xD30]  }
0x25f: {  	v39 =	vld [tilespmem:s28+$0x8D30]  }
0x260: {  	v40 =	vld [tilespmem:s28+$0xD40]  }
0x261: {  	v41 =	vld [tilespmem:s28+$0x8D40]  }
0x262: {  	v42 =	vld [tilespmem:s28+$0xD50]  }
0x263: {  	v43 =	vld [tilespmem:s28+$0x8D50]  }
0x264: {  	v44 =	vld [tilespmem:s28+$0xD60]  }
0x265: {  	v45 =	vld [tilespmem:s28+$0x8D60]  }
0x266: {  	v46 =	vld [tilespmem:s28+$0xD70]  }
0x267: {  	v47 =	vld [tilespmem:s28+$0x8D70]  }
0x268: {  	v48 =	vld [tilespmem:s28+$0x1100]  }
0x269: {  	v49 =	vld [tilespmem:s28+$0x9100]  }
0x26a: {  	v50 =	vld [tilespmem:s28+$0x1110]  }
0x26b: {  	v51 =	vld [tilespmem:s28+$0x9110]  }
0x26c: {  	v52 =	vld [tilespmem:s28+$0x1120]  }
0x26d: {  	v53 =	vld [tilespmem:s28+$0x9120]  }
0x26e: {  	v54 =	vld [tilespmem:s28+$0x1130]  }
0x26f: {  	v55 =	vld [tilespmem:s28+$0x9130]  }
0x270: {  	v56 =	vld [tilespmem:s28+$0x1140]  }
0x271: {  	v57 =	vld [tilespmem:s28+$0x9140]  }
0x272: {  	v58 =	vld [tilespmem:s28+$0x1150]  }
0x273: {  	v59 =	vld [tilespmem:s28+$0x9150]  }
0x274: {  	v60 =	vld [tilespmem:s28+$0x1160]  }
0x275: {  	v61 =	vld [tilespmem:s28+$0x9160]  }
0x276: {  	v62 =	vld [tilespmem:s28+$0x1170]  }
0x277: {  	v63 =	vld [tilespmem:s28+$0x9170]  }
0x278: {  	v24 =	vld [tilespmem:s28+$0x1500]  }
0x279: {  	v25 =	vld [tilespmem:s28+$0x9500]  }
0x27a: {  	v22 =	vld [tilespmem:s28+$0x1510]  }
0x27b: {  	v23 =	vld [tilespmem:s28+$0x9510]  }
0x27c: {  	v18 =	vld [tilespmem:s28+$0x1520]  }
0x27d: {  	v19 =	vld [tilespmem:s28+$0x9520]  }
0x27e: {  	v15 =	vld [tilespmem:s28+$0x1530]  }
0x27f: {  	v16 =	vld [tilespmem:s28+$0x9530]  }
0x280: {  	v5 =	vld [tilespmem:s28+$0x1560]  }
0x281: {  	v12 =	vld [tilespmem:s28+$0x1540]  }
0x282: {  	v13 =	vld [tilespmem:s28+$0x9540]  }
0x283: {  	v8 =	vld [tilespmem:s28+$0x1550]  }
0x284: {  	v9 =	vld [tilespmem:s28+$0x9550];
	v0 =	vmul.f32 v0, v3;
	v1 =	vmul.f32 v1, v4  }
0x285: {  	v7 =	vld [tilespmem:s28+$0x9560];
	[tilespmem:$0x1FF80] =	vst v5;
	v5 =	vmul.f32 v2, v3;
	v2 =	vmul.f32 v6, v4  }
0x286: {  	v6 =	vld [tilespmem:s28+$0x1570];
	v17 =	vmul.f32 v17, v4;
	v0 =	vadd.f32 v1, v0  }
0x287: {  	v1 =	vmul.f32 v10, v3;
	v10 =	vld [tilespmem:s28+$0x9570];
	v5 =	vadd.f32 v2, v5;
	v2 =	vmul.f32 v14, v3  }
0x288: {  	v11 =	vmul.f32 v11, v4;
	v14 =	vld [tilespmem:s28+$0x9900]  }
0x289: {  	v26 =	vmul.f32 v26, v3;
	v2 =	vadd.f32 v17, v2;
	v17 =	vld [tilespmem:s28+$0x1910]  }
0x28a: {  	[tilespmem:s28+$0x10900] =	vst v0;
	v0 =	vadd.f32 v11, v1;
	v1 =	vmul.f32 v20, v3;
	v11 =	vmul.f32 v21, v4;
	v20 =	vld [tilespmem:s28+$0x9910]  }
0x28b: {  	v27 =	vmul.f32 v27, v4;
	v30 =	vmul.f32 v30, v3;
	v21 =	vld [tilespmem:s28+$0x1920];
	[tilespmem:$0x1FF90] =	vst v6  }
0x28c: {  	v31 =	vmul.f32 v31, v4;
	v33 =	vmul.f32 v33, v4;
	v6 =	vld [tilespmem:s28+$0x1900];
	[tilespmem:s28+$0x10920] =	vst v0;
	v0 =	vadd.f32 v11, v1  }
0x28d: {  	v1 =	vmul.f32 v28, v3;
	v11 =	vmul.f32 v29, v4;
	[tilespmem:s28+$0x10930] =	vst v2;
	v2 =	vadd.f32 v27, v26;
	v26 =	vld [tilespmem:s28+$0x9920]  }
0x28e: {  	[tilespmem:s28+$0x10910] =	vst v5;
	v5 =	vmul.f32 v34, v3;
	v34 =	vmul.f32 v37, v4;
	v28 =	vld [tilespmem:s28+$0x1930]  }
0x28f: {  	v37 =	vmul.f32 v39, v4;
	v29 =	vld [tilespmem:s28+$0x9930];
	[tilespmem:s28+$0x10940] =	vst v0;
	v0 =	vadd.f32 v11, v1;
	v1 =	vmul.f32 v32, v3  }
0x290: {  	v27 =	vmul.f32 v16, v4;
	v16 =	vld [tilespmem:s28+$0x1D40];
	[tilespmem:s28+$0x10950] =	vst v2;
	v2 =	vadd.f32 v31, v30;
	v32 =	vmul.f32 v35, v4  }
0x291: {  	v30 =	vld [tilespmem:s28+$0x1940];
	[tilespmem:s28+$0x10960] =	vst v0;
	v0 =	vadd.f32 v33, v1;
	v33 =	vmul.f32 v36, v3;
	v36 =	vmul.f32 v38, v3  }
0x292: {  	v39 =	vmul.f32 v40, v3;
	v40 =	vmul.f32 v41, v4;
	v31 =	vld [tilespmem:s28+$0x9940];
	[tilespmem:s28+$0x10970] =	vst v2;
	v35 =	vadd.f32 v32, v5  }
0x293: {  	v42 =	vmul.f32 v42, v3;
	v11 =	vld [tilespmem:s28+$0x9D50];
	[tilespmem:s28+$0x10D00] =	vst v0;
	v38 =	vadd.f32 v34, v33;
	v41 =	vadd.f32 v37, v36  }
0x294: {  	v32 =	vld [tilespmem:s28+$0x1950];
	[tilespmem:s28+$0x10D10] =	vst v35;
	v36 =	vmul.f32 v43, v4;
	v37 =	vadd.f32 v40, v39;
	v39 =	vmul.f32 v45, v4  }
0x295: {  	v33 =	vld [tilespmem:s28+$0x9950];
	v45 =	vmul.f32 v49, v4;
	[tilespmem:s28+$0x10D20] =	vst v38;
	v38 =	vmul.f32 v44, v3  }
0x296: {  	v34 =	vld [tilespmem:s28+$0x1960];
	[tilespmem:s28+$0x10D30] =	vst v41;
	v40 =	vadd.f32 v36, v42;
	v41 =	vmul.f32 v46, v3;
	v42 =	vmul.f32 v47, v4  }
0x297: {  	v35 =	vld [tilespmem:s28+$0x9960];
	[tilespmem:s28+$0x10D40] =	vst v37;
	v44 =	vmul.f32 v48, v3;
	v47 =	vmul.f32 v50, v3;
	v43 =	vadd.f32 v39, v38  }
0x298: {  	v48 =	vmul.f32 v51, v4;
	v36 =	vld [tilespmem:s28+$0x1970];
	v50 =	vmul.f32 v52, v3;
	[tilespmem:s28+$0x10D50] =	vst v40;
	v46 =	vadd.f32 v42, v41  }
0x299: {  	v51 =	vmul.f32 v53, v4;
	v37 =	vld [tilespmem:s28+$0x9970];
	v53 =	vmul.f32 v54, v3;
	v49 =	vadd.f32 v45, v44;
	[tilespmem:s28+$0x10D60] =	vst v43  }
0x29a: {  	v54 =	vmul.f32 v55, v4;
	v52 =	vadd.f32 v48, v47;
	v38 =	vld [tilespmem:s28+$0x1D00];
	v44 =	vmul.f32 v56, v3;
	[tilespmem:s28+$0x10D70] =	vst v46  }
0x29b: {  	v55 =	vadd.f32 v51, v50;
	v45 =	vmul.f32 v57, v4;
	v39 =	vld [tilespmem:s28+$0x9D00];
	v47 =	vmul.f32 v58, v3;
	[tilespmem:s28+$0x11100] =	vst v49  }
0x29c: {  	v48 =	vmul.f32 v59, v4;
	v40 =	vld [tilespmem:s28+$0x1D10];
	v50 =	vmul.f32 v60, v3;
	[tilespmem:s28+$0x11110] =	vst v52;
	v46 =	vadd.f32 v54, v53  }
0x29d: {  	v51 =	vmul.f32 v61, v4;
	v41 =	vld [tilespmem:s28+$0x9D10];
	v56 =	vmul.f32 v24, v3;
	[tilespmem:s28+$0x11120] =	vst v55;
	v49 =	vadd.f32 v45, v44  }
0x29e: {  	v42 =	vld [tilespmem:s28+$0x1D20];
	v57 =	vmul.f32 v25, v4;
	v59 =	vmul.f32 v22, v3;
	v52 =	vadd.f32 v48, v47;
	[tilespmem:s28+$0x11130] =	vst v46  }
0x29f: {  	v24 =	vld [tilespmem:s28+$0x9D20];
	v60 =	vmul.f32 v23, v4;
	v25 =	vmul.f32 v15, v3;
	v55 =	vadd.f32 v51, v50;
	[tilespmem:s28+$0x11140] =	vst v49  }
0x2a0: {  	v23 =	vld [tilespmem:s28+$0x1D30];
	v53 =	vmul.f32 v62, v3;
	v54 =	vmul.f32 v63, v4;
	v61 =	vadd.f32 v57, v56;
	[tilespmem:s28+$0x11150] =	vst v52  }
0x2a1: {  	v15 =	vld [tilespmem:s28+$0x2100];
	v62 =	vmul.f32 v18, v3;
	v63 =	vmul.f32 v19, v4;
	v22 =	vadd.f32 v60, v59;
	[tilespmem:s28+$0x11160] =	vst v55  }
0x2a2: {  	v18 =	vld [tilespmem:s28+$0x9D30];
	v44 =	vmul.f32 v12, v3;
	v45 =	vmul.f32 v13, v4;
	v58 =	vadd.f32 v54, v53;
	[tilespmem:s28+$0x11500] =	vst v61  }
0x2a3: {  	v12 =	vld [tilespmem:s28+$0x9D40];
	v47 =	vmul.f32 v8, v3;
	v48 =	vmul.f32 v9, v4;
	v43 =	vadd.f32 v63, v62;
	[tilespmem:s28+$0x11510] =	vst v22  }
0x2a4: {  	v9 =	vld [tilespmem:s28+$0x1D50];
	v56 =	vmul.f32 v14, v4;
	v59 =	vmul.f32 v20, v4;
	v46 =	vadd.f32 v27, v25;
	[tilespmem:s28+$0x11170] =	vst v58  }
0x2a5: {  	v50 =	vld [tilespmem:$0x1FF80];
	v20 =	vmul.f32 v28, v3;
	v49 =	vadd.f32 v45, v44;
	v55 =	vmul.f32 v6, v3;
	[tilespmem:s28+$0x11520] =	vst v43  }
0x2a6: {  	v13 =	vld [tilespmem:s28+$0x1D70];
	v51 =	vadd.f32 v48, v47;
	v61 =	vmul.f32 v21, v3;
	v62 =	vmul.f32 v26, v4;
	[tilespmem:s28+$0x11530] =	vst v46  }
0x2a7: {  	v14 =	vld [tilespmem:s28+$0x9D70];
	v28 =	vmul.f32 v32, v3;
	v21 =	vmul.f32 v29, v4;
	[tilespmem:s28+$0x11540] =	vst v49;
	v60 =	vadd.f32 v56, v55  }
0x2a8: {  	v19 =	vld [tilespmem:s28+$0x2110];
	v25 =	vmul.f32 v30, v3;
	v26 =	vmul.f32 v31, v4;
	[tilespmem:s28+$0x11550] =	vst v51;
	v22 =	vadd.f32 v62, v61  }
0x2a9: {  	v32 =	vmul.f32 v35, v4;
	v52 =	vld [tilespmem:$0x1FF90];
	v29 =	vmul.f32 v33, v4;
	v27 =	vadd.f32 v21, v20;
	[tilespmem:s28+$0x11900] =	vst v60  }
0x2aa: {  	v53 =	vmul.f32 v10, v4;
	v10 =	vld [tilespmem:s28+$0x1D60];
	v31 =	vmul.f32 v34, v3;
	v30 =	vadd.f32 v26, v25;
	[tilespmem:s28+$0x11920] =	vst v22  }
0x2ab: {  	v35 =	vmul.f32 v37, v4;
	v34 =	vmul.f32 v36, v3;
	v44 =	vld [tilespmem:s28+$0x2130];
	v33 =	vadd.f32 v29, v28;
	[tilespmem:s28+$0x11930] =	vst v27  }
0x2ac: {  	v48 =	vld [tilespmem:s28+$0xA130];
	v37 =	vmul.f32 v38, v3;
	v38 =	vmul.f32 v39, v4;
	v36 =	vadd.f32 v32, v31;
	[tilespmem:s28+$0x11940] =	vst v30  }
0x2ad: {  	v58 =	vmul.f32 v17, v3;
	v17 =	vld [tilespmem:s28+$0xA100];
	v39 =	vadd.f32 v35, v34;
	[tilespmem:s28+$0x11950] =	vst v33  }
0x2ae: {  	v40 =	vmul.f32 v40, v3;
	v20 =	vld [tilespmem:s28+$0xA110];
	v43 =	vmul.f32 v41, v4;
	v45 =	vadd.f32 v38, v37;
	[tilespmem:s28+$0x11960] =	vst v36  }
0x2af: {  	v7 =	vmul.f32 v7, v4;
	v21 =	vld [tilespmem:s28+$0x2120];
	v1 =	vmul.f32 v50, v3;
	v63 =	vadd.f32 v59, v58;
	[tilespmem:s28+$0x11970] =	vst v39  }
0x2b0: {  	v56 =	vld [tilespmem:s28+$0xA140];
	v49 =	vadd.f32 v43, v40;
	v58 =	vmul.f32 v9, v3;
	v59 =	vmul.f32 v11, v4;
	[tilespmem:s28+$0x11D00] =	vst v45  }
0x2b1: {  	v28 =	vld [tilespmem:s28+$0x2160];
	v26 =	vmul.f32 v13, v3;
	v27 =	vmul.f32 v14, v4;
	v54 =	vadd.f32 v7, v1;
	[tilespmem:s28+$0x11910] =	vst v63  }
0x2b2: {  	v32 =	vld [tilespmem:s28+$0xA160];
	v50 =	vmul.f32 v23, v3;
	v5 =	vmul.f32 v52, v3;
	[tilespmem:s28+$0x11D10] =	vst v49;
	v23 =	vadd.f32 v59, v58  }
0x2b3: {  	v47 =	vmul.f32 v24, v4;
	v46 =	vmul.f32 v42, v3;
	v22 =	vld [tilespmem:s28+$0xA120];
	v33 =	vadd.f32 v27, v26;
	[tilespmem:s28+$0x11560] =	vst v54  }
0x2b4: {  	v60 =	vld [tilespmem:s28+$0x2150];
	v42 =	vmul.f32 v44, v3;
	v43 =	vmul.f32 v48, v4;
	v57 =	vadd.f32 v53, v5;
	[tilespmem:s28+$0x11D50] =	vst v23  }
0x2b5: {  	v51 =	vmul.f32 v18, v4;
	v36 =	vld [tilespmem:s28+$0x2170];
	v53 =	vadd.f32 v47, v46;
	[tilespmem:s28+$0x11D70] =	vst v33  }
0x2b6: {  	v55 =	vmul.f32 v12, v4;
	v40 =	vld [tilespmem:s28+$0xA170];
	v54 =	vmul.f32 v16, v3;
	v47 =	vadd.f32 v43, v42;
	[tilespmem:s28+$0x11570] =	vst v57  }
0x2b7: {  	v30 =	vmul.f32 v15, v3;
	v7 =	vld [tilespmem:s28+$0x9D60];
	v31 =	vmul.f32 v17, v4;
	v57 =	vadd.f32 v51, v50;
	[tilespmem:s28+$0x11D20] =	vst v53  }
0x2b8: {  	v34 =	vmul.f32 v19, v3;
	v52 =	vld [tilespmem:s28+$0x2140];
	v35 =	vmul.f32 v20, v4;
	v61 =	vadd.f32 v55, v54;
	[tilespmem:s28+$0x12130] =	vst v47  }
0x2b9: {  	v16 =	vld [tilespmem:s28+$0xA150];
	v38 =	vmul.f32 v21, v3;
	v37 =	vadd.f32 v31, v30;
	v39 =	vmul.f32 v22, v4;
	[tilespmem:s28+$0x11D30] =	vst v57  }
0x2ba: {  	v41 =	vadd.f32 v35, v34;
	v50 =	vmul.f32 v28, v3;
	v51 =	vmul.f32 v32, v4;
	[tilespmem:s28+$0x11D40] =	vst v61  }
0x2bb: {  	v53 =	vmul.f32 v36, v3;
	v54 =	vmul.f32 v40, v4;
	[tilespmem:s28+$0x12100] =	vst v37;
	v44 =	vadd.f32 v39, v38  }
0x2bc: {  	v62 =	vmul.f32 v10, v3;
	v63 =	vmul.f32 v7, v4;
	[tilespmem:s28+$0x12110] =	vst v41;
	v55 =	vadd.f32 v51, v50  }
0x2bd: {  	v46 =	vmul.f32 v56, v4;
	v45 =	vmul.f32 v52, v3;
	v56 =	vadd.f32 v54, v53;
	[tilespmem:s28+$0x12120] =	vst v44  }
0x2be: {  	v48 =	vmul.f32 v60, v3;
	v29 =	vadd.f32 v63, v62;
	v7 =	vmul.f32 v16, v4;
	[tilespmem:s28+$0x12160] =	vst v55  }
0x2bf: {  	s14 =	sand.u32 $0x7, s23;
	v49 =	vadd.f32 v46, v45;
	[tilespmem:s28+$0x12170] =	vst v56  }
0x2c0: {  	s14 =	sshll.u32 s14, $0x7;
	[tilespmem:s28+$0x11D60] =	vst v29;
	v52 =	vadd.f32 v7, v48  }
0x2c1: {  	s14 =	sadd.s32 s14, s26;
	[tilespmem:s28+$0x12140] =	vst v49  }
0x2c2: {  	[tilespmem:s28+$0x12150] =	vst v52;
	s28 =	sor.u32 $0x1C00, s14  }
0x2c3: {  	v0 =	vld [tilespmem:s28+$0x900]  }
0x2c4: {  	v1 =	vld [tilespmem:s28+$0x8900];
	_ =	sdelay $0x4  }
0x2c5: {  	v0 =	vmul.f32 v0, v3;
	v1 =	vmul.f32 v1, v4;
	_ =	sdelay $0x1  }
0x2c6: {  	v0 =	vadd.f32 v1, v0;
	_ =	sdelay $0x1  }
0x2c7: {  	[tilespmem:s28+$0x10900] =	vst v0;
	s28 =	sor.u32 $0x1C10, s14  }
0x2c8: {  	v0 =	vld [tilespmem:s28+$0x900]  }
0x2c9: {  	v57 =	vld [tilespmem:s28+$0x8900];
	_ =	sdelay $0x4  }
0x2ca: {  	v0 =	vmul.f32 v0, v3;
	v1 =	vmul.f32 v57, v4;
	_ =	sdelay $0x1  }
0x2cb: {  	v0 =	vadd.f32 v1, v0;
	_ =	sdelay $0x1  }
0x2cc: {  	[tilespmem:s28+$0x10900] =	vst v0;
	s28 =	sor.u32 $0x1C20, s14  }
0x2cd: {  	v0 =	vld [tilespmem:s28+$0x900]  }
0x2ce: {  	v58 =	vld [tilespmem:s28+$0x8900];
	_ =	sdelay $0x4  }
0x2cf: {  	v0 =	vmul.f32 v0, v3;
	v1 =	vmul.f32 v58, v4;
	_ =	sdelay $0x1  }
0x2d0: {  	v0 =	vadd.f32 v1, v0;
	_ =	sdelay $0x1  }
0x2d1: {  	[tilespmem:s28+$0x10900] =	vst v0;
	s28 =	sor.u32 $0x1C30, s14  }
0x2d2: {  	v0 =	vld [tilespmem:s28+$0x900]  }
0x2d3: {  	v59 =	vld [tilespmem:s28+$0x8900];
	_ =	sdelay $0x4  }
0x2d4: {  	v0 =	vmul.f32 v0, v3;
	v1 =	vmul.f32 v59, v4;
	_ =	sdelay $0x1  }
0x2d5: {  	v0 =	vadd.f32 v1, v0;
	_ =	sdelay $0x1  }
0x2d6: {  	[tilespmem:s28+$0x10900] =	vst v0;
	s28 =	sor.u32 $0x1C40, s14  }
0x2d7: {  	v0 =	vld [tilespmem:s28+$0x900]  }
0x2d8: {  	v60 =	vld [tilespmem:s28+$0x8900];
	_ =	sdelay $0x4  }
0x2d9: {  	v0 =	vmul.f32 v0, v3;
	v1 =	vmul.f32 v60, v4;
	_ =	sdelay $0x1  }
0x2da: {  	v0 =	vadd.f32 v1, v0;
	_ =	sdelay $0x1  }
0x2db: {  	[tilespmem:s28+$0x10900] =	vst v0;
	s28 =	sor.u32 $0x1C50, s14  }
0x2dc: {  	v0 =	vld [tilespmem:s28+$0x900]  }
0x2dd: {  	v61 =	vld [tilespmem:s28+$0x8900];
	_ =	sdelay $0x4  }
0x2de: {  	v0 =	vmul.f32 v0, v3;
	v1 =	vmul.f32 v61, v4;
	_ =	sdelay $0x1  }
0x2df: {  	v0 =	vadd.f32 v1, v0;
	_ =	sdelay $0x1  }
0x2e0: {  	[tilespmem:s28+$0x10900] =	vst v0;
	s28 =	sor.u32 $0x1C60, s14  }
0x2e1: {  	v0 =	vld [tilespmem:s28+$0x900]  }
0x2e2: {  	v62 =	vld [tilespmem:s28+$0x8900];
	_ =	sdelay $0x4  }
0x2e3: {  	v0 =	vmul.f32 v0, v3;
	v1 =	vmul.f32 v62, v4;
	_ =	sdelay $0x1  }
0x2e4: {  	v0 =	vadd.f32 v1, v0;
	_ =	sdelay $0x1  }
0x2e5: {  	s14 =	sor.u32 $0x1C70, s14;
	[tilespmem:s28+$0x10900] =	vst v0  }
0x2e6: {  	v0 =	vld [tilespmem:s14+$0x900]  }
0x2e7: {  	v63 =	vld [tilespmem:s14+$0x8900];
	_ =	sdelay $0x3  }
0x2e8: {  	p0 =	sne.s32 s13, $0x780  }
.Ltmp2:
0x2e9: {  	v0 =	vmul.f32 v0, v3;
	v1 =	vmul.f32 v63, v4;
	(pc) =	sbr.rel @p0 .LBB2_6-.Ltmp2, $4  }
0x2ea: {  	_ = 	snop  }
0x2eb: {  	v0 =	vadd.f32 v1, v0  }
0x2ec: {  	s24 =	sadd.s32 $0x400, s24;
	s25 =	sadd.s32 $0x10, s25;
	s12 =	sadd.s32 $0x10, s12  }
0x2ed: {  	s13 =	sadd.s32 $0x80, s13;
	s23 =	sadd.s32 $0x1, s23;
	s26 =	sadd.s32 $0x400, s26;
	[tilespmem:s14+$0x10900] =	vst v0  }
0x2ee: {  	s23 =	simm.s32 $0x0;
	s12 =	rddreg [dreg:$0x8]  }
0x2ef: {  	[hbm4b:s12+s23] =	stream.linear.scatter [tilespmem:s18], [sflag:$0x5], $0x4000, $0x38;
	[tilespmem:$0x18900] =	vst v63  }
0x2f0: {  	_ =	swait.ge [sflag:s6], $0x4000  }
0x2f1: {  	[sflag:s6] =	ssyncset.done $0x0  }
0x2f2: {  	[sflag:s6] =	ssyncadd.s32 $0xFFFFC000  }
0x2f3: {  	_ =	swait.ge [sflag:s19], $0x4000  }
0x2f4: {  	[sflag:s19] =	ssyncset.done $0x0  }
0x2f5: {  	[sflag:s19] =	ssyncadd.s32 $0xFFFFC000  }
0x2f6: {  	s24 =	simm.s32 $0xFFFFC000;
	_ =	swait.ge [sflag:s21], $0x4000  }
0x2f7: {  	s25 =	simm.s32 $0x400;
	s26 =	simm.s32 $0x0;
	[sflag:s21] =	ssyncset.done $0x0  }
0x2f8: {  	s13 =	simm.s32 $0x0;
	s12 =	simm.s32 $0x800;
	[sflag:s21] =	ssyncadd.s32 $0xFFFFC000  }
.LBB2_8:
0x2f9: {  	s14 =	sadd.s32 $0x4000, s24  }
0x2fa: {  	v3 =	vld [tilespmem:s25+$0x0];
	s28 =	sand.u32 $0x380, s13;
	s14 =	sand.u32 $0x2000, s14  }
0x2fb: {  	v4 =	vld [tilespmem:s12+$0x0];
	s28 =	sor.u32 s28, s14  }
0x2fc: {  	v0 =	vld [tilespmem:s28+$0x4900]  }
0x2fd: {  	v1 =	vld [tilespmem:s28+$0xC900]  }
0x2fe: {  	v2 =	vld [tilespmem:s28+$0x4910]  }
0x2ff: {  	v6 =	vld [tilespmem:s28+$0xC910]  }
0x300: {  	v10 =	vld [tilespmem:s28+$0x4920]  }
0x301: {  	v11 =	vld [tilespmem:s28+$0xC920]  }
0x302: {  	v14 =	vld [tilespmem:s28+$0x4930]  }
0x303: {  	v17 =	vld [tilespmem:s28+$0xC930]  }
0x304: {  	v20 =	vld [tilespmem:s28+$0x4940]  }
0x305: {  	v21 =	vld [tilespmem:s28+$0xC940]  }
0x306: {  	v26 =	vld [tilespmem:s28+$0x4950]  }
0x307: {  	v27 =	vld [tilespmem:s28+$0xC950]  }
0x308: {  	v28 =	vld [tilespmem:s28+$0x4960]  }
0x309: {  	v29 =	vld [tilespmem:s28+$0xC960]  }
0x30a: {  	v30 =	vld [tilespmem:s28+$0x4970]  }
0x30b: {  	v31 =	vld [tilespmem:s28+$0xC970]  }
0x30c: {  	v32 =	vld [tilespmem:s28+$0x4D00]  }
0x30d: {  	v33 =	vld [tilespmem:s28+$0xCD00]  }
0x30e: {  	v34 =	vld [tilespmem:s28+$0x4D10]  }
0x30f: {  	v35 =	vld [tilespmem:s28+$0xCD10]  }
0x310: {  	v36 =	vld [tilespmem:s28+$0x4D20]  }
0x311: {  	v37 =	vld [tilespmem:s28+$0xCD20]  }
0x312: {  	v38 =	vld [tilespmem:s28+$0x4D30]  }
0x313: {  	v39 =	vld [tilespmem:s28+$0xCD30]  }
0x314: {  	v40 =	vld [tilespmem:s28+$0x4D40]  }
0x315: {  	v41 =	vld [tilespmem:s28+$0xCD40]  }
0x316: {  	v42 =	vld [tilespmem:s28+$0x4D50]  }
0x317: {  	v43 =	vld [tilespmem:s28+$0xCD50]  }
0x318: {  	v44 =	vld [tilespmem:s28+$0x4D60]  }
0x319: {  	v45 =	vld [tilespmem:s28+$0xCD60]  }
0x31a: {  	v46 =	vld [tilespmem:s28+$0x4D70]  }
0x31b: {  	v47 =	vld [tilespmem:s28+$0xCD70]  }
0x31c: {  	v48 =	vld [tilespmem:s28+$0x5100]  }
0x31d: {  	v49 =	vld [tilespmem:s28+$0xD100]  }
0x31e: {  	v50 =	vld [tilespmem:s28+$0x5110]  }
0x31f: {  	v51 =	vld [tilespmem:s28+$0xD110]  }
0x320: {  	v52 =	vld [tilespmem:s28+$0x5120]  }
0x321: {  	v53 =	vld [tilespmem:s28+$0xD120]  }
0x322: {  	v54 =	vld [tilespmem:s28+$0x5130]  }
0x323: {  	v55 =	vld [tilespmem:s28+$0xD130]  }
0x324: {  	v56 =	vld [tilespmem:s28+$0x5140]  }
0x325: {  	v57 =	vld [tilespmem:s28+$0xD140]  }
0x326: {  	v58 =	vld [tilespmem:s28+$0x5150]  }
0x327: {  	v59 =	vld [tilespmem:s28+$0xD150]  }
0x328: {  	v60 =	vld [tilespmem:s28+$0x5160]  }
0x329: {  	v61 =	vld [tilespmem:s28+$0xD160]  }
0x32a: {  	v62 =	vld [tilespmem:s28+$0x5170]  }
0x32b: {  	v63 =	vld [tilespmem:s28+$0xD170]  }
0x32c: {  	v24 =	vld [tilespmem:s28+$0x5500]  }
0x32d: {  	v25 =	vld [tilespmem:s28+$0xD500]  }
0x32e: {  	v22 =	vld [tilespmem:s28+$0x5510]  }
0x32f: {  	v23 =	vld [tilespmem:s28+$0xD510]  }
0x330: {  	v18 =	vld [tilespmem:s28+$0x5520]  }
0x331: {  	v19 =	vld [tilespmem:s28+$0xD520]  }
0x332: {  	v15 =	vld [tilespmem:s28+$0x5530]  }
0x333: {  	v16 =	vld [tilespmem:s28+$0xD530]  }
0x334: {  	v5 =	vld [tilespmem:s28+$0x5560]  }
0x335: {  	v12 =	vld [tilespmem:s28+$0x5540]  }
0x336: {  	v13 =	vld [tilespmem:s28+$0xD540]  }
0x337: {  	v8 =	vld [tilespmem:s28+$0x5550]  }
0x338: {  	v9 =	vld [tilespmem:s28+$0xD550];
	v0 =	vmul.f32 v0, v3;
	v1 =	vmul.f32 v1, v4  }
0x339: {  	v7 =	vld [tilespmem:s28+$0xD560];
	[tilespmem:$0x1FF60] =	vst v5;
	v5 =	vmul.f32 v2, v3;
	v2 =	vmul.f32 v6, v4  }
0x33a: {  	v6 =	vld [tilespmem:s28+$0x5570];
	v17 =	vmul.f32 v17, v4;
	v0 =	vadd.f32 v1, v0  }
0x33b: {  	v1 =	vmul.f32 v10, v3;
	v10 =	vld [tilespmem:s28+$0xD570];
	v5 =	vadd.f32 v2, v5;
	v2 =	vmul.f32 v14, v3  }
0x33c: {  	v11 =	vmul.f32 v11, v4;
	v14 =	vld [tilespmem:s28+$0xD900]  }
0x33d: {  	v26 =	vmul.f32 v26, v3;
	v2 =	vadd.f32 v17, v2;
	v17 =	vld [tilespmem:s28+$0x5910]  }
0x33e: {  	[tilespmem:s28+$0x14900] =	vst v0;
	v0 =	vadd.f32 v11, v1;
	v1 =	vmul.f32 v20, v3;
	v11 =	vmul.f32 v21, v4;
	v20 =	vld [tilespmem:s28+$0xD910]  }
0x33f: {  	v27 =	vmul.f32 v27, v4;
	v30 =	vmul.f32 v30, v3;
	v21 =	vld [tilespmem:s28+$0x5920];
	[tilespmem:$0x1FF70] =	vst v6  }
0x340: {  	v31 =	vmul.f32 v31, v4;
	v33 =	vmul.f32 v33, v4;
	v6 =	vld [tilespmem:s28+$0x5900];
	[tilespmem:s28+$0x14920] =	vst v0;
	v0 =	vadd.f32 v11, v1  }
0x341: {  	v1 =	vmul.f32 v28, v3;
	v11 =	vmul.f32 v29, v4;
	[tilespmem:s28+$0x14930] =	vst v2;
	v2 =	vadd.f32 v27, v26;
	v26 =	vld [tilespmem:s28+$0xD920]  }
0x342: {  	[tilespmem:s28+$0x14910] =	vst v5;
	v5 =	vmul.f32 v34, v3;
	v34 =	vmul.f32 v37, v4;
	v28 =	vld [tilespmem:s28+$0x5930]  }
0x343: {  	v37 =	vmul.f32 v39, v4;
	v29 =	vld [tilespmem:s28+$0xD930];
	[tilespmem:s28+$0x14940] =	vst v0;
	v0 =	vadd.f32 v11, v1;
	v1 =	vmul.f32 v32, v3  }
0x344: {  	v27 =	vmul.f32 v16, v4;
	v16 =	vld [tilespmem:s28+$0x5D40];
	[tilespmem:s28+$0x14950] =	vst v2;
	v2 =	vadd.f32 v31, v30;
	v32 =	vmul.f32 v35, v4  }
0x345: {  	v30 =	vld [tilespmem:s28+$0x5940];
	[tilespmem:s28+$0x14960] =	vst v0;
	v0 =	vadd.f32 v33, v1;
	v33 =	vmul.f32 v36, v3;
	v36 =	vmul.f32 v38, v3  }
0x346: {  	v39 =	vmul.f32 v40, v3;
	v40 =	vmul.f32 v41, v4;
	v31 =	vld [tilespmem:s28+$0xD940];
	[tilespmem:s28+$0x14970] =	vst v2;
	v35 =	vadd.f32 v32, v5  }
0x347: {  	v42 =	vmul.f32 v42, v3;
	v11 =	vld [tilespmem:s28+$0xDD50];
	[tilespmem:s28+$0x14D00] =	vst v0;
	v38 =	vadd.f32 v34, v33;
	v41 =	vadd.f32 v37, v36  }
0x348: {  	v32 =	vld [tilespmem:s28+$0x5950];
	[tilespmem:s28+$0x14D10] =	vst v35;
	v36 =	vmul.f32 v43, v4;
	v37 =	vadd.f32 v40, v39;
	v39 =	vmul.f32 v45, v4  }
0x349: {  	v33 =	vld [tilespmem:s28+$0xD950];
	v45 =	vmul.f32 v49, v4;
	[tilespmem:s28+$0x14D20] =	vst v38;
	v38 =	vmul.f32 v44, v3  }
0x34a: {  	v34 =	vld [tilespmem:s28+$0x5960];
	[tilespmem:s28+$0x14D30] =	vst v41;
	v40 =	vadd.f32 v36, v42;
	v41 =	vmul.f32 v46, v3;
	v42 =	vmul.f32 v47, v4  }
0x34b: {  	v35 =	vld [tilespmem:s28+$0xD960];
	[tilespmem:s28+$0x14D40] =	vst v37;
	v44 =	vmul.f32 v48, v3;
	v47 =	vmul.f32 v50, v3;
	v43 =	vadd.f32 v39, v38  }
0x34c: {  	v48 =	vmul.f32 v51, v4;
	v36 =	vld [tilespmem:s28+$0x5970];
	v50 =	vmul.f32 v52, v3;
	[tilespmem:s28+$0x14D50] =	vst v40;
	v46 =	vadd.f32 v42, v41  }
0x34d: {  	v51 =	vmul.f32 v53, v4;
	v37 =	vld [tilespmem:s28+$0xD970];
	v53 =	vmul.f32 v54, v3;
	v49 =	vadd.f32 v45, v44;
	[tilespmem:s28+$0x14D60] =	vst v43  }
0x34e: {  	v54 =	vmul.f32 v55, v4;
	v52 =	vadd.f32 v48, v47;
	v38 =	vld [tilespmem:s28+$0x5D00];
	v44 =	vmul.f32 v56, v3;
	[tilespmem:s28+$0x14D70] =	vst v46  }
0x34f: {  	v55 =	vadd.f32 v51, v50;
	v45 =	vmul.f32 v57, v4;
	v39 =	vld [tilespmem:s28+$0xDD00];
	v47 =	vmul.f32 v58, v3;
	[tilespmem:s28+$0x15100] =	vst v49  }
0x350: {  	v48 =	vmul.f32 v59, v4;
	v40 =	vld [tilespmem:s28+$0x5D10];
	v50 =	vmul.f32 v60, v3;
	[tilespmem:s28+$0x15110] =	vst v52;
	v46 =	vadd.f32 v54, v53  }
0x351: {  	v51 =	vmul.f32 v61, v4;
	v41 =	vld [tilespmem:s28+$0xDD10];
	v56 =	vmul.f32 v24, v3;
	[tilespmem:s28+$0x15120] =	vst v55;
	v49 =	vadd.f32 v45, v44  }
0x352: {  	v42 =	vld [tilespmem:s28+$0x5D20];
	v57 =	vmul.f32 v25, v4;
	v59 =	vmul.f32 v22, v3;
	v52 =	vadd.f32 v48, v47;
	[tilespmem:s28+$0x15130] =	vst v46  }
0x353: {  	v24 =	vld [tilespmem:s28+$0xDD20];
	v60 =	vmul.f32 v23, v4;
	v25 =	vmul.f32 v15, v3;
	v55 =	vadd.f32 v51, v50;
	[tilespmem:s28+$0x15140] =	vst v49  }
0x354: {  	v23 =	vld [tilespmem:s28+$0x5D30];
	v53 =	vmul.f32 v62, v3;
	v54 =	vmul.f32 v63, v4;
	v61 =	vadd.f32 v57, v56;
	[tilespmem:s28+$0x15150] =	vst v52  }
0x355: {  	v15 =	vld [tilespmem:s28+$0x6100];
	v62 =	vmul.f32 v18, v3;
	v63 =	vmul.f32 v19, v4;
	v22 =	vadd.f32 v60, v59;
	[tilespmem:s28+$0x15160] =	vst v55  }
0x356: {  	v18 =	vld [tilespmem:s28+$0xDD30];
	v44 =	vmul.f32 v12, v3;
	v45 =	vmul.f32 v13, v4;
	v58 =	vadd.f32 v54, v53;
	[tilespmem:s28+$0x15500] =	vst v61  }
0x357: {  	v12 =	vld [tilespmem:s28+$0xDD40];
	v47 =	vmul.f32 v8, v3;
	v48 =	vmul.f32 v9, v4;
	v43 =	vadd.f32 v63, v62;
	[tilespmem:s28+$0x15510] =	vst v22  }
0x358: {  	v9 =	vld [tilespmem:s28+$0x5D50];
	v56 =	vmul.f32 v14, v4;
	v59 =	vmul.f32 v20, v4;
	v46 =	vadd.f32 v27, v25;
	[tilespmem:s28+$0x15170] =	vst v58  }
0x359: {  	v50 =	vld [tilespmem:$0x1FF60];
	v20 =	vmul.f32 v28, v3;
	v49 =	vadd.f32 v45, v44;
	v55 =	vmul.f32 v6, v3;
	[tilespmem:s28+$0x15520] =	vst v43  }
0x35a: {  	v13 =	vld [tilespmem:s28+$0x5D70];
	v51 =	vadd.f32 v48, v47;
	v61 =	vmul.f32 v21, v3;
	v62 =	vmul.f32 v26, v4;
	[tilespmem:s28+$0x15530] =	vst v46  }
0x35b: {  	v14 =	vld [tilespmem:s28+$0xDD70];
	v28 =	vmul.f32 v32, v3;
	v21 =	vmul.f32 v29, v4;
	[tilespmem:s28+$0x15540] =	vst v49;
	v60 =	vadd.f32 v56, v55  }
0x35c: {  	v19 =	vld [tilespmem:s28+$0x6110];
	v25 =	vmul.f32 v30, v3;
	v26 =	vmul.f32 v31, v4;
	[tilespmem:s28+$0x15550] =	vst v51;
	v22 =	vadd.f32 v62, v61  }
0x35d: {  	v32 =	vmul.f32 v35, v4;
	v52 =	vld [tilespmem:$0x1FF70];
	v29 =	vmul.f32 v33, v4;
	v27 =	vadd.f32 v21, v20;
	[tilespmem:s28+$0x15900] =	vst v60  }
0x35e: {  	v53 =	vmul.f32 v10, v4;
	v10 =	vld [tilespmem:s28+$0x5D60];
	v31 =	vmul.f32 v34, v3;
	v30 =	vadd.f32 v26, v25;
	[tilespmem:s28+$0x15920] =	vst v22  }
0x35f: {  	v35 =	vmul.f32 v37, v4;
	v34 =	vmul.f32 v36, v3;
	v44 =	vld [tilespmem:s28+$0x6130];
	v33 =	vadd.f32 v29, v28;
	[tilespmem:s28+$0x15930] =	vst v27  }
0x360: {  	v48 =	vld [tilespmem:s28+$0xE130];
	v37 =	vmul.f32 v38, v3;
	v38 =	vmul.f32 v39, v4;
	v36 =	vadd.f32 v32, v31;
	[tilespmem:s28+$0x15940] =	vst v30  }
0x361: {  	v58 =	vmul.f32 v17, v3;
	v17 =	vld [tilespmem:s28+$0xE100];
	v39 =	vadd.f32 v35, v34;
	[tilespmem:s28+$0x15950] =	vst v33  }
0x362: {  	v40 =	vmul.f32 v40, v3;
	v20 =	vld [tilespmem:s28+$0xE110];
	v43 =	vmul.f32 v41, v4;
	v45 =	vadd.f32 v38, v37;
	[tilespmem:s28+$0x15960] =	vst v36  }
0x363: {  	v7 =	vmul.f32 v7, v4;
	v21 =	vld [tilespmem:s28+$0x6120];
	v1 =	vmul.f32 v50, v3;
	v63 =	vadd.f32 v59, v58;
	[tilespmem:s28+$0x15970] =	vst v39  }
0x364: {  	v56 =	vld [tilespmem:s28+$0xE140];
	v49 =	vadd.f32 v43, v40;
	v58 =	vmul.f32 v9, v3;
	v59 =	vmul.f32 v11, v4;
	[tilespmem:s28+$0x15D00] =	vst v45  }
0x365: {  	v28 =	vld [tilespmem:s28+$0x6160];
	v26 =	vmul.f32 v13, v3;
	v27 =	vmul.f32 v14, v4;
	v54 =	vadd.f32 v7, v1;
	[tilespmem:s28+$0x15910] =	vst v63  }
0x366: {  	v32 =	vld [tilespmem:s28+$0xE160];
	v50 =	vmul.f32 v23, v3;
	v5 =	vmul.f32 v52, v3;
	[tilespmem:s28+$0x15D10] =	vst v49;
	v23 =	vadd.f32 v59, v58  }
0x367: {  	v47 =	vmul.f32 v24, v4;
	v46 =	vmul.f32 v42, v3;
	v22 =	vld [tilespmem:s28+$0xE120];
	v33 =	vadd.f32 v27, v26;
	[tilespmem:s28+$0x15560] =	vst v54  }
0x368: {  	v60 =	vld [tilespmem:s28+$0x6150];
	v42 =	vmul.f32 v44, v3;
	v43 =	vmul.f32 v48, v4;
	v57 =	vadd.f32 v53, v5;
	[tilespmem:s28+$0x15D50] =	vst v23  }
0x369: {  	v51 =	vmul.f32 v18, v4;
	v36 =	vld [tilespmem:s28+$0x6170];
	v53 =	vadd.f32 v47, v46;
	[tilespmem:s28+$0x15D70] =	vst v33  }
0x36a: {  	v55 =	vmul.f32 v12, v4;
	v40 =	vld [tilespmem:s28+$0xE170];
	v54 =	vmul.f32 v16, v3;
	v47 =	vadd.f32 v43, v42;
	[tilespmem:s28+$0x15570] =	vst v57  }
0x36b: {  	v30 =	vmul.f32 v15, v3;
	v7 =	vld [tilespmem:s28+$0xDD60];
	v31 =	vmul.f32 v17, v4;
	v57 =	vadd.f32 v51, v50;
	[tilespmem:s28+$0x15D20] =	vst v53  }
0x36c: {  	v34 =	vmul.f32 v19, v3;
	v52 =	vld [tilespmem:s28+$0x6140];
	v35 =	vmul.f32 v20, v4;
	v61 =	vadd.f32 v55, v54;
	[tilespmem:s28+$0x16130] =	vst v47  }
0x36d: {  	v16 =	vld [tilespmem:s28+$0xE150];
	v38 =	vmul.f32 v21, v3;
	v37 =	vadd.f32 v31, v30;
	v39 =	vmul.f32 v22, v4;
	[tilespmem:s28+$0x15D30] =	vst v57  }
0x36e: {  	v41 =	vadd.f32 v35, v34;
	v50 =	vmul.f32 v28, v3;
	v51 =	vmul.f32 v32, v4;
	[tilespmem:s28+$0x15D40] =	vst v61  }
0x36f: {  	v53 =	vmul.f32 v36, v3;
	v54 =	vmul.f32 v40, v4;
	[tilespmem:s28+$0x16100] =	vst v37;
	v44 =	vadd.f32 v39, v38  }
0x370: {  	v62 =	vmul.f32 v10, v3;
	v63 =	vmul.f32 v7, v4;
	[tilespmem:s28+$0x16110] =	vst v41;
	v55 =	vadd.f32 v51, v50  }
0x371: {  	v46 =	vmul.f32 v56, v4;
	v45 =	vmul.f32 v52, v3;
	v56 =	vadd.f32 v54, v53;
	[tilespmem:s28+$0x16120] =	vst v44  }
0x372: {  	v48 =	vmul.f32 v60, v3;
	v29 =	vadd.f32 v63, v62;
	v7 =	vmul.f32 v16, v4;
	[tilespmem:s28+$0x16160] =	vst v55  }
0x373: {  	s14 =	sand.u32 $0x7, s23;
	v49 =	vadd.f32 v46, v45;
	[tilespmem:s28+$0x16170] =	vst v56  }
0x374: {  	s14 =	sshll.u32 s14, $0x7;
	[tilespmem:s28+$0x15D60] =	vst v29;
	v52 =	vadd.f32 v7, v48  }
0x375: {  	s14 =	sadd.s32 s14, s26;
	[tilespmem:s28+$0x16140] =	vst v49  }
0x376: {  	[tilespmem:s28+$0x16150] =	vst v52;
	s28 =	sor.u32 $0x1C00, s14  }
0x377: {  	v0 =	vld [tilespmem:s28+$0x4900]  }
0x378: {  	v1 =	vld [tilespmem:s28+$0xC900];
	_ =	sdelay $0x4  }
0x379: {  	v0 =	vmul.f32 v0, v3;
	v1 =	vmul.f32 v1, v4;
	_ =	sdelay $0x1  }
0x37a: {  	v0 =	vadd.f32 v1, v0;
	_ =	sdelay $0x1  }
0x37b: {  	[tilespmem:s28+$0x14900] =	vst v0;
	s28 =	sor.u32 $0x1C10, s14  }
0x37c: {  	v0 =	vld [tilespmem:s28+$0x4900]  }
0x37d: {  	v57 =	vld [tilespmem:s28+$0xC900];
	_ =	sdelay $0x4  }
0x37e: {  	v0 =	vmul.f32 v0, v3;
	v1 =	vmul.f32 v57, v4;
	_ =	sdelay $0x1  }
0x37f: {  	v0 =	vadd.f32 v1, v0;
	_ =	sdelay $0x1  }
0x380: {  	[tilespmem:s28+$0x14900] =	vst v0;
	s28 =	sor.u32 $0x1C20, s14  }
0x381: {  	v0 =	vld [tilespmem:s28+$0x4900]  }
0x382: {  	v58 =	vld [tilespmem:s28+$0xC900];
	_ =	sdelay $0x4  }
0x383: {  	v0 =	vmul.f32 v0, v3;
	v1 =	vmul.f32 v58, v4;
	_ =	sdelay $0x1  }
0x384: {  	v0 =	vadd.f32 v1, v0;
	_ =	sdelay $0x1  }
0x385: {  	[tilespmem:s28+$0x14900] =	vst v0;
	s28 =	sor.u32 $0x1C30, s14  }
0x386: {  	v0 =	vld [tilespmem:s28+$0x4900]  }
0x387: {  	v59 =	vld [tilespmem:s28+$0xC900];
	_ =	sdelay $0x4  }
0x388: {  	v0 =	vmul.f32 v0, v3;
	v1 =	vmul.f32 v59, v4;
	_ =	sdelay $0x1  }
0x389: {  	v0 =	vadd.f32 v1, v0;
	_ =	sdelay $0x1  }
0x38a: {  	[tilespmem:s28+$0x14900] =	vst v0;
	s28 =	sor.u32 $0x1C40, s14  }
0x38b: {  	v0 =	vld [tilespmem:s28+$0x4900]  }
0x38c: {  	v60 =	vld [tilespmem:s28+$0xC900];
	_ =	sdelay $0x4  }
0x38d: {  	v0 =	vmul.f32 v0, v3;
	v1 =	vmul.f32 v60, v4;
	_ =	sdelay $0x1  }
0x38e: {  	v0 =	vadd.f32 v1, v0;
	_ =	sdelay $0x1  }
0x38f: {  	[tilespmem:s28+$0x14900] =	vst v0;
	s28 =	sor.u32 $0x1C50, s14  }
0x390: {  	v0 =	vld [tilespmem:s28+$0x4900]  }
0x391: {  	v61 =	vld [tilespmem:s28+$0xC900];
	_ =	sdelay $0x4  }
0x392: {  	v0 =	vmul.f32 v0, v3;
	v1 =	vmul.f32 v61, v4;
	_ =	sdelay $0x1  }
0x393: {  	v0 =	vadd.f32 v1, v0;
	_ =	sdelay $0x1  }
0x394: {  	[tilespmem:s28+$0x14900] =	vst v0;
	s28 =	sor.u32 $0x1C60, s14  }
0x395: {  	v0 =	vld [tilespmem:s28+$0x4900]  }
0x396: {  	v62 =	vld [tilespmem:s28+$0xC900];
	_ =	sdelay $0x4  }
0x397: {  	v0 =	vmul.f32 v0, v3;
	v1 =	vmul.f32 v62, v4;
	_ =	sdelay $0x1  }
0x398: {  	v0 =	vadd.f32 v1, v0;
	_ =	sdelay $0x1  }
0x399: {  	s14 =	sor.u32 $0x1C70, s14;
	[tilespmem:s28+$0x14900] =	vst v0  }
0x39a: {  	v0 =	vld [tilespmem:s14+$0x4900]  }
0x39b: {  	v63 =	vld [tilespmem:s14+$0xC900];
	_ =	sdelay $0x3  }
0x39c: {  	p0 =	sne.s32 s13, $0x780  }
.Ltmp3:
0x39d: {  	v0 =	vmul.f32 v0, v3;
	v1 =	vmul.f32 v63, v4;
	(pc) =	sbr.rel @p0 .LBB2_8-.Ltmp3, $4  }
0x39e: {  	_ = 	snop  }
0x39f: {  	v0 =	vadd.f32 v1, v0  }
0x3a0: {  	s24 =	sadd.s32 $0x400, s24;
	s25 =	sadd.s32 $0x10, s25;
	s12 =	sadd.s32 $0x10, s12  }
0x3a1: {  	s13 =	sadd.s32 $0x80, s13;
	s23 =	sadd.s32 $0x1, s23;
	s26 =	sadd.s32 $0x400, s26;
	[tilespmem:s14+$0x14900] =	vst v0  }
0x3a2: {  	s12 =	rddreg [dreg:$0x9];
	s22 =	sadd.s32 $0x1, s22  }
0x3a3: {  	[hbm4b:s12+s2] =	stream.linear.scatter [tilespmem:s7], [sflag:$0x6], $0x4000, $0x38;
	[tilespmem:$0x18900] =	vst v63  }
0x3a4: {  	p0 =	sne.s32 s22, s15;
	_ =	swait.ge [sflag:s20], $0x4000  }
.Ltmp4:
0x3a5: {  	[sflag:s20] =	ssyncset.done $0x0;
	(pc) =	sbr.rel @p0 .LBB2_1-.Ltmp4, $4  }
0x3a6: {  	[sflag:s20] =	ssyncadd.s32 $0xFFFFC000  }
0x3a7: {  	_ =	swait.ge [sflag:s21], $0x4000  }
0x3a8: {  	[sflag:s21] =	ssyncset.done $0x0  }
0x3a9: {  	[sflag:s21] =	ssyncadd.s32 $0xFFFFC000  }
0x3aa: {  	_ =	sfence.sel $0x180000  }
0x3ab: {  	[bflag:$0x0] =	sbarrier.arrive $0xFFFF  }
0x3ac: {  	_ =	strace $0x9000004A  }
0x3ad: {  	s0 =	stileid.u32;
	[bflag:$0x2] =	sbarrier.arrive $0xFFFF  }
0x3ae: {  	p0 =	sne.s32 s0, $0x0;
	s0 =	rddreg [dreg:$0x2]  }
0x3af: {  	s0 =	sadd.s32 @!p0 $0x100000, s0  }
0x3b0: {  	[sflag:s0] =	ssyncadd.tile.s32 @!p0 $0x1;
	_ =	shalt  }
.Lfunc_end2:
_tile_overlayer_lowered:
.L_overlay_start_2:
0x3b1: {  	(tag) =	ssettag $0x2  }
0x3b2: {  	s0 =	rddreg [dreg:$0x0];
	s2 =	stileid.u32  }
0x3b3: {  	s1 =	rddreg [dreg:$0x1];
	p0 =	sne.s32 s2, $0x0  }
0x3b4: {  	s3 =	rddreg [dreg:$0x2];
	[bflag:$0x3] =	sbarrier.arrive $0xFFFF;
	s2 =	simm.s32 @!p0 $0x1C07  }
0x3b5: {  	[timem:s3], [sflag:s2] =	dma.local @!p0 [hbm:s0], s1  }
0x3b6: {  	s0 =	simm.s32 @!p0 $0x7  }
0x3b7: {  	_ =	swait.ge @!p0 [sflag:s0], s1  }
0x3b8: {  	s1 =	ssub.s32 @!p0 $0x0, s1;
	[sflag:s0] =	ssyncset.done @!p0 $0x0  }
0x3b9: {  	[sflag:s0] =	ssyncadd.s32 @!p0 s1  }
0x3ba: {  	[bflag:$0x3] =	sbarrier.arrive $0xFFFF  }
0x3bb: {  	_ =	shalt  }

</sc_bundles>
